<compile_context>
chip_gen: v7x
topology: tpu7x:2x2x1
jax: 0.10.2.dev20260603
libtpu: 0.0.44.dev20260713+nightly
codegen_flags: <defaults>
</compile_context>

<pallas_src>
import functools

import jax
import jax.numpy as jnp
from jax import lax
from jax.experimental import pallas as pl
from jax.experimental.pallas import tpu as pltpu
from jax.experimental.pallas import tpu_sc as plsc

N_TILES = 32
LANES = 16


def _row_block(n):
    for rb in (2000, 1000, 500, 250, 200, 125, 100, 50, 25, 10, 8, 5, 4, 2, 1):
        if n % rb == 0 and rb % 8 == 0 or n % rb == 0 and rb < 8:
            return rb
    return 1


def _pre_body(x_ref, w1t_ref, w2t_ref, t_ref, u_ref, xe_ref):
    xb = x_ref[...]
    rb, d = xb.shape
    t_ref[:, :d] = xb
    t_ref[:, d:] = jnp.dot(xb, w2t_ref[...], preferred_element_type=jnp.float32)
    u_ref[...] = jnp.dot(xb, w1t_ref[...], preferred_element_type=jnp.float32)
    rs = jnp.sum(xb, axis=1, keepdims=True)
    rq = jnp.sum(xb * xb, axis=1, keepdims=True)
    col = lax.broadcasted_iota(jnp.int32, (rb, LANES), 1)
    xe_ref[...] = jnp.where(col == 0, rs, jnp.where(col == 1, rq, 0.0))


def _tc_pre(x, w1t, w2t):
    n, d = x.shape
    rb = _row_block(n)
    return pl.pallas_call(
        _pre_body,
        grid=(n // rb,),
        in_specs=[
            pl.BlockSpec((rb, d), lambda i: (i, 0)),
            pl.BlockSpec((d, d), lambda i: (0, 0)),
            pl.BlockSpec((d, d), lambda i: (0, 0)),
        ],
        out_specs=[
            pl.BlockSpec((rb, 2 * d), lambda i: (i, 0)),
            pl.BlockSpec((rb, d), lambda i: (i, 0)),
            pl.BlockSpec((rb, LANES), lambda i: (i, 0)),
        ],
        out_shape=[
            jax.ShapeDtypeStruct((n, 2 * d), jnp.float32),
            jax.ShapeDtypeStruct((n, d), jnp.float32),
            jax.ShapeDtypeStruct((n, LANES), jnp.float32),
        ],
    )(x, w1t, w2t)


def _make_sc(e_pad, n_pad, d, npt, chunk, grp):
    nb = d // LANES
    n_chunks = e_pad // chunk
    mesh = plsc.VectorSubcoreMesh(core_axis_name="c", subcore_axis_name="s")

    @functools.partial(
        pl.kernel,
        out_type=[
            jax.ShapeDtypeStruct((n_pad, d), jnp.float32),
            jax.ShapeDtypeStruct((N_TILES, 8, LANES), jnp.float32),
        ],
        mesh=mesh,
        compiler_params=pltpu.CompilerParams(needs_layout_passes=False),
        scratch_types=[
            pltpu.VMEM((chunk,), jnp.int32),
            pltpu.VMEM((chunk,), jnp.int32),
            pltpu.VMEM((chunk,), jnp.int32),
            pltpu.VMEM((chunk,), jnp.int32),
            pltpu.VMEM((chunk,), jnp.int32),
            pltpu.VMEM((chunk + LANES,), jnp.int32),
            pltpu.VMEM((npt, d), jnp.float32),
            pltpu.VMEM((2 * npt + LANES,), jnp.float32),
            pltpu.VMEM((npt, d), jnp.float32),
            pltpu.VMEM((grp, 2 * d), jnp.float32),
            pltpu.VMEM((grp, 2 * d), jnp.float32),
            pltpu.VMEM((8, LANES), jnp.float32),
            pltpu.SemaphoreType.DMA,
            pltpu.SemaphoreType.DMA,
            pltpu.SemaphoreType.DMA,
            pltpu.SemaphoreType.DMA,
            pltpu.SemaphoreType.DMA,
        ],
    )
    def sc_kernel(src_hbm, dst_hbm, t_hbm, xpad_hbm, ext_hbm, m_out, part_out,
                  sbuf0, sbuf1, dbuf0, dbuf1, slist, dlist, xloc, xext, accM,
                  gbuf0, gbuf1, stage, sem_x, sem_c0, sem_c1, sem_g0, sem_g1):
        wid = lax.axis_index("s") * 2 + lax.axis_index("c")
        base = wid * npt
        sbuf = (sbuf0, sbuf1)
        dbuf = (dbuf0, dbuf1)
        gbuf = (gbuf0, gbuf1)
        sem_c = (sem_c0, sem_c1)
        sem_g = (sem_g0, sem_g1)

        neg_inf = jnp.full((LANES,), -jnp.inf, dtype=jnp.float32)
        zerof = jnp.zeros((LANES,), jnp.float32)
        zeroi = jnp.zeros((LANES,), jnp.int32)

        xcp = pltpu.async_copy(xpad_hbm.at[pl.ds(base, npt)], xloc, sem_x)
        ecp = pltpu.async_copy(
            ext_hbm.at[pl.ds(2 * base, 2 * npt + LANES)], xext, sem_x)
        pltpu.async_copy(src_hbm.at[pl.ds(0, chunk)], sbuf[0], sem_c[0])
        pltpu.async_copy(dst_hbm.at[pl.ds(0, chunk)], dbuf[0], sem_c[0])

        def init_row(r, carry):
            for j in range(nb):
                accM[r, pl.ds(j * LANES, LANES)] = neg_inf
            return carry

        lax.fori_loop(0, npt, init_row, 0)

        def init_sl(i, carry):
            slist[pl.ds(i * LANES, LANES)] = zeroi
            return carry

        lax.fori_loop(0, chunk // LANES, init_sl, 0)
        xcp.wait()
        ecp.wait()

        z8 = tuple(jnp.zeros((LANES,), jnp.float32) for _ in range(nb))

        def chunk_pair(cp, carry):
            for b in range(2):
                ci = 2 * cp + b

                @pl.when(ci + 1 < n_chunks)
                def _():
                    nxt = pl.ds((ci + 1) * chunk, chunk)
                    pltpu.async_copy(src_hbm.at[nxt], sbuf[1 - b],
                                     sem_c[1 - b])
                    pltpu.async_copy(dst_hbm.at[nxt], dbuf[1 - b],
                                     sem_c[1 - b])

                cur = pl.ds(ci * chunk, chunk)
                pltpu.make_async_copy(src_hbm.at[cur], sbuf[b],
                                      sem_c[b]).wait()
                pltpu.make_async_copy(dst_hbm.at[cur], dbuf[b],
                                      sem_c[b]).wait()

                def filt(i, pos):
                    dv = dbuf[b][pl.ds(i * LANES, LANES)]
                    sv = sbuf[b][pl.ds(i * LANES, LANES)]
                    msk = (dv >= base) & (dv < base + npt)
                    pc = plsc.all_reduce_population_count(msk)

                    @pl.when(pc[0] > 0)
                    def _():
                        key = jnp.where(msk, 0, 1).astype(jnp.int32)
                        _, s_srt = plsc.sort_key_val(key, sv)
                        _, d_srt = plsc.sort_key_val(key, dv - base)
                        slist[pl.ds(pos, LANES)] = s_srt
                        dlist[pl.ds(pos, LANES)] = d_srt

                    return pos + pc[0]

                m_c = lax.fori_loop(0, chunk // LANES, filt, jnp.int32(0))
                ng = (m_c + (grp - 1)) // grp

                @pl.when(ng > 0)
                def _():
                    pltpu.async_copy(t_hbm.at[slist.at[pl.ds(0, grp)]],
                                     gbuf[0], sem_g[0])

                def group_pair(gp, carry2):
                    for gb in range(2):
                        g = 2 * gp + gb
                        g0 = g * grp

                        @pl.when(g + 1 < ng)
                        def _():
                            pltpu.async_copy(
                                t_hbm.at[slist.at[pl.ds(g0 + grp, grp)]],
                                gbuf[1 - gb], sem_g[1 - gb])

                        @pl.when(g < ng)
                        def _():
                            pltpu.make_async_copy(
                                t_hbm.at[slist.at[pl.ds(g0, grp)]],
                                gbuf[gb], sem_g[gb]).wait()

                        kn = jnp.clip(m_c - g0, 0, grp)

                        def edge_body(k, carry3):
                            dacc, s2acc, crossacc, eacc = carry3
                            li = dlist[pl.ds(g0 + k, LANES)][0]
                            eacc = eacc + xext[pl.ds(2 * li, LANES)]
                            dn, qn, cn = [], [], []
                            for j in range(nb):
                                sl = pl.ds(j * LANES, LANES)
                                xp = gbuf[gb][k, sl]
                                xd = xloc[li, sl]
                                dn.append(dacc[j] + xp)
                                qn.append(s2acc[j] + xp * xp)
                                cn.append(crossacc[j] + xp * xd)
                                vp = gbuf[gb][k, pl.ds(d + j * LANES, LANES)]
                                accM[li, sl] = jnp.maximum(accM[li, sl], vp)
                            return (tuple(dn), tuple(qn), tuple(cn), eacc)

                        carry2 = lax.fori_loop(0, kn, edge_body, carry2)
                    return carry2

                carry = lax.fori_loop(0, (ng + 1) // 2, group_pair, carry)
            return carry

        dacc, s2acc, crossacc, eacc = lax.fori_loop(
            0, n_chunks // 2, chunk_pair, (z8, z8, z8, zerof))

        def vsum(acc):
            t = acc[0]
            for j in range(1, nb):
                t = t + acc[j]
            return t

        stage[0, :] = vsum(dacc)
        stage[1, :] = vsum(s2acc)
        stage[2, :] = vsum(crossacc)
        stage[3, :] = eacc
        for j in range(4, 8):
            stage[j, :] = zerof
        pltpu.sync_copy(stage, part_out.at[wid])
        pltpu.sync_copy(accM, m_out.at[pl.ds(base, npt)])

    return sc_kernel


def _fin_body(m_ref, u_ref, v_ref, part_ref, cvec_ref, gam_ref, bet_ref,
              pa_ref, o_ref, *, n_total):
    part = part_ref[...]
    s1 = jnp.sum(part[:, 0, :]) - jnp.sum(part[:, 3, 0])
    sq = jnp.sum(part[:, 1, :]) + jnp.sum(part[:, 3, 1])
    cross = jnp.sum(part[:, 2, :])
    s2 = sq - 2.0 * cross
    var = (s2 - s1 * s1 / n_total) / (n_total - 1.0)
    inv = 1.0 / (jnp.sqrt(var) + 1e-5)

    m = m_ref[...]
    agg = u_ref[...] + cvec_ref[...] + inv * (m - v_ref[...])
    agg = jnp.where(m == -jnp.inf, 0.0, agg)
    mu = jnp.mean(agg, axis=-1, keepdims=True)
    dev = agg - mu
    va = jnp.mean(dev * dev, axis=-1, keepdims=True)
    h = dev * lax.rsqrt(va + 1e-5)
    h = h * gam_ref[...] + bet_ref[...]
    o_ref[...] = jnp.where(h >= 0.0, h, pa_ref[0, 0] * h)


def _tc_fin(m, u, v, part, cvec, gam, bet, pa, n_total):
    n, d = u.shape
    rb = _row_block(n)
    nt = part.shape[0]
    return pl.pallas_call(
        functools.partial(_fin_body, n_total=float(n_total)),
        grid=(n // rb,),
        in_specs=[
            pl.BlockSpec((rb, d), lambda i: (i, 0)),
            pl.BlockSpec((rb, d), lambda i: (i, 0)),
            pl.BlockSpec((rb, d), lambda i: (i, 0)),
            pl.BlockSpec((nt, 8, LANES), lambda i: (0, 0, 0)),
            pl.BlockSpec((1, d), lambda i: (0, 0)),
            pl.BlockSpec((1, d), lambda i: (0, 0)),
            pl.BlockSpec((1, d), lambda i: (0, 0)),
            pl.BlockSpec((1, 1), lambda i: (0, 0)),
        ],
        out_specs=pl.BlockSpec((rb, d), lambda i: (i, 0)),
        out_shape=jax.ShapeDtypeStruct((n, d), jnp.float32),
    )(m, u, v, part, cvec, gam, bet, pa)


def kernel(x, edge_index, affine_w, affine_b, lin_W, lin_b, ln_gamma, ln_beta,
           prelu_a):
    n, d = x.shape
    e = edge_index.shape[1]
    src = edge_index[0].astype(jnp.int32)
    dst = edge_index[1].astype(jnp.int32)

    w1 = lin_W[:, :d]
    w2 = lin_W[:, d:]
    w1t = w1.T
    w2t = (w2 * affine_w[None, :]).T
    cvec = (affine_b @ w2.T + lin_b)[None, :]

    npt = (-(-n // N_TILES) + 7) // 8 * 8
    n_pad = N_TILES * npt
    chunk, grp = 2000, 24
    e_pad = -(-e // (2 * chunk)) * (2 * chunk)
    if e_pad != e:
        src = jnp.pad(src, (0, e_pad - e))
        dst = jnp.pad(dst, (0, e_pad - e), constant_values=jnp.int32(2 ** 30))
    t_tab, u, xe = _tc_pre(x, w1t, w2t)
    xpad = jnp.pad(x, ((0, n_pad - n), (0, 0)))
    ext_flat = jnp.pad(xe[:, :2].reshape(-1), (0, 2 * (n_pad - n) + LANES))
    m_full, part = _make_sc(e_pad, n_pad, d, npt, chunk, grp)(
        src, dst, t_tab, xpad, ext_flat)
    out = _tc_fin(m_full[:n], u, t_tab[:, d:], part, cvec,
                  ln_gamma[None, :], ln_beta[None, :],
                  jnp.reshape(prelu_a, (1, 1)), e * d)
    return out

# --- scband reference (transcript-rebuilt; emitter-appended) ---
"""Pipeline reference for scband-edge-conv-block-10282151707327 (READ-ONLY COPY).

The authoritative reference and input builder live on the scoring server;
editing this copy changes nothing except your own understanding.
"""

import jax, jax.numpy as jnp
import numpy as np

N_NODES = 10000
N_EDGES = 320000
D_IN = 128
D_OUT = 128


def setup_inputs(seed: int = 0) -> dict:
    key = jax.random.key(seed)
    k_x, k_e, k_w, k_b = jax.random.split(key, 4)
    x = jax.random.normal(k_x, (N_NODES, D_IN), dtype=jnp.float32)
    edge_index = jax.random.randint(k_e, (2, N_EDGES), 0, N_NODES, dtype=jnp.int64)
    # EdgeConv params
    affine_w = jnp.ones((D_IN,), dtype=jnp.float32)
    affine_b = jnp.zeros((D_IN,), dtype=jnp.float32)
    # Linear(2*D_IN -> D_OUT)
    bound = 1.0 / np.sqrt(2 * D_IN)
    lin_W = jax.random.uniform(k_w, (D_OUT, 2 * D_IN), minval=-bound, maxval=bound, dtype=jnp.float32)
    lin_b = jax.random.uniform(k_b, (D_OUT,), minval=-bound, maxval=bound, dtype=jnp.float32)
    # LayerNorm params
    ln_gamma = jnp.ones((D_OUT,), dtype=jnp.float32)
    ln_beta = jnp.zeros((D_OUT,), dtype=jnp.float32)
    # PReLU param (single, default 0.25)
    prelu_a = jnp.asarray(0.25, dtype=jnp.float32)
    return {
        'x': x,
        'edge_index': edge_index,
        'affine_w': affine_w,
        'affine_b': affine_b,
        'lin_W': lin_W,
        'lin_b': lin_b,
        'ln_gamma': ln_gamma,
        'ln_beta': ln_beta,
        'prelu_a': prelu_a,
    }


def reference(x, edge_index, affine_w, affine_b, lin_W, lin_b, ln_gamma, ln_beta, prelu_a):
    n_nodes = x.shape[0]
    src = edge_index[0]  # j (source)
    dst = edge_index[1]  # i (target, aggregation index)
    x_j = jnp.take(x, src, axis=0)
    x_i = jnp.take(x, dst, axis=0)
    diff = x_j - x_i
    # torch.std is unbiased (ddof=1), scalar over whole tensor
    std_x = jnp.std(diff, ddof=1)
    x_rel = diff / (std_x + 1e-05)
    x_rel = affine_w * x_rel + affine_b
    msg_in = jnp.concatenate([x_i, x_rel], axis=-1)
    msg = msg_in @ lin_W.T + lin_b
    # max aggregation per target node; empty segments -> 0 (PyG behavior)
    agg = jax.ops.segment_max(msg, dst, num_segments=n_nodes)
    agg = jnp.where(jnp.isfinite(agg), agg, 0.0)
    # LayerNorm over feature dim
    mu = jnp.mean(agg, axis=-1, keepdims=True)
    var = jnp.var(agg, axis=-1, keepdims=True)
    h = (agg - mu) / jnp.sqrt(var + 1e-05)
    h = h * ln_gamma + ln_beta
    # PReLU
    out = jnp.where(h >= 0, h, prelu_a * h)
    return out

if __name__ == "__main__":
    import jax
    _d = setup_inputs()
    print(jax.jit(kernel)(*tuple(_d.values())))

</pallas_src>

<mosaic_0001>
#map = affine_map<(d0, d1) -> (0)>
#map1 = affine_map<(d0, d1) -> (0, 0)>
#map2 = affine_map<(d0, d1) -> (0, 0, 0)>
module attributes {stable_mosaic.version = 14 : i64} {
  func.func @sc_kernel(%arg0: i32, %arg1: i32, %arg2: memref<320000xi32, #tpu.memory_space<hbm>>, %arg3: memref<320000xi32, #tpu.memory_space<hbm>>, %arg4: memref<10000x256xf32, #tpu.memory_space<hbm>>, %arg5: memref<10240x128xf32, #tpu.memory_space<hbm>>, %arg6: memref<20496xf32, #tpu.memory_space<hbm>>, %arg7: memref<10240x128xf32, #tpu.memory_space<hbm>>, %arg8: memref<32x8x16xf32, #tpu.memory_space<hbm>>, %arg9: memref<2000xi32, #tpu.memory_space<vmem>>, %arg10: memref<2000xi32, #tpu.memory_space<vmem>>, %arg11: memref<2000xi32, #tpu.memory_space<vmem>>, %arg12: memref<2000xi32, #tpu.memory_space<vmem>>, %arg13: memref<2000xi32, #tpu.memory_space<vmem>>, %arg14: memref<2016xi32, #tpu.memory_space<vmem>>, %arg15: memref<320x128xf32, #tpu.memory_space<vmem>>, %arg16: memref<656xf32, #tpu.memory_space<vmem>>, %arg17: memref<320x128xf32, #tpu.memory_space<vmem>>, %arg18: memref<24x256xf32, #tpu.memory_space<vmem>>, %arg19: memref<24x256xf32, #tpu.memory_space<vmem>>, %arg20: memref<8x16xf32, #tpu.memory_space<vmem>>, %arg21: memref<!tpu.dma_semaphore, #tpu.memory_space<semaphore_mem>>, %arg22: memref<!tpu.dma_semaphore, #tpu.memory_space<semaphore_mem>>, %arg23: memref<!tpu.dma_semaphore, #tpu.memory_space<semaphore_mem>>, %arg24: memref<!tpu.dma_semaphore, #tpu.memory_space<semaphore_mem>>, %arg25: memref<!tpu.dma_semaphore, #tpu.memory_space<semaphore_mem>>) attributes {dimension_semantics = [#tpu.dimension_semantics<core_parallel>, #tpu.dimension_semantics<subcore_parallel>], iteration_bounds = array<i64: 2, 16>, scalar_prefetch = 0 : i64, scratch_operands = 17 : i64, tpu.core_type = #tpu.core_type<sc_vector_subcore>, window_params = [{transform_indices = #map}, {transform_indices = #map}, {transform_indices = #map1}, {transform_indices = #map1}, {transform_indices = #map}, {transform_indices = #map1}, {transform_indices = #map2}]} {
    %mul3A = arith.constant 2 : i32
    %mul3A_0 = arith.muli %arg1, %mul3A : i32
    %add3A = arith.addi %mul3A_0, %arg0 : i32
    %mul3A_1 = arith.constant 320 : i32
    %mul3A_2 = arith.muli %add3A, %mul3A_1 : i32
    %broadcast_in_dim3A = arith.constant 0xFF800000 : f32
    %broadcast_in_dim3A_3 = vector.broadcast %broadcast_in_dim3A : f32 to vector<16xf32>
    %broadcast_in_dim3A_4 = arith.constant 0.000000e+00 : f32
    %broadcast_in_dim3A_5 = vector.broadcast %broadcast_in_dim3A_4 : f32 to vector<16xf32>
    %broadcast_in_dim3A_6 = arith.constant 0 : i32
    %broadcast_in_dim3A_7 = vector.broadcast %broadcast_in_dim3A_6 : i32 to vector<16xi32>
    %dma_start3A = arith.constant 0 : i32
    %dma_start3A_8 = tpu.memref_slice %arg5[%mul3A_2, %dma_start3A] : memref<10240x128xf32, #tpu.memory_space<hbm>> -> memref<320x128xf32, #tpu.memory_space<hbm>>
    %dma_start3A_9 = arith.constant 0 : i32
    %dma_start3A_10 = tpu.memref_slice %arg5[%mul3A_2, %dma_start3A_9] : memref<10240x128xf32, #tpu.memory_space<hbm>> -> memref<320x128xf32, #tpu.memory_space<hbm>>
    tpu.enqueue_dma source(%dma_start3A_10 : memref<320x128xf32, #tpu.memory_space<hbm>>) target(%arg15 : memref<320x128xf32, #tpu.memory_space<vmem>>) target_semaphore(%arg21 : memref<!tpu.dma_semaphore, #tpu.memory_space<semaphore_mem>>)
    %mul3A_11 = arith.constant 2 : i32
    %mul3A_12 = arith.muli %mul3A_11, %mul3A_2 : i32
    %dma_start3A_13 = tpu.memref_slice %arg6[%mul3A_12] : memref<20496xf32, #tpu.memory_space<hbm>> -> memref<656xf32, #tpu.memory_space<hbm>>
    %dma_start3A_14 = tpu.memref_slice %arg6[%mul3A_12] : memref<20496xf32, #tpu.memory_space<hbm>> -> memref<656xf32, #tpu.memory_space<hbm>>
    tpu.enqueue_dma source(%dma_start3A_14 : memref<656xf32, #tpu.memory_space<hbm>>) target(%arg16 : memref<656xf32, #tpu.memory_space<vmem>>) target_semaphore(%arg21 : memref<!tpu.dma_semaphore, #tpu.memory_space<semaphore_mem>>)
    %dma_start3A_15 = arith.constant 0 : i32
    %dma_start3A_16 = tpu.memref_slice %arg2[%dma_start3A_15] : memref<320000xi32, #tpu.memory_space<hbm>> -> memref<2000xi32, #tpu.memory_space<hbm>>
    %dma_start3A_17 = arith.constant 0 : i32
    %dma_start3A_18 = tpu.memref_slice %arg2[%dma_start3A_17] : memref<320000xi32, #tpu.memory_space<hbm>> -> memref<2000xi32, #tpu.memory_space<hbm>>
    tpu.enqueue_dma source(%dma_start3A_18 : memref<2000xi32, #tpu.memory_space<hbm>>) target(%arg9 : memref<2000xi32, #tpu.memory_space<vmem>>) target_semaphore(%arg22 : memref<!tpu.dma_semaphore, #tpu.memory_space<semaphore_mem>>)
    %dma_start3A_19 = arith.constant 0 : i32
    %dma_start3A_20 = tpu.memref_slice %arg3[%dma_start3A_19] : memref<320000xi32, #tpu.memory_space<hbm>> -> memref<2000xi32, #tpu.memory_space<hbm>>
    %dma_start3A_21 = arith.constant 0 : i32
    %dma_start3A_22 = tpu.memref_slice %arg3[%dma_start3A_21] : memref<320000xi32, #tpu.memory_space<hbm>> -> memref<2000xi32, #tpu.memory_space<hbm>>
    tpu.enqueue_dma source(%dma_start3A_22 : memref<2000xi32, #tpu.memory_space<hbm>>) target(%arg11 : memref<2000xi32, #tpu.memory_space<vmem>>) target_semaphore(%arg22 : memref<!tpu.dma_semaphore, #tpu.memory_space<semaphore_mem>>)
    %scan3A = arith.constant 0 : i32
    %scan3A_23 = arith.constant 0 : i32
    %scan3A_24 = arith.constant 320 : i32
    %scan3A_25 = arith.addi %scan3A_23, %scan3A_24 : i32
    %scan3A_26 = arith.constant 1 : i32
    scf.for %scan3A_113 = %scan3A_23 to %scan3A_25 step %scan3A_26  : i32 {
      %swap3A_114 = arith.index_cast %scan3A_113 : i32 to index
      %swap3A_115 = arith.constant 0 : index
      %swap3A_116 = tpu.vector_load %arg17[%swap3A_114, %swap3A_115] {strides = array<i32>} : memref<320x128xf32, #tpu.memory_space<vmem>>, vector<16xf32>,
      tpu.vector_store %arg17[%swap3A_114, %swap3A_115], %broadcast_in_dim3A_3 {strides = array<i32>} : memref<320x128xf32, #tpu.memory_space<vmem>>, vector<16xf32>,
      %swap3A_117 = arith.index_cast %scan3A_113 : i32 to index
      %swap3A_118 = arith.constant 16 : index
      %swap3A_119 = tpu.vector_load %arg17[%swap3A_117, %swap3A_118] {strides = array<i32>} : memref<320x128xf32, #tpu.memory_space<vmem>>, vector<16xf32>,
      tpu.vector_store %arg17[%swap3A_117, %swap3A_118], %broadcast_in_dim3A_3 {strides = array<i32>} : memref<320x128xf32, #tpu.memory_space<vmem>>, vector<16xf32>,
      %swap3A_120 = arith.index_cast %scan3A_113 : i32 to index
      %swap3A_121 = arith.constant 32 : index
      %swap3A_122 = tpu.vector_load %arg17[%swap3A_120, %swap3A_121] {strides = array<i32>} : memref<320x128xf32, #tpu.memory_space<vmem>>, vector<16xf32>,
      tpu.vector_store %arg17[%swap3A_120, %swap3A_121], %broadcast_in_dim3A_3 {strides = array<i32>} : memref<320x128xf32, #tpu.memory_space<vmem>>, vector<16xf32>,
      %swap3A_123 = arith.index_cast %scan3A_113 : i32 to index
      %swap3A_124 = arith.constant 48 : index
      %swap3A_125 = tpu.vector_load %arg17[%swap3A_123, %swap3A_124] {strides = array<i32>} : memref<320x128xf32, #tpu.memory_space<vmem>>, vector<16xf32>,
      tpu.vector_store %arg17[%swap3A_123, %swap3A_124], %broadcast_in_dim3A_3 {strides = array<i32>} : memref<320x128xf32, #tpu.memory_space<vmem>>, vector<16xf32>,
      %swap3A_126 = arith.index_cast %scan3A_113 : i32 to index
      %swap3A_127 = arith.constant 64 : index
      %swap3A_128 = tpu.vector_load %arg17[%swap3A_126, %swap3A_127] {strides = array<i32>} : memref<320x128xf32, #tpu.memory_space<vmem>>, vector<16xf32>,
      tpu.vector_store %arg17[%swap3A_126, %swap3A_127], %broadcast_in_dim3A_3 {strides = array<i32>} : memref<320x128xf32, #tpu.memory_space<vmem>>, vector<16xf32>,
      %swap3A_129 = arith.index_cast %scan3A_113 : i32 to index
      %swap3A_130 = arith.constant 80 : index
      %swap3A_131 = tpu.vector_load %arg17[%swap3A_129, %swap3A_130] {strides = array<i32>} : memref<320x128xf32, #tpu.memory_space<vmem>>, vector<16xf32>,
      tpu.vector_store %arg17[%swap3A_129, %swap3A_130], %broadcast_in_dim3A_3 {strides = array<i32>} : memref<320x128xf32, #tpu.memory_space<vmem>>, vector<16xf32>,
      %swap3A_132 = arith.index_cast %scan3A_113 : i32 to index
      %swap3A_133 = arith.constant 96 : index
      %swap3A_134 = tpu.vector_load %arg17[%swap3A_132, %swap3A_133] {strides = array<i32>} : memref<320x128xf32, #tpu.memory_space<vmem>>, vector<16xf32>,
      tpu.vector_store %arg17[%swap3A_132, %swap3A_133], %broadcast_in_dim3A_3 {strides = array<i32>} : memref<320x128xf32, #tpu.memory_space<vmem>>, vector<16xf32>,
      %swap3A_135 = arith.index_cast %scan3A_113 : i32 to index
      %swap3A_136 = arith.constant 112 : index
      %swap3A_137 = tpu.vector_load %arg17[%swap3A_135, %swap3A_136] {strides = array<i32>} : memref<320x128xf32, #tpu.memory_space<vmem>>, vector<16xf32>,
      tpu.vector_store %arg17[%swap3A_135, %swap3A_136], %broadcast_in_dim3A_3 {strides = array<i32>} : memref<320x128xf32, #tpu.memory_space<vmem>>, vector<16xf32>,
    }
    %scan3A_27 = arith.constant 320 : i32
    %scan3A_28 = arith.constant 0 : i32
    %scan3A_29 = arith.constant 0 : i32
    %scan3A_30 = arith.constant 125 : i32
    %scan3A_31 = arith.addi %scan3A_29, %scan3A_30 : i32
    %scan3A_32 = arith.constant 1 : i32
    scf.for %scan3A_113 = %scan3A_29 to %scan3A_31 step %scan3A_32  : i32 {
      %mul3A_114 = arith.constant 16 : i32
      %mul3A_115 = arith.muli %scan3A_113, %mul3A_114 : i32
      %swap3A_116 = arith.index_cast %mul3A_115 : i32 to index
      %swap3A_117 = tpu.vector_load %arg13[%swap3A_116] {strides = array<i32>} : memref<2000xi32, #tpu.memory_space<vmem>>, vector<16xi32>,
      tpu.vector_store %arg13[%swap3A_116], %broadcast_in_dim3A_7 {strides = array<i32>} : memref<2000xi32, #tpu.memory_space<vmem>>, vector<16xi32>,
    }
    %scan3A_33 = arith.constant 125 : i32
    %dma_wait3A = arith.constant 0 : i32
    %dma_wait3A_34 = tpu.memref_slice %arg5[%mul3A_2, %dma_wait3A] : memref<10240x128xf32, #tpu.memory_space<hbm>> -> memref<320x128xf32, #tpu.memory_space<hbm>>
    %dma_wait3A_35 = arith.constant 0 : i32
    %dma_wait3A_36 = tpu.memref_slice %arg5[%mul3A_2, %dma_wait3A_35] : memref<10240x128xf32, #tpu.memory_space<hbm>> -> memref<320x128xf32, #tpu.memory_space<hbm>>
    tpu.wait_dma2 semaphore(%arg21 : memref<!tpu.dma_semaphore, #tpu.memory_space<semaphore_mem>>) src(%dma_wait3A_36 : memref<320x128xf32, #tpu.memory_space<hbm>>) dst(%arg15 : memref<320x128xf32, #tpu.memory_space<vmem>>)
    %dma_wait3A_37 = tpu.memref_slice %arg6[%mul3A_12] : memref<20496xf32, #tpu.memory_space<hbm>> -> memref<656xf32, #tpu.memory_space<hbm>>
    %dma_wait3A_38 = tpu.memref_slice %arg6[%mul3A_12] : memref<20496xf32, #tpu.memory_space<hbm>> -> memref<656xf32, #tpu.memory_space<hbm>>
    tpu.wait_dma2 semaphore(%arg21 : memref<!tpu.dma_semaphore, #tpu.memory_space<semaphore_mem>>) src(%dma_wait3A_38 : memref<656xf32, #tpu.memory_space<hbm>>) dst(%arg16 : memref<656xf32, #tpu.memory_space<vmem>>)
    %broadcast_in_dim3A_39 = arith.constant 0.000000e+00 : f32
    %broadcast_in_dim3A_40 = vector.broadcast %broadcast_in_dim3A_39 : f32 to vector<16xf32>
    %broadcast_in_dim3A_41 = arith.constant 0.000000e+00 : f32
    %broadcast_in_dim3A_42 = vector.broadcast %broadcast_in_dim3A_41 : f32 to vector<16xf32>
    %broadcast_in_dim3A_43 = arith.constant 0.000000e+00 : f32
    %broadcast_in_dim3A_44 = vector.broadcast %broadcast_in_dim3A_43 : f32 to vector<16xf32>
    %broadcast_in_dim3A_45 = arith.constant 0.000000e+00 : f32
    %broadcast_in_dim3A_46 = vector.broadcast %broadcast_in_dim3A_45 : f32 to vector<16xf32>
    %broadcast_in_dim3A_47 = arith.constant 0.000000e+00 : f32
    %broadcast_in_dim3A_48 = vector.broadcast %broadcast_in_dim3A_47 : f32 to vector<16xf32>
    %broadcast_in_dim3A_49 = arith.constant 0.000000e+00 : f32
    %broadcast_in_dim3A_50 = vector.broadcast %broadcast_in_dim3A_49 : f32 to vector<16xf32>
    %broadcast_in_dim3A_51 = arith.constant 0.000000e+00 : f32
    %broadcast_in_dim3A_52 = vector.broadcast %broadcast_in_dim3A_51 : f32 to vector<16xf32>
    %broadcast_in_dim3A_53 = arith.constant 0.000000e+00 : f32
    %broadcast_in_dim3A_54 = vector.broadcast %broadcast_in_dim3A_53 : f32 to vector<16xf32>
    %scan3A_55 = arith.constant 0 : i32
    %scan3A_56 = arith.constant 80 : i32
    %scan3A_57 = arith.addi %scan3A_55, %scan3A_56 : i32
    %scan3A_58 = arith.constant 1 : i32
    %scan3A_59:25 = scf.for %scan3A_113 = %scan3A_55 to %scan3A_57 step %scan3A_58 iter_args(%scan3A_114 = %broadcast_in_dim3A_40, %scan3A_115 = %broadcast_in_dim3A_42, %scan3A_116 = %broadcast_in_dim3A_44, %scan3A_117 = %broadcast_in_dim3A_46, %scan3A_118 = %broadcast_in_dim3A_48, %scan3A_119 = %broadcast_in_dim3A_50, %scan3A_120 = %broadcast_in_dim3A_52, %scan3A_121 = %broadcast_in_dim3A_54, %scan3A_122 = %broadcast_in_dim3A_40, %scan3A_123 = %broadcast_in_dim3A_42, %scan3A_124 = %broadcast_in_dim3A_44, %scan3A_125 = %broadcast_in_dim3A_46, %scan3A_126 = %broadcast_in_dim3A_48, %scan3A_127 = %broadcast_in_dim3A_50, %scan3A_128 = %broadcast_in_dim3A_52, %scan3A_129 = %broadcast_in_dim3A_54, %scan3A_130 = %broadcast_in_dim3A_40, %scan3A_131 = %broadcast_in_dim3A_42, %scan3A_132 = %broadcast_in_dim3A_44, %scan3A_133 = %broadcast_in_dim3A_46, %scan3A_134 = %broadcast_in_dim3A_48, %scan3A_135 = %broadcast_in_dim3A_50, %scan3A_136 = %broadcast_in_dim3A_52, %scan3A_137 = %broadcast_in_dim3A_54, %scan3A_138 = %broadcast_in_dim3A_5) -> (vector<16xf32>, vector<16xf32>, vector<16xf32>, vector<16xf32>, vector<16xf32>, vector<16xf32>, vector<16xf32>, vector<16xf32>, vector<16xf32>, vector<16xf32>, vector<16xf32>, vector<16xf32>, vector<16xf32>, vector<16xf32>, vector<16xf32>, vector<16xf32>, vector<16xf32>, vector<16xf32>, vector<16xf32>, vector<16xf32>, vector<16xf32>, vector<16xf32>, vector<16xf32>, vector<16xf32>, vector<16xf32>)  : i32 {
      %mul3A_139 = arith.constant 2 : i32
      %mul3A_140 = arith.muli %mul3A_139, %scan3A_113 : i32
      %add3A_141 = arith.constant 0 : i32
      %add3A_142 = arith.addi %mul3A_140, %add3A_141 : i32
      %add3A_143 = arith.constant 1 : i32
      %add3A_144 = arith.addi %add3A_142, %add3A_143 : i32
      %lt3A = arith.constant 160 : i32
      %lt3A_145 = arith.cmpi slt, %add3A_144, %lt3A : i32
      %convert_element_type3A = arith.extui %lt3A_145 : i1 to i32
      %cond3A = arith.constant 0 : i32
      %cond3A_146 = arith.cmpi ne, %convert_element_type3A, %cond3A : i32
      scf.if %cond3A_146 {
        %add3A_310 = arith.constant 1 : i32
        %add3A_311 = arith.addi %add3A_142, %add3A_310 : i32
        %mul3A_312 = arith.constant 2000 : i32
        %mul3A_313 = arith.muli %add3A_311, %mul3A_312 : i32
        %dma_start3A_314 = tpu.memref_slice %arg2[%mul3A_313] : memref<320000xi32, #tpu.memory_space<hbm>> -> memref<2000xi32, #tpu.memory_space<hbm>>
        %dma_start3A_315 = tpu.memref_slice %arg2[%mul3A_313] : memref<320000xi32, #tpu.memory_space<hbm>> -> memref<2000xi32, #tpu.memory_space<hbm>>
        tpu.enqueue_dma source(%dma_start3A_315 : memref<2000xi32, #tpu.memory_space<hbm>>) target(%arg10 : memref<2000xi32, #tpu.memory_space<vmem>>) target_semaphore(%arg23 : memref<!tpu.dma_semaphore, #tpu.memory_space<semaphore_mem>>)
        %dma_start3A_316 = tpu.memref_slice %arg3[%mul3A_313] : memref<320000xi32, #tpu.memory_space<hbm>> -> memref<2000xi32, #tpu.memory_space<hbm>>
        %dma_start3A_317 = tpu.memref_slice %arg3[%mul3A_313] : memref<320000xi32, #tpu.memory_space<hbm>> -> memref<2000xi32, #tpu.memory_space<hbm>>
        tpu.enqueue_dma source(%dma_start3A_317 : memref<2000xi32, #tpu.memory_space<hbm>>) target(%arg12 : memref<2000xi32, #tpu.memory_space<vmem>>) target_semaphore(%arg23 : memref<!tpu.dma_semaphore, #tpu.memory_space<semaphore_mem>>)
      } else {
      }
      %mul3A_147 = arith.constant 2000 : i32
      %mul3A_148 = arith.muli %add3A_142, %mul3A_147 : i32
      %dma_wait3A_149 = tpu.memref_slice %arg2[%mul3A_148] : memref<320000xi32, #tpu.memory_space<hbm>> -> memref<2000xi32, #tpu.memory_space<hbm>>
      %dma_wait3A_150 = tpu.memref_slice %arg2[%mul3A_148] : memref<320000xi32, #tpu.memory_space<hbm>> -> memref<2000xi32, #tpu.memory_space<hbm>>
      tpu.wait_dma2 semaphore(%arg22 : memref<!tpu.dma_semaphore, #tpu.memory_space<semaphore_mem>>) src(%dma_wait3A_150 : memref<2000xi32, #tpu.memory_space<hbm>>) dst(%arg9 : memref<2000xi32, #tpu.memory_space<vmem>>)
      %dma_wait3A_151 = tpu.memref_slice %arg3[%mul3A_148] : memref<320000xi32, #tpu.memory_space<hbm>> -> memref<2000xi32, #tpu.memory_space<hbm>>
      %dma_wait3A_152 = tpu.memref_slice %arg3[%mul3A_148] : memref<320000xi32, #tpu.memory_space<hbm>> -> memref<2000xi32, #tpu.memory_space<hbm>>
      tpu.wait_dma2 semaphore(%arg22 : memref<!tpu.dma_semaphore, #tpu.memory_space<semaphore_mem>>) src(%dma_wait3A_152 : memref<2000xi32, #tpu.memory_space<hbm>>) dst(%arg11 : memref<2000xi32, #tpu.memory_space<vmem>>)
      %scan3A_153 = arith.constant 0 : i32
      %scan3A_154 = arith.constant 0 : i32
      %scan3A_155 = arith.constant 125 : i32
      %scan3A_156 = arith.addi %scan3A_154, %scan3A_155 : i32
      %scan3A_157 = arith.constant 1 : i32
      %scan3A_158 = scf.for %scan3A_310 = %scan3A_154 to %scan3A_156 step %scan3A_157 iter_args(%scan3A_311 = %scan3A_153) -> (i32)  : i32 {
        %mul3A_312 = arith.constant 16 : i32
        %mul3A_313 = arith.muli %scan3A_310, %mul3A_312 : i32
        %get3A = arith.index_cast %mul3A_313 : i32 to index
        %get3A_314 = tpu.vector_load %arg11[%get3A] {strides = array<i32>} : memref<2000xi32, #tpu.memory_space<vmem>>, vector<16xi32>,
        %mul3A_315 = arith.constant 16 : i32
        %mul3A_316 = arith.muli %scan3A_310, %mul3A_315 : i32
        %get3A_317 = arith.index_cast %mul3A_316 : i32 to index
        %get3A_318 = tpu.vector_load %arg9[%get3A_317] {strides = array<i32>} : memref<2000xi32, #tpu.memory_space<vmem>>, vector<16xi32>,
        %ge3A = vector.broadcast %mul3A_2 : i32 to vector<16xi32>
        %ge3A_319 = arith.cmpi sge, %get3A_314, %ge3A : vector<16xi32>
        %add3A_320 = arith.constant 320 : i32
        %add3A_321 = arith.addi %mul3A_2, %add3A_320 : i32
        %lt3A_322 = vector.broadcast %add3A_321 : i32 to vector<16xi32>
        %lt3A_323 = arith.cmpi slt, %get3A_314, %lt3A_322 : vector<16xi32>
        %and3A_324 = arith.andi %ge3A_319, %lt3A_323 : vector<16xi1>
        %all_reduce_population_count3A = tpu.all_reduce %and3A_324 {dim = 0 : i64, kind = #tpu.reduction_kind<sum>} : vector<16xi1> -> vector<16xi32>
        %slice3A = vector.extract_strided_slice %all_reduce_population_count3A {offsets = [0], sizes = [1], strides = [1]} : vector<16xi32> to vector<1xi32>
        %squeeze3A = vector.extract %slice3A[0] : i32 from vector<1xi32>
        %gt3A_325 = arith.constant 0 : i32
        %gt3A_326 = arith.cmpi sgt, %squeeze3A, %gt3A_325 : i32
        %convert_element_type3A_327 = arith.extui %gt3A_326 : i1 to i32
        %cond3A_328 = arith.constant 0 : i32
        %cond3A_329 = arith.cmpi ne, %convert_element_type3A_327, %cond3A_328 : i32
        scf.if %cond3A_329 {
          %jit3A_333 = arith.constant 0 : i32
          %jit3A_334 = arith.constant 1 : i32
          %broadcast_in_dim3A_335 = vector.broadcast %jit3A_333 : i32 to vector<16xi32>
          %broadcast_in_dim3A_336 = vector.broadcast %jit3A_334 : i32 to vector<16xi32>
          %select_n3A_337 = arith.select %and3A_324, %broadcast_in_dim3A_335, %broadcast_in_dim3A_336 : vector<16xi1>, vector<16xi32>
          %masked_sort3A = arith.constant dense<true> : vector<16xi1>
          %masked_sort3A_338 = arith.constant -2147483648 : i32
          %masked_sort3A_339 = vector.broadcast %masked_sort3A_338 : i32 to vector<16xi32>
          %masked_sort3A_340 = arith.xori %select_n3A_337, %masked_sort3A_339 : vector<16xi32>
          %masked_sort3A_341, %masked_sort3A_342, %masked_sort3A_343 = tpu.sort %masked_sort3A_340, %get3A_318 masked %masked_sort3A : (vector<16xi32>, vector<16xi32>, vector<16xi1>) -> (vector<16xi1>, vector<16xi32>, vector<16xi32>)
          %masked_sort3A_344 = arith.xori %masked_sort3A_342, %masked_sort3A_339 : vector<16xi32>
          %sub3A_345 = vector.broadcast %mul3A_2 : i32 to vector<16xi32>
          %sub3A_346 = arith.subi %get3A_314, %sub3A_345 : vector<16xi32>
          %masked_sort3A_347 = arith.constant dense<true> : vector<16xi1>
          %masked_sort3A_348 = arith.constant -2147483648 : i32
          %masked_sort3A_349 = vector.broadcast %masked_sort3A_348 : i32 to vector<16xi32>
          %masked_sort3A_350 = arith.xori %select_n3A_337, %masked_sort3A_349 : vector<16xi32>
          %masked_sort3A_351, %masked_sort3A_352, %masked_sort3A_353 = tpu.sort %masked_sort3A_350, %sub3A_346 masked %masked_sort3A_347 : (vector<16xi32>, vector<16xi32>, vector<16xi1>) -> (vector<16xi1>, vector<16xi32>, vector<16xi32>)
          %masked_sort3A_354 = arith.xori %masked_sort3A_352, %masked_sort3A_349 : vector<16xi32>
          %swap3A_355 = arith.index_cast %scan3A_311 : i32 to index
          %swap3A_356 = tpu.vector_load %arg13[%swap3A_355] {strides = array<i32>} : memref<2000xi32, #tpu.memory_space<vmem>>, vector<16xi32>,
          tpu.vector_store %arg13[%swap3A_355], %masked_sort3A_343 {strides = array<i32>} : memref<2000xi32, #tpu.memory_space<vmem>>, vector<16xi32>,
          %swap3A_357 = arith.index_cast %scan3A_311 : i32 to index
          %swap3A_358 = tpu.vector_load %arg14[%swap3A_357] {strides = array<i32>} : memref<2016xi32, #tpu.memory_space<vmem>>, vector<16xi32>,
          tpu.vector_store %arg14[%swap3A_357], %masked_sort3A_353 {strides = array<i32>} : memref<2016xi32, #tpu.memory_space<vmem>>, vector<16xi32>,
        } else {
        }
        %slice3A_330 = vector.extract_strided_slice %all_reduce_population_count3A {offsets = [0], sizes = [1], strides = [1]} : vector<16xi32> to vector<1xi32>
        %squeeze3A_331 = vector.extract %slice3A_330[0] : i32 from vector<1xi32>
        %add3A_332 = arith.addi %scan3A_311, %squeeze3A_331 : i32
        scf.yield %add3A_332 : i32
      }
      %scan3A_159 = arith.constant 125 : i32
      %add3A_160 = arith.constant 23 : i32
      %add3A_161 = arith.addi %scan3A_158, %add3A_160 : i32
      %jit3A = arith.constant 24 : i32
      %div3A = arith.divsi %add3A_161, %jit3A : i32
      %sign3A = arith.constant 0 : i32
      %sign3A_162 = arith.cmpi sgt, %add3A_161, %sign3A : i32
      %sign3A_163 = arith.extui %sign3A_162 : i1 to i32
      %sign3A_164 = arith.constant 0 : i32
      %sign3A_165 = arith.cmpi slt, %add3A_161, %sign3A_164 : i32
      %sign3A_166 = arith.extui %sign3A_165 : i1 to i32
      %sign3A_167 = arith.subi %sign3A_163, %sign3A_166 : i32
      %sign3A_168 = arith.constant 0 : i32
      %sign3A_169 = arith.cmpi sgt, %jit3A, %sign3A_168 : i32
      %sign3A_170 = arith.extui %sign3A_169 : i1 to i32
      %sign3A_171 = arith.constant 0 : i32
      %sign3A_172 = arith.cmpi slt, %jit3A, %sign3A_171 : i32
      %sign3A_173 = arith.extui %sign3A_172 : i1 to i32
      %sign3A_174 = arith.subi %sign3A_170, %sign3A_173 : i32
      %ne3A = arith.cmpi ne, %sign3A_167, %sign3A_174 : i32
      %rem3A = arith.remsi %add3A_161, %jit3A : i32
      %ne3A_175 = arith.constant 0 : i32
      %ne3A_176 = arith.cmpi ne, %rem3A, %ne3A_175 : i32
      %and3A = arith.andi %ne3A, %ne3A_176 : i1
      %sub3A = arith.constant 1 : i32
      %sub3A_177 = arith.subi %div3A, %sub3A : i32
      %select_n3A = arith.select %and3A, %sub3A_177, %div3A : i32
      %gt3A = arith.constant 0 : i32
      %gt3A_178 = arith.cmpi sgt, %select_n3A, %gt3A : i32
      %convert_element_type3A_179 = arith.extui %gt3A_178 : i1 to i32
      %cond3A_180 = arith.constant 0 : i32
      %cond3A_181 = arith.cmpi ne, %convert_element_type3A_179, %cond3A_180 : i32
      scf.if %cond3A_181 {
        %dma_start3A_310 = arith.constant 0 : i32
        %dma_start3A_311 = tpu.memref_slice %arg13[%dma_start3A_310] : memref<2000xi32, #tpu.memory_space<vmem>> -> memref<24xi32, #tpu.memory_space<vmem>>
        %dma_start3A_312 = arith.constant 0 : i32
        %dma_start3A_313 = arith.constant 0 : i32
        %dma_start3A_314 = tpu.memref_slice %arg4[%dma_start3A_312, %dma_start3A_313] : memref<10000x256xf32, #tpu.memory_space<hbm>> -> memref<10000x256xf32, #tpu.memory_space<hbm>>
        tpu.enqueue_indirect_dma source(%dma_start3A_314 : memref<10000x256xf32, #tpu.memory_space<hbm>>) target(%arg18 : memref<24x256xf32, #tpu.memory_space<vmem>>) offsets(%dma_start3A_311 : memref<24xi32, #tpu.memory_space<vmem>>) semaphore(%arg24 : memref<!tpu.dma_semaphore, #tpu.memory_space<semaphore_mem>>)
      } else {
      }
      %add3A_182 = arith.constant 1 : i32
      %add3A_183 = arith.addi %select_n3A, %add3A_182 : i32
      %jit3A_184 = arith.constant 2 : i32
      %div3A_185 = arith.divsi %add3A_183, %jit3A_184 : i32
      %sign3A_186 = arith.constant 0 : i32
      %sign3A_187 = arith.cmpi sgt, %add3A_183, %sign3A_186 : i32
      %sign3A_188 = arith.extui %sign3A_187 : i1 to i32
      %sign3A_189 = arith.constant 0 : i32
      %sign3A_190 = arith.cmpi slt, %add3A_183, %sign3A_189 : i32
      %sign3A_191 = arith.extui %sign3A_190 : i1 to i32
      %sign3A_192 = arith.subi %sign3A_188, %sign3A_191 : i32
      %sign3A_193 = arith.constant 0 : i32
      %sign3A_194 = arith.cmpi sgt, %jit3A_184, %sign3A_193 : i32
      %sign3A_195 = arith.extui %sign3A_194 : i1 to i32
      %sign3A_196 = arith.constant 0 : i32
      %sign3A_197 = arith.cmpi slt, %jit3A_184, %sign3A_196 : i32
      %sign3A_198 = arith.extui %sign3A_197 : i1 to i32
      %sign3A_199 = arith.subi %sign3A_195, %sign3A_198 : i32
      %ne3A_200 = arith.cmpi ne, %sign3A_192, %sign3A_199 : i32
      %rem3A_201 = arith.remsi %add3A_183, %jit3A_184 : i32
      %ne3A_202 = arith.constant 0 : i32
      %ne3A_203 = arith.cmpi ne, %rem3A_201, %ne3A_202 : i32
      %and3A_204 = arith.andi %ne3A_200, %ne3A_203 : i1
      %sub3A_205 = arith.constant 1 : i32
      %sub3A_206 = arith.subi %div3A_185, %sub3A_205 : i32
      %select_n3A_207 = arith.select %and3A_204, %sub3A_206, %div3A_185 : i32
      %while3A = arith.constant 0 : i32
      %while3A_208 = arith.subi %select_n3A_207, %while3A : i32
      %while3A_209 = arith.addi %while3A, %while3A_208 : i32
      %while3A_210 = arith.constant 1 : i32
      %while3A_211 = arith.divsi %while3A_208, %while3A_210 : i32
      %while3A_212 = arith.muli %while3A_211, %while3A_210 : i32
      %while3A_213 = arith.addi %while3A, %while3A_212 : i32
      %while3A_214 = arith.constant 1 : i32
      %while3A_215:25 = scf.for %while3A_310 = %while3A to %while3A_213 step %while3A_214 iter_args(%while3A_311 = %scan3A_114, %while3A_312 = %scan3A_115, %while3A_313 = %scan3A_116, %while3A_314 = %scan3A_117, %while3A_315 = %scan3A_118, %while3A_316 = %scan3A_119, %while3A_317 = %scan3A_120, %while3A_318 = %scan3A_121, %while3A_319 = %scan3A_122, %while3A_320 = %scan3A_123, %while3A_321 = %scan3A_124, %while3A_322 = %scan3A_125, %while3A_323 = %scan3A_126, %while3A_324 = %scan3A_127, %while3A_325 = %scan3A_128, %while3A_326 = %scan3A_129, %while3A_327 = %scan3A_130, %while3A_328 = %scan3A_131, %while3A_329 = %scan3A_132, %while3A_330 = %scan3A_133, %while3A_331 = %scan3A_134, %while3A_332 = %scan3A_135, %while3A_333 = %scan3A_136, %while3A_334 = %scan3A_137, %while3A_335 = %scan3A_138) -> (vector<16xf32>, vector<16xf32>, vector<16xf32>, vector<16xf32>, vector<16xf32>, vector<16xf32>, vector<16xf32>, vector<16xf32>, vector<16xf32>, vector<16xf32>, vector<16xf32>, vector<16xf32>, vector<16xf32>, vector<16xf32>, vector<16xf32>, vector<16xf32>, vector<16xf32>, vector<16xf32>, vector<16xf32>, vector<16xf32>, vector<16xf32>, vector<16xf32>, vector<16xf32>, vector<16xf32>, vector<16xf32>)  : i32 {
        %mul3A_336 = arith.constant 2 : i32
        %mul3A_337 = arith.muli %mul3A_336, %while3A_310 : i32
        %add3A_338 = arith.constant 0 : i32
        %add3A_339 = arith.addi %mul3A_337, %add3A_338 : i32
        %mul3A_340 = arith.constant 24 : i32
        %mul3A_341 = arith.muli %add3A_339, %mul3A_340 : i32
        %add3A_342 = arith.constant 1 : i32
        %add3A_343 = arith.addi %add3A_339, %add3A_342 : i32
        %lt3A_344 = arith.cmpi slt, %add3A_343, %select_n3A : i32
        %convert_element_type3A_345 = arith.extui %lt3A_344 : i1 to i32
        %cond3A_346 = arith.constant 0 : i32
        %cond3A_347 = arith.cmpi ne, %convert_element_type3A_345, %cond3A_346 : i32
        scf.if %cond3A_347 {
          %add3A_398 = arith.constant 24 : i32
          %add3A_399 = arith.addi %mul3A_341, %add3A_398 : i32
          %dma_start3A_400 = tpu.memref_slice %arg13[%add3A_399] : memref<2000xi32, #tpu.memory_space<vmem>> -> memref<24xi32, #tpu.memory_space<vmem>>
          %dma_start3A_401 = arith.constant 0 : i32
          %dma_start3A_402 = arith.constant 0 : i32
          %dma_start3A_403 = tpu.memref_slice %arg4[%dma_start3A_401, %dma_start3A_402] : memref<10000x256xf32, #tpu.memory_space<hbm>> -> memref<10000x256xf32, #tpu.memory_space<hbm>>
          tpu.enqueue_indirect_dma source(%dma_start3A_403 : memref<10000x256xf32, #tpu.memory_space<hbm>>) target(%arg19 : memref<24x256xf32, #tpu.memory_space<vmem>>) offsets(%dma_start3A_400 : memref<24xi32, #tpu.memory_space<vmem>>) semaphore(%arg25 : memref<!tpu.dma_semaphore, #tpu.memory_space<semaphore_mem>>)
        } else {
        }
        %lt3A_348 = arith.cmpi slt, %add3A_339, %select_n3A : i32
        %convert_element_type3A_349 = arith.extui %lt3A_348 : i1 to i32
        %cond3A_350 = arith.constant 0 : i32
        %cond3A_351 = arith.cmpi ne, %convert_element_type3A_349, %cond3A_350 : i32
        scf.if %cond3A_351 {
          %dma_wait3A_398 = tpu.memref_slice %arg13[%mul3A_341] : memref<2000xi32, #tpu.memory_space<vmem>> -> memref<24xi32, #tpu.memory_space<vmem>>
          %dma_wait3A_399 = arith.constant 0 : i32
          %dma_wait3A_400 = arith.constant 0 : i32
          %dma_wait3A_401 = tpu.memref_slice %arg4[%dma_wait3A_399, %dma_wait3A_400] : memref<10000x256xf32, #tpu.memory_space<hbm>> -> memref<10000x256xf32, #tpu.memory_space<hbm>>
          tpu.wait_indirect_dma semaphore(%arg24 : memref<!tpu.dma_semaphore, #tpu.memory_space<semaphore_mem>>) src(%dma_wait3A_401 : memref<10000x256xf32, #tpu.memory_space<hbm>>) dst(%arg18 : memref<24x256xf32, #tpu.memory_space<vmem>>)
        } else {
        }
        %sub3A_352 = arith.subi %scan3A_158, %mul3A_341 : i32
        %jit3A_353 = arith.constant 0 : i32
        %jit3A_354 = arith.constant 24 : i32
        %max3A = arith.maxsi %jit3A_353, %sub3A_352 : i32
        %min3A = arith.minsi %jit3A_354, %max3A : i32
        %while3A_355 = arith.constant 0 : i32
        %while3A_356 = arith.subi %min3A, %while3A_355 : i32
        %while3A_357 = arith.addi %while3A_355, %while3A_356 : i32
        %while3A_358 = arith.constant 1 : i32
        %while3A_359 = arith.divsi %while3A_356, %while3A_358 : i32
        %while3A_360 = arith.muli %while3A_359, %while3A_358 : i32
        %while3A_361 = arith.addi %while3A_355, %while3A_360 : i32
        %while3A_362 = arith.constant 1 : i32
        %while3A_363:25 = scf.for %while3A_398 = %while3A_355 to %while3A_361 step %while3A_362 iter_args(%while3A_399 = %while3A_311, %while3A_400 = %while3A_312, %while3A_401 = %while3A_313, %while3A_402 = %while3A_314, %while3A_403 = %while3A_315, %while3A_404 = %while3A_316, %while3A_405 = %while3A_317, %while3A_406 = %while3A_318, %while3A_407 = %while3A_319, %while3A_408 = %while3A_320, %while3A_409 = %while3A_321, %while3A_410 = %while3A_322, %while3A_411 = %while3A_323, %while3A_412 = %while3A_324, %while3A_413 = %while3A_325, %while3A_414 = %while3A_326, %while3A_415 = %while3A_327, %while3A_416 = %while3A_328, %while3A_417 = %while3A_329, %while3A_418 = %while3A_330, %while3A_419 = %while3A_331, %while3A_420 = %while3A_332, %while3A_421 = %while3A_333, %while3A_422 = %while3A_334, %while3A_423 = %while3A_335) -> (vector<16xf32>, vector<16xf32>, vector<16xf32>, vector<16xf32>, vector<16xf32>, vector<16xf32>, vector<16xf32>, vector<16xf32>, vector<16xf32>, vector<16xf32>, vector<16xf32>, vector<16xf32>, vector<16xf32>, vector<16xf32>, vector<16xf32>, vector<16xf32>, vector<16xf32>, vector<16xf32>, vector<16xf32>, vector<16xf32>, vector<16xf32>, vector<16xf32>, vector<16xf32>, vector<16xf32>, vector<16xf32>)  : i32 {
          %add3A_424 = arith.addi %mul3A_341, %while3A_398 : i32
          %get3A = arith.index_cast %add3A_424 : i32 to index
          %get3A_425 = tpu.vector_load %arg14[%get3A] {strides = array<i32>} : memref<2016xi32, #tpu.memory_space<vmem>>, vector<16xi32>,
          %slice3A = vector.extract_strided_slice %get3A_425 {offsets = [0], sizes = [1], strides = [1]} : vector<16xi32> to vector<1xi32>
          %squeeze3A = vector.extract %slice3A[0] : i32 from vector<1xi32>
          %mul3A_426 = arith.constant 2 : i32
          %mul3A_427 = arith.muli %mul3A_426, %squeeze3A : i32
          %get3A_428 = arith.index_cast %mul3A_427 : i32 to index
          %get3A_429 = tpu.vector_load %arg16[%get3A_428] {strides = array<i32>} : memref<656xf32, #tpu.memory_space<vmem>>, vector<16xf32>,
          %add3A_430 = arith.addf %while3A_423, %get3A_429 : vector<16xf32>
          %get3A_431 = arith.index_cast %while3A_398 : i32 to index
          %get3A_432 = arith.constant 0 : index
          %get3A_433 = tpu.vector_load %arg18[%get3A_431, %get3A_432] {strides = array<i32>} : memref<24x256xf32, #tpu.memory_space<vmem>>, vector<16xf32>,
          %get3A_434 = arith.index_cast %squeeze3A : i32 to index
          %get3A_435 = arith.constant 0 : index
          %get3A_436 = tpu.vector_load %arg15[%get3A_434, %get3A_435] {strides = array<i32>} : memref<320x128xf32, #tpu.memory_space<vmem>>, vector<16xf32>,
          %add3A_437 = arith.addf %while3A_399, %get3A_433 : vector<16xf32>
          %mul3A_438 = arith.mulf %get3A_433, %get3A_433 : vector<16xf32>
          %add3A_439 = arith.addf %while3A_407, %mul3A_438 : vector<16xf32>
          %mul3A_440 = arith.mulf %get3A_433, %get3A_436 : vector<16xf32>
          %add3A_441 = arith.addf %while3A_415, %mul3A_440 : vector<16xf32>
          %get3A_442 = arith.index_cast %while3A_398 : i32 to index
          %get3A_443 = arith.constant 128 : index
          %get3A_444 = tpu.vector_load %arg18[%get3A_442, %get3A_443] {strides = array<i32>} : memref<24x256xf32, #tpu.memory_space<vmem>>, vector<16xf32>,
          %get3A_445 = arith.index_cast %squeeze3A : i32 to index
          %get3A_446 = arith.constant 0 : index
          %get3A_447 = tpu.vector_load %arg17[%get3A_445, %get3A_446] {strides = array<i32>} : memref<320x128xf32, #tpu.memory_space<vmem>>, vector<16xf32>,
          %max3A_448 = arith.maximumf %get3A_447, %get3A_444 : vector<16xf32>
          %swap3A_449 = arith.index_cast %squeeze3A : i32 to index
          %swap3A_450 = arith.constant 0 : index
          %swap3A_451 = tpu.vector_load %arg17[%swap3A_449, %swap3A_450] {strides = array<i32>} : memref<320x128xf32, #tpu.memory_space<vmem>>, vector<16xf32>,
          tpu.vector_store %arg17[%swap3A_449, %swap3A_450], %max3A_448 {strides = array<i32>} : memref<320x128xf32, #tpu.memory_space<vmem>>, vector<16xf32>,
          %get3A_452 = arith.index_cast %while3A_398 : i32 to index
          %get3A_453 = arith.constant 16 : index
          %get3A_454 = tpu.vector_load %arg18[%get3A_452, %get3A_453] {strides = array<i32>} : memref<24x256xf32, #tpu.memory_space<vmem>>, vector<16xf32>,
          %get3A_455 = arith.index_cast %squeeze3A : i32 to index
          %get3A_456 = arith.constant 16 : index
          %get3A_457 = tpu.vector_load %arg15[%get3A_455, %get3A_456] {strides = array<i32>} : memref<320x128xf32, #tpu.memory_space<vmem>>, vector<16xf32>,
          %add3A_458 = arith.addf %while3A_400, %get3A_454 : vector<16xf32>
          %mul3A_459 = arith.mulf %get3A_454, %get3A_454 : vector<16xf32>
          %add3A_460 = arith.addf %while3A_408, %mul3A_459 : vector<16xf32>
          %mul3A_461 = arith.mulf %get3A_454, %get3A_457 : vector<16xf32>
          %add3A_462 = arith.addf %while3A_416, %mul3A_461 : vector<16xf32>
          %get3A_463 = arith.index_cast %while3A_398 : i32 to index
          %get3A_464 = arith.constant 144 : index
          %get3A_465 = tpu.vector_load %arg18[%get3A_463, %get3A_464] {strides = array<i32>} : memref<24x256xf32, #tpu.memory_space<vmem>>, vector<16xf32>,
          %get3A_466 = arith.index_cast %squeeze3A : i32 to index
          %get3A_467 = arith.constant 16 : index
          %get3A_468 = tpu.vector_load %arg17[%get3A_466, %get3A_467] {strides = array<i32>} : memref<320x128xf32, #tpu.memory_space<vmem>>, vector<16xf32>,
          %max3A_469 = arith.maximumf %get3A_468, %get3A_465 : vector<16xf32>
          %swap3A_470 = arith.index_cast %squeeze3A : i32 to index
          %swap3A_471 = arith.constant 16 : index
          %swap3A_472 = tpu.vector_load %arg17[%swap3A_470, %swap3A_471] {strides = array<i32>} : memref<320x128xf32, #tpu.memory_space<vmem>>, vector<16xf32>,
          tpu.vector_store %arg17[%swap3A_470, %swap3A_471], %max3A_469 {strides = array<i32>} : memref<320x128xf32, #tpu.memory_space<vmem>>, vector<16xf32>,
          %get3A_473 = arith.index_cast %while3A_398 : i32 to index
          %get3A_474 = arith.constant 32 : index
          %get3A_475 = tpu.vector_load %arg18[%get3A_473, %get3A_474] {strides = array<i32>} : memref<24x256xf32, #tpu.memory_space<vmem>>, vector<16xf32>,
          %get3A_476 = arith.index_cast %squeeze3A : i32 to index
          %get3A_477 = arith.constant 32 : index
          %get3A_478 = tpu.vector_load %arg15[%get3A_476, %get3A_477] {strides = array<i32>} : memref<320x128xf32, #tpu.memory_space<vmem>>, vector<16xf32>,
          %add3A_479 = arith.addf %while3A_401, %get3A_475 : vector<16xf32>
          %mul3A_480 = arith.mulf %get3A_475, %get3A_475 : vector<16xf32>
          %add3A_481 = arith.addf %while3A_409, %mul3A_480 : vector<16xf32>
          %mul3A_482 = arith.mulf %get3A_475, %get3A_478 : vector<16xf32>
          %add3A_483 = arith.addf %while3A_417, %mul3A_482 : vector<16xf32>
          %get3A_484 = arith.index_cast %while3A_398 : i32 to index
          %get3A_485 = arith.constant 160 : index
          %get3A_486 = tpu.vector_load %arg18[%get3A_484, %get3A_485] {strides = array<i32>} : memref<24x256xf32, #tpu.memory_space<vmem>>, vector<16xf32>,
          %get3A_487 = arith.index_cast %squeeze3A : i32 to index
          %get3A_488 = arith.constant 32 : index
          %get3A_489 = tpu.vector_load %arg17[%get3A_487, %get3A_488] {strides = array<i32>} : memref<320x128xf32, #tpu.memory_space<vmem>>, vector<16xf32>,
          %max3A_490 = arith.maximumf %get3A_489, %get3A_486 : vector<16xf32>
          %swap3A_491 = arith.index_cast %squeeze3A : i32 to index
          %swap3A_492 = arith.constant 32 : index
          %swap3A_493 = tpu.vector_load %arg17[%swap3A_491, %swap3A_492] {strides = array<i32>} : memref<320x128xf32, #tpu.memory_space<vmem>>, vector<16xf32>,
          tpu.vector_store %arg17[%swap3A_491, %swap3A_492], %max3A_490 {strides = array<i32>} : memref<320x128xf32, #tpu.memory_space<vmem>>, vector<16xf32>,
          %get3A_494 = arith.index_cast %while3A_398 : i32 to index
          %get3A_495 = arith.constant 48 : index
          %get3A_496 = tpu.vector_load %arg18[%get3A_494, %get3A_495] {strides = array<i32>} : memref<24x256xf32, #tpu.memory_space<vmem>>, vector<16xf32>,
          %get3A_497 = arith.index_cast %squeeze3A : i32 to index
          %get3A_498 = arith.constant 48 : index
          %get3A_499 = tpu.vector_load %arg15[%get3A_497, %get3A_498] {strides = array<i32>} : memref<320x128xf32, #tpu.memory_space<vmem>>, vector<16xf32>,
          %add3A_500 = arith.addf %while3A_402, %get3A_496 : vector<16xf32>
          %mul3A_501 = arith.mulf %get3A_496, %get3A_496 : vector<16xf32>
          %add3A_502 = arith.addf %while3A_410, %mul3A_501 : vector<16xf32>
          %mul3A_503 = arith.mulf %get3A_496, %get3A_499 : vector<16xf32>
          %add3A_504 = arith.addf %while3A_418, %mul3A_503 : vector<16xf32>
          %get3A_505 = arith.index_cast %while3A_398 : i32 to index
          %get3A_506 = arith.constant 176 : index
          %get3A_507 = tpu.vector_load %arg18[%get3A_505, %get3A_506] {strides = array<i32>} : memref<24x256xf32, #tpu.memory_space<vmem>>, vector<16xf32>,
          %get3A_508 = arith.index_cast %squeeze3A : i32 to index
          %get3A_509 = arith.constant 48 : index
          %get3A_510 = tpu.vector_load %arg17[%get3A_508, %get3A_509] {strides = array<i32>} : memref<320x128xf32, #tpu.memory_space<vmem>>, vector<16xf32>,
          %max3A_511 = arith.maximumf %get3A_510, %get3A_507 : vector<16xf32>
          %swap3A_512 = arith.index_cast %squeeze3A : i32 to index
          %swap3A_513 = arith.constant 48 : index
          %swap3A_514 = tpu.vector_load %arg17[%swap3A_512, %swap3A_513] {strides = array<i32>} : memref<320x128xf32, #tpu.memory_space<vmem>>, vector<16xf32>,
          tpu.vector_store %arg17[%swap3A_512, %swap3A_513], %max3A_511 {strides = array<i32>} : memref<320x128xf32, #tpu.memory_space<vmem>>, vector<16xf32>,
          %get3A_515 = arith.index_cast %while3A_398 : i32 to index
          %get3A_516 = arith.constant 64 : index
          %get3A_517 = tpu.vector_load %arg18[%get3A_515, %get3A_516] {strides = array<i32>} : memref<24x256xf32, #tpu.memory_space<vmem>>, vector<16xf32>,
          %get3A_518 = arith.index_cast %squeeze3A : i32 to index
          %get3A_519 = arith.constant 64 : index
          %get3A_520 = tpu.vector_load %arg15[%get3A_518, %get3A_519] {strides = array<i32>} : memref<320x128xf32, #tpu.memory_space<vmem>>, vector<16xf32>,
          %add3A_521 = arith.addf %while3A_403, %get3A_517 : vector<16xf32>
          %mul3A_522 = arith.mulf %get3A_517, %get3A_517 : vector<16xf32>
          %add3A_523 = arith.addf %while3A_411, %mul3A_522 : vector<16xf32>
          %mul3A_524 = arith.mulf %get3A_517, %get3A_520 : vector<16xf32>
          %add3A_525 = arith.addf %while3A_419, %mul3A_524 : vector<16xf32>
          %get3A_526 = arith.index_cast %while3A_398 : i32 to index
          %get3A_527 = arith.constant 192 : index
          %get3A_528 = tpu.vector_load %arg18[%get3A_526, %get3A_527] {strides = array<i32>} : memref<24x256xf32, #tpu.memory_space<vmem>>, vector<16xf32>,
          %get3A_529 = arith.index_cast %squeeze3A : i32 to index
          %get3A_530 = arith.constant 64 : index
          %get3A_531 = tpu.vector_load %arg17[%get3A_529, %get3A_530] {strides = array<i32>} : memref<320x128xf32, #tpu.memory_space<vmem>>, vector<16xf32>,
          %max3A_532 = arith.maximumf %get3A_531, %get3A_528 : vector<16xf32>
          %swap3A_533 = arith.index_cast %squeeze3A : i32 to index
          %swap3A_534 = arith.constant 64 : index
          %swap3A_535 = tpu.vector_load %arg17[%swap3A_533, %swap3A_534] {strides = array<i32>} : memref<320x128xf32, #tpu.memory_space<vmem>>, vector<16xf32>,
          tpu.vector_store %arg17[%swap3A_533, %swap3A_534], %max3A_532 {strides = array<i32>} : memref<320x128xf32, #tpu.memory_space<vmem>>, vector<16xf32>,
          %get3A_536 = arith.index_cast %while3A_398 : i32 to index
          %get3A_537 = arith.constant 80 : index
          %get3A_538 = tpu.vector_load %arg18[%get3A_536, %get3A_537] {strides = array<i32>} : memref<24x256xf32, #tpu.memory_space<vmem>>, vector<16xf32>,
          %get3A_539 = arith.index_cast %squeeze3A : i32 to index
          %get3A_540 = arith.constant 80 : index
          %get3A_541 = tpu.vector_load %arg15[%get3A_539, %get3A_540] {strides = array<i32>} : memref<320x128xf32, #tpu.memory_space<vmem>>, vector<16xf32>,
          %add3A_542 = arith.addf %while3A_404, %get3A_538 : vector<16xf32>
          %mul3A_543 = arith.mulf %get3A_538, %get3A_538 : vector<16xf32>
          %add3A_544 = arith.addf %while3A_412, %mul3A_543 : vector<16xf32>
          %mul3A_545 = arith.mulf %get3A_538, %get3A_541 : vector<16xf32>
          %add3A_546 = arith.addf %while3A_420, %mul3A_545 : vector<16xf32>
          %get3A_547 = arith.index_cast %while3A_398 : i32 to index
          %get3A_548 = arith.constant 208 : index
          %get3A_549 = tpu.vector_load %arg18[%get3A_547, %get3A_548] {strides = array<i32>} : memref<24x256xf32, #tpu.memory_space<vmem>>, vector<16xf32>,
          %get3A_550 = arith.index_cast %squeeze3A : i32 to index
          %get3A_551 = arith.constant 80 : index
          %get3A_552 = tpu.vector_load %arg17[%get3A_550, %get3A_551] {strides = array<i32>} : memref<320x128xf32, #tpu.memory_space<vmem>>, vector<16xf32>,
          %max3A_553 = arith.maximumf %get3A_552, %get3A_549 : vector<16xf32>
          %swap3A_554 = arith.index_cast %squeeze3A : i32 to index
          %swap3A_555 = arith.constant 80 : index
          %swap3A_556 = tpu.vector_load %arg17[%swap3A_554, %swap3A_555] {strides = array<i32>} : memref<320x128xf32, #tpu.memory_space<vmem>>, vector<16xf32>,
          tpu.vector_store %arg17[%swap3A_554, %swap3A_555], %max3A_553 {strides = array<i32>} : memref<320x128xf32, #tpu.memory_space<vmem>>, vector<16xf32>,
          %get3A_557 = arith.index_cast %while3A_398 : i32 to index
          %get3A_558 = arith.constant 96 : index
          %get3A_559 = tpu.vector_load %arg18[%get3A_557, %get3A_558] {strides = array<i32>} : memref<24x256xf32, #tpu.memory_space<vmem>>, vector<16xf32>,
          %get3A_560 = arith.index_cast %squeeze3A : i32 to index
          %get3A_561 = arith.constant 96 : index
          %get3A_562 = tpu.vector_load %arg15[%get3A_560, %get3A_561] {strides = array<i32>} : memref<320x128xf32, #tpu.memory_space<vmem>>, vector<16xf32>,
          %add3A_563 = arith.addf %while3A_405, %get3A_559 : vector<16xf32>
          %mul3A_564 = arith.mulf %get3A_559, %get3A_559 : vector<16xf32>
          %add3A_565 = arith.addf %while3A_413, %mul3A_564 : vector<16xf32>
          %mul3A_566 = arith.mulf %get3A_559, %get3A_562 : vector<16xf32>
          %add3A_567 = arith.addf %while3A_421, %mul3A_566 : vector<16xf32>
          %get3A_568 = arith.index_cast %while3A_398 : i32 to index
          %get3A_569 = arith.constant 224 : index
          %get3A_570 = tpu.vector_load %arg18[%get3A_568, %get3A_569] {strides = array<i32>} : memref<24x256xf32, #tpu.memory_space<vmem>>, vector<16xf32>,
          %get3A_571 = arith.index_cast %squeeze3A : i32 to index
          %get3A_572 = arith.constant 96 : index
          %get3A_573 = tpu.vector_load %arg17[%get3A_571, %get3A_572] {strides = array<i32>} : memref<320x128xf32, #tpu.memory_space<vmem>>, vector<16xf32>,
          %max3A_574 = arith.maximumf %get3A_573, %get3A_570 : vector<16xf32>
          %swap3A_575 = arith.index_cast %squeeze3A : i32 to index
          %swap3A_576 = arith.constant 96 : index
          %swap3A_577 = tpu.vector_load %arg17[%swap3A_575, %swap3A_576] {strides = array<i32>} : memref<320x128xf32, #tpu.memory_space<vmem>>, vector<16xf32>,
          tpu.vector_store %arg17[%swap3A_575, %swap3A_576], %max3A_574 {strides = array<i32>} : memref<320x128xf32, #tpu.memory_space<vmem>>, vector<16xf32>,
          %get3A_578 = arith.index_cast %while3A_398 : i32 to index
          %get3A_579 = arith.constant 112 : index
          %get3A_580 = tpu.vector_load %arg18[%get3A_578, %get3A_579] {strides = array<i32>} : memref<24x256xf32, #tpu.memory_space<vmem>>, vector<16xf32>,
          %get3A_581 = arith.index_cast %squeeze3A : i32 to index
          %get3A_582 = arith.constant 112 : index
          %get3A_583 = tpu.vector_load %arg15[%get3A_581, %get3A_582] {strides = array<i32>} : memref<320x128xf32, #tpu.memory_space<vmem>>, vector<16xf32>,
          %add3A_584 = arith.addf %while3A_406, %get3A_580 : vector<16xf32>
          %mul3A_585 = arith.mulf %get3A_580, %get3A_580 : vector<16xf32>
          %add3A_586 = arith.addf %while3A_414, %mul3A_585 : vector<16xf32>
          %mul3A_587 = arith.mulf %get3A_580, %get3A_583 : vector<16xf32>
          %add3A_588 = arith.addf %while3A_422, %mul3A_587 : vector<16xf32>
          %get3A_589 = arith.index_cast %while3A_398 : i32 to index
          %get3A_590 = arith.constant 240 : index
          %get3A_591 = tpu.vector_load %arg18[%get3A_589, %get3A_590] {strides = array<i32>} : memref<24x256xf32, #tpu.memory_space<vmem>>, vector<16xf32>,
          %get3A_592 = arith.index_cast %squeeze3A : i32 to index
          %get3A_593 = arith.constant 112 : index
          %get3A_594 = tpu.vector_load %arg17[%get3A_592, %get3A_593] {strides = array<i32>} : memref<320x128xf32, #tpu.memory_space<vmem>>, vector<16xf32>,
          %max3A_595 = arith.maximumf %get3A_594, %get3A_591 : vector<16xf32>
          %swap3A_596 = arith.index_cast %squeeze3A : i32 to index
          %swap3A_597 = arith.constant 112 : index
          %swap3A_598 = tpu.vector_load %arg17[%swap3A_596, %swap3A_597] {strides = array<i32>} : memref<320x128xf32, #tpu.memory_space<vmem>>, vector<16xf32>,
          tpu.vector_store %arg17[%swap3A_596, %swap3A_597], %max3A_595 {strides = array<i32>} : memref<320x128xf32, #tpu.memory_space<vmem>>, vector<16xf32>,
          scf.yield %add3A_437, %add3A_458, %add3A_479, %add3A_500, %add3A_521, %add3A_542, %add3A_563, %add3A_584, %add3A_439, %add3A_460, %add3A_481, %add3A_502, %add3A_523, %add3A_544, %add3A_565, %add3A_586, %add3A_441, %add3A_462, %add3A_483, %add3A_504, %add3A_525, %add3A_546, %add3A_567, %add3A_588, %add3A_430 : vector<16xf32>, vector<16xf32>, vector<16xf32>, vector<16xf32>, vector<16xf32>, vector<16xf32>, vector<16xf32>, vector<16xf32>, vector<16xf32>, vector<16xf32>, vector<16xf32>, vector<16xf32>, vector<16xf32>, vector<16xf32>, vector<16xf32>, vector<16xf32>, vector<16xf32>, vector<16xf32>, vector<16xf32>, vector<16xf32>, vector<16xf32>, vector<16xf32>, vector<16xf32>, vector<16xf32>, vector<16xf32>
        }
        %while3A_364 = arith.constant 1 : i32
        %while3A_365:25 = scf.for %while3A_398 = %while3A_361 to %while3A_357 step %while3A_364 iter_args(%while3A_399 = %while3A_363#0, %while3A_400 = %while3A_363#1, %while3A_401 = %while3A_363#2, %while3A_402 = %while3A_363#3, %while3A_403 = %while3A_363#4, %while3A_404 = %while3A_363#5, %while3A_405 = %while3A_363#6, %while3A_406 = %while3A_363#7, %while3A_407 = %while3A_363#8, %while3A_408 = %while3A_363#9, %while3A_409 = %while3A_363#10, %while3A_410 = %while3A_363#11, %while3A_411 = %while3A_363#12, %while3A_412 = %while3A_363#13, %while3A_413 = %while3A_363#14, %while3A_414 = %while3A_363#15, %while3A_415 = %while3A_363#16, %while3A_416 = %while3A_363#17, %while3A_417 = %while3A_363#18, %while3A_418 = %while3A_363#19, %while3A_419 = %while3A_363#20, %while3A_420 = %while3A_363#21, %while3A_421 = %while3A_363#22, %while3A_422 = %while3A_363#23, %while3A_423 = %while3A_363#24) -> (vector<16xf32>, vector<16xf32>, vector<16xf32>, vector<16xf32>, vector<16xf32>, vector<16xf32>, vector<16xf32>, vector<16xf32>, vector<16xf32>, vector<16xf32>, vector<16xf32>, vector<16xf32>, vector<16xf32>, vector<16xf32>, vector<16xf32>, vector<16xf32>, vector<16xf32>, vector<16xf32>, vector<16xf32>, vector<16xf32>, vector<16xf32>, vector<16xf32>, vector<16xf32>, vector<16xf32>, vector<16xf32>)  : i32 {
          %add3A_424 = arith.addi %mul3A_341, %while3A_398 : i32
          %get3A = arith.index_cast %add3A_424 : i32 to index
          %get3A_425 = tpu.vector_load %arg14[%get3A] {strides = array<i32>} : memref<2016xi32, #tpu.memory_space<vmem>>, vector<16xi32>,
          %slice3A = vector.extract_strided_slice %get3A_425 {offsets = [0], sizes = [1], strides = [1]} : vector<16xi32> to vector<1xi32>
          %squeeze3A = vector.extract %slice3A[0] : i32 from vector<1xi32>
          %mul3A_426 = arith.constant 2 : i32
          %mul3A_427 = arith.muli %mul3A_426, %squeeze3A : i32
          %get3A_428 = arith.index_cast %mul3A_427 : i32 to index
          %get3A_429 = tpu.vector_load %arg16[%get3A_428] {strides = array<i32>} : memref<656xf32, #tpu.memory_space<vmem>>, vector<16xf32>,
          %add3A_430 = arith.addf %while3A_423, %get3A_429 : vector<16xf32>
          %get3A_431 = arith.index_cast %while3A_398 : i32 to index
          %get3A_432 = arith.constant 0 : index
          %get3A_433 = tpu.vector_load %arg18[%get3A_431, %get3A_432] {strides = array<i32>} : memref<24x256xf32, #tpu.memory_space<vmem>>, vector<16xf32>,
          %get3A_434 = arith.index_cast %squeeze3A : i32 to index
          %get3A_435 = arith.constant 0 : index
          %get3A_436 = tpu.vector_load %arg15[%get3A_434, %get3A_435] {strides = array<i32>} : memref<320x128xf32, #tpu.memory_space<vmem>>, vector<16xf32>,
          %add3A_437 = arith.addf %while3A_399, %get3A_433 : vector<16xf32>
          %mul3A_438 = arith.mulf %get3A_433, %get3A_433 : vector<16xf32>
          %add3A_439 = arith.addf %while3A_407, %mul3A_438 : vector<16xf32>
          %mul3A_440 = arith.mulf %get3A_433, %get3A_436 : vector<16xf32>
          %add3A_441 = arith.addf %while3A_415, %mul3A_440 : vector<16xf32>
          %get3A_442 = arith.index_cast %while3A_398 : i32 to index
          %get3A_443 = arith.constant 128 : index
          %get3A_444 = tpu.vector_load %arg18[%get3A_442, %get3A_443] {strides = array<i32>} : memref<24x256xf32, #tpu.memory_space<vmem>>, vector<16xf32>,
          %get3A_445 = arith.index_cast %squeeze3A : i32 to index
          %get3A_446 = arith.constant 0 : index
          %get3A_447 = tpu.vector_load %arg17[%get3A_445, %get3A_446] {strides = array<i32>} : memref<320x128xf32, #tpu.memory_space<vmem>>, vector<16xf32>,
          %max3A_448 = arith.maximumf %get3A_447, %get3A_444 : vector<16xf32>
          %swap3A_449 = arith.index_cast %squeeze3A : i32 to index
          %swap3A_450 = arith.constant 0 : index
          %swap3A_451 = tpu.vector_load %arg17[%swap3A_449, %swap3A_450] {strides = array<i32>} : memref<320x128xf32, #tpu.memory_space<vmem>>, vector<16xf32>,
          tpu.vector_store %arg17[%swap3A_449, %swap3A_450], %max3A_448 {strides = array<i32>} : memref<320x128xf32, #tpu.memory_space<vmem>>, vector<16xf32>,
          %get3A_452 = arith.index_cast %while3A_398 : i32 to index
          %get3A_453 = arith.constant 16 : index
          %get3A_454 = tpu.vector_load %arg18[%get3A_452, %get3A_453] {strides = array<i32>} : memref<24x256xf32, #tpu.memory_space<vmem>>, vector<16xf32>,
          %get3A_455 = arith.index_cast %squeeze3A : i32 to index
          %get3A_456 = arith.constant 16 : index
          %get3A_457 = tpu.vector_load %arg15[%get3A_455, %get3A_456] {strides = array<i32>} : memref<320x128xf32, #tpu.memory_space<vmem>>, vector<16xf32>,
          %add3A_458 = arith.addf %while3A_400, %get3A_454 : vector<16xf32>
          %mul3A_459 = arith.mulf %get3A_454, %get3A_454 : vector<16xf32>
          %add3A_460 = arith.addf %while3A_408, %mul3A_459 : vector<16xf32>
          %mul3A_461 = arith.mulf %get3A_454, %get3A_457 : vector<16xf32>
          %add3A_462 = arith.addf %while3A_416, %mul3A_461 : vector<16xf32>
          %get3A_463 = arith.index_cast %while3A_398 : i32 to index
          %get3A_464 = arith.constant 144 : index
          %get3A_465 = tpu.vector_load %arg18[%get3A_463, %get3A_464] {strides = array<i32>} : memref<24x256xf32, #tpu.memory_space<vmem>>, vector<16xf32>,
          %get3A_466 = arith.index_cast %squeeze3A : i32 to index
          %get3A_467 = arith.constant 16 : index
          %get3A_468 = tpu.vector_load %arg17[%get3A_466, %get3A_467] {strides = array<i32>} : memref<320x128xf32, #tpu.memory_space<vmem>>, vector<16xf32>,
          %max3A_469 = arith.maximumf %get3A_468, %get3A_465 : vector<16xf32>
          %swap3A_470 = arith.index_cast %squeeze3A : i32 to index
          %swap3A_471 = arith.constant 16 : index
          %swap3A_472 = tpu.vector_load %arg17[%swap3A_470, %swap3A_471] {strides = array<i32>} : memref<320x128xf32, #tpu.memory_space<vmem>>, vector<16xf32>,
          tpu.vector_store %arg17[%swap3A_470, %swap3A_471], %max3A_469 {strides = array<i32>} : memref<320x128xf32, #tpu.memory_space<vmem>>, vector<16xf32>,
          %get3A_473 = arith.index_cast %while3A_398 : i32 to index
          %get3A_474 = arith.constant 32 : index
          %get3A_475 = tpu.vector_load %arg18[%get3A_473, %get3A_474] {strides = array<i32>} : memref<24x256xf32, #tpu.memory_space<vmem>>, vector<16xf32>,
          %get3A_476 = arith.index_cast %squeeze3A : i32 to index
          %get3A_477 = arith.constant 32 : index
          %get3A_478 = tpu.vector_load %arg15[%get3A_476, %get3A_477] {strides = array<i32>} : memref<320x128xf32, #tpu.memory_space<vmem>>, vector<16xf32>,
          %add3A_479 = arith.addf %while3A_401, %get3A_475 : vector<16xf32>
          %mul3A_480 = arith.mulf %get3A_475, %get3A_475 : vector<16xf32>
          %add3A_481 = arith.addf %while3A_409, %mul3A_480 : vector<16xf32>
          %mul3A_482 = arith.mulf %get3A_475, %get3A_478 : vector<16xf32>
          %add3A_483 = arith.addf %while3A_417, %mul3A_482 : vector<16xf32>
          %get3A_484 = arith.index_cast %while3A_398 : i32 to index
          %get3A_485 = arith.constant 160 : index
          %get3A_486 = tpu.vector_load %arg18[%get3A_484, %get3A_485] {strides = array<i32>} : memref<24x256xf32, #tpu.memory_space<vmem>>, vector<16xf32>,
          %get3A_487 = arith.index_cast %squeeze3A : i32 to index
          %get3A_488 = arith.constant 32 : index
          %get3A_489 = tpu.vector_load %arg17[%get3A_487, %get3A_488] {strides = array<i32>} : memref<320x128xf32, #tpu.memory_space<vmem>>, vector<16xf32>,
          %max3A_490 = arith.maximumf %get3A_489, %get3A_486 : vector<16xf32>
          %swap3A_491 = arith.index_cast %squeeze3A : i32 to index
          %swap3A_492 = arith.constant 32 : index
          %swap3A_493 = tpu.vector_load %arg17[%swap3A_491, %swap3A_492] {strides = array<i32>} : memref<320x128xf32, #tpu.memory_space<vmem>>, vector<16xf32>,
          tpu.vector_store %arg17[%swap3A_491, %swap3A_492], %max3A_490 {strides = array<i32>} : memref<320x128xf32, #tpu.memory_space<vmem>>, vector<16xf32>,
          %get3A_494 = arith.index_cast %while3A_398 : i32 to index
          %get3A_495 = arith.constant 48 : index
          %get3A_496 = tpu.vector_load %arg18[%get3A_494, %get3A_495] {strides = array<i32>} : memref<24x256xf32, #tpu.memory_space<vmem>>, vector<16xf32>,
          %get3A_497 = arith.index_cast %squeeze3A : i32 to index
          %get3A_498 = arith.constant 48 : index
          %get3A_499 = tpu.vector_load %arg15[%get3A_497, %get3A_498] {strides = array<i32>} : memref<320x128xf32, #tpu.memory_space<vmem>>, vector<16xf32>,
          %add3A_500 = arith.addf %while3A_402, %get3A_496 : vector<16xf32>
          %mul3A_501 = arith.mulf %get3A_496, %get3A_496 : vector<16xf32>
          %add3A_502 = arith.addf %while3A_410, %mul3A_501 : vector<16xf32>
          %mul3A_503 = arith.mulf %get3A_496, %get3A_499 : vector<16xf32>
          %add3A_504 = arith.addf %while3A_418, %mul3A_503 : vector<16xf32>
          %get3A_505 = arith.index_cast %while3A_398 : i32 to index
          %get3A_506 = arith.constant 176 : index
          %get3A_507 = tpu.vector_load %arg18[%get3A_505, %get3A_506] {strides = array<i32>} : memref<24x256xf32, #tpu.memory_space<vmem>>, vector<16xf32>,
          %get3A_508 = arith.index_cast %squeeze3A : i32 to index
          %get3A_509 = arith.constant 48 : index
          %get3A_510 = tpu.vector_load %arg17[%get3A_508, %get3A_509] {strides = array<i32>} : memref<320x128xf32, #tpu.memory_space<vmem>>, vector<16xf32>,
          %max3A_511 = arith.maximumf %get3A_510, %get3A_507 : vector<16xf32>
          %swap3A_512 = arith.index_cast %squeeze3A : i32 to index
          %swap3A_513 = arith.constant 48 : index
          %swap3A_514 = tpu.vector_load %arg17[%swap3A_512, %swap3A_513] {strides = array<i32>} : memref<320x128xf32, #tpu.memory_space<vmem>>, vector<16xf32>,
          tpu.vector_store %arg17[%swap3A_512, %swap3A_513], %max3A_511 {strides = array<i32>} : memref<320x128xf32, #tpu.memory_space<vmem>>, vector<16xf32>,
          %get3A_515 = arith.index_cast %while3A_398 : i32 to index
          %get3A_516 = arith.constant 64 : index
          %get3A_517 = tpu.vector_load %arg18[%get3A_515, %get3A_516] {strides = array<i32>} : memref<24x256xf32, #tpu.memory_space<vmem>>, vector<16xf32>,
          %get3A_518 = arith.index_cast %squeeze3A : i32 to index
          %get3A_519 = arith.constant 64 : index
          %get3A_520 = tpu.vector_load %arg15[%get3A_518, %get3A_519] {strides = array<i32>} : memref<320x128xf32, #tpu.memory_space<vmem>>, vector<16xf32>,
          %add3A_521 = arith.addf %while3A_403, %get3A_517 : vector<16xf32>
          %mul3A_522 = arith.mulf %get3A_517, %get3A_517 : vector<16xf32>
          %add3A_523 = arith.addf %while3A_411, %mul3A_522 : vector<16xf32>
          %mul3A_524 = arith.mulf %get3A_517, %get3A_520 : vector<16xf32>
          %add3A_525 = arith.addf %while3A_419, %mul3A_524 : vector<16xf32>
          %get3A_526 = arith.index_cast %while3A_398 : i32 to index
          %get3A_527 = arith.constant 192 : index
          %get3A_528 = tpu.vector_load %arg18[%get3A_526, %get3A_527] {strides = array<i32>} : memref<24x256xf32, #tpu.memory_space<vmem>>, vector<16xf32>,
          %get3A_529 = arith.index_cast %squeeze3A : i32 to index
          %get3A_530 = arith.constant 64 : index
          %get3A_531 = tpu.vector_load %arg17[%get3A_529, %get3A_530] {strides = array<i32>} : memref<320x128xf32, #tpu.memory_space<vmem>>, vector<16xf32>,
          %max3A_532 = arith.maximumf %get3A_531, %get3A_528 : vector<16xf32>
          %swap3A_533 = arith.index_cast %squeeze3A : i32 to index
          %swap3A_534 = arith.constant 64 : index
          %swap3A_535 = tpu.vector_load %arg17[%swap3A_533, %swap3A_534] {strides = array<i32>} : memref<320x128xf32, #tpu.memory_space<vmem>>, vector<16xf32>,
          tpu.vector_store %arg17[%swap3A_533, %swap3A_534], %max3A_532 {strides = array<i32>} : memref<320x128xf32, #tpu.memory_space<vmem>>, vector<16xf32>,
          %get3A_536 = arith.index_cast %while3A_398 : i32 to index
          %get3A_537 = arith.constant 80 : index
          %get3A_538 = tpu.vector_load %arg18[%get3A_536, %get3A_537] {strides = array<i32>} : memref<24x256xf32, #tpu.memory_space<vmem>>, vector<16xf32>,
          %get3A_539 = arith.index_cast %squeeze3A : i32 to index
          %get3A_540 = arith.constant 80 : index
          %get3A_541 = tpu.vector_load %arg15[%get3A_539, %get3A_540] {strides = array<i32>} : memref<320x128xf32, #tpu.memory_space<vmem>>, vector<16xf32>,
          %add3A_542 = arith.addf %while3A_404, %get3A_538 : vector<16xf32>
          %mul3A_543 = arith.mulf %get3A_538, %get3A_538 : vector<16xf32>
          %add3A_544 = arith.addf %while3A_412, %mul3A_543 : vector<16xf32>
          %mul3A_545 = arith.mulf %get3A_538, %get3A_541 : vector<16xf32>
          %add3A_546 = arith.addf %while3A_420, %mul3A_545 : vector<16xf32>
          %get3A_547 = arith.index_cast %while3A_398 : i32 to index
          %get3A_548 = arith.constant 208 : index
          %get3A_549 = tpu.vector_load %arg18[%get3A_547, %get3A_548] {strides = array<i32>} : memref<24x256xf32, #tpu.memory_space<vmem>>, vector<16xf32>,
          %get3A_550 = arith.index_cast %squeeze3A : i32 to index
          %get3A_551 = arith.constant 80 : index
          %get3A_552 = tpu.vector_load %arg17[%get3A_550, %get3A_551] {strides = array<i32>} : memref<320x128xf32, #tpu.memory_space<vmem>>, vector<16xf32>,
          %max3A_553 = arith.maximumf %get3A_552, %get3A_549 : vector<16xf32>
          %swap3A_554 = arith.index_cast %squeeze3A : i32 to index
          %swap3A_555 = arith.constant 80 : index
          %swap3A_556 = tpu.vector_load %arg17[%swap3A_554, %swap3A_555] {strides = array<i32>} : memref<320x128xf32, #tpu.memory_space<vmem>>, vector<16xf32>,
          tpu.vector_store %arg17[%swap3A_554, %swap3A_555], %max3A_553 {strides = array<i32>} : memref<320x128xf32, #tpu.memory_space<vmem>>, vector<16xf32>,
          %get3A_557 = arith.index_cast %while3A_398 : i32 to index
          %get3A_558 = arith.constant 96 : index
          %get3A_559 = tpu.vector_load %arg18[%get3A_557, %get3A_558] {strides = array<i32>} : memref<24x256xf32, #tpu.memory_space<vmem>>, vector<16xf32>,
          %get3A_560 = arith.index_cast %squeeze3A : i32 to index
          %get3A_561 = arith.constant 96 : index
          %get3A_562 = tpu.vector_load %arg15[%get3A_560, %get3A_561] {strides = array<i32>} : memref<320x128xf32, #tpu.memory_space<vmem>>, vector<16xf32>,
          %add3A_563 = arith.addf %while3A_405, %get3A_559 : vector<16xf32>
          %mul3A_564 = arith.mulf %get3A_559, %get3A_559 : vector<16xf32>
          %add3A_565 = arith.addf %while3A_413, %mul3A_564 : vector<16xf32>
          %mul3A_566 = arith.mulf %get3A_559, %get3A_562 : vector<16xf32>
          %add3A_567 = arith.addf %while3A_421, %mul3A_566 : vector<16xf32>
          %get3A_568 = arith.index_cast %while3A_398 : i32 to index
          %get3A_569 = arith.constant 224 : index
          %get3A_570 = tpu.vector_load %arg18[%get3A_568, %get3A_569] {strides = array<i32>} : memref<24x256xf32, #tpu.memory_space<vmem>>, vector<16xf32>,
          %get3A_571 = arith.index_cast %squeeze3A : i32 to index
          %get3A_572 = arith.constant 96 : index
          %get3A_573 = tpu.vector_load %arg17[%get3A_571, %get3A_572] {strides = array<i32>} : memref<320x128xf32, #tpu.memory_space<vmem>>, vector<16xf32>,
          %max3A_574 = arith.maximumf %get3A_573, %get3A_570 : vector<16xf32>
          %swap3A_575 = arith.index_cast %squeeze3A : i32 to index
          %swap3A_576 = arith.constant 96 : index
          %swap3A_577 = tpu.vector_load %arg17[%swap3A_575, %swap3A_576] {strides = array<i32>} : memref<320x128xf32, #tpu.memory_space<vmem>>, vector<16xf32>,
          tpu.vector_store %arg17[%swap3A_575, %swap3A_576], %max3A_574 {strides = array<i32>} : memref<320x128xf32, #tpu.memory_space<vmem>>, vector<16xf32>,
          %get3A_578 = arith.index_cast %while3A_398 : i32 to index
          %get3A_579 = arith.constant 112 : index
          %get3A_580 = tpu.vector_load %arg18[%get3A_578, %get3A_579] {strides = array<i32>} : memref<24x256xf32, #tpu.memory_space<vmem>>, vector<16xf32>,
          %get3A_581 = arith.index_cast %squeeze3A : i32 to index
          %get3A_582 = arith.constant 112 : index
          %get3A_583 = tpu.vector_load %arg15[%get3A_581, %get3A_582] {strides = array<i32>} : memref<320x128xf32, #tpu.memory_space<vmem>>, vector<16xf32>,
          %add3A_584 = arith.addf %while3A_406, %get3A_580 : vector<16xf32>
          %mul3A_585 = arith.mulf %get3A_580, %get3A_580 : vector<16xf32>
          %add3A_586 = arith.addf %while3A_414, %mul3A_585 : vector<16xf32>
          %mul3A_587 = arith.mulf %get3A_580, %get3A_583 : vector<16xf32>
          %add3A_588 = arith.addf %while3A_422, %mul3A_587 : vector<16xf32>
          %get3A_589 = arith.index_cast %while3A_398 : i32 to index
          %get3A_590 = arith.constant 240 : index
          %get3A_591 = tpu.vector_load %arg18[%get3A_589, %get3A_590] {strides = array<i32>} : memref<24x256xf32, #tpu.memory_space<vmem>>, vector<16xf32>,
          %get3A_592 = arith.index_cast %squeeze3A : i32 to index
          %get3A_593 = arith.constant 112 : index
          %get3A_594 = tpu.vector_load %arg17[%get3A_592, %get3A_593] {strides = array<i32>} : memref<320x128xf32, #tpu.memory_space<vmem>>, vector<16xf32>,
          %max3A_595 = arith.maximumf %get3A_594, %get3A_591 : vector<16xf32>
          %swap3A_596 = arith.index_cast %squeeze3A : i32 to index
          %swap3A_597 = arith.constant 112 : index
          %swap3A_598 = tpu.vector_load %arg17[%swap3A_596, %swap3A_597] {strides = array<i32>} : memref<320x128xf32, #tpu.memory_space<vmem>>, vector<16xf32>,
          tpu.vector_store %arg17[%swap3A_596, %swap3A_597], %max3A_595 {strides = array<i32>} : memref<320x128xf32, #tpu.memory_space<vmem>>, vector<16xf32>,
          scf.yield %add3A_437, %add3A_458, %add3A_479, %add3A_500, %add3A_521, %add3A_542, %add3A_563, %add3A_584, %add3A_439, %add3A_460, %add3A_481, %add3A_502, %add3A_523, %add3A_544, %add3A_565, %add3A_586, %add3A_441, %add3A_462, %add3A_483, %add3A_504, %add3A_525, %add3A_546, %add3A_567, %add3A_588, %add3A_430 : vector<16xf32>, vector<16xf32>, vector<16xf32>, vector<16xf32>, vector<16xf32>, vector<16xf32>, vector<16xf32>, vector<16xf32>, vector<16xf32>, vector<16xf32>, vector<16xf32>, vector<16xf32>, vector<16xf32>, vector<16xf32>, vector<16xf32>, vector<16xf32>, vector<16xf32>, vector<16xf32>, vector<16xf32>, vector<16xf32>, vector<16xf32>, vector<16xf32>, vector<16xf32>, vector<16xf32>, vector<16xf32>
        }
        %mul3A_366 = arith.constant 2 : i32
        %mul3A_367 = arith.muli %mul3A_366, %while3A_310 : i32
        %add3A_368 = arith.constant 1 : i32
        %add3A_369 = arith.addi %mul3A_367, %add3A_368 : i32
        %mul3A_370 = arith.constant 24 : i32
        %mul3A_371 = arith.muli %add3A_369, %mul3A_370 : i32
        %add3A_372 = arith.constant 1 : i32
        %add3A_373 = arith.addi %add3A_369, %add3A_372 : i32
        %lt3A_374 = arith.cmpi slt, %add3A_373, %select_n3A : i32
        %convert_element_type3A_375 = arith.extui %lt3A_374 : i1 to i32
        %cond3A_376 = arith.constant 0 : i32
        %cond3A_377 = arith.cmpi ne, %convert_element_type3A_375, %cond3A_376 : i32
        scf.if %cond3A_377 {
          %add3A_398 = arith.constant 24 : i32
          %add3A_399 = arith.addi %mul3A_371, %add3A_398 : i32
          %dma_start3A_400 = tpu.memref_slice %arg13[%add3A_399] : memref<2000xi32, #tpu.memory_space<vmem>> -> memref<24xi32, #tpu.memory_space<vmem>>
          %dma_start3A_401 = arith.constant 0 : i32
          %dma_start3A_402 = arith.constant 0 : i32
          %dma_start3A_403 = tpu.memref_slice %arg4[%dma_start3A_401, %dma_start3A_402] : memref<10000x256xf32, #tpu.memory_space<hbm>> -> memref<10000x256xf32, #tpu.memory_space<hbm>>
          tpu.enqueue_indirect_dma source(%dma_start3A_403 : memref<10000x256xf32, #tpu.memory_space<hbm>>) target(%arg18 : memref<24x256xf32, #tpu.memory_space<vmem>>) offsets(%dma_start3A_400 : memref<24xi32, #tpu.memory_space<vmem>>) semaphore(%arg24 : memref<!tpu.dma_semaphore, #tpu.memory_space<semaphore_mem>>)
        } else {
        }
        %lt3A_378 = arith.cmpi slt, %add3A_369, %select_n3A : i32
        %convert_element_type3A_379 = arith.extui %lt3A_378 : i1 to i32
        %cond3A_380 = arith.constant 0 : i32
        %cond3A_381 = arith.cmpi ne, %convert_element_type3A_379, %cond3A_380 : i32
        scf.if %cond3A_381 {
          %dma_wait3A_398 = tpu.memref_slice %arg13[%mul3A_371] : memref<2000xi32, #tpu.memory_space<vmem>> -> memref<24xi32, #tpu.memory_space<vmem>>
          %dma_wait3A_399 = arith.constant 0 : i32
          %dma_wait3A_400 = arith.constant 0 : i32
          %dma_wait3A_401 = tpu.memref_slice %arg4[%dma_wait3A_399, %dma_wait3A_400] : memref<10000x256xf32, #tpu.memory_space<hbm>> -> memref<10000x256xf32, #tpu.memory_space<hbm>>
          tpu.wait_indirect_dma semaphore(%arg25 : memref<!tpu.dma_semaphore, #tpu.memory_space<semaphore_mem>>) src(%dma_wait3A_401 : memref<10000x256xf32, #tpu.memory_space<hbm>>) dst(%arg19 : memref<24x256xf32, #tpu.memory_space<vmem>>)
        } else {
        }
        %sub3A_382 = arith.subi %scan3A_158, %mul3A_371 : i32
        %jit3A_383 = arith.constant 0 : i32
        %jit3A_384 = arith.constant 24 : i32
        %max3A_385 = arith.maxsi %jit3A_383, %sub3A_382 : i32
        %min3A_386 = arith.minsi %jit3A_384, %max3A_385 : i32
        %while3A_387 = arith.constant 0 : i32
        %while3A_388 = arith.subi %min3A_386, %while3A_387 : i32
        %while3A_389 = arith.addi %while3A_387, %while3A_388 : i32
        %while3A_390 = arith.constant 1 : i32
        %while3A_391 = arith.divsi %while3A_388, %while3A_390 : i32
        %while3A_392 = arith.muli %while3A_391, %while3A_390 : i32
        %while3A_393 = arith.addi %while3A_387, %while3A_392 : i32
        %while3A_394 = arith.constant 1 : i32
        %while3A_395:25 = scf.for %while3A_398 = %while3A_387 to %while3A_393 step %while3A_394 iter_args(%while3A_399 = %while3A_365#0, %while3A_400 = %while3A_365#1, %while3A_401 = %while3A_365#2, %while3A_402 = %while3A_365#3, %while3A_403 = %while3A_365#4, %while3A_404 = %while3A_365#5, %while3A_405 = %while3A_365#6, %while3A_406 = %while3A_365#7, %while3A_407 = %while3A_365#8, %while3A_408 = %while3A_365#9, %while3A_409 = %while3A_365#10, %while3A_410 = %while3A_365#11, %while3A_411 = %while3A_365#12, %while3A_412 = %while3A_365#13, %while3A_413 = %while3A_365#14, %while3A_414 = %while3A_365#15, %while3A_415 = %while3A_365#16, %while3A_416 = %while3A_365#17, %while3A_417 = %while3A_365#18, %while3A_418 = %while3A_365#19, %while3A_419 = %while3A_365#20, %while3A_420 = %while3A_365#21, %while3A_421 = %while3A_365#22, %while3A_422 = %while3A_365#23, %while3A_423 = %while3A_365#24) -> (vector<16xf32>, vector<16xf32>, vector<16xf32>, vector<16xf32>, vector<16xf32>, vector<16xf32>, vector<16xf32>, vector<16xf32>, vector<16xf32>, vector<16xf32>, vector<16xf32>, vector<16xf32>, vector<16xf32>, vector<16xf32>, vector<16xf32>, vector<16xf32>, vector<16xf32>, vector<16xf32>, vector<16xf32>, vector<16xf32>, vector<16xf32>, vector<16xf32>, vector<16xf32>, vector<16xf32>, vector<16xf32>)  : i32 {
          %add3A_424 = arith.addi %mul3A_371, %while3A_398 : i32
          %get3A = arith.index_cast %add3A_424 : i32 to index
          %get3A_425 = tpu.vector_load %arg14[%get3A] {strides = array<i32>} : memref<2016xi32, #tpu.memory_space<vmem>>, vector<16xi32>,
          %slice3A = vector.extract_strided_slice %get3A_425 {offsets = [0], sizes = [1], strides = [1]} : vector<16xi32> to vector<1xi32>
          %squeeze3A = vector.extract %slice3A[0] : i32 from vector<1xi32>
          %mul3A_426 = arith.constant 2 : i32
          %mul3A_427 = arith.muli %mul3A_426, %squeeze3A : i32
          %get3A_428 = arith.index_cast %mul3A_427 : i32 to index
          %get3A_429 = tpu.vector_load %arg16[%get3A_428] {strides = array<i32>} : memref<656xf32, #tpu.memory_space<vmem>>, vector<16xf32>,
          %add3A_430 = arith.addf %while3A_423, %get3A_429 : vector<16xf32>
          %get3A_431 = arith.index_cast %while3A_398 : i32 to index
          %get3A_432 = arith.constant 0 : index
          %get3A_433 = tpu.vector_load %arg19[%get3A_431, %get3A_432] {strides = array<i32>} : memref<24x256xf32, #tpu.memory_space<vmem>>, vector<16xf32>,
          %get3A_434 = arith.index_cast %squeeze3A : i32 to index
          %get3A_435 = arith.constant 0 : index
          %get3A_436 = tpu.vector_load %arg15[%get3A_434, %get3A_435] {strides = array<i32>} : memref<320x128xf32, #tpu.memory_space<vmem>>, vector<16xf32>,
          %add3A_437 = arith.addf %while3A_399, %get3A_433 : vector<16xf32>
          %mul3A_438 = arith.mulf %get3A_433, %get3A_433 : vector<16xf32>
          %add3A_439 = arith.addf %while3A_407, %mul3A_438 : vector<16xf32>
          %mul3A_440 = arith.mulf %get3A_433, %get3A_436 : vector<16xf32>
          %add3A_441 = arith.addf %while3A_415, %mul3A_440 : vector<16xf32>
          %get3A_442 = arith.index_cast %while3A_398 : i32 to index
          %get3A_443 = arith.constant 128 : index
          %get3A_444 = tpu.vector_load %arg19[%get3A_442, %get3A_443] {strides = array<i32>} : memref<24x256xf32, #tpu.memory_space<vmem>>, vector<16xf32>,
          %get3A_445 = arith.index_cast %squeeze3A : i32 to index
          %get3A_446 = arith.constant 0 : index
          %get3A_447 = tpu.vector_load %arg17[%get3A_445, %get3A_446] {strides = array<i32>} : memref<320x128xf32, #tpu.memory_space<vmem>>, vector<16xf32>,
          %max3A_448 = arith.maximumf %get3A_447, %get3A_444 : vector<16xf32>
          %swap3A_449 = arith.index_cast %squeeze3A : i32 to index
          %swap3A_450 = arith.constant 0 : index
          %swap3A_451 = tpu.vector_load %arg17[%swap3A_449, %swap3A_450] {strides = array<i32>} : memref<320x128xf32, #tpu.memory_space<vmem>>, vector<16xf32>,
          tpu.vector_store %arg17[%swap3A_449, %swap3A_450], %max3A_448 {strides = array<i32>} : memref<320x128xf32, #tpu.memory_space<vmem>>, vector<16xf32>,
          %get3A_452 = arith.index_cast %while3A_398 : i32 to index
          %get3A_453 = arith.constant 16 : index
          %get3A_454 = tpu.vector_load %arg19[%get3A_452, %get3A_453] {strides = array<i32>} : memref<24x256xf32, #tpu.memory_space<vmem>>, vector<16xf32>,
          %get3A_455 = arith.index_cast %squeeze3A : i32 to index
          %get3A_456 = arith.constant 16 : index
          %get3A_457 = tpu.vector_load %arg15[%get3A_455, %get3A_456] {strides = array<i32>} : memref<320x128xf32, #tpu.memory_space<vmem>>, vector<16xf32>,
          %add3A_458 = arith.addf %while3A_400, %get3A_454 : vector<16xf32>
          %mul3A_459 = arith.mulf %get3A_454, %get3A_454 : vector<16xf32>
          %add3A_460 = arith.addf %while3A_408, %mul3A_459 : vector<16xf32>
          %mul3A_461 = arith.mulf %get3A_454, %get3A_457 : vector<16xf32>
          %add3A_462 = arith.addf %while3A_416, %mul3A_461 : vector<16xf32>
          %get3A_463 = arith.index_cast %while3A_398 : i32 to index
          %get3A_464 = arith.constant 144 : index
          %get3A_465 = tpu.vector_load %arg19[%get3A_463, %get3A_464] {strides = array<i32>} : memref<24x256xf32, #tpu.memory_space<vmem>>, vector<16xf32>,
          %get3A_466 = arith.index_cast %squeeze3A : i32 to index
          %get3A_467 = arith.constant 16 : index
          %get3A_468 = tpu.vector_load %arg17[%get3A_466, %get3A_467] {strides = array<i32>} : memref<320x128xf32, #tpu.memory_space<vmem>>, vector<16xf32>,
          %max3A_469 = arith.maximumf %get3A_468, %get3A_465 : vector<16xf32>
          %swap3A_470 = arith.index_cast %squeeze3A : i32 to index
          %swap3A_471 = arith.constant 16 : index
          %swap3A_472 = tpu.vector_load %arg17[%swap3A_470, %swap3A_471] {strides = array<i32>} : memref<320x128xf32, #tpu.memory_space<vmem>>, vector<16xf32>,
          tpu.vector_store %arg17[%swap3A_470, %swap3A_471], %max3A_469 {strides = array<i32>} : memref<320x128xf32, #tpu.memory_space<vmem>>, vector<16xf32>,
          %get3A_473 = arith.index_cast %while3A_398 : i32 to index
          %get3A_474 = arith.constant 32 : index
          %get3A_475 = tpu.vector_load %arg19[%get3A_473, %get3A_474] {strides = array<i32>} : memref<24x256xf32, #tpu.memory_space<vmem>>, vector<16xf32>,
          %get3A_476 = arith.index_cast %squeeze3A : i32 to index
          %get3A_477 = arith.constant 32 : index
          %get3A_478 = tpu.vector_load %arg15[%get3A_476, %get3A_477] {strides = array<i32>} : memref<320x128xf32, #tpu.memory_space<vmem>>, vector<16xf32>,
          %add3A_479 = arith.addf %while3A_401, %get3A_475 : vector<16xf32>
          %mul3A_480 = arith.mulf %get3A_475, %get3A_475 : vector<16xf32>
          %add3A_481 = arith.addf %while3A_409, %mul3A_480 : vector<16xf32>
          %mul3A_482 = arith.mulf %get3A_475, %get3A_478 : vector<16xf32>
          %add3A_483 = arith.addf %while3A_417, %mul3A_482 : vector<16xf32>
          %get3A_484 = arith.index_cast %while3A_398 : i32 to index
          %get3A_485 = arith.constant 160 : index
          %get3A_486 = tpu.vector_load %arg19[%get3A_484, %get3A_485] {strides = array<i32>} : memref<24x256xf32, #tpu.memory_space<vmem>>, vector<16xf32>,
          %get3A_487 = arith.index_cast %squeeze3A : i32 to index
          %get3A_488 = arith.constant 32 : index
          %get3A_489 = tpu.vector_load %arg17[%get3A_487, %get3A_488] {strides = array<i32>} : memref<320x128xf32, #tpu.memory_space<vmem>>, vector<16xf32>,
          %max3A_490 = arith.maximumf %get3A_489, %get3A_486 : vector<16xf32>
          %swap3A_491 = arith.index_cast %squeeze3A : i32 to index
          %swap3A_492 = arith.constant 32 : index
          %swap3A_493 = tpu.vector_load %arg17[%swap3A_491, %swap3A_492] {strides = array<i32>} : memref<320x128xf32, #tpu.memory_space<vmem>>, vector<16xf32>,
          tpu.vector_store %arg17[%swap3A_491, %swap3A_492], %max3A_490 {strides = array<i32>} : memref<320x128xf32, #tpu.memory_space<vmem>>, vector<16xf32>,
          %get3A_494 = arith.index_cast %while3A_398 : i32 to index
          %get3A_495 = arith.constant 48 : index
          %get3A_496 = tpu.vector_load %arg19[%get3A_494, %get3A_495] {strides = array<i32>} : memref<24x256xf32, #tpu.memory_space<vmem>>, vector<16xf32>,
          %get3A_497 = arith.index_cast %squeeze3A : i32 to index
          %get3A_498 = arith.constant 48 : index
          %get3A_499 = tpu.vector_load %arg15[%get3A_497, %get3A_498] {strides = array<i32>} : memref<320x128xf32, #tpu.memory_space<vmem>>, vector<16xf32>,
          %add3A_500 = arith.addf %while3A_402, %get3A_496 : vector<16xf32>
          %mul3A_501 = arith.mulf %get3A_496, %get3A_496 : vector<16xf32>
          %add3A_502 = arith.addf %while3A_410, %mul3A_501 : vector<16xf32>
          %mul3A_503 = arith.mulf %get3A_496, %get3A_499 : vector<16xf32>
          %add3A_504 = arith.addf %while3A_418, %mul3A_503 : vector<16xf32>
          %get3A_505 = arith.index_cast %while3A_398 : i32 to index
          %get3A_506 = arith.constant 176 : index
          %get3A_507 = tpu.vector_load %arg19[%get3A_505, %get3A_506] {strides = array<i32>} : memref<24x256xf32, #tpu.memory_space<vmem>>, vector<16xf32>,
          %get3A_508 = arith.index_cast %squeeze3A : i32 to index
          %get3A_509 = arith.constant 48 : index
          %get3A_510 = tpu.vector_load %arg17[%get3A_508, %get3A_509] {strides = array<i32>} : memref<320x128xf32, #tpu.memory_space<vmem>>, vector<16xf32>,
          %max3A_511 = arith.maximumf %get3A_510, %get3A_507 : vector<16xf32>
          %swap3A_512 = arith.index_cast %squeeze3A : i32 to index
          %swap3A_513 = arith.constant 48 : index
          %swap3A_514 = tpu.vector_load %arg17[%swap3A_512, %swap3A_513] {strides = array<i32>} : memref<320x128xf32, #tpu.memory_space<vmem>>, vector<16xf32>,
          tpu.vector_store %arg17[%swap3A_512, %swap3A_513], %max3A_511 {strides = array<i32>} : memref<320x128xf32, #tpu.memory_space<vmem>>, vector<16xf32>,
          %get3A_515 = arith.index_cast %while3A_398 : i32 to index
          %get3A_516 = arith.constant 64 : index
          %get3A_517 = tpu.vector_load %arg19[%get3A_515, %get3A_516] {strides = array<i32>} : memref<24x256xf32, #tpu.memory_space<vmem>>, vector<16xf32>,
          %get3A_518 = arith.index_cast %squeeze3A : i32 to index
          %get3A_519 = arith.constant 64 : index
          %get3A_520 = tpu.vector_load %arg15[%get3A_518, %get3A_519] {strides = array<i32>} : memref<320x128xf32, #tpu.memory_space<vmem>>, vector<16xf32>,
          %add3A_521 = arith.addf %while3A_403, %get3A_517 : vector<16xf32>
          %mul3A_522 = arith.mulf %get3A_517, %get3A_517 : vector<16xf32>
          %add3A_523 = arith.addf %while3A_411, %mul3A_522 : vector<16xf32>
          %mul3A_524 = arith.mulf %get3A_517, %get3A_520 : vector<16xf32>
          %add3A_525 = arith.addf %while3A_419, %mul3A_524 : vector<16xf32>
          %get3A_526 = arith.index_cast %while3A_398 : i32 to index
          %get3A_527 = arith.constant 192 : index
          %get3A_528 = tpu.vector_load %arg19[%get3A_526, %get3A_527] {strides = array<i32>} : memref<24x256xf32, #tpu.memory_space<vmem>>, vector<16xf32>,
          %get3A_529 = arith.index_cast %squeeze3A : i32 to index
          %get3A_530 = arith.constant 64 : index
          %get3A_531 = tpu.vector_load %arg17[%get3A_529, %get3A_530] {strides = array<i32>} : memref<320x128xf32, #tpu.memory_space<vmem>>, vector<16xf32>,
          %max3A_532 = arith.maximumf %get3A_531, %get3A_528 : vector<16xf32>
          %swap3A_533 = arith.index_cast %squeeze3A : i32 to index
          %swap3A_534 = arith.constant 64 : index
          %swap3A_535 = tpu.vector_load %arg17[%swap3A_533, %swap3A_534] {strides = array<i32>} : memref<320x128xf32, #tpu.memory_space<vmem>>, vector<16xf32>,
          tpu.vector_store %arg17[%swap3A_533, %swap3A_534], %max3A_532 {strides = array<i32>} : memref<320x128xf32, #tpu.memory_space<vmem>>, vector<16xf32>,
          %get3A_536 = arith.index_cast %while3A_398 : i32 to index
          %get3A_537 = arith.constant 80 : index
          %get3A_538 = tpu.vector_load %arg19[%get3A_536, %get3A_537] {strides = array<i32>} : memref<24x256xf32, #tpu.memory_space<vmem>>, vector<16xf32>,
          %get3A_539 = arith.index_cast %squeeze3A : i32 to index
          %get3A_540 = arith.constant 80 : index
          %get3A_541 = tpu.vector_load %arg15[%get3A_539, %get3A_540] {strides = array<i32>} : memref<320x128xf32, #tpu.memory_space<vmem>>, vector<16xf32>,
          %add3A_542 = arith.addf %while3A_404, %get3A_538 : vector<16xf32>
          %mul3A_543 = arith.mulf %get3A_538, %get3A_538 : vector<16xf32>
          %add3A_544 = arith.addf %while3A_412, %mul3A_543 : vector<16xf32>
          %mul3A_545 = arith.mulf %get3A_538, %get3A_541 : vector<16xf32>
          %add3A_546 = arith.addf %while3A_420, %mul3A_545 : vector<16xf32>
          %get3A_547 = arith.index_cast %while3A_398 : i32 to index
          %get3A_548 = arith.constant 208 : index
          %get3A_549 = tpu.vector_load %arg19[%get3A_547, %get3A_548] {strides = array<i32>} : memref<24x256xf32, #tpu.memory_space<vmem>>, vector<16xf32>,
          %get3A_550 = arith.index_cast %squeeze3A : i32 to index
          %get3A_551 = arith.constant 80 : index
          %get3A_552 = tpu.vector_load %arg17[%get3A_550, %get3A_551] {strides = array<i32>} : memref<320x128xf32, #tpu.memory_space<vmem>>, vector<16xf32>,
          %max3A_553 = arith.maximumf %get3A_552, %get3A_549 : vector<16xf32>
          %swap3A_554 = arith.index_cast %squeeze3A : i32 to index
          %swap3A_555 = arith.constant 80 : index
          %swap3A_556 = tpu.vector_load %arg17[%swap3A_554, %swap3A_555] {strides = array<i32>} : memref<320x128xf32, #tpu.memory_space<vmem>>, vector<16xf32>,
          tpu.vector_store %arg17[%swap3A_554, %swap3A_555], %max3A_553 {strides = array<i32>} : memref<320x128xf32, #tpu.memory_space<vmem>>, vector<16xf32>,
          %get3A_557 = arith.index_cast %while3A_398 : i32 to index
          %get3A_558 = arith.constant 96 : index
          %get3A_559 = tpu.vector_load %arg19[%get3A_557, %get3A_558] {strides = array<i32>} : memref<24x256xf32, #tpu.memory_space<vmem>>, vector<16xf32>,
          %get3A_560 = arith.index_cast %squeeze3A : i32 to index
          %get3A_561 = arith.constant 96 : index
          %get3A_562 = tpu.vector_load %arg15[%get3A_560, %get3A_561] {strides = array<i32>} : memref<320x128xf32, #tpu.memory_space<vmem>>, vector<16xf32>,
          %add3A_563 = arith.addf %while3A_405, %get3A_559 : vector<16xf32>
          %mul3A_564 = arith.mulf %get3A_559, %get3A_559 : vector<16xf32>
          %add3A_565 = arith.addf %while3A_413, %mul3A_564 : vector<16xf32>
          %mul3A_566 = arith.mulf %get3A_559, %get3A_562 : vector<16xf32>
          %add3A_567 = arith.addf %while3A_421, %mul3A_566 : vector<16xf32>
          %get3A_568 = arith.index_cast %while3A_398 : i32 to index
          %get3A_569 = arith.constant 224 : index
          %get3A_570 = tpu.vector_load %arg19[%get3A_568, %get3A_569] {strides = array<i32>} : memref<24x256xf32, #tpu.memory_space<vmem>>, vector<16xf32>,
          %get3A_571 = arith.index_cast %squeeze3A : i32 to index
          %get3A_572 = arith.constant 96 : index
          %get3A_573 = tpu.vector_load %arg17[%get3A_571, %get3A_572] {strides = array<i32>} : memref<320x128xf32, #tpu.memory_space<vmem>>, vector<16xf32>,
          %max3A_574 = arith.maximumf %get3A_573, %get3A_570 : vector<16xf32>
          %swap3A_575 = arith.index_cast %squeeze3A : i32 to index
          %swap3A_576 = arith.constant 96 : index
          %swap3A_577 = tpu.vector_load %arg17[%swap3A_575, %swap3A_576] {strides = array<i32>} : memref<320x128xf32, #tpu.memory_space<vmem>>, vector<16xf32>,
          tpu.vector_store %arg17[%swap3A_575, %swap3A_576], %max3A_574 {strides = array<i32>} : memref<320x128xf32, #tpu.memory_space<vmem>>, vector<16xf32>,
          %get3A_578 = arith.index_cast %while3A_398 : i32 to index
          %get3A_579 = arith.constant 112 : index
          %get3A_580 = tpu.vector_load %arg19[%get3A_578, %get3A_579] {strides = array<i32>} : memref<24x256xf32, #tpu.memory_space<vmem>>, vector<16xf32>,
          %get3A_581 = arith.index_cast %squeeze3A : i32 to index
          %get3A_582 = arith.constant 112 : index
          %get3A_583 = tpu.vector_load %arg15[%get3A_581, %get3A_582] {strides = array<i32>} : memref<320x128xf32, #tpu.memory_space<vmem>>, vector<16xf32>,
          %add3A_584 = arith.addf %while3A_406, %get3A_580 : vector<16xf32>
          %mul3A_585 = arith.mulf %get3A_580, %get3A_580 : vector<16xf32>
          %add3A_586 = arith.addf %while3A_414, %mul3A_585 : vector<16xf32>
          %mul3A_587 = arith.mulf %get3A_580, %get3A_583 : vector<16xf32>
          %add3A_588 = arith.addf %while3A_422, %mul3A_587 : vector<16xf32>
          %get3A_589 = arith.index_cast %while3A_398 : i32 to index
          %get3A_590 = arith.constant 240 : index
          %get3A_591 = tpu.vector_load %arg19[%get3A_589, %get3A_590] {strides = array<i32>} : memref<24x256xf32, #tpu.memory_space<vmem>>, vector<16xf32>,
          %get3A_592 = arith.index_cast %squeeze3A : i32 to index
          %get3A_593 = arith.constant 112 : index
          %get3A_594 = tpu.vector_load %arg17[%get3A_592, %get3A_593] {strides = array<i32>} : memref<320x128xf32, #tpu.memory_space<vmem>>, vector<16xf32>,
          %max3A_595 = arith.maximumf %get3A_594, %get3A_591 : vector<16xf32>
          %swap3A_596 = arith.index_cast %squeeze3A : i32 to index
          %swap3A_597 = arith.constant 112 : index
          %swap3A_598 = tpu.vector_load %arg17[%swap3A_596, %swap3A_597] {strides = array<i32>} : memref<320x128xf32, #tpu.memory_space<vmem>>, vector<16xf32>,
          tpu.vector_store %arg17[%swap3A_596, %swap3A_597], %max3A_595 {strides = array<i32>} : memref<320x128xf32, #tpu.memory_space<vmem>>, vector<16xf32>,
          scf.yield %add3A_437, %add3A_458, %add3A_479, %add3A_500, %add3A_521, %add3A_542, %add3A_563, %add3A_584, %add3A_439, %add3A_460, %add3A_481, %add3A_502, %add3A_523, %add3A_544, %add3A_565, %add3A_586, %add3A_441, %add3A_462, %add3A_483, %add3A_504, %add3A_525, %add3A_546, %add3A_567, %add3A_588, %add3A_430 : vector<16xf32>, vector<16xf32>, vector<16xf32>, vector<16xf32>, vector<16xf32>, vector<16xf32>, vector<16xf32>, vector<16xf32>, vector<16xf32>, vector<16xf32>, vector<16xf32>, vector<16xf32>, vector<16xf32>, vector<16xf32>, vector<16xf32>, vector<16xf32>, vector<16xf32>, vector<16xf32>, vector<16xf32>, vector<16xf32>, vector<16xf32>, vector<16xf32>, vector<16xf32>, vector<16xf32>, vector<16xf32>
        }
        %while3A_396 = arith.constant 1 : i32
        %while3A_397:25 = scf.for %while3A_398 = %while3A_393 to %while3A_389 step %while3A_396 iter_args(%while3A_399 = %while3A_395#0, %while3A_400 = %while3A_395#1, %while3A_401 = %while3A_395#2, %while3A_402 = %while3A_395#3, %while3A_403 = %while3A_395#4, %while3A_404 = %while3A_395#5, %while3A_405 = %while3A_395#6, %while3A_406 = %while3A_395#7, %while3A_407 = %while3A_395#8, %while3A_408 = %while3A_395#9, %while3A_409 = %while3A_395#10, %while3A_410 = %while3A_395#11, %while3A_411 = %while3A_395#12, %while3A_412 = %while3A_395#13, %while3A_413 = %while3A_395#14, %while3A_414 = %while3A_395#15, %while3A_415 = %while3A_395#16, %while3A_416 = %while3A_395#17, %while3A_417 = %while3A_395#18, %while3A_418 = %while3A_395#19, %while3A_419 = %while3A_395#20, %while3A_420 = %while3A_395#21, %while3A_421 = %while3A_395#22, %while3A_422 = %while3A_395#23, %while3A_423 = %while3A_395#24) -> (vector<16xf32>, vector<16xf32>, vector<16xf32>, vector<16xf32>, vector<16xf32>, vector<16xf32>, vector<16xf32>, vector<16xf32>, vector<16xf32>, vector<16xf32>, vector<16xf32>, vector<16xf32>, vector<16xf32>, vector<16xf32>, vector<16xf32>, vector<16xf32>, vector<16xf32>, vector<16xf32>, vector<16xf32>, vector<16xf32>, vector<16xf32>, vector<16xf32>, vector<16xf32>, vector<16xf32>, vector<16xf32>)  : i32 {
          %add3A_424 = arith.addi %mul3A_371, %while3A_398 : i32
          %get3A = arith.index_cast %add3A_424 : i32 to index
          %get3A_425 = tpu.vector_load %arg14[%get3A] {strides = array<i32>} : memref<2016xi32, #tpu.memory_space<vmem>>, vector<16xi32>,
          %slice3A = vector.extract_strided_slice %get3A_425 {offsets = [0], sizes = [1], strides = [1]} : vector<16xi32> to vector<1xi32>
          %squeeze3A = vector.extract %slice3A[0] : i32 from vector<1xi32>
          %mul3A_426 = arith.constant 2 : i32
          %mul3A_427 = arith.muli %mul3A_426, %squeeze3A : i32
          %get3A_428 = arith.index_cast %mul3A_427 : i32 to index
          %get3A_429 = tpu.vector_load %arg16[%get3A_428] {strides = array<i32>} : memref<656xf32, #tpu.memory_space<vmem>>, vector<16xf32>,
          %add3A_430 = arith.addf %while3A_423, %get3A_429 : vector<16xf32>
          %get3A_431 = arith.index_cast %while3A_398 : i32 to index
          %get3A_432 = arith.constant 0 : index
          %get3A_433 = tpu.vector_load %arg19[%get3A_431, %get3A_432] {strides = array<i32>} : memref<24x256xf32, #tpu.memory_space<vmem>>, vector<16xf32>,
          %get3A_434 = arith.index_cast %squeeze3A : i32 to index
          %get3A_435 = arith.constant 0 : index
          %get3A_436 = tpu.vector_load %arg15[%get3A_434, %get3A_435] {strides = array<i32>} : memref<320x128xf32, #tpu.memory_space<vmem>>, vector<16xf32>,
          %add3A_437 = arith.addf %while3A_399, %get3A_433 : vector<16xf32>
          %mul3A_438 = arith.mulf %get3A_433, %get3A_433 : vector<16xf32>
          %add3A_439 = arith.addf %while3A_407, %mul3A_438 : vector<16xf32>
          %mul3A_440 = arith.mulf %get3A_433, %get3A_436 : vector<16xf32>
          %add3A_441 = arith.addf %while3A_415, %mul3A_440 : vector<16xf32>
          %get3A_442 = arith.index_cast %while3A_398 : i32 to index
          %get3A_443 = arith.constant 128 : index
          %get3A_444 = tpu.vector_load %arg19[%get3A_442, %get3A_443] {strides = array<i32>} : memref<24x256xf32, #tpu.memory_space<vmem>>, vector<16xf32>,
          %get3A_445 = arith.index_cast %squeeze3A : i32 to index
          %get3A_446 = arith.constant 0 : index
          %get3A_447 = tpu.vector_load %arg17[%get3A_445, %get3A_446] {strides = array<i32>} : memref<320x128xf32, #tpu.memory_space<vmem>>, vector<16xf32>,
          %max3A_448 = arith.maximumf %get3A_447, %get3A_444 : vector<16xf32>
          %swap3A_449 = arith.index_cast %squeeze3A : i32 to index
          %swap3A_450 = arith.constant 0 : index
          %swap3A_451 = tpu.vector_load %arg17[%swap3A_449, %swap3A_450] {strides = array<i32>} : memref<320x128xf32, #tpu.memory_space<vmem>>, vector<16xf32>,
          tpu.vector_store %arg17[%swap3A_449, %swap3A_450], %max3A_448 {strides = array<i32>} : memref<320x128xf32, #tpu.memory_space<vmem>>, vector<16xf32>,
          %get3A_452 = arith.index_cast %while3A_398 : i32 to index
          %get3A_453 = arith.constant 16 : index
          %get3A_454 = tpu.vector_load %arg19[%get3A_452, %get3A_453] {strides = array<i32>} : memref<24x256xf32, #tpu.memory_space<vmem>>, vector<16xf32>,
          %get3A_455 = arith.index_cast %squeeze3A : i32 to index
          %get3A_456 = arith.constant 16 : index
          %get3A_457 = tpu.vector_load %arg15[%get3A_455, %get3A_456] {strides = array<i32>} : memref<320x128xf32, #tpu.memory_space<vmem>>, vector<16xf32>,
          %add3A_458 = arith.addf %while3A_400, %get3A_454 : vector<16xf32>
          %mul3A_459 = arith.mulf %get3A_454, %get3A_454 : vector<16xf32>
          %add3A_460 = arith.addf %while3A_408, %mul3A_459 : vector<16xf32>
          %mul3A_461 = arith.mulf %get3A_454, %get3A_457 : vector<16xf32>
          %add3A_462 = arith.addf %while3A_416, %mul3A_461 : vector<16xf32>
          %get3A_463 = arith.index_cast %while3A_398 : i32 to index
          %get3A_464 = arith.constant 144 : index
          %get3A_465 = tpu.vector_load %arg19[%get3A_463, %get3A_464] {strides = array<i32>} : memref<24x256xf32, #tpu.memory_space<vmem>>, vector<16xf32>,
          %get3A_466 = arith.index_cast %squeeze3A : i32 to index
          %get3A_467 = arith.constant 16 : index
          %get3A_468 = tpu.vector_load %arg17[%get3A_466, %get3A_467] {strides = array<i32>} : memref<320x128xf32, #tpu.memory_space<vmem>>, vector<16xf32>,
          %max3A_469 = arith.maximumf %get3A_468, %get3A_465 : vector<16xf32>
          %swap3A_470 = arith.index_cast %squeeze3A : i32 to index
          %swap3A_471 = arith.constant 16 : index
          %swap3A_472 = tpu.vector_load %arg17[%swap3A_470, %swap3A_471] {strides = array<i32>} : memref<320x128xf32, #tpu.memory_space<vmem>>, vector<16xf32>,
          tpu.vector_store %arg17[%swap3A_470, %swap3A_471], %max3A_469 {strides = array<i32>} : memref<320x128xf32, #tpu.memory_space<vmem>>, vector<16xf32>,
          %get3A_473 = arith.index_cast %while3A_398 : i32 to index
          %get3A_474 = arith.constant 32 : index
          %get3A_475 = tpu.vector_load %arg19[%get3A_473, %get3A_474] {strides = array<i32>} : memref<24x256xf32, #tpu.memory_space<vmem>>, vector<16xf32>,
          %get3A_476 = arith.index_cast %squeeze3A : i32 to index
          %get3A_477 = arith.constant 32 : index
          %get3A_478 = tpu.vector_load %arg15[%get3A_476, %get3A_477] {strides = array<i32>} : memref<320x128xf32, #tpu.memory_space<vmem>>, vector<16xf32>,
          %add3A_479 = arith.addf %while3A_401, %get3A_475 : vector<16xf32>
          %mul3A_480 = arith.mulf %get3A_475, %get3A_475 : vector<16xf32>
          %add3A_481 = arith.addf %while3A_409, %mul3A_480 : vector<16xf32>
          %mul3A_482 = arith.mulf %get3A_475, %get3A_478 : vector<16xf32>
          %add3A_483 = arith.addf %while3A_417, %mul3A_482 : vector<16xf32>
          %get3A_484 = arith.index_cast %while3A_398 : i32 to index
          %get3A_485 = arith.constant 160 : index
          %get3A_486 = tpu.vector_load %arg19[%get3A_484, %get3A_485] {strides = array<i32>} : memref<24x256xf32, #tpu.memory_space<vmem>>, vector<16xf32>,
          %get3A_487 = arith.index_cast %squeeze3A : i32 to index
          %get3A_488 = arith.constant 32 : index
          %get3A_489 = tpu.vector_load %arg17[%get3A_487, %get3A_488] {strides = array<i32>} : memref<320x128xf32, #tpu.memory_space<vmem>>, vector<16xf32>,
          %max3A_490 = arith.maximumf %get3A_489, %get3A_486 : vector<16xf32>
          %swap3A_491 = arith.index_cast %squeeze3A : i32 to index
          %swap3A_492 = arith.constant 32 : index
          %swap3A_493 = tpu.vector_load %arg17[%swap3A_491, %swap3A_492] {strides = array<i32>} : memref<320x128xf32, #tpu.memory_space<vmem>>, vector<16xf32>,
          tpu.vector_store %arg17[%swap3A_491, %swap3A_492], %max3A_490 {strides = array<i32>} : memref<320x128xf32, #tpu.memory_space<vmem>>, vector<16xf32>,
          %get3A_494 = arith.index_cast %while3A_398 : i32 to index
          %get3A_495 = arith.constant 48 : index
          %get3A_496 = tpu.vector_load %arg19[%get3A_494, %get3A_495] {strides = array<i32>} : memref<24x256xf32, #tpu.memory_space<vmem>>, vector<16xf32>,
          %get3A_497 = arith.index_cast %squeeze3A : i32 to index
          %get3A_498 = arith.constant 48 : index
          %get3A_499 = tpu.vector_load %arg15[%get3A_497, %get3A_498] {strides = array<i32>} : memref<320x128xf32, #tpu.memory_space<vmem>>, vector<16xf32>,
          %add3A_500 = arith.addf %while3A_402, %get3A_496 : vector<16xf32>
          %mul3A_501 = arith.mulf %get3A_496, %get3A_496 : vector<16xf32>
          %add3A_502 = arith.addf %while3A_410, %mul3A_501 : vector<16xf32>
          %mul3A_503 = arith.mulf %get3A_496, %get3A_499 : vector<16xf32>
          %add3A_504 = arith.addf %while3A_418, %mul3A_503 : vector<16xf32>
          %get3A_505 = arith.index_cast %while3A_398 : i32 to index
          %get3A_506 = arith.constant 176 : index
          %get3A_507 = tpu.vector_load %arg19[%get3A_505, %get3A_506] {strides = array<i32>} : memref<24x256xf32, #tpu.memory_space<vmem>>, vector<16xf32>,
          %get3A_508 = arith.index_cast %squeeze3A : i32 to index
          %get3A_509 = arith.constant 48 : index
          %get3A_510 = tpu.vector_load %arg17[%get3A_508, %get3A_509] {strides = array<i32>} : memref<320x128xf32, #tpu.memory_space<vmem>>, vector<16xf32>,
          %max3A_511 = arith.maximumf %get3A_510, %get3A_507 : vector<16xf32>
          %swap3A_512 = arith.index_cast %squeeze3A : i32 to index
          %swap3A_513 = arith.constant 48 : index
          %swap3A_514 = tpu.vector_load %arg17[%swap3A_512, %swap3A_513] {strides = array<i32>} : memref<320x128xf32, #tpu.memory_space<vmem>>, vector<16xf32>,
          tpu.vector_store %arg17[%swap3A_512, %swap3A_513], %max3A_511 {strides = array<i32>} : memref<320x128xf32, #tpu.memory_space<vmem>>, vector<16xf32>,
          %get3A_515 = arith.index_cast %while3A_398 : i32 to index
          %get3A_516 = arith.constant 64 : index
          %get3A_517 = tpu.vector_load %arg19[%get3A_515, %get3A_516] {strides = array<i32>} : memref<24x256xf32, #tpu.memory_space<vmem>>, vector<16xf32>,
          %get3A_518 = arith.index_cast %squeeze3A : i32 to index
          %get3A_519 = arith.constant 64 : index
          %get3A_520 = tpu.vector_load %arg15[%get3A_518, %get3A_519] {strides = array<i32>} : memref<320x128xf32, #tpu.memory_space<vmem>>, vector<16xf32>,
          %add3A_521 = arith.addf %while3A_403, %get3A_517 : vector<16xf32>
          %mul3A_522 = arith.mulf %get3A_517, %get3A_517 : vector<16xf32>
          %add3A_523 = arith.addf %while3A_411, %mul3A_522 : vector<16xf32>
          %mul3A_524 = arith.mulf %get3A_517, %get3A_520 : vector<16xf32>
          %add3A_525 = arith.addf %while3A_419, %mul3A_524 : vector<16xf32>
          %get3A_526 = arith.index_cast %while3A_398 : i32 to index
          %get3A_527 = arith.constant 192 : index
          %get3A_528 = tpu.vector_load %arg19[%get3A_526, %get3A_527] {strides = array<i32>} : memref<24x256xf32, #tpu.memory_space<vmem>>, vector<16xf32>,
          %get3A_529 = arith.index_cast %squeeze3A : i32 to index
          %get3A_530 = arith.constant 64 : index
          %get3A_531 = tpu.vector_load %arg17[%get3A_529, %get3A_530] {strides = array<i32>} : memref<320x128xf32, #tpu.memory_space<vmem>>, vector<16xf32>,
          %max3A_532 = arith.maximumf %get3A_531, %get3A_528 : vector<16xf32>
          %swap3A_533 = arith.index_cast %squeeze3A : i32 to index
          %swap3A_534 = arith.constant 64 : index
          %swap3A_535 = tpu.vector_load %arg17[%swap3A_533, %swap3A_534] {strides = array<i32>} : memref<320x128xf32, #tpu.memory_space<vmem>>, vector<16xf32>,
          tpu.vector_store %arg17[%swap3A_533, %swap3A_534], %max3A_532 {strides = array<i32>} : memref<320x128xf32, #tpu.memory_space<vmem>>, vector<16xf32>,
          %get3A_536 = arith.index_cast %while3A_398 : i32 to index
          %get3A_537 = arith.constant 80 : index
          %get3A_538 = tpu.vector_load %arg19[%get3A_536, %get3A_537] {strides = array<i32>} : memref<24x256xf32, #tpu.memory_space<vmem>>, vector<16xf32>,
          %get3A_539 = arith.index_cast %squeeze3A : i32 to index
          %get3A_540 = arith.constant 80 : index
          %get3A_541 = tpu.vector_load %arg15[%get3A_539, %get3A_540] {strides = array<i32>} : memref<320x128xf32, #tpu.memory_space<vmem>>, vector<16xf32>,
          %add3A_542 = arith.addf %while3A_404, %get3A_538 : vector<16xf32>
          %mul3A_543 = arith.mulf %get3A_538, %get3A_538 : vector<16xf32>
          %add3A_544 = arith.addf %while3A_412, %mul3A_543 : vector<16xf32>
          %mul3A_545 = arith.mulf %get3A_538, %get3A_541 : vector<16xf32>
          %add3A_546 = arith.addf %while3A_420, %mul3A_545 : vector<16xf32>
          %get3A_547 = arith.index_cast %while3A_398 : i32 to index
          %get3A_548 = arith.constant 208 : index
          %get3A_549 = tpu.vector_load %arg19[%get3A_547, %get3A_548] {strides = array<i32>} : memref<24x256xf32, #tpu.memory_space<vmem>>, vector<16xf32>,
          %get3A_550 = arith.index_cast %squeeze3A : i32 to index
          %get3A_551 = arith.constant 80 : index
          %get3A_552 = tpu.vector_load %arg17[%get3A_550, %get3A_551] {strides = array<i32>} : memref<320x128xf32, #tpu.memory_space<vmem>>, vector<16xf32>,
          %max3A_553 = arith.maximumf %get3A_552, %get3A_549 : vector<16xf32>
          %swap3A_554 = arith.index_cast %squeeze3A : i32 to index
          %swap3A_555 = arith.constant 80 : index
          %swap3A_556 = tpu.vector_load %arg17[%swap3A_554, %swap3A_555] {strides = array<i32>} : memref<320x128xf32, #tpu.memory_space<vmem>>, vector<16xf32>,
          tpu.vector_store %arg17[%swap3A_554, %swap3A_555], %max3A_553 {strides = array<i32>} : memref<320x128xf32, #tpu.memory_space<vmem>>, vector<16xf32>,
          %get3A_557 = arith.index_cast %while3A_398 : i32 to index
          %get3A_558 = arith.constant 96 : index
          %get3A_559 = tpu.vector_load %arg19[%get3A_557, %get3A_558] {strides = array<i32>} : memref<24x256xf32, #tpu.memory_space<vmem>>, vector<16xf32>,
          %get3A_560 = arith.index_cast %squeeze3A : i32 to index
          %get3A_561 = arith.constant 96 : index
          %get3A_562 = tpu.vector_load %arg15[%get3A_560, %get3A_561] {strides = array<i32>} : memref<320x128xf32, #tpu.memory_space<vmem>>, vector<16xf32>,
          %add3A_563 = arith.addf %while3A_405, %get3A_559 : vector<16xf32>
          %mul3A_564 = arith.mulf %get3A_559, %get3A_559 : vector<16xf32>
          %add3A_565 = arith.addf %while3A_413, %mul3A_564 : vector<16xf32>
          %mul3A_566 = arith.mulf %get3A_559, %get3A_562 : vector<16xf32>
          %add3A_567 = arith.addf %while3A_421, %mul3A_566 : vector<16xf32>
          %get3A_568 = arith.index_cast %while3A_398 : i32 to index
          %get3A_569 = arith.constant 224 : index
          %get3A_570 = tpu.vector_load %arg19[%get3A_568, %get3A_569] {strides = array<i32>} : memref<24x256xf32, #tpu.memory_space<vmem>>, vector<16xf32>,
          %get3A_571 = arith.index_cast %squeeze3A : i32 to index
          %get3A_572 = arith.constant 96 : index
          %get3A_573 = tpu.vector_load %arg17[%get3A_571, %get3A_572] {strides = array<i32>} : memref<320x128xf32, #tpu.memory_space<vmem>>, vector<16xf32>,
          %max3A_574 = arith.maximumf %get3A_573, %get3A_570 : vector<16xf32>
          %swap3A_575 = arith.index_cast %squeeze3A : i32 to index
          %swap3A_576 = arith.constant 96 : index
          %swap3A_577 = tpu.vector_load %arg17[%swap3A_575, %swap3A_576] {strides = array<i32>} : memref<320x128xf32, #tpu.memory_space<vmem>>, vector<16xf32>,
          tpu.vector_store %arg17[%swap3A_575, %swap3A_576], %max3A_574 {strides = array<i32>} : memref<320x128xf32, #tpu.memory_space<vmem>>, vector<16xf32>,
          %get3A_578 = arith.index_cast %while3A_398 : i32 to index
          %get3A_579 = arith.constant 112 : index
          %get3A_580 = tpu.vector_load %arg19[%get3A_578, %get3A_579] {strides = array<i32>} : memref<24x256xf32, #tpu.memory_space<vmem>>, vector<16xf32>,
          %get3A_581 = arith.index_cast %squeeze3A : i32 to index
          %get3A_582 = arith.constant 112 : index
          %get3A_583 = tpu.vector_load %arg15[%get3A_581, %get3A_582] {strides = array<i32>} : memref<320x128xf32, #tpu.memory_space<vmem>>, vector<16xf32>,
          %add3A_584 = arith.addf %while3A_406, %get3A_580 : vector<16xf32>
          %mul3A_585 = arith.mulf %get3A_580, %get3A_580 : vector<16xf32>
          %add3A_586 = arith.addf %while3A_414, %mul3A_585 : vector<16xf32>
          %mul3A_587 = arith.mulf %get3A_580, %get3A_583 : vector<16xf32>
          %add3A_588 = arith.addf %while3A_422, %mul3A_587 : vector<16xf32>
          %get3A_589 = arith.index_cast %while3A_398 : i32 to index
          %get3A_590 = arith.constant 240 : index
          %get3A_591 = tpu.vector_load %arg19[%get3A_589, %get3A_590] {strides = array<i32>} : memref<24x256xf32, #tpu.memory_space<vmem>>, vector<16xf32>,
          %get3A_592 = arith.index_cast %squeeze3A : i32 to index
          %get3A_593 = arith.constant 112 : index
          %get3A_594 = tpu.vector_load %arg17[%get3A_592, %get3A_593] {strides = array<i32>} : memref<320x128xf32, #tpu.memory_space<vmem>>, vector<16xf32>,
          %max3A_595 = arith.maximumf %get3A_594, %get3A_591 : vector<16xf32>
          %swap3A_596 = arith.index_cast %squeeze3A : i32 to index
          %swap3A_597 = arith.constant 112 : index
          %swap3A_598 = tpu.vector_load %arg17[%swap3A_596, %swap3A_597] {strides = array<i32>} : memref<320x128xf32, #tpu.memory_space<vmem>>, vector<16xf32>,
          tpu.vector_store %arg17[%swap3A_596, %swap3A_597], %max3A_595 {strides = array<i32>} : memref<320x128xf32, #tpu.memory_space<vmem>>, vector<16xf32>,
          scf.yield %add3A_437, %add3A_458, %add3A_479, %add3A_500, %add3A_521, %add3A_542, %add3A_563, %add3A_584, %add3A_439, %add3A_460, %add3A_481, %add3A_502, %add3A_523, %add3A_544, %add3A_565, %add3A_586, %add3A_441, %add3A_462, %add3A_483, %add3A_504, %add3A_525, %add3A_546, %add3A_567, %add3A_588, %add3A_430 : vector<16xf32>, vector<16xf32>, vector<16xf32>, vector<16xf32>, vector<16xf32>, vector<16xf32>, vector<16xf32>, vector<16xf32>, vector<16xf32>, vector<16xf32>, vector<16xf32>, vector<16xf32>, vector<16xf32>, vector<16xf32>, vector<16xf32>, vector<16xf32>, vector<16xf32>, vector<16xf32>, vector<16xf32>, vector<16xf32>, vector<16xf32>, vector<16xf32>, vector<16xf32>, vector<16xf32>, vector<16xf32>
        }
        scf.yield %while3A_397#0, %while3A_397#1, %while3A_397#2, %while3A_397#3, %while3A_397#4, %while3A_397#5, %while3A_397#6, %while3A_397#7, %while3A_397#8, %while3A_397#9, %while3A_397#10, %while3A_397#11, %while3A_397#12, %while3A_397#13, %while3A_397#14, %while3A_397#15, %while3A_397#16, %while3A_397#17, %while3A_397#18, %while3A_397#19, %while3A_397#20, %while3A_397#21, %while3A_397#22, %while3A_397#23, %while3A_397#24 : vector<16xf32>, vector<16xf32>, vector<16xf32>, vector<16xf32>, vector<16xf32>, vector<16xf32>, vector<16xf32>, vector<16xf32>, vector<16xf32>, vector<16xf32>, vector<16xf32>, vector<16xf32>, vector<16xf32>, vector<16xf32>, vector<16xf32>, vector<16xf32>, vector<16xf32>, vector<16xf32>, vector<16xf32>, vector<16xf32>, vector<16xf32>, vector<16xf32>, vector<16xf32>, vector<16xf32>, vector<16xf32>
      }
      %while3A_216 = arith.constant 1 : i32
      %while3A_217:25 = scf.for %while3A_310 = %while3A_213 to %while3A_209 step %while3A_216 iter_args(%while3A_311 = %while3A_215#0, %while3A_312 = %while3A_215#1, %while3A_313 = %while3A_215#2, %while3A_314 = %while3A_215#3, %while3A_315 = %while3A_215#4, %while3A_316 = %while3A_215#5, %while3A_317 = %while3A_215#6, %while3A_318 = %while3A_215#7, %while3A_319 = %while3A_215#8, %while3A_320 = %while3A_215#9, %while3A_321 = %while3A_215#10, %while3A_322 = %while3A_215#11, %while3A_323 = %while3A_215#12, %while3A_324 = %while3A_215#13, %while3A_325 = %while3A_215#14, %while3A_326 = %while3A_215#15, %while3A_327 = %while3A_215#16, %while3A_328 = %while3A_215#17, %while3A_329 = %while3A_215#18, %while3A_330 = %while3A_215#19, %while3A_331 = %while3A_215#20, %while3A_332 = %while3A_215#21, %while3A_333 = %while3A_215#22, %while3A_334 = %while3A_215#23, %while3A_335 = %while3A_215#24) -> (vector<16xf32>, vector<16xf32>, vector<16xf32>, vector<16xf32>, vector<16xf32>, vector<16xf32>, vector<16xf32>, vector<16xf32>, vector<16xf32>, vector<16xf32>, vector<16xf32>, vector<16xf32>, vector<16xf32>, vector<16xf32>, vector<16xf32>, vector<16xf32>, vector<16xf32>, vector<16xf32>, vector<16xf32>, vector<16xf32>, vector<16xf32>, vector<16xf32>, vector<16xf32>, vector<16xf32>, vector<16xf32>)  : i32 {
        %mul3A_336 = arith.constant 2 : i32
        %mul3A_337 = arith.muli %mul3A_336, %while3A_310 : i32
        %add3A_338 = arith.constant 0 : i32
        %add3A_339 = arith.addi %mul3A_337, %add3A_338 : i32
        %mul3A_340 = arith.constant 24 : i32
        %mul3A_341 = arith.muli %add3A_339, %mul3A_340 : i32
        %add3A_342 = arith.constant 1 : i32
        %add3A_343 = arith.addi %add3A_339, %add3A_342 : i32
        %lt3A_344 = arith.cmpi slt, %add3A_343, %select_n3A : i32
        %convert_element_type3A_345 = arith.extui %lt3A_344 : i1 to i32
        %cond3A_346 = arith.constant 0 : i32
        %cond3A_347 = arith.cmpi ne, %convert_element_type3A_345, %cond3A_346 : i32
        scf.if %cond3A_347 {
          %add3A_398 = arith.constant 24 : i32
          %add3A_399 = arith.addi %mul3A_341, %add3A_398 : i32
          %dma_start3A_400 = tpu.memref_slice %arg13[%add3A_399] : memref<2000xi32, #tpu.memory_space<vmem>> -> memref<24xi32, #tpu.memory_space<vmem>>
          %dma_start3A_401 = arith.constant 0 : i32
          %dma_start3A_402 = arith.constant 0 : i32
          %dma_start3A_403 = tpu.memref_slice %arg4[%dma_start3A_401, %dma_start3A_402] : memref<10000x256xf32, #tpu.memory_space<hbm>> -> memref<10000x256xf32, #tpu.memory_space<hbm>>
          tpu.enqueue_indirect_dma source(%dma_start3A_403 : memref<10000x256xf32, #tpu.memory_space<hbm>>) target(%arg19 : memref<24x256xf32, #tpu.memory_space<vmem>>) offsets(%dma_start3A_400 : memref<24xi32, #tpu.memory_space<vmem>>) semaphore(%arg25 : memref<!tpu.dma_semaphore, #tpu.memory_space<semaphore_mem>>)
        } else {
        }
        %lt3A_348 = arith.cmpi slt, %add3A_339, %select_n3A : i32
        %convert_element_type3A_349 = arith.extui %lt3A_348 : i1 to i32
        %cond3A_350 = arith.constant 0 : i32
        %cond3A_351 = arith.cmpi ne, %convert_element_type3A_349, %cond3A_350 : i32
        scf.if %cond3A_351 {
          %dma_wait3A_398 = tpu.memref_slice %arg13[%mul3A_341] : memref<2000xi32, #tpu.memory_space<vmem>> -> memref<24xi32, #tpu.memory_space<vmem>>
          %dma_wait3A_399 = arith.constant 0 : i32
          %dma_wait3A_400 = arith.constant 0 : i32
          %dma_wait3A_401 = tpu.memref_slice %arg4[%dma_wait3A_399, %dma_wait3A_400] : memref<10000x256xf32, #tpu.memory_space<hbm>> -> memref<10000x256xf32, #tpu.memory_space<hbm>>
          tpu.wait_indirect_dma semaphore(%arg24 : memref<!tpu.dma_semaphore, #tpu.memory_space<semaphore_mem>>) src(%dma_wait3A_401 : memref<10000x256xf32, #tpu.memory_space<hbm>>) dst(%arg18 : memref<24x256xf32, #tpu.memory_space<vmem>>)
        } else {
        }
        %sub3A_352 = arith.subi %scan3A_158, %mul3A_341 : i32
        %jit3A_353 = arith.constant 0 : i32
        %jit3A_354 = arith.constant 24 : i32
        %max3A = arith.maxsi %jit3A_353, %sub3A_352 : i32
        %min3A = arith.minsi %jit3A_354, %max3A : i32
        %while3A_355 = arith.constant 0 : i32
        %while3A_356 = arith.subi %min3A, %while3A_355 : i32
        %while3A_357 = arith.addi %while3A_355, %while3A_356 : i32
        %while3A_358 = arith.constant 1 : i32
        %while3A_359 = arith.divsi %while3A_356, %while3A_358 : i32
        %while3A_360 = arith.muli %while3A_359, %while3A_358 : i32
        %while3A_361 = arith.addi %while3A_355, %while3A_360 : i32
        %while3A_362 = arith.constant 1 : i32
        %while3A_363:25 = scf.for %while3A_398 = %while3A_355 to %while3A_361 step %while3A_362 iter_args(%while3A_399 = %while3A_311, %while3A_400 = %while3A_312, %while3A_401 = %while3A_313, %while3A_402 = %while3A_314, %while3A_403 = %while3A_315, %while3A_404 = %while3A_316, %while3A_405 = %while3A_317, %while3A_406 = %while3A_318, %while3A_407 = %while3A_319, %while3A_408 = %while3A_320, %while3A_409 = %while3A_321, %while3A_410 = %while3A_322, %while3A_411 = %while3A_323, %while3A_412 = %while3A_324, %while3A_413 = %while3A_325, %while3A_414 = %while3A_326, %while3A_415 = %while3A_327, %while3A_416 = %while3A_328, %while3A_417 = %while3A_329, %while3A_418 = %while3A_330, %while3A_419 = %while3A_331, %while3A_420 = %while3A_332, %while3A_421 = %while3A_333, %while3A_422 = %while3A_334, %while3A_423 = %while3A_335) -> (vector<16xf32>, vector<16xf32>, vector<16xf32>, vector<16xf32>, vector<16xf32>, vector<16xf32>, vector<16xf32>, vector<16xf32>, vector<16xf32>, vector<16xf32>, vector<16xf32>, vector<16xf32>, vector<16xf32>, vector<16xf32>, vector<16xf32>, vector<16xf32>, vector<16xf32>, vector<16xf32>, vector<16xf32>, vector<16xf32>, vector<16xf32>, vector<16xf32>, vector<16xf32>, vector<16xf32>, vector<16xf32>)  : i32 {
          %add3A_424 = arith.addi %mul3A_341, %while3A_398 : i32
          %get3A = arith.index_cast %add3A_424 : i32 to index
          %get3A_425 = tpu.vector_load %arg14[%get3A] {strides = array<i32>} : memref<2016xi32, #tpu.memory_space<vmem>>, vector<16xi32>,
          %slice3A = vector.extract_strided_slice %get3A_425 {offsets = [0], sizes = [1], strides = [1]} : vector<16xi32> to vector<1xi32>
          %squeeze3A = vector.extract %slice3A[0] : i32 from vector<1xi32>
          %mul3A_426 = arith.constant 2 : i32
          %mul3A_427 = arith.muli %mul3A_426, %squeeze3A : i32
          %get3A_428 = arith.index_cast %mul3A_427 : i32 to index
          %get3A_429 = tpu.vector_load %arg16[%get3A_428] {strides = array<i32>} : memref<656xf32, #tpu.memory_space<vmem>>, vector<16xf32>,
          %add3A_430 = arith.addf %while3A_423, %get3A_429 : vector<16xf32>
          %get3A_431 = arith.index_cast %while3A_398 : i32 to index
          %get3A_432 = arith.constant 0 : index
          %get3A_433 = tpu.vector_load %arg18[%get3A_431, %get3A_432] {strides = array<i32>} : memref<24x256xf32, #tpu.memory_space<vmem>>, vector<16xf32>,
          %get3A_434 = arith.index_cast %squeeze3A : i32 to index
          %get3A_435 = arith.constant 0 : index
          %get3A_436 = tpu.vector_load %arg15[%get3A_434, %get3A_435] {strides = array<i32>} : memref<320x128xf32, #tpu.memory_space<vmem>>, vector<16xf32>,
          %add3A_437 = arith.addf %while3A_399, %get3A_433 : vector<16xf32>
          %mul3A_438 = arith.mulf %get3A_433, %get3A_433 : vector<16xf32>
          %add3A_439 = arith.addf %while3A_407, %mul3A_438 : vector<16xf32>
          %mul3A_440 = arith.mulf %get3A_433, %get3A_436 : vector<16xf32>
          %add3A_441 = arith.addf %while3A_415, %mul3A_440 : vector<16xf32>
          %get3A_442 = arith.index_cast %while3A_398 : i32 to index
          %get3A_443 = arith.constant 128 : index
          %get3A_444 = tpu.vector_load %arg18[%get3A_442, %get3A_443] {strides = array<i32>} : memref<24x256xf32, #tpu.memory_space<vmem>>, vector<16xf32>,
          %get3A_445 = arith.index_cast %squeeze3A : i32 to index
          %get3A_446 = arith.constant 0 : index
          %get3A_447 = tpu.vector_load %arg17[%get3A_445, %get3A_446] {strides = array<i32>} : memref<320x128xf32, #tpu.memory_space<vmem>>, vector<16xf32>,
          %max3A_448 = arith.maximumf %get3A_447, %get3A_444 : vector<16xf32>
          %swap3A_449 = arith.index_cast %squeeze3A : i32 to index
          %swap3A_450 = arith.constant 0 : index
          %swap3A_451 = tpu.vector_load %arg17[%swap3A_449, %swap3A_450] {strides = array<i32>} : memref<320x128xf32, #tpu.memory_space<vmem>>, vector<16xf32>,
          tpu.vector_store %arg17[%swap3A_449, %swap3A_450], %max3A_448 {strides = array<i32>} : memref<320x128xf32, #tpu.memory_space<vmem>>, vector<16xf32>,
          %get3A_452 = arith.index_cast %while3A_398 : i32 to index
          %get3A_453 = arith.constant 16 : index
          %get3A_454 = tpu.vector_load %arg18[%get3A_452, %get3A_453] {strides = array<i32>} : memref<24x256xf32, #tpu.memory_space<vmem>>, vector<16xf32>,
          %get3A_455 = arith.index_cast %squeeze3A : i32 to index
          %get3A_456 = arith.constant 16 : index
          %get3A_457 = tpu.vector_load %arg15[%get3A_455, %get3A_456] {strides = array<i32>} : memref<320x128xf32, #tpu.memory_space<vmem>>, vector<16xf32>,
          %add3A_458 = arith.addf %while3A_400, %get3A_454 : vector<16xf32>
          %mul3A_459 = arith.mulf %get3A_454, %get3A_454 : vector<16xf32>
          %add3A_460 = arith.addf %while3A_408, %mul3A_459 : vector<16xf32>
          %mul3A_461 = arith.mulf %get3A_454, %get3A_457 : vector<16xf32>
          %add3A_462 = arith.addf %while3A_416, %mul3A_461 : vector<16xf32>
          %get3A_463 = arith.index_cast %while3A_398 : i32 to index
          %get3A_464 = arith.constant 144 : index
          %get3A_465 = tpu.vector_load %arg18[%get3A_463, %get3A_464] {strides = array<i32>} : memref<24x256xf32, #tpu.memory_space<vmem>>, vector<16xf32>,
          %get3A_466 = arith.index_cast %squeeze3A : i32 to index
          %get3A_467 = arith.constant 16 : index
          %get3A_468 = tpu.vector_load %arg17[%get3A_466, %get3A_467] {strides = array<i32>} : memref<320x128xf32, #tpu.memory_space<vmem>>, vector<16xf32>,
          %max3A_469 = arith.maximumf %get3A_468, %get3A_465 : vector<16xf32>
          %swap3A_470 = arith.index_cast %squeeze3A : i32 to index
          %swap3A_471 = arith.constant 16 : index
          %swap3A_472 = tpu.vector_load %arg17[%swap3A_470, %swap3A_471] {strides = array<i32>} : memref<320x128xf32, #tpu.memory_space<vmem>>, vector<16xf32>,
          tpu.vector_store %arg17[%swap3A_470, %swap3A_471], %max3A_469 {strides = array<i32>} : memref<320x128xf32, #tpu.memory_space<vmem>>, vector<16xf32>,
          %get3A_473 = arith.index_cast %while3A_398 : i32 to index
          %get3A_474 = arith.constant 32 : index
          %get3A_475 = tpu.vector_load %arg18[%get3A_473, %get3A_474] {strides = array<i32>} : memref<24x256xf32, #tpu.memory_space<vmem>>, vector<16xf32>,
          %get3A_476 = arith.index_cast %squeeze3A : i32 to index
          %get3A_477 = arith.constant 32 : index
          %get3A_478 = tpu.vector_load %arg15[%get3A_476, %get3A_477] {strides = array<i32>} : memref<320x128xf32, #tpu.memory_space<vmem>>, vector<16xf32>,
          %add3A_479 = arith.addf %while3A_401, %get3A_475 : vector<16xf32>
          %mul3A_480 = arith.mulf %get3A_475, %get3A_475 : vector<16xf32>
          %add3A_481 = arith.addf %while3A_409, %mul3A_480 : vector<16xf32>
          %mul3A_482 = arith.mulf %get3A_475, %get3A_478 : vector<16xf32>
          %add3A_483 = arith.addf %while3A_417, %mul3A_482 : vector<16xf32>
          %get3A_484 = arith.index_cast %while3A_398 : i32 to index
          %get3A_485 = arith.constant 160 : index
          %get3A_486 = tpu.vector_load %arg18[%get3A_484, %get3A_485] {strides = array<i32>} : memref<24x256xf32, #tpu.memory_space<vmem>>, vector<16xf32>,
          %get3A_487 = arith.index_cast %squeeze3A : i32 to index
          %get3A_488 = arith.constant 32 : index
          %get3A_489 = tpu.vector_load %arg17[%get3A_487, %get3A_488] {strides = array<i32>} : memref<320x128xf32, #tpu.memory_space<vmem>>, vector<16xf32>,
          %max3A_490 = arith.maximumf %get3A_489, %get3A_486 : vector<16xf32>
          %swap3A_491 = arith.index_cast %squeeze3A : i32 to index
          %swap3A_492 = arith.constant 32 : index
          %swap3A_493 = tpu.vector_load %arg17[%swap3A_491, %swap3A_492] {strides = array<i32>} : memref<320x128xf32, #tpu.memory_space<vmem>>, vector<16xf32>,
          tpu.vector_store %arg17[%swap3A_491, %swap3A_492], %max3A_490 {strides = array<i32>} : memref<320x128xf32, #tpu.memory_space<vmem>>, vector<16xf32>,
          %get3A_494 = arith.index_cast %while3A_398 : i32 to index
          %get3A_495 = arith.constant 48 : index
          %get3A_496 = tpu.vector_load %arg18[%get3A_494, %get3A_495] {strides = array<i32>} : memref<24x256xf32, #tpu.memory_space<vmem>>, vector<16xf32>,
          %get3A_497 = arith.index_cast %squeeze3A : i32 to index
          %get3A_498 = arith.constant 48 : index
          %get3A_499 = tpu.vector_load %arg15[%get3A_497, %get3A_498] {strides = array<i32>} : memref<320x128xf32, #tpu.memory_space<vmem>>, vector<16xf32>,
          %add3A_500 = arith.addf %while3A_402, %get3A_496 : vector<16xf32>
          %mul3A_501 = arith.mulf %get3A_496, %get3A_496 : vector<16xf32>
          %add3A_502 = arith.addf %while3A_410, %mul3A_501 : vector<16xf32>
          %mul3A_503 = arith.mulf %get3A_496, %get3A_499 : vector<16xf32>
          %add3A_504 = arith.addf %while3A_418, %mul3A_503 : vector<16xf32>
          %get3A_505 = arith.index_cast %while3A_398 : i32 to index
          %get3A_506 = arith.constant 176 : index
          %get3A_507 = tpu.vector_load %arg18[%get3A_505, %get3A_506] {strides = array<i32>} : memref<24x256xf32, #tpu.memory_space<vmem>>, vector<16xf32>,
          %get3A_508 = arith.index_cast %squeeze3A : i32 to index
          %get3A_509 = arith.constant 48 : index
          %get3A_510 = tpu.vector_load %arg17[%get3A_508, %get3A_509] {strides = array<i32>} : memref<320x128xf32, #tpu.memory_space<vmem>>, vector<16xf32>,
          %max3A_511 = arith.maximumf %get3A_510, %get3A_507 : vector<16xf32>
          %swap3A_512 = arith.index_cast %squeeze3A : i32 to index
          %swap3A_513 = arith.constant 48 : index
          %swap3A_514 = tpu.vector_load %arg17[%swap3A_512, %swap3A_513] {strides = array<i32>} : memref<320x128xf32, #tpu.memory_space<vmem>>, vector<16xf32>,
          tpu.vector_store %arg17[%swap3A_512, %swap3A_513], %max3A_511 {strides = array<i32>} : memref<320x128xf32, #tpu.memory_space<vmem>>, vector<16xf32>,
          %get3A_515 = arith.index_cast %while3A_398 : i32 to index
          %get3A_516 = arith.constant 64 : index
          %get3A_517 = tpu.vector_load %arg18[%get3A_515, %get3A_516] {strides = array<i32>} : memref<24x256xf32, #tpu.memory_space<vmem>>, vector<16xf32>,
          %get3A_518 = arith.index_cast %squeeze3A : i32 to index
          %get3A_519 = arith.constant 64 : index
          %get3A_520 = tpu.vector_load %arg15[%get3A_518, %get3A_519] {strides = array<i32>} : memref<320x128xf32, #tpu.memory_space<vmem>>, vector<16xf32>,
          %add3A_521 = arith.addf %while3A_403, %get3A_517 : vector<16xf32>
          %mul3A_522 = arith.mulf %get3A_517, %get3A_517 : vector<16xf32>
          %add3A_523 = arith.addf %while3A_411, %mul3A_522 : vector<16xf32>
          %mul3A_524 = arith.mulf %get3A_517, %get3A_520 : vector<16xf32>
          %add3A_525 = arith.addf %while3A_419, %mul3A_524 : vector<16xf32>
          %get3A_526 = arith.index_cast %while3A_398 : i32 to index
          %get3A_527 = arith.constant 192 : index
          %get3A_528 = tpu.vector_load %arg18[%get3A_526, %get3A_527] {strides = array<i32>} : memref<24x256xf32, #tpu.memory_space<vmem>>, vector<16xf32>,
          %get3A_529 = arith.index_cast %squeeze3A : i32 to index
          %get3A_530 = arith.constant 64 : index
          %get3A_531 = tpu.vector_load %arg17[%get3A_529, %get3A_530] {strides = array<i32>} : memref<320x128xf32, #tpu.memory_space<vmem>>, vector<16xf32>,
          %max3A_532 = arith.maximumf %get3A_531, %get3A_528 : vector<16xf32>
          %swap3A_533 = arith.index_cast %squeeze3A : i32 to index
          %swap3A_534 = arith.constant 64 : index
          %swap3A_535 = tpu.vector_load %arg17[%swap3A_533, %swap3A_534] {strides = array<i32>} : memref<320x128xf32, #tpu.memory_space<vmem>>, vector<16xf32>,
          tpu.vector_store %arg17[%swap3A_533, %swap3A_534], %max3A_532 {strides = array<i32>} : memref<320x128xf32, #tpu.memory_space<vmem>>, vector<16xf32>,
          %get3A_536 = arith.index_cast %while3A_398 : i32 to index
          %get3A_537 = arith.constant 80 : index
          %get3A_538 = tpu.vector_load %arg18[%get3A_536, %get3A_537] {strides = array<i32>} : memref<24x256xf32, #tpu.memory_space<vmem>>, vector<16xf32>,
          %get3A_539 = arith.index_cast %squeeze3A : i32 to index
          %get3A_540 = arith.constant 80 : index
          %get3A_541 = tpu.vector_load %arg15[%get3A_539, %get3A_540] {strides = array<i32>} : memref<320x128xf32, #tpu.memory_space<vmem>>, vector<16xf32>,
          %add3A_542 = arith.addf %while3A_404, %get3A_538 : vector<16xf32>
          %mul3A_543 = arith.mulf %get3A_538, %get3A_538 : vector<16xf32>
          %add3A_544 = arith.addf %while3A_412, %mul3A_543 : vector<16xf32>
          %mul3A_545 = arith.mulf %get3A_538, %get3A_541 : vector<16xf32>
          %add3A_546 = arith.addf %while3A_420, %mul3A_545 : vector<16xf32>
          %get3A_547 = arith.index_cast %while3A_398 : i32 to index
          %get3A_548 = arith.constant 208 : index
          %get3A_549 = tpu.vector_load %arg18[%get3A_547, %get3A_548] {strides = array<i32>} : memref<24x256xf32, #tpu.memory_space<vmem>>, vector<16xf32>,
          %get3A_550 = arith.index_cast %squeeze3A : i32 to index
          %get3A_551 = arith.constant 80 : index
          %get3A_552 = tpu.vector_load %arg17[%get3A_550, %get3A_551] {strides = array<i32>} : memref<320x128xf32, #tpu.memory_space<vmem>>, vector<16xf32>,
          %max3A_553 = arith.maximumf %get3A_552, %get3A_549 : vector<16xf32>
          %swap3A_554 = arith.index_cast %squeeze3A : i32 to index
          %swap3A_555 = arith.constant 80 : index
          %swap3A_556 = tpu.vector_load %arg17[%swap3A_554, %swap3A_555] {strides = array<i32>} : memref<320x128xf32, #tpu.memory_space<vmem>>, vector<16xf32>,
          tpu.vector_store %arg17[%swap3A_554, %swap3A_555], %max3A_553 {strides = array<i32>} : memref<320x128xf32, #tpu.memory_space<vmem>>, vector<16xf32>,
          %get3A_557 = arith.index_cast %while3A_398 : i32 to index
          %get3A_558 = arith.constant 96 : index
          %get3A_559 = tpu.vector_load %arg18[%get3A_557, %get3A_558] {strides = array<i32>} : memref<24x256xf32, #tpu.memory_space<vmem>>, vector<16xf32>,
          %get3A_560 = arith.index_cast %squeeze3A : i32 to index
          %get3A_561 = arith.constant 96 : index
          %get3A_562 = tpu.vector_load %arg15[%get3A_560, %get3A_561] {strides = array<i32>} : memref<320x128xf32, #tpu.memory_space<vmem>>, vector<16xf32>,
          %add3A_563 = arith.addf %while3A_405, %get3A_559 : vector<16xf32>
          %mul3A_564 = arith.mulf %get3A_559, %get3A_559 : vector<16xf32>
          %add3A_565 = arith.addf %while3A_413, %mul3A_564 : vector<16xf32>
          %mul3A_566 = arith.mulf %get3A_559, %get3A_562 : vector<16xf32>
          %add3A_567 = arith.addf %while3A_421, %mul3A_566 : vector<16xf32>
          %get3A_568 = arith.index_cast %while3A_398 : i32 to index
          %get3A_569 = arith.constant 224 : index
          %get3A_570 = tpu.vector_load %arg18[%get3A_568, %get3A_569] {strides = array<i32>} : memref<24x256xf32, #tpu.memory_space<vmem>>, vector<16xf32>,
          %get3A_571 = arith.index_cast %squeeze3A : i32 to index
          %get3A_572 = arith.constant 96 : index
          %get3A_573 = tpu.vector_load %arg17[%get3A_571, %get3A_572] {strides = array<i32>} : memref<320x128xf32, #tpu.memory_space<vmem>>, vector<16xf32>,
          %max3A_574 = arith.maximumf %get3A_573, %get3A_570 : vector<16xf32>
          %swap3A_575 = arith.index_cast %squeeze3A : i32 to index
          %swap3A_576 = arith.constant 96 : index
          %swap3A_577 = tpu.vector_load %arg17[%swap3A_575, %swap3A_576] {strides = array<i32>} : memref<320x128xf32, #tpu.memory_space<vmem>>, vector<16xf32>,
          tpu.vector_store %arg17[%swap3A_575, %swap3A_576], %max3A_574 {strides = array<i32>} : memref<320x128xf32, #tpu.memory_space<vmem>>, vector<16xf32>,
          %get3A_578 = arith.index_cast %while3A_398 : i32 to index
          %get3A_579 = arith.constant 112 : index
          %get3A_580 = tpu.vector_load %arg18[%get3A_578, %get3A_579] {strides = array<i32>} : memref<24x256xf32, #tpu.memory_space<vmem>>, vector<16xf32>,
          %get3A_581 = arith.index_cast %squeeze3A : i32 to index
          %get3A_582 = arith.constant 112 : index
          %get3A_583 = tpu.vector_load %arg15[%get3A_581, %get3A_582] {strides = array<i32>} : memref<320x128xf32, #tpu.memory_space<vmem>>, vector<16xf32>,
          %add3A_584 = arith.addf %while3A_406, %get3A_580 : vector<16xf32>
          %mul3A_585 = arith.mulf %get3A_580, %get3A_580 : vector<16xf32>
          %add3A_586 = arith.addf %while3A_414, %mul3A_585 : vector<16xf32>
          %mul3A_587 = arith.mulf %get3A_580, %get3A_583 : vector<16xf32>
          %add3A_588 = arith.addf %while3A_422, %mul3A_587 : vector<16xf32>
          %get3A_589 = arith.index_cast %while3A_398 : i32 to index
          %get3A_590 = arith.constant 240 : index
          %get3A_591 = tpu.vector_load %arg18[%get3A_589, %get3A_590] {strides = array<i32>} : memref<24x256xf32, #tpu.memory_space<vmem>>, vector<16xf32>,
          %get3A_592 = arith.index_cast %squeeze3A : i32 to index
          %get3A_593 = arith.constant 112 : index
          %get3A_594 = tpu.vector_load %arg17[%get3A_592, %get3A_593] {strides = array<i32>} : memref<320x128xf32, #tpu.memory_space<vmem>>, vector<16xf32>,
          %max3A_595 = arith.maximumf %get3A_594, %get3A_591 : vector<16xf32>
          %swap3A_596 = arith.index_cast %squeeze3A : i32 to index
          %swap3A_597 = arith.constant 112 : index
          %swap3A_598 = tpu.vector_load %arg17[%swap3A_596, %swap3A_597] {strides = array<i32>} : memref<320x128xf32, #tpu.memory_space<vmem>>, vector<16xf32>,
          tpu.vector_store %arg17[%swap3A_596, %swap3A_597], %max3A_595 {strides = array<i32>} : memref<320x128xf32, #tpu.memory_space<vmem>>, vector<16xf32>,
          scf.yield %add3A_437, %add3A_458, %add3A_479, %add3A_500, %add3A_521, %add3A_542, %add3A_563, %add3A_584, %add3A_439, %add3A_460, %add3A_481, %add3A_502, %add3A_523, %add3A_544, %add3A_565, %add3A_586, %add3A_441, %add3A_462, %add3A_483, %add3A_504, %add3A_525, %add3A_546, %add3A_567, %add3A_588, %add3A_430 : vector<16xf32>, vector<16xf32>, vector<16xf32>, vector<16xf32>, vector<16xf32>, vector<16xf32>, vector<16xf32>, vector<16xf32>, vector<16xf32>, vector<16xf32>, vector<16xf32>, vector<16xf32>, vector<16xf32>, vector<16xf32>, vector<16xf32>, vector<16xf32>, vector<16xf32>, vector<16xf32>, vector<16xf32>, vector<16xf32>, vector<16xf32>, vector<16xf32>, vector<16xf32>, vector<16xf32>, vector<16xf32>
        }
        %while3A_364 = arith.constant 1 : i32
        %while3A_365:25 = scf.for %while3A_398 = %while3A_361 to %while3A_357 step %while3A_364 iter_args(%while3A_399 = %while3A_363#0, %while3A_400 = %while3A_363#1, %while3A_401 = %while3A_363#2, %while3A_402 = %while3A_363#3, %while3A_403 = %while3A_363#4, %while3A_404 = %while3A_363#5, %while3A_405 = %while3A_363#6, %while3A_406 = %while3A_363#7, %while3A_407 = %while3A_363#8, %while3A_408 = %while3A_363#9, %while3A_409 = %while3A_363#10, %while3A_410 = %while3A_363#11, %while3A_411 = %while3A_363#12, %while3A_412 = %while3A_363#13, %while3A_413 = %while3A_363#14, %while3A_414 = %while3A_363#15, %while3A_415 = %while3A_363#16, %while3A_416 = %while3A_363#17, %while3A_417 = %while3A_363#18, %while3A_418 = %while3A_363#19, %while3A_419 = %while3A_363#20, %while3A_420 = %while3A_363#21, %while3A_421 = %while3A_363#22, %while3A_422 = %while3A_363#23, %while3A_423 = %while3A_363#24) -> (vector<16xf32>, vector<16xf32>, vector<16xf32>, vector<16xf32>, vector<16xf32>, vector<16xf32>, vector<16xf32>, vector<16xf32>, vector<16xf32>, vector<16xf32>, vector<16xf32>, vector<16xf32>, vector<16xf32>, vector<16xf32>, vector<16xf32>, vector<16xf32>, vector<16xf32>, vector<16xf32>, vector<16xf32>, vector<16xf32>, vector<16xf32>, vector<16xf32>, vector<16xf32>, vector<16xf32>, vector<16xf32>)  : i32 {
          %add3A_424 = arith.addi %mul3A_341, %while3A_398 : i32
          %get3A = arith.index_cast %add3A_424 : i32 to index
          %get3A_425 = tpu.vector_load %arg14[%get3A] {strides = array<i32>} : memref<2016xi32, #tpu.memory_space<vmem>>, vector<16xi32>,
          %slice3A = vector.extract_strided_slice %get3A_425 {offsets = [0], sizes = [1], strides = [1]} : vector<16xi32> to vector<1xi32>
          %squeeze3A = vector.extract %slice3A[0] : i32 from vector<1xi32>
          %mul3A_426 = arith.constant 2 : i32
          %mul3A_427 = arith.muli %mul3A_426, %squeeze3A : i32
          %get3A_428 = arith.index_cast %mul3A_427 : i32 to index
          %get3A_429 = tpu.vector_load %arg16[%get3A_428] {strides = array<i32>} : memref<656xf32, #tpu.memory_space<vmem>>, vector<16xf32>,
          %add3A_430 = arith.addf %while3A_423, %get3A_429 : vector<16xf32>
          %get3A_431 = arith.index_cast %while3A_398 : i32 to index
          %get3A_432 = arith.constant 0 : index
          %get3A_433 = tpu.vector_load %arg18[%get3A_431, %get3A_432] {strides = array<i32>} : memref<24x256xf32, #tpu.memory_space<vmem>>, vector<16xf32>,
          %get3A_434 = arith.index_cast %squeeze3A : i32 to index
          %get3A_435 = arith.constant 0 : index
          %get3A_436 = tpu.vector_load %arg15[%get3A_434, %get3A_435] {strides = array<i32>} : memref<320x128xf32, #tpu.memory_space<vmem>>, vector<16xf32>,
          %add3A_437 = arith.addf %while3A_399, %get3A_433 : vector<16xf32>
          %mul3A_438 = arith.mulf %get3A_433, %get3A_433 : vector<16xf32>
          %add3A_439 = arith.addf %while3A_407, %mul3A_438 : vector<16xf32>
          %mul3A_440 = arith.mulf %get3A_433, %get3A_436 : vector<16xf32>
          %add3A_441 = arith.addf %while3A_415, %mul3A_440 : vector<16xf32>
          %get3A_442 = arith.index_cast %while3A_398 : i32 to index
          %get3A_443 = arith.constant 128 : index
          %get3A_444 = tpu.vector_load %arg18[%get3A_442, %get3A_443] {strides = array<i32>} : memref<24x256xf32, #tpu.memory_space<vmem>>, vector<16xf32>,
          %get3A_445 = arith.index_cast %squeeze3A : i32 to index
          %get3A_446 = arith.constant 0 : index
          %get3A_447 = tpu.vector_load %arg17[%get3A_445, %get3A_446] {strides = array<i32>} : memref<320x128xf32, #tpu.memory_space<vmem>>, vector<16xf32>,
          %max3A_448 = arith.maximumf %get3A_447, %get3A_444 : vector<16xf32>
          %swap3A_449 = arith.index_cast %squeeze3A : i32 to index
          %swap3A_450 = arith.constant 0 : index
          %swap3A_451 = tpu.vector_load %arg17[%swap3A_449, %swap3A_450] {strides = array<i32>} : memref<320x128xf32, #tpu.memory_space<vmem>>, vector<16xf32>,
          tpu.vector_store %arg17[%swap3A_449, %swap3A_450], %max3A_448 {strides = array<i32>} : memref<320x128xf32, #tpu.memory_space<vmem>>, vector<16xf32>,
          %get3A_452 = arith.index_cast %while3A_398 : i32 to index
          %get3A_453 = arith.constant 16 : index
          %get3A_454 = tpu.vector_load %arg18[%get3A_452, %get3A_453] {strides = array<i32>} : memref<24x256xf32, #tpu.memory_space<vmem>>, vector<16xf32>,
          %get3A_455 = arith.index_cast %squeeze3A : i32 to index
          %get3A_456 = arith.constant 16 : index
          %get3A_457 = tpu.vector_load %arg15[%get3A_455, %get3A_456] {strides = array<i32>} : memref<320x128xf32, #tpu.memory_space<vmem>>, vector<16xf32>,
          %add3A_458 = arith.addf %while3A_400, %get3A_454 : vector<16xf32>
          %mul3A_459 = arith.mulf %get3A_454, %get3A_454 : vector<16xf32>
          %add3A_460 = arith.addf %while3A_408, %mul3A_459 : vector<16xf32>
          %mul3A_461 = arith.mulf %get3A_454, %get3A_457 : vector<16xf32>
          %add3A_462 = arith.addf %while3A_416, %mul3A_461 : vector<16xf32>
          %get3A_463 = arith.index_cast %while3A_398 : i32 to index
          %get3A_464 = arith.constant 144 : index
          %get3A_465 = tpu.vector_load %arg18[%get3A_463, %get3A_464] {strides = array<i32>} : memref<24x256xf32, #tpu.memory_space<vmem>>, vector<16xf32>,
          %get3A_466 = arith.index_cast %squeeze3A : i32 to index
          %get3A_467 = arith.constant 16 : index
          %get3A_468 = tpu.vector_load %arg17[%get3A_466, %get3A_467] {strides = array<i32>} : memref<320x128xf32, #tpu.memory_space<vmem>>, vector<16xf32>,
          %max3A_469 = arith.maximumf %get3A_468, %get3A_465 : vector<16xf32>
          %swap3A_470 = arith.index_cast %squeeze3A : i32 to index
          %swap3A_471 = arith.constant 16 : index
          %swap3A_472 = tpu.vector_load %arg17[%swap3A_470, %swap3A_471] {strides = array<i32>} : memref<320x128xf32, #tpu.memory_space<vmem>>, vector<16xf32>,
          tpu.vector_store %arg17[%swap3A_470, %swap3A_471], %max3A_469 {strides = array<i32>} : memref<320x128xf32, #tpu.memory_space<vmem>>, vector<16xf32>,
          %get3A_473 = arith.index_cast %while3A_398 : i32 to index
          %get3A_474 = arith.constant 32 : index
          %get3A_475 = tpu.vector_load %arg18[%get3A_473, %get3A_474] {strides = array<i32>} : memref<24x256xf32, #tpu.memory_space<vmem>>, vector<16xf32>,
          %get3A_476 = arith.index_cast %squeeze3A : i32 to index
          %get3A_477 = arith.constant 32 : index
          %get3A_478 = tpu.vector_load %arg15[%get3A_476, %get3A_477] {strides = array<i32>} : memref<320x128xf32, #tpu.memory_space<vmem>>, vector<16xf32>,
          %add3A_479 = arith.addf %while3A_401, %get3A_475 : vector<16xf32>
          %mul3A_480 = arith.mulf %get3A_475, %get3A_475 : vector<16xf32>
          %add3A_481 = arith.addf %while3A_409, %mul3A_480 : vector<16xf32>
          %mul3A_482 = arith.mulf %get3A_475, %get3A_478 : vector<16xf32>
          %add3A_483 = arith.addf %while3A_417, %mul3A_482 : vector<16xf32>
          %get3A_484 = arith.index_cast %while3A_398 : i32 to index
          %get3A_485 = arith.constant 160 : index
          %get3A_486 = tpu.vector_load %arg18[%get3A_484, %get3A_485] {strides = array<i32>} : memref<24x256xf32, #tpu.memory_space<vmem>>, vector<16xf32>,
          %get3A_487 = arith.index_cast %squeeze3A : i32 to index
          %get3A_488 = arith.constant 32 : index
          %get3A_489 = tpu.vector_load %arg17[%get3A_487, %get3A_488] {strides = array<i32>} : memref<320x128xf32, #tpu.memory_space<vmem>>, vector<16xf32>,
          %max3A_490 = arith.maximumf %get3A_489, %get3A_486 : vector<16xf32>
          %swap3A_491 = arith.index_cast %squeeze3A : i32 to index
          %swap3A_492 = arith.constant 32 : index
          %swap3A_493 = tpu.vector_load %arg17[%swap3A_491, %swap3A_492] {strides = array<i32>} : memref<320x128xf32, #tpu.memory_space<vmem>>, vector<16xf32>,
          tpu.vector_store %arg17[%swap3A_491, %swap3A_492], %max3A_490 {strides = array<i32>} : memref<320x128xf32, #tpu.memory_space<vmem>>, vector<16xf32>,
          %get3A_494 = arith.index_cast %while3A_398 : i32 to index
          %get3A_495 = arith.constant 48 : index
          %get3A_496 = tpu.vector_load %arg18[%get3A_494, %get3A_495] {strides = array<i32>} : memref<24x256xf32, #tpu.memory_space<vmem>>, vector<16xf32>,
          %get3A_497 = arith.index_cast %squeeze3A : i32 to index
          %get3A_498 = arith.constant 48 : index
          %get3A_499 = tpu.vector_load %arg15[%get3A_497, %get3A_498] {strides = array<i32>} : memref<320x128xf32, #tpu.memory_space<vmem>>, vector<16xf32>,
          %add3A_500 = arith.addf %while3A_402, %get3A_496 : vector<16xf32>
          %mul3A_501 = arith.mulf %get3A_496, %get3A_496 : vector<16xf32>
          %add3A_502 = arith.addf %while3A_410, %mul3A_501 : vector<16xf32>
          %mul3A_503 = arith.mulf %get3A_496, %get3A_499 : vector<16xf32>
          %add3A_504 = arith.addf %while3A_418, %mul3A_503 : vector<16xf32>
          %get3A_505 = arith.index_cast %while3A_398 : i32 to index
          %get3A_506 = arith.constant 176 : index
          %get3A_507 = tpu.vector_load %arg18[%get3A_505, %get3A_506] {strides = array<i32>} : memref<24x256xf32, #tpu.memory_space<vmem>>, vector<16xf32>,
          %get3A_508 = arith.index_cast %squeeze3A : i32 to index
          %get3A_509 = arith.constant 48 : index
          %get3A_510 = tpu.vector_load %arg17[%get3A_508, %get3A_509] {strides = array<i32>} : memref<320x128xf32, #tpu.memory_space<vmem>>, vector<16xf32>,
          %max3A_511 = arith.maximumf %get3A_510, %get3A_507 : vector<16xf32>
          %swap3A_512 = arith.index_cast %squeeze3A : i32 to index
          %swap3A_513 = arith.constant 48 : index
          %swap3A_514 = tpu.vector_load %arg17[%swap3A_512, %swap3A_513] {strides = array<i32>} : memref<320x128xf32, #tpu.memory_space<vmem>>, vector<16xf32>,
          tpu.vector_store %arg17[%swap3A_512, %swap3A_513], %max3A_511 {strides = array<i32>} : memref<320x128xf32, #tpu.memory_space<vmem>>, vector<16xf32>,
          %get3A_515 = arith.index_cast %while3A_398 : i32 to index
          %get3A_516 = arith.constant 64 : index
          %get3A_517 = tpu.vector_load %arg18[%get3A_515, %get3A_516] {strides = array<i32>} : memref<24x256xf32, #tpu.memory_space<vmem>>, vector<16xf32>,
          %get3A_518 = arith.index_cast %squeeze3A : i32 to index
          %get3A_519 = arith.constant 64 : index
          %get3A_520 = tpu.vector_load %arg15[%get3A_518, %get3A_519] {strides = array<i32>} : memref<320x128xf32, #tpu.memory_space<vmem>>, vector<16xf32>,
          %add3A_521 = arith.addf %while3A_403, %get3A_517 : vector<16xf32>
          %mul3A_522 = arith.mulf %get3A_517, %get3A_517 : vector<16xf32>
          %add3A_523 = arith.addf %while3A_411, %mul3A_522 : vector<16xf32>
          %mul3A_524 = arith.mulf %get3A_517, %get3A_520 : vector<16xf32>
          %add3A_525 = arith.addf %while3A_419, %mul3A_524 : vector<16xf32>
          %get3A_526 = arith.index_cast %while3A_398 : i32 to index
          %get3A_527 = arith.constant 192 : index
          %get3A_528 = tpu.vector_load %arg18[%get3A_526, %get3A_527] {strides = array<i32>} : memref<24x256xf32, #tpu.memory_space<vmem>>, vector<16xf32>,
          %get3A_529 = arith.index_cast %squeeze3A : i32 to index
          %get3A_530 = arith.constant 64 : index
          %get3A_531 = tpu.vector_load %arg17[%get3A_529, %get3A_530] {strides = array<i32>} : memref<320x128xf32, #tpu.memory_space<vmem>>, vector<16xf32>,
          %max3A_532 = arith.maximumf %get3A_531, %get3A_528 : vector<16xf32>
          %swap3A_533 = arith.index_cast %squeeze3A : i32 to index
          %swap3A_534 = arith.constant 64 : index
          %swap3A_535 = tpu.vector_load %arg17[%swap3A_533, %swap3A_534] {strides = array<i32>} : memref<320x128xf32, #tpu.memory_space<vmem>>, vector<16xf32>,
          tpu.vector_store %arg17[%swap3A_533, %swap3A_534], %max3A_532 {strides = array<i32>} : memref<320x128xf32, #tpu.memory_space<vmem>>, vector<16xf32>,
          %get3A_536 = arith.index_cast %while3A_398 : i32 to index
          %get3A_537 = arith.constant 80 : index
          %get3A_538 = tpu.vector_load %arg18[%get3A_536, %get3A_537] {strides = array<i32>} : memref<24x256xf32, #tpu.memory_space<vmem>>, vector<16xf32>,
          %get3A_539 = arith.index_cast %squeeze3A : i32 to index
          %get3A_540 = arith.constant 80 : index
          %get3A_541 = tpu.vector_load %arg15[%get3A_539, %get3A_540] {strides = array<i32>} : memref<320x128xf32, #tpu.memory_space<vmem>>, vector<16xf32>,
          %add3A_542 = arith.addf %while3A_404, %get3A_538 : vector<16xf32>
          %mul3A_543 = arith.mulf %get3A_538, %get3A_538 : vector<16xf32>
          %add3A_544 = arith.addf %while3A_412, %mul3A_543 : vector<16xf32>
          %mul3A_545 = arith.mulf %get3A_538, %get3A_541 : vector<16xf32>
          %add3A_546 = arith.addf %while3A_420, %mul3A_545 : vector<16xf32>
          %get3A_547 = arith.index_cast %while3A_398 : i32 to index
          %get3A_548 = arith.constant 208 : index
          %get3A_549 = tpu.vector_load %arg18[%get3A_547, %get3A_548] {strides = array<i32>} : memref<24x256xf32, #tpu.memory_space<vmem>>, vector<16xf32>,
          %get3A_550 = arith.index_cast %squeeze3A : i32 to index
          %get3A_551 = arith.constant 80 : index
          %get3A_552 = tpu.vector_load %arg17[%get3A_550, %get3A_551] {strides = array<i32>} : memref<320x128xf32, #tpu.memory_space<vmem>>, vector<16xf32>,
          %max3A_553 = arith.maximumf %get3A_552, %get3A_549 : vector<16xf32>
          %swap3A_554 = arith.index_cast %squeeze3A : i32 to index
          %swap3A_555 = arith.constant 80 : index
          %swap3A_556 = tpu.vector_load %arg17[%swap3A_554, %swap3A_555] {strides = array<i32>} : memref<320x128xf32, #tpu.memory_space<vmem>>, vector<16xf32>,
          tpu.vector_store %arg17[%swap3A_554, %swap3A_555], %max3A_553 {strides = array<i32>} : memref<320x128xf32, #tpu.memory_space<vmem>>, vector<16xf32>,
          %get3A_557 = arith.index_cast %while3A_398 : i32 to index
          %get3A_558 = arith.constant 96 : index
          %get3A_559 = tpu.vector_load %arg18[%get3A_557, %get3A_558] {strides = array<i32>} : memref<24x256xf32, #tpu.memory_space<vmem>>, vector<16xf32>,
          %get3A_560 = arith.index_cast %squeeze3A : i32 to index
          %get3A_561 = arith.constant 96 : index
          %get3A_562 = tpu.vector_load %arg15[%get3A_560, %get3A_561] {strides = array<i32>} : memref<320x128xf32, #tpu.memory_space<vmem>>, vector<16xf32>,
          %add3A_563 = arith.addf %while3A_405, %get3A_559 : vector<16xf32>
          %mul3A_564 = arith.mulf %get3A_559, %get3A_559 : vector<16xf32>
          %add3A_565 = arith.addf %while3A_413, %mul3A_564 : vector<16xf32>
          %mul3A_566 = arith.mulf %get3A_559, %get3A_562 : vector<16xf32>
          %add3A_567 = arith.addf %while3A_421, %mul3A_566 : vector<16xf32>
          %get3A_568 = arith.index_cast %while3A_398 : i32 to index
          %get3A_569 = arith.constant 224 : index
          %get3A_570 = tpu.vector_load %arg18[%get3A_568, %get3A_569] {strides = array<i32>} : memref<24x256xf32, #tpu.memory_space<vmem>>, vector<16xf32>,
          %get3A_571 = arith.index_cast %squeeze3A : i32 to index
          %get3A_572 = arith.constant 96 : index
          %get3A_573 = tpu.vector_load %arg17[%get3A_571, %get3A_572] {strides = array<i32>} : memref<320x128xf32, #tpu.memory_space<vmem>>, vector<16xf32>,
          %max3A_574 = arith.maximumf %get3A_573, %get3A_570 : vector<16xf32>
          %swap3A_575 = arith.index_cast %squeeze3A : i32 to index
          %swap3A_576 = arith.constant 96 : index
          %swap3A_577 = tpu.vector_load %arg17[%swap3A_575, %swap3A_576] {strides = array<i32>} : memref<320x128xf32, #tpu.memory_space<vmem>>, vector<16xf32>,
          tpu.vector_store %arg17[%swap3A_575, %swap3A_576], %max3A_574 {strides = array<i32>} : memref<320x128xf32, #tpu.memory_space<vmem>>, vector<16xf32>,
          %get3A_578 = arith.index_cast %while3A_398 : i32 to index
          %get3A_579 = arith.constant 112 : index
          %get3A_580 = tpu.vector_load %arg18[%get3A_578, %get3A_579] {strides = array<i32>} : memref<24x256xf32, #tpu.memory_space<vmem>>, vector<16xf32>,
          %get3A_581 = arith.index_cast %squeeze3A : i32 to index
          %get3A_582 = arith.constant 112 : index
          %get3A_583 = tpu.vector_load %arg15[%get3A_581, %get3A_582] {strides = array<i32>} : memref<320x128xf32, #tpu.memory_space<vmem>>, vector<16xf32>,
          %add3A_584 = arith.addf %while3A_406, %get3A_580 : vector<16xf32>
          %mul3A_585 = arith.mulf %get3A_580, %get3A_580 : vector<16xf32>
          %add3A_586 = arith.addf %while3A_414, %mul3A_585 : vector<16xf32>
          %mul3A_587 = arith.mulf %get3A_580, %get3A_583 : vector<16xf32>
          %add3A_588 = arith.addf %while3A_422, %mul3A_587 : vector<16xf32>
          %get3A_589 = arith.index_cast %while3A_398 : i32 to index
          %get3A_590 = arith.constant 240 : index
          %get3A_591 = tpu.vector_load %arg18[%get3A_589, %get3A_590] {strides = array<i32>} : memref<24x256xf32, #tpu.memory_space<vmem>>, vector<16xf32>,
          %get3A_592 = arith.index_cast %squeeze3A : i32 to index
          %get3A_593 = arith.constant 112 : index
          %get3A_594 = tpu.vector_load %arg17[%get3A_592, %get3A_593] {strides = array<i32>} : memref<320x128xf32, #tpu.memory_space<vmem>>, vector<16xf32>,
          %max3A_595 = arith.maximumf %get3A_594, %get3A_591 : vector<16xf32>
          %swap3A_596 = arith.index_cast %squeeze3A : i32 to index
          %swap3A_597 = arith.constant 112 : index
          %swap3A_598 = tpu.vector_load %arg17[%swap3A_596, %swap3A_597] {strides = array<i32>} : memref<320x128xf32, #tpu.memory_space<vmem>>, vector<16xf32>,
          tpu.vector_store %arg17[%swap3A_596, %swap3A_597], %max3A_595 {strides = array<i32>} : memref<320x128xf32, #tpu.memory_space<vmem>>, vector<16xf32>,
          scf.yield %add3A_437, %add3A_458, %add3A_479, %add3A_500, %add3A_521, %add3A_542, %add3A_563, %add3A_584, %add3A_439, %add3A_460, %add3A_481, %add3A_502, %add3A_523, %add3A_544, %add3A_565, %add3A_586, %add3A_441, %add3A_462, %add3A_483, %add3A_504, %add3A_525, %add3A_546, %add3A_567, %add3A_588, %add3A_430 : vector<16xf32>, vector<16xf32>, vector<16xf32>, vector<16xf32>, vector<16xf32>, vector<16xf32>, vector<16xf32>, vector<16xf32>, vector<16xf32>, vector<16xf32>, vector<16xf32>, vector<16xf32>, vector<16xf32>, vector<16xf32>, vector<16xf32>, vector<16xf32>, vector<16xf32>, vector<16xf32>, vector<16xf32>, vector<16xf32>, vector<16xf32>, vector<16xf32>, vector<16xf32>, vector<16xf32>, vector<16xf32>
        }
        %mul3A_366 = arith.constant 2 : i32
        %mul3A_367 = arith.muli %mul3A_366, %while3A_310 : i32
        %add3A_368 = arith.constant 1 : i32
        %add3A_369 = arith.addi %mul3A_367, %add3A_368 : i32
        %mul3A_370 = arith.constant 24 : i32
        %mul3A_371 = arith.muli %add3A_369, %mul3A_370 : i32
        %add3A_372 = arith.constant 1 : i32
        %add3A_373 = arith.addi %add3A_369, %add3A_372 : i32
        %lt3A_374 = arith.cmpi slt, %add3A_373, %select_n3A : i32
        %convert_element_type3A_375 = arith.extui %lt3A_374 : i1 to i32
        %cond3A_376 = arith.constant 0 : i32
        %cond3A_377 = arith.cmpi ne, %convert_element_type3A_375, %cond3A_376 : i32
        scf.if %cond3A_377 {
          %add3A_398 = arith.constant 24 : i32
          %add3A_399 = arith.addi %mul3A_371, %add3A_398 : i32
          %dma_start3A_400 = tpu.memref_slice %arg13[%add3A_399] : memref<2000xi32, #tpu.memory_space<vmem>> -> memref<24xi32, #tpu.memory_space<vmem>>
          %dma_start3A_401 = arith.constant 0 : i32
          %dma_start3A_402 = arith.constant 0 : i32
          %dma_start3A_403 = tpu.memref_slice %arg4[%dma_start3A_401, %dma_start3A_402] : memref<10000x256xf32, #tpu.memory_space<hbm>> -> memref<10000x256xf32, #tpu.memory_space<hbm>>
          tpu.enqueue_indirect_dma source(%dma_start3A_403 : memref<10000x256xf32, #tpu.memory_space<hbm>>) target(%arg18 : memref<24x256xf32, #tpu.memory_space<vmem>>) offsets(%dma_start3A_400 : memref<24xi32, #tpu.memory_space<vmem>>) semaphore(%arg24 : memref<!tpu.dma_semaphore, #tpu.memory_space<semaphore_mem>>)
        } else {
        }
        %lt3A_378 = arith.cmpi slt, %add3A_369, %select_n3A : i32
        %convert_element_type3A_379 = arith.extui %lt3A_378 : i1 to i32
        %cond3A_380 = arith.constant 0 : i32
        %cond3A_381 = arith.cmpi ne, %convert_element_type3A_379, %cond3A_380 : i32
        scf.if %cond3A_381 {
          %dma_wait3A_398 = tpu.memref_slice %arg13[%mul3A_371] : memref<2000xi32, #tpu.memory_space<vmem>> -> memref<24xi32, #tpu.memory_space<vmem>>
          %dma_wait3A_399 = arith.constant 0 : i32
          %dma_wait3A_400 = arith.constant 0 : i32
          %dma_wait3A_401 = tpu.memref_slice %arg4[%dma_wait3A_399, %dma_wait3A_400] : memref<10000x256xf32, #tpu.memory_space<hbm>> -> memref<10000x256xf32, #tpu.memory_space<hbm>>
          tpu.wait_indirect_dma semaphore(%arg25 : memref<!tpu.dma_semaphore, #tpu.memory_space<semaphore_mem>>) src(%dma_wait3A_401 : memref<10000x256xf32, #tpu.memory_space<hbm>>) dst(%arg19 : memref<24x256xf32, #tpu.memory_space<vmem>>)
        } else {
        }
        %sub3A_382 = arith.subi %scan3A_158, %mul3A_371 : i32
        %jit3A_383 = arith.constant 0 : i32
        %jit3A_384 = arith.constant 24 : i32
        %max3A_385 = arith.maxsi %jit3A_383, %sub3A_382 : i32
        %min3A_386 = arith.minsi %jit3A_384, %max3A_385 : i32
        %while3A_387 = arith.constant 0 : i32
        %while3A_388 = arith.subi %min3A_386, %while3A_387 : i32
        %while3A_389 = arith.addi %while3A_387, %while3A_388 : i32
        %while3A_390 = arith.constant 1 : i32
        %while3A_391 = arith.divsi %while3A_388, %while3A_390 : i32
        %while3A_392 = arith.muli %while3A_391, %while3A_390 : i32
        %while3A_393 = arith.addi %while3A_387, %while3A_392 : i32
        %while3A_394 = arith.constant 1 : i32
        %while3A_395:25 = scf.for %while3A_398 = %while3A_387 to %while3A_393 step %while3A_394 iter_args(%while3A_399 = %while3A_365#0, %while3A_400 = %while3A_365#1, %while3A_401 = %while3A_365#2, %while3A_402 = %while3A_365#3, %while3A_403 = %while3A_365#4, %while3A_404 = %while3A_365#5, %while3A_405 = %while3A_365#6, %while3A_406 = %while3A_365#7, %while3A_407 = %while3A_365#8, %while3A_408 = %while3A_365#9, %while3A_409 = %while3A_365#10, %while3A_410 = %while3A_365#11, %while3A_411 = %while3A_365#12, %while3A_412 = %while3A_365#13, %while3A_413 = %while3A_365#14, %while3A_414 = %while3A_365#15, %while3A_415 = %while3A_365#16, %while3A_416 = %while3A_365#17, %while3A_417 = %while3A_365#18, %while3A_418 = %while3A_365#19, %while3A_419 = %while3A_365#20, %while3A_420 = %while3A_365#21, %while3A_421 = %while3A_365#22, %while3A_422 = %while3A_365#23, %while3A_423 = %while3A_365#24) -> (vector<16xf32>, vector<16xf32>, vector<16xf32>, vector<16xf32>, vector<16xf32>, vector<16xf32>, vector<16xf32>, vector<16xf32>, vector<16xf32>, vector<16xf32>, vector<16xf32>, vector<16xf32>, vector<16xf32>, vector<16xf32>, vector<16xf32>, vector<16xf32>, vector<16xf32>, vector<16xf32>, vector<16xf32>, vector<16xf32>, vector<16xf32>, vector<16xf32>, vector<16xf32>, vector<16xf32>, vector<16xf32>)  : i32 {
          %add3A_424 = arith.addi %mul3A_371, %while3A_398 : i32
          %get3A = arith.index_cast %add3A_424 : i32 to index
          %get3A_425 = tpu.vector_load %arg14[%get3A] {strides = array<i32>} : memref<2016xi32, #tpu.memory_space<vmem>>, vector<16xi32>,
          %slice3A = vector.extract_strided_slice %get3A_425 {offsets = [0], sizes = [1], strides = [1]} : vector<16xi32> to vector<1xi32>
          %squeeze3A = vector.extract %slice3A[0] : i32 from vector<1xi32>
          %mul3A_426 = arith.constant 2 : i32
          %mul3A_427 = arith.muli %mul3A_426, %squeeze3A : i32
          %get3A_428 = arith.index_cast %mul3A_427 : i32 to index
          %get3A_429 = tpu.vector_load %arg16[%get3A_428] {strides = array<i32>} : memref<656xf32, #tpu.memory_space<vmem>>, vector<16xf32>,
          %add3A_430 = arith.addf %while3A_423, %get3A_429 : vector<16xf32>
          %get3A_431 = arith.index_cast %while3A_398 : i32 to index
          %get3A_432 = arith.constant 0 : index
          %get3A_433 = tpu.vector_load %arg19[%get3A_431, %get3A_432] {strides = array<i32>} : memref<24x256xf32, #tpu.memory_space<vmem>>, vector<16xf32>,
          %get3A_434 = arith.index_cast %squeeze3A : i32 to index
          %get3A_435 = arith.constant 0 : index
          %get3A_436 = tpu.vector_load %arg15[%get3A_434, %get3A_435] {strides = array<i32>} : memref<320x128xf32, #tpu.memory_space<vmem>>, vector<16xf32>,
          %add3A_437 = arith.addf %while3A_399, %get3A_433 : vector<16xf32>
          %mul3A_438 = arith.mulf %get3A_433, %get3A_433 : vector<16xf32>
          %add3A_439 = arith.addf %while3A_407, %mul3A_438 : vector<16xf32>
          %mul3A_440 = arith.mulf %get3A_433, %get3A_436 : vector<16xf32>
          %add3A_441 = arith.addf %while3A_415, %mul3A_440 : vector<16xf32>
          %get3A_442 = arith.index_cast %while3A_398 : i32 to index
          %get3A_443 = arith.constant 128 : index
          %get3A_444 = tpu.vector_load %arg19[%get3A_442, %get3A_443] {strides = array<i32>} : memref<24x256xf32, #tpu.memory_space<vmem>>, vector<16xf32>,
          %get3A_445 = arith.index_cast %squeeze3A : i32 to index
          %get3A_446 = arith.constant 0 : index
          %get3A_447 = tpu.vector_load %arg17[%get3A_445, %get3A_446] {strides = array<i32>} : memref<320x128xf32, #tpu.memory_space<vmem>>, vector<16xf32>,
          %max3A_448 = arith.maximumf %get3A_447, %get3A_444 : vector<16xf32>
          %swap3A_449 = arith.index_cast %squeeze3A : i32 to index
          %swap3A_450 = arith.constant 0 : index
          %swap3A_451 = tpu.vector_load %arg17[%swap3A_449, %swap3A_450] {strides = array<i32>} : memref<320x128xf32, #tpu.memory_space<vmem>>, vector<16xf32>,
          tpu.vector_store %arg17[%swap3A_449, %swap3A_450], %max3A_448 {strides = array<i32>} : memref<320x128xf32, #tpu.memory_space<vmem>>, vector<16xf32>,
          %get3A_452 = arith.index_cast %while3A_398 : i32 to index
          %get3A_453 = arith.constant 16 : index
          %get3A_454 = tpu.vector_load %arg19[%get3A_452, %get3A_453] {strides = array<i32>} : memref<24x256xf32, #tpu.memory_space<vmem>>, vector<16xf32>,
          %get3A_455 = arith.index_cast %squeeze3A : i32 to index
          %get3A_456 = arith.constant 16 : index
          %get3A_457 = tpu.vector_load %arg15[%get3A_455, %get3A_456] {strides = array<i32>} : memref<320x128xf32, #tpu.memory_space<vmem>>, vector<16xf32>,
          %add3A_458 = arith.addf %while3A_400, %get3A_454 : vector<16xf32>
          %mul3A_459 = arith.mulf %get3A_454, %get3A_454 : vector<16xf32>
          %add3A_460 = arith.addf %while3A_408, %mul3A_459 : vector<16xf32>
          %mul3A_461 = arith.mulf %get3A_454, %get3A_457 : vector<16xf32>
          %add3A_462 = arith.addf %while3A_416, %mul3A_461 : vector<16xf32>
          %get3A_463 = arith.index_cast %while3A_398 : i32 to index
          %get3A_464 = arith.constant 144 : index
          %get3A_465 = tpu.vector_load %arg19[%get3A_463, %get3A_464] {strides = array<i32>} : memref<24x256xf32, #tpu.memory_space<vmem>>, vector<16xf32>,
          %get3A_466 = arith.index_cast %squeeze3A : i32 to index
          %get3A_467 = arith.constant 16 : index
          %get3A_468 = tpu.vector_load %arg17[%get3A_466, %get3A_467] {strides = array<i32>} : memref<320x128xf32, #tpu.memory_space<vmem>>, vector<16xf32>,
          %max3A_469 = arith.maximumf %get3A_468, %get3A_465 : vector<16xf32>
          %swap3A_470 = arith.index_cast %squeeze3A : i32 to index
          %swap3A_471 = arith.constant 16 : index
          %swap3A_472 = tpu.vector_load %arg17[%swap3A_470, %swap3A_471] {strides = array<i32>} : memref<320x128xf32, #tpu.memory_space<vmem>>, vector<16xf32>,
          tpu.vector_store %arg17[%swap3A_470, %swap3A_471], %max3A_469 {strides = array<i32>} : memref<320x128xf32, #tpu.memory_space<vmem>>, vector<16xf32>,
          %get3A_473 = arith.index_cast %while3A_398 : i32 to index
          %get3A_474 = arith.constant 32 : index
          %get3A_475 = tpu.vector_load %arg19[%get3A_473, %get3A_474] {strides = array<i32>} : memref<24x256xf32, #tpu.memory_space<vmem>>, vector<16xf32>,
          %get3A_476 = arith.index_cast %squeeze3A : i32 to index
          %get3A_477 = arith.constant 32 : index
          %get3A_478 = tpu.vector_load %arg15[%get3A_476, %get3A_477] {strides = array<i32>} : memref<320x128xf32, #tpu.memory_space<vmem>>, vector<16xf32>,
          %add3A_479 = arith.addf %while3A_401, %get3A_475 : vector<16xf32>
          %mul3A_480 = arith.mulf %get3A_475, %get3A_475 : vector<16xf32>
          %add3A_481 = arith.addf %while3A_409, %mul3A_480 : vector<16xf32>
          %mul3A_482 = arith.mulf %get3A_475, %get3A_478 : vector<16xf32>
          %add3A_483 = arith.addf %while3A_417, %mul3A_482 : vector<16xf32>
          %get3A_484 = arith.index_cast %while3A_398 : i32 to index
          %get3A_485 = arith.constant 160 : index
          %get3A_486 = tpu.vector_load %arg19[%get3A_484, %get3A_485] {strides = array<i32>} : memref<24x256xf32, #tpu.memory_space<vmem>>, vector<16xf32>,
          %get3A_487 = arith.index_cast %squeeze3A : i32 to index
          %get3A_488 = arith.constant 32 : index
          %get3A_489 = tpu.vector_load %arg17[%get3A_487, %get3A_488] {strides = array<i32>} : memref<320x128xf32, #tpu.memory_space<vmem>>, vector<16xf32>,
          %max3A_490 = arith.maximumf %get3A_489, %get3A_486 : vector<16xf32>
          %swap3A_491 = arith.index_cast %squeeze3A : i32 to index
          %swap3A_492 = arith.constant 32 : index
          %swap3A_493 = tpu.vector_load %arg17[%swap3A_491, %swap3A_492] {strides = array<i32>} : memref<320x128xf32, #tpu.memory_space<vmem>>, vector<16xf32>,
          tpu.vector_store %arg17[%swap3A_491, %swap3A_492], %max3A_490 {strides = array<i32>} : memref<320x128xf32, #tpu.memory_space<vmem>>, vector<16xf32>,
          %get3A_494 = arith.index_cast %while3A_398 : i32 to index
          %get3A_495 = arith.constant 48 : index
          %get3A_496 = tpu.vector_load %arg19[%get3A_494, %get3A_495] {strides = array<i32>} : memref<24x256xf32, #tpu.memory_space<vmem>>, vector<16xf32>,
          %get3A_497 = arith.index_cast %squeeze3A : i32 to index
          %get3A_498 = arith.constant 48 : index
          %get3A_499 = tpu.vector_load %arg15[%get3A_497, %get3A_498] {strides = array<i32>} : memref<320x128xf32, #tpu.memory_space<vmem>>, vector<16xf32>,
          %add3A_500 = arith.addf %while3A_402, %get3A_496 : vector<16xf32>
          %mul3A_501 = arith.mulf %get3A_496, %get3A_496 : vector<16xf32>
          %add3A_502 = arith.addf %while3A_410, %mul3A_501 : vector<16xf32>
          %mul3A_503 = arith.mulf %get3A_496, %get3A_499 : vector<16xf32>
          %add3A_504 = arith.addf %while3A_418, %mul3A_503 : vector<16xf32>
          %get3A_505 = arith.index_cast %while3A_398 : i32 to index
          %get3A_506 = arith.constant 176 : index
          %get3A_507 = tpu.vector_load %arg19[%get3A_505, %get3A_506] {strides = array<i32>} : memref<24x256xf32, #tpu.memory_space<vmem>>, vector<16xf32>,
          %get3A_508 = arith.index_cast %squeeze3A : i32 to index
          %get3A_509 = arith.constant 48 : index
          %get3A_510 = tpu.vector_load %arg17[%get3A_508, %get3A_509] {strides = array<i32>} : memref<320x128xf32, #tpu.memory_space<vmem>>, vector<16xf32>,
          %max3A_511 = arith.maximumf %get3A_510, %get3A_507 : vector<16xf32>
          %swap3A_512 = arith.index_cast %squeeze3A : i32 to index
          %swap3A_513 = arith.constant 48 : index
          %swap3A_514 = tpu.vector_load %arg17[%swap3A_512, %swap3A_513] {strides = array<i32>} : memref<320x128xf32, #tpu.memory_space<vmem>>, vector<16xf32>,
          tpu.vector_store %arg17[%swap3A_512, %swap3A_513], %max3A_511 {strides = array<i32>} : memref<320x128xf32, #tpu.memory_space<vmem>>, vector<16xf32>,
          %get3A_515 = arith.index_cast %while3A_398 : i32 to index
          %get3A_516 = arith.constant 64 : index
          %get3A_517 = tpu.vector_load %arg19[%get3A_515, %get3A_516] {strides = array<i32>} : memref<24x256xf32, #tpu.memory_space<vmem>>, vector<16xf32>,
          %get3A_518 = arith.index_cast %squeeze3A : i32 to index
          %get3A_519 = arith.constant 64 : index
          %get3A_520 = tpu.vector_load %arg15[%get3A_518, %get3A_519] {strides = array<i32>} : memref<320x128xf32, #tpu.memory_space<vmem>>, vector<16xf32>,
          %add3A_521 = arith.addf %while3A_403, %get3A_517 : vector<16xf32>
          %mul3A_522 = arith.mulf %get3A_517, %get3A_517 : vector<16xf32>
          %add3A_523 = arith.addf %while3A_411, %mul3A_522 : vector<16xf32>
          %mul3A_524 = arith.mulf %get3A_517, %get3A_520 : vector<16xf32>
          %add3A_525 = arith.addf %while3A_419, %mul3A_524 : vector<16xf32>
          %get3A_526 = arith.index_cast %while3A_398 : i32 to index
          %get3A_527 = arith.constant 192 : index
          %get3A_528 = tpu.vector_load %arg19[%get3A_526, %get3A_527] {strides = array<i32>} : memref<24x256xf32, #tpu.memory_space<vmem>>, vector<16xf32>,
          %get3A_529 = arith.index_cast %squeeze3A : i32 to index
          %get3A_530 = arith.constant 64 : index
          %get3A_531 = tpu.vector_load %arg17[%get3A_529, %get3A_530] {strides = array<i32>} : memref<320x128xf32, #tpu.memory_space<vmem>>, vector<16xf32>,
          %max3A_532 = arith.maximumf %get3A_531, %get3A_528 : vector<16xf32>
          %swap3A_533 = arith.index_cast %squeeze3A : i32 to index
          %swap3A_534 = arith.constant 64 : index
          %swap3A_535 = tpu.vector_load %arg17[%swap3A_533, %swap3A_534] {strides = array<i32>} : memref<320x128xf32, #tpu.memory_space<vmem>>, vector<16xf32>,
          tpu.vector_store %arg17[%swap3A_533, %swap3A_534], %max3A_532 {strides = array<i32>} : memref<320x128xf32, #tpu.memory_space<vmem>>, vector<16xf32>,
          %get3A_536 = arith.index_cast %while3A_398 : i32 to index
          %get3A_537 = arith.constant 80 : index
          %get3A_538 = tpu.vector_load %arg19[%get3A_536, %get3A_537] {strides = array<i32>} : memref<24x256xf32, #tpu.memory_space<vmem>>, vector<16xf32>,
          %get3A_539 = arith.index_cast %squeeze3A : i32 to index
          %get3A_540 = arith.constant 80 : index
          %get3A_541 = tpu.vector_load %arg15[%get3A_539, %get3A_540] {strides = array<i32>} : memref<320x128xf32, #tpu.memory_space<vmem>>, vector<16xf32>,
          %add3A_542 = arith.addf %while3A_404, %get3A_538 : vector<16xf32>
          %mul3A_543 = arith.mulf %get3A_538, %get3A_538 : vector<16xf32>
          %add3A_544 = arith.addf %while3A_412, %mul3A_543 : vector<16xf32>
          %mul3A_545 = arith.mulf %get3A_538, %get3A_541 : vector<16xf32>
          %add3A_546 = arith.addf %while3A_420, %mul3A_545 : vector<16xf32>
          %get3A_547 = arith.index_cast %while3A_398 : i32 to index
          %get3A_548 = arith.constant 208 : index
          %get3A_549 = tpu.vector_load %arg19[%get3A_547, %get3A_548] {strides = array<i32>} : memref<24x256xf32, #tpu.memory_space<vmem>>, vector<16xf32>,
          %get3A_550 = arith.index_cast %squeeze3A : i32 to index
          %get3A_551 = arith.constant 80 : index
          %get3A_552 = tpu.vector_load %arg17[%get3A_550, %get3A_551] {strides = array<i32>} : memref<320x128xf32, #tpu.memory_space<vmem>>, vector<16xf32>,
          %max3A_553 = arith.maximumf %get3A_552, %get3A_549 : vector<16xf32>
          %swap3A_554 = arith.index_cast %squeeze3A : i32 to index
          %swap3A_555 = arith.constant 80 : index
          %swap3A_556 = tpu.vector_load %arg17[%swap3A_554, %swap3A_555] {strides = array<i32>} : memref<320x128xf32, #tpu.memory_space<vmem>>, vector<16xf32>,
          tpu.vector_store %arg17[%swap3A_554, %swap3A_555], %max3A_553 {strides = array<i32>} : memref<320x128xf32, #tpu.memory_space<vmem>>, vector<16xf32>,
          %get3A_557 = arith.index_cast %while3A_398 : i32 to index
          %get3A_558 = arith.constant 96 : index
          %get3A_559 = tpu.vector_load %arg19[%get3A_557, %get3A_558] {strides = array<i32>} : memref<24x256xf32, #tpu.memory_space<vmem>>, vector<16xf32>,
          %get3A_560 = arith.index_cast %squeeze3A : i32 to index
          %get3A_561 = arith.constant 96 : index
          %get3A_562 = tpu.vector_load %arg15[%get3A_560, %get3A_561] {strides = array<i32>} : memref<320x128xf32, #tpu.memory_space<vmem>>, vector<16xf32>,
          %add3A_563 = arith.addf %while3A_405, %get3A_559 : vector<16xf32>
          %mul3A_564 = arith.mulf %get3A_559, %get3A_559 : vector<16xf32>
          %add3A_565 = arith.addf %while3A_413, %mul3A_564 : vector<16xf32>
          %mul3A_566 = arith.mulf %get3A_559, %get3A_562 : vector<16xf32>
          %add3A_567 = arith.addf %while3A_421, %mul3A_566 : vector<16xf32>
          %get3A_568 = arith.index_cast %while3A_398 : i32 to index
          %get3A_569 = arith.constant 224 : index
          %get3A_570 = tpu.vector_load %arg19[%get3A_568, %get3A_569] {strides = array<i32>} : memref<24x256xf32, #tpu.memory_space<vmem>>, vector<16xf32>,
          %get3A_571 = arith.index_cast %squeeze3A : i32 to index
          %get3A_572 = arith.constant 96 : index
          %get3A_573 = tpu.vector_load %arg17[%get3A_571, %get3A_572] {strides = array<i32>} : memref<320x128xf32, #tpu.memory_space<vmem>>, vector<16xf32>,
          %max3A_574 = arith.maximumf %get3A_573, %get3A_570 : vector<16xf32>
          %swap3A_575 = arith.index_cast %squeeze3A : i32 to index
          %swap3A_576 = arith.constant 96 : index
          %swap3A_577 = tpu.vector_load %arg17[%swap3A_575, %swap3A_576] {strides = array<i32>} : memref<320x128xf32, #tpu.memory_space<vmem>>, vector<16xf32>,
          tpu.vector_store %arg17[%swap3A_575, %swap3A_576], %max3A_574 {strides = array<i32>} : memref<320x128xf32, #tpu.memory_space<vmem>>, vector<16xf32>,
          %get3A_578 = arith.index_cast %while3A_398 : i32 to index
          %get3A_579 = arith.constant 112 : index
          %get3A_580 = tpu.vector_load %arg19[%get3A_578, %get3A_579] {strides = array<i32>} : memref<24x256xf32, #tpu.memory_space<vmem>>, vector<16xf32>,
          %get3A_581 = arith.index_cast %squeeze3A : i32 to index
          %get3A_582 = arith.constant 112 : index
          %get3A_583 = tpu.vector_load %arg15[%get3A_581, %get3A_582] {strides = array<i32>} : memref<320x128xf32, #tpu.memory_space<vmem>>, vector<16xf32>,
          %add3A_584 = arith.addf %while3A_406, %get3A_580 : vector<16xf32>
          %mul3A_585 = arith.mulf %get3A_580, %get3A_580 : vector<16xf32>
          %add3A_586 = arith.addf %while3A_414, %mul3A_585 : vector<16xf32>
          %mul3A_587 = arith.mulf %get3A_580, %get3A_583 : vector<16xf32>
          %add3A_588 = arith.addf %while3A_422, %mul3A_587 : vector<16xf32>
          %get3A_589 = arith.index_cast %while3A_398 : i32 to index
          %get3A_590 = arith.constant 240 : index
          %get3A_591 = tpu.vector_load %arg19[%get3A_589, %get3A_590] {strides = array<i32>} : memref<24x256xf32, #tpu.memory_space<vmem>>, vector<16xf32>,
          %get3A_592 = arith.index_cast %squeeze3A : i32 to index
          %get3A_593 = arith.constant 112 : index
          %get3A_594 = tpu.vector_load %arg17[%get3A_592, %get3A_593] {strides = array<i32>} : memref<320x128xf32, #tpu.memory_space<vmem>>, vector<16xf32>,
          %max3A_595 = arith.maximumf %get3A_594, %get3A_591 : vector<16xf32>
          %swap3A_596 = arith.index_cast %squeeze3A : i32 to index
          %swap3A_597 = arith.constant 112 : index
          %swap3A_598 = tpu.vector_load %arg17[%swap3A_596, %swap3A_597] {strides = array<i32>} : memref<320x128xf32, #tpu.memory_space<vmem>>, vector<16xf32>,
          tpu.vector_store %arg17[%swap3A_596, %swap3A_597], %max3A_595 {strides = array<i32>} : memref<320x128xf32, #tpu.memory_space<vmem>>, vector<16xf32>,
          scf.yield %add3A_437, %add3A_458, %add3A_479, %add3A_500, %add3A_521, %add3A_542, %add3A_563, %add3A_584, %add3A_439, %add3A_460, %add3A_481, %add3A_502, %add3A_523, %add3A_544, %add3A_565, %add3A_586, %add3A_441, %add3A_462, %add3A_483, %add3A_504, %add3A_525, %add3A_546, %add3A_567, %add3A_588, %add3A_430 : vector<16xf32>, vector<16xf32>, vector<16xf32>, vector<16xf32>, vector<16xf32>, vector<16xf32>, vector<16xf32>, vector<16xf32>, vector<16xf32>, vector<16xf32>, vector<16xf32>, vector<16xf32>, vector<16xf32>, vector<16xf32>, vector<16xf32>, vector<16xf32>, vector<16xf32>, vector<16xf32>, vector<16xf32>, vector<16xf32>, vector<16xf32>, vector<16xf32>, vector<16xf32>, vector<16xf32>, vector<16xf32>
        }
        %while3A_396 = arith.constant 1 : i32
        %while3A_397:25 = scf.for %while3A_398 = %while3A_393 to %while3A_389 step %while3A_396 iter_args(%while3A_399 = %while3A_395#0, %while3A_400 = %while3A_395#1, %while3A_401 = %while3A_395#2, %while3A_402 = %while3A_395#3, %while3A_403 = %while3A_395#4, %while3A_404 = %while3A_395#5, %while3A_405 = %while3A_395#6, %while3A_406 = %while3A_395#7, %while3A_407 = %while3A_395#8, %while3A_408 = %while3A_395#9, %while3A_409 = %while3A_395#10, %while3A_410 = %while3A_395#11, %while3A_411 = %while3A_395#12, %while3A_412 = %while3A_395#13, %while3A_413 = %while3A_395#14, %while3A_414 = %while3A_395#15, %while3A_415 = %while3A_395#16, %while3A_416 = %while3A_395#17, %while3A_417 = %while3A_395#18, %while3A_418 = %while3A_395#19, %while3A_419 = %while3A_395#20, %while3A_420 = %while3A_395#21, %while3A_421 = %while3A_395#22, %while3A_422 = %while3A_395#23, %while3A_423 = %while3A_395#24) -> (vector<16xf32>, vector<16xf32>, vector<16xf32>, vector<16xf32>, vector<16xf32>, vector<16xf32>, vector<16xf32>, vector<16xf32>, vector<16xf32>, vector<16xf32>, vector<16xf32>, vector<16xf32>, vector<16xf32>, vector<16xf32>, vector<16xf32>, vector<16xf32>, vector<16xf32>, vector<16xf32>, vector<16xf32>, vector<16xf32>, vector<16xf32>, vector<16xf32>, vector<16xf32>, vector<16xf32>, vector<16xf32>)  : i32 {
          %add3A_424 = arith.addi %mul3A_371, %while3A_398 : i32
          %get3A = arith.index_cast %add3A_424 : i32 to index
          %get3A_425 = tpu.vector_load %arg14[%get3A] {strides = array<i32>} : memref<2016xi32, #tpu.memory_space<vmem>>, vector<16xi32>,
          %slice3A = vector.extract_strided_slice %get3A_425 {offsets = [0], sizes = [1], strides = [1]} : vector<16xi32> to vector<1xi32>
          %squeeze3A = vector.extract %slice3A[0] : i32 from vector<1xi32>
          %mul3A_426 = arith.constant 2 : i32
          %mul3A_427 = arith.muli %mul3A_426, %squeeze3A : i32
          %get3A_428 = arith.index_cast %mul3A_427 : i32 to index
          %get3A_429 = tpu.vector_load %arg16[%get3A_428] {strides = array<i32>} : memref<656xf32, #tpu.memory_space<vmem>>, vector<16xf32>,
          %add3A_430 = arith.addf %while3A_423, %get3A_429 : vector<16xf32>
          %get3A_431 = arith.index_cast %while3A_398 : i32 to index
          %get3A_432 = arith.constant 0 : index
          %get3A_433 = tpu.vector_load %arg19[%get3A_431, %get3A_432] {strides = array<i32>} : memref<24x256xf32, #tpu.memory_space<vmem>>, vector<16xf32>,
          %get3A_434 = arith.index_cast %squeeze3A : i32 to index
          %get3A_435 = arith.constant 0 : index
          %get3A_436 = tpu.vector_load %arg15[%get3A_434, %get3A_435] {strides = array<i32>} : memref<320x128xf32, #tpu.memory_space<vmem>>, vector<16xf32>,
          %add3A_437 = arith.addf %while3A_399, %get3A_433 : vector<16xf32>
          %mul3A_438 = arith.mulf %get3A_433, %get3A_433 : vector<16xf32>
          %add3A_439 = arith.addf %while3A_407, %mul3A_438 : vector<16xf32>
          %mul3A_440 = arith.mulf %get3A_433, %get3A_436 : vector<16xf32>
          %add3A_441 = arith.addf %while3A_415, %mul3A_440 : vector<16xf32>
          %get3A_442 = arith.index_cast %while3A_398 : i32 to index
          %get3A_443 = arith.constant 128 : index
          %get3A_444 = tpu.vector_load %arg19[%get3A_442, %get3A_443] {strides = array<i32>} : memref<24x256xf32, #tpu.memory_space<vmem>>, vector<16xf32>,
          %get3A_445 = arith.index_cast %squeeze3A : i32 to index
          %get3A_446 = arith.constant 0 : index
          %get3A_447 = tpu.vector_load %arg17[%get3A_445, %get3A_446] {strides = array<i32>} : memref<320x128xf32, #tpu.memory_space<vmem>>, vector<16xf32>,
          %max3A_448 = arith.maximumf %get3A_447, %get3A_444 : vector<16xf32>
          %swap3A_449 = arith.index_cast %squeeze3A : i32 to index
          %swap3A_450 = arith.constant 0 : index
          %swap3A_451 = tpu.vector_load %arg17[%swap3A_449, %swap3A_450] {strides = array<i32>} : memref<320x128xf32, #tpu.memory_space<vmem>>, vector<16xf32>,
          tpu.vector_store %arg17[%swap3A_449, %swap3A_450], %max3A_448 {strides = array<i32>} : memref<320x128xf32, #tpu.memory_space<vmem>>, vector<16xf32>,
          %get3A_452 = arith.index_cast %while3A_398 : i32 to index
          %get3A_453 = arith.constant 16 : index
          %get3A_454 = tpu.vector_load %arg19[%get3A_452, %get3A_453] {strides = array<i32>} : memref<24x256xf32, #tpu.memory_space<vmem>>, vector<16xf32>,
          %get3A_455 = arith.index_cast %squeeze3A : i32 to index
          %get3A_456 = arith.constant 16 : index
          %get3A_457 = tpu.vector_load %arg15[%get3A_455, %get3A_456] {strides = array<i32>} : memref<320x128xf32, #tpu.memory_space<vmem>>, vector<16xf32>,
          %add3A_458 = arith.addf %while3A_400, %get3A_454 : vector<16xf32>
          %mul3A_459 = arith.mulf %get3A_454, %get3A_454 : vector<16xf32>
          %add3A_460 = arith.addf %while3A_408, %mul3A_459 : vector<16xf32>
          %mul3A_461 = arith.mulf %get3A_454, %get3A_457 : vector<16xf32>
          %add3A_462 = arith.addf %while3A_416, %mul3A_461 : vector<16xf32>
          %get3A_463 = arith.index_cast %while3A_398 : i32 to index
          %get3A_464 = arith.constant 144 : index
          %get3A_465 = tpu.vector_load %arg19[%get3A_463, %get3A_464] {strides = array<i32>} : memref<24x256xf32, #tpu.memory_space<vmem>>, vector<16xf32>,
          %get3A_466 = arith.index_cast %squeeze3A : i32 to index
          %get3A_467 = arith.constant 16 : index
          %get3A_468 = tpu.vector_load %arg17[%get3A_466, %get3A_467] {strides = array<i32>} : memref<320x128xf32, #tpu.memory_space<vmem>>, vector<16xf32>,
          %max3A_469 = arith.maximumf %get3A_468, %get3A_465 : vector<16xf32>
          %swap3A_470 = arith.index_cast %squeeze3A : i32 to index
          %swap3A_471 = arith.constant 16 : index
          %swap3A_472 = tpu.vector_load %arg17[%swap3A_470, %swap3A_471] {strides = array<i32>} : memref<320x128xf32, #tpu.memory_space<vmem>>, vector<16xf32>,
          tpu.vector_store %arg17[%swap3A_470, %swap3A_471], %max3A_469 {strides = array<i32>} : memref<320x128xf32, #tpu.memory_space<vmem>>, vector<16xf32>,
          %get3A_473 = arith.index_cast %while3A_398 : i32 to index
          %get3A_474 = arith.constant 32 : index
          %get3A_475 = tpu.vector_load %arg19[%get3A_473, %get3A_474] {strides = array<i32>} : memref<24x256xf32, #tpu.memory_space<vmem>>, vector<16xf32>,
          %get3A_476 = arith.index_cast %squeeze3A : i32 to index
          %get3A_477 = arith.constant 32 : index
          %get3A_478 = tpu.vector_load %arg15[%get3A_476, %get3A_477] {strides = array<i32>} : memref<320x128xf32, #tpu.memory_space<vmem>>, vector<16xf32>,
          %add3A_479 = arith.addf %while3A_401, %get3A_475 : vector<16xf32>
          %mul3A_480 = arith.mulf %get3A_475, %get3A_475 : vector<16xf32>
          %add3A_481 = arith.addf %while3A_409, %mul3A_480 : vector<16xf32>
          %mul3A_482 = arith.mulf %get3A_475, %get3A_478 : vector<16xf32>
          %add3A_483 = arith.addf %while3A_417, %mul3A_482 : vector<16xf32>
          %get3A_484 = arith.index_cast %while3A_398 : i32 to index
          %get3A_485 = arith.constant 160 : index
          %get3A_486 = tpu.vector_load %arg19[%get3A_484, %get3A_485] {strides = array<i32>} : memref<24x256xf32, #tpu.memory_space<vmem>>, vector<16xf32>,
          %get3A_487 = arith.index_cast %squeeze3A : i32 to index
          %get3A_488 = arith.constant 32 : index
          %get3A_489 = tpu.vector_load %arg17[%get3A_487, %get3A_488] {strides = array<i32>} : memref<320x128xf32, #tpu.memory_space<vmem>>, vector<16xf32>,
          %max3A_490 = arith.maximumf %get3A_489, %get3A_486 : vector<16xf32>
          %swap3A_491 = arith.index_cast %squeeze3A : i32 to index
          %swap3A_492 = arith.constant 32 : index
          %swap3A_493 = tpu.vector_load %arg17[%swap3A_491, %swap3A_492] {strides = array<i32>} : memref<320x128xf32, #tpu.memory_space<vmem>>, vector<16xf32>,
          tpu.vector_store %arg17[%swap3A_491, %swap3A_492], %max3A_490 {strides = array<i32>} : memref<320x128xf32, #tpu.memory_space<vmem>>, vector<16xf32>,
          %get3A_494 = arith.index_cast %while3A_398 : i32 to index
          %get3A_495 = arith.constant 48 : index
          %get3A_496 = tpu.vector_load %arg19[%get3A_494, %get3A_495] {strides = array<i32>} : memref<24x256xf32, #tpu.memory_space<vmem>>, vector<16xf32>,
          %get3A_497 = arith.index_cast %squeeze3A : i32 to index
          %get3A_498 = arith.constant 48 : index
          %get3A_499 = tpu.vector_load %arg15[%get3A_497, %get3A_498] {strides = array<i32>} : memref<320x128xf32, #tpu.memory_space<vmem>>, vector<16xf32>,
          %add3A_500 = arith.addf %while3A_402, %get3A_496 : vector<16xf32>
          %mul3A_501 = arith.mulf %get3A_496, %get3A_496 : vector<16xf32>
          %add3A_502 = arith.addf %while3A_410, %mul3A_501 : vector<16xf32>
          %mul3A_503 = arith.mulf %get3A_496, %get3A_499 : vector<16xf32>
          %add3A_504 = arith.addf %while3A_418, %mul3A_503 : vector<16xf32>
          %get3A_505 = arith.index_cast %while3A_398 : i32 to index
          %get3A_506 = arith.constant 176 : index
          %get3A_507 = tpu.vector_load %arg19[%get3A_505, %get3A_506] {strides = array<i32>} : memref<24x256xf32, #tpu.memory_space<vmem>>, vector<16xf32>,
          %get3A_508 = arith.index_cast %squeeze3A : i32 to index
          %get3A_509 = arith.constant 48 : index
          %get3A_510 = tpu.vector_load %arg17[%get3A_508, %get3A_509] {strides = array<i32>} : memref<320x128xf32, #tpu.memory_space<vmem>>, vector<16xf32>,
          %max3A_511 = arith.maximumf %get3A_510, %get3A_507 : vector<16xf32>
          %swap3A_512 = arith.index_cast %squeeze3A : i32 to index
          %swap3A_513 = arith.constant 48 : index
          %swap3A_514 = tpu.vector_load %arg17[%swap3A_512, %swap3A_513] {strides = array<i32>} : memref<320x128xf32, #tpu.memory_space<vmem>>, vector<16xf32>,
          tpu.vector_store %arg17[%swap3A_512, %swap3A_513], %max3A_511 {strides = array<i32>} : memref<320x128xf32, #tpu.memory_space<vmem>>, vector<16xf32>,
          %get3A_515 = arith.index_cast %while3A_398 : i32 to index
          %get3A_516 = arith.constant 64 : index
          %get3A_517 = tpu.vector_load %arg19[%get3A_515, %get3A_516] {strides = array<i32>} : memref<24x256xf32, #tpu.memory_space<vmem>>, vector<16xf32>,
          %get3A_518 = arith.index_cast %squeeze3A : i32 to index
          %get3A_519 = arith.constant 64 : index
          %get3A_520 = tpu.vector_load %arg15[%get3A_518, %get3A_519] {strides = array<i32>} : memref<320x128xf32, #tpu.memory_space<vmem>>, vector<16xf32>,
          %add3A_521 = arith.addf %while3A_403, %get3A_517 : vector<16xf32>
          %mul3A_522 = arith.mulf %get3A_517, %get3A_517 : vector<16xf32>
          %add3A_523 = arith.addf %while3A_411, %mul3A_522 : vector<16xf32>
          %mul3A_524 = arith.mulf %get3A_517, %get3A_520 : vector<16xf32>
          %add3A_525 = arith.addf %while3A_419, %mul3A_524 : vector<16xf32>
          %get3A_526 = arith.index_cast %while3A_398 : i32 to index
          %get3A_527 = arith.constant 192 : index
          %get3A_528 = tpu.vector_load %arg19[%get3A_526, %get3A_527] {strides = array<i32>} : memref<24x256xf32, #tpu.memory_space<vmem>>, vector<16xf32>,
          %get3A_529 = arith.index_cast %squeeze3A : i32 to index
          %get3A_530 = arith.constant 64 : index
          %get3A_531 = tpu.vector_load %arg17[%get3A_529, %get3A_530] {strides = array<i32>} : memref<320x128xf32, #tpu.memory_space<vmem>>, vector<16xf32>,
          %max3A_532 = arith.maximumf %get3A_531, %get3A_528 : vector<16xf32>
          %swap3A_533 = arith.index_cast %squeeze3A : i32 to index
          %swap3A_534 = arith.constant 64 : index
          %swap3A_535 = tpu.vector_load %arg17[%swap3A_533, %swap3A_534] {strides = array<i32>} : memref<320x128xf32, #tpu.memory_space<vmem>>, vector<16xf32>,
          tpu.vector_store %arg17[%swap3A_533, %swap3A_534], %max3A_532 {strides = array<i32>} : memref<320x128xf32, #tpu.memory_space<vmem>>, vector<16xf32>,
          %get3A_536 = arith.index_cast %while3A_398 : i32 to index
          %get3A_537 = arith.constant 80 : index
          %get3A_538 = tpu.vector_load %arg19[%get3A_536, %get3A_537] {strides = array<i32>} : memref<24x256xf32, #tpu.memory_space<vmem>>, vector<16xf32>,
          %get3A_539 = arith.index_cast %squeeze3A : i32 to index
          %get3A_540 = arith.constant 80 : index
          %get3A_541 = tpu.vector_load %arg15[%get3A_539, %get3A_540] {strides = array<i32>} : memref<320x128xf32, #tpu.memory_space<vmem>>, vector<16xf32>,
          %add3A_542 = arith.addf %while3A_404, %get3A_538 : vector<16xf32>
          %mul3A_543 = arith.mulf %get3A_538, %get3A_538 : vector<16xf32>
          %add3A_544 = arith.addf %while3A_412, %mul3A_543 : vector<16xf32>
          %mul3A_545 = arith.mulf %get3A_538, %get3A_541 : vector<16xf32>
          %add3A_546 = arith.addf %while3A_420, %mul3A_545 : vector<16xf32>
          %get3A_547 = arith.index_cast %while3A_398 : i32 to index
          %get3A_548 = arith.constant 208 : index
          %get3A_549 = tpu.vector_load %arg19[%get3A_547, %get3A_548] {strides = array<i32>} : memref<24x256xf32, #tpu.memory_space<vmem>>, vector<16xf32>,
          %get3A_550 = arith.index_cast %squeeze3A : i32 to index
          %get3A_551 = arith.constant 80 : index
          %get3A_552 = tpu.vector_load %arg17[%get3A_550, %get3A_551] {strides = array<i32>} : memref<320x128xf32, #tpu.memory_space<vmem>>, vector<16xf32>,
          %max3A_553 = arith.maximumf %get3A_552, %get3A_549 : vector<16xf32>
          %swap3A_554 = arith.index_cast %squeeze3A : i32 to index
          %swap3A_555 = arith.constant 80 : index
          %swap3A_556 = tpu.vector_load %arg17[%swap3A_554, %swap3A_555] {strides = array<i32>} : memref<320x128xf32, #tpu.memory_space<vmem>>, vector<16xf32>,
          tpu.vector_store %arg17[%swap3A_554, %swap3A_555], %max3A_553 {strides = array<i32>} : memref<320x128xf32, #tpu.memory_space<vmem>>, vector<16xf32>,
          %get3A_557 = arith.index_cast %while3A_398 : i32 to index
          %get3A_558 = arith.constant 96 : index
          %get3A_559 = tpu.vector_load %arg19[%get3A_557, %get3A_558] {strides = array<i32>} : memref<24x256xf32, #tpu.memory_space<vmem>>, vector<16xf32>,
          %get3A_560 = arith.index_cast %squeeze3A : i32 to index
          %get3A_561 = arith.constant 96 : index
          %get3A_562 = tpu.vector_load %arg15[%get3A_560, %get3A_561] {strides = array<i32>} : memref<320x128xf32, #tpu.memory_space<vmem>>, vector<16xf32>,
          %add3A_563 = arith.addf %while3A_405, %get3A_559 : vector<16xf32>
          %mul3A_564 = arith.mulf %get3A_559, %get3A_559 : vector<16xf32>
          %add3A_565 = arith.addf %while3A_413, %mul3A_564 : vector<16xf32>
          %mul3A_566 = arith.mulf %get3A_559, %get3A_562 : vector<16xf32>
          %add3A_567 = arith.addf %while3A_421, %mul3A_566 : vector<16xf32>
          %get3A_568 = arith.index_cast %while3A_398 : i32 to index
          %get3A_569 = arith.constant 224 : index
          %get3A_570 = tpu.vector_load %arg19[%get3A_568, %get3A_569] {strides = array<i32>} : memref<24x256xf32, #tpu.memory_space<vmem>>, vector<16xf32>,
          %get3A_571 = arith.index_cast %squeeze3A : i32 to index
          %get3A_572 = arith.constant 96 : index
          %get3A_573 = tpu.vector_load %arg17[%get3A_571, %get3A_572] {strides = array<i32>} : memref<320x128xf32, #tpu.memory_space<vmem>>, vector<16xf32>,
          %max3A_574 = arith.maximumf %get3A_573, %get3A_570 : vector<16xf32>
          %swap3A_575 = arith.index_cast %squeeze3A : i32 to index
          %swap3A_576 = arith.constant 96 : index
          %swap3A_577 = tpu.vector_load %arg17[%swap3A_575, %swap3A_576] {strides = array<i32>} : memref<320x128xf32, #tpu.memory_space<vmem>>, vector<16xf32>,
          tpu.vector_store %arg17[%swap3A_575, %swap3A_576], %max3A_574 {strides = array<i32>} : memref<320x128xf32, #tpu.memory_space<vmem>>, vector<16xf32>,
          %get3A_578 = arith.index_cast %while3A_398 : i32 to index
          %get3A_579 = arith.constant 112 : index
          %get3A_580 = tpu.vector_load %arg19[%get3A_578, %get3A_579] {strides = array<i32>} : memref<24x256xf32, #tpu.memory_space<vmem>>, vector<16xf32>,
          %get3A_581 = arith.index_cast %squeeze3A : i32 to index
          %get3A_582 = arith.constant 112 : index
          %get3A_583 = tpu.vector_load %arg15[%get3A_581, %get3A_582] {strides = array<i32>} : memref<320x128xf32, #tpu.memory_space<vmem>>, vector<16xf32>,
          %add3A_584 = arith.addf %while3A_406, %get3A_580 : vector<16xf32>
          %mul3A_585 = arith.mulf %get3A_580, %get3A_580 : vector<16xf32>
          %add3A_586 = arith.addf %while3A_414, %mul3A_585 : vector<16xf32>
          %mul3A_587 = arith.mulf %get3A_580, %get3A_583 : vector<16xf32>
          %add3A_588 = arith.addf %while3A_422, %mul3A_587 : vector<16xf32>
          %get3A_589 = arith.index_cast %while3A_398 : i32 to index
          %get3A_590 = arith.constant 240 : index
          %get3A_591 = tpu.vector_load %arg19[%get3A_589, %get3A_590] {strides = array<i32>} : memref<24x256xf32, #tpu.memory_space<vmem>>, vector<16xf32>,
          %get3A_592 = arith.index_cast %squeeze3A : i32 to index
          %get3A_593 = arith.constant 112 : index
          %get3A_594 = tpu.vector_load %arg17[%get3A_592, %get3A_593] {strides = array<i32>} : memref<320x128xf32, #tpu.memory_space<vmem>>, vector<16xf32>,
          %max3A_595 = arith.maximumf %get3A_594, %get3A_591 : vector<16xf32>
          %swap3A_596 = arith.index_cast %squeeze3A : i32 to index
          %swap3A_597 = arith.constant 112 : index
          %swap3A_598 = tpu.vector_load %arg17[%swap3A_596, %swap3A_597] {strides = array<i32>} : memref<320x128xf32, #tpu.memory_space<vmem>>, vector<16xf32>,
          tpu.vector_store %arg17[%swap3A_596, %swap3A_597], %max3A_595 {strides = array<i32>} : memref<320x128xf32, #tpu.memory_space<vmem>>, vector<16xf32>,
          scf.yield %add3A_437, %add3A_458, %add3A_479, %add3A_500, %add3A_521, %add3A_542, %add3A_563, %add3A_584, %add3A_439, %add3A_460, %add3A_481, %add3A_502, %add3A_523, %add3A_544, %add3A_565, %add3A_586, %add3A_441, %add3A_462, %add3A_483, %add3A_504, %add3A_525, %add3A_546, %add3A_567, %add3A_588, %add3A_430 : vector<16xf32>, vector<16xf32>, vector<16xf32>, vector<16xf32>, vector<16xf32>, vector<16xf32>, vector<16xf32>, vector<16xf32>, vector<16xf32>, vector<16xf32>, vector<16xf32>, vector<16xf32>, vector<16xf32>, vector<16xf32>, vector<16xf32>, vector<16xf32>, vector<16xf32>, vector<16xf32>, vector<16xf32>, vector<16xf32>, vector<16xf32>, vector<16xf32>, vector<16xf32>, vector<16xf32>, vector<16xf32>
        }
        scf.yield %while3A_397#0, %while3A_397#1, %while3A_397#2, %while3A_397#3, %while3A_397#4, %while3A_397#5, %while3A_397#6, %while3A_397#7, %while3A_397#8, %while3A_397#9, %while3A_397#10, %while3A_397#11, %while3A_397#12, %while3A_397#13, %while3A_397#14, %while3A_397#15, %while3A_397#16, %while3A_397#17, %while3A_397#18, %while3A_397#19, %while3A_397#20, %while3A_397#21, %while3A_397#22, %while3A_397#23, %while3A_397#24 : vector<16xf32>, vector<16xf32>, vector<16xf32>, vector<16xf32>, vector<16xf32>, vector<16xf32>, vector<16xf32>, vector<16xf32>, vector<16xf32>, vector<16xf32>, vector<16xf32>, vector<16xf32>, vector<16xf32>, vector<16xf32>, vector<16xf32>, vector<16xf32>, vector<16xf32>, vector<16xf32>, vector<16xf32>, vector<16xf32>, vector<16xf32>, vector<16xf32>, vector<16xf32>, vector<16xf32>, vector<16xf32>
      }
      %mul3A_218 = arith.constant 2 : i32
      %mul3A_219 = arith.muli %mul3A_218, %scan3A_113 : i32
      %add3A_220 = arith.constant 1 : i32
      %add3A_221 = arith.addi %mul3A_219, %add3A_220 : i32
      %add3A_222 = arith.constant 1 : i32
      %add3A_223 = arith.addi %add3A_221, %add3A_222 : i32
      %lt3A_224 = arith.constant 160 : i32
      %lt3A_225 = arith.cmpi slt, %add3A_223, %lt3A_224 : i32
      %convert_element_type3A_226 = arith.extui %lt3A_225 : i1 to i32
      %cond3A_227 = arith.constant 0 : i32
      %cond3A_228 = arith.cmpi ne, %convert_element_type3A_226, %cond3A_227 : i32
      scf.if %cond3A_228 {
        %add3A_310 = arith.constant 1 : i32
        %add3A_311 = arith.addi %add3A_221, %add3A_310 : i32
        %mul3A_312 = arith.constant 2000 : i32
        %mul3A_313 = arith.muli %add3A_311, %mul3A_312 : i32
        %dma_start3A_314 = tpu.memref_slice %arg2[%mul3A_313] : memref<320000xi32, #tpu.memory_space<hbm>> -> memref<2000xi32, #tpu.memory_space<hbm>>
        %dma_start3A_315 = tpu.memref_slice %arg2[%mul3A_313] : memref<320000xi32, #tpu.memory_space<hbm>> -> memref<2000xi32, #tpu.memory_space<hbm>>
        tpu.enqueue_dma source(%dma_start3A_315 : memref<2000xi32, #tpu.memory_space<hbm>>) target(%arg9 : memref<2000xi32, #tpu.memory_space<vmem>>) target_semaphore(%arg22 : memref<!tpu.dma_semaphore, #tpu.memory_space<semaphore_mem>>)
        %dma_start3A_316 = tpu.memref_slice %arg3[%mul3A_313] : memref<320000xi32, #tpu.memory_space<hbm>> -> memref<2000xi32, #tpu.memory_space<hbm>>
        %dma_start3A_317 = tpu.memref_slice %arg3[%mul3A_313] : memref<320000xi32, #tpu.memory_space<hbm>> -> memref<2000xi32, #tpu.memory_space<hbm>>
        tpu.enqueue_dma source(%dma_start3A_317 : memref<2000xi32, #tpu.memory_space<hbm>>) target(%arg11 : memref<2000xi32, #tpu.memory_space<vmem>>) target_semaphore(%arg22 : memref<!tpu.dma_semaphore, #tpu.memory_space<semaphore_mem>>)
      } else {
      }
      %mul3A_229 = arith.constant 2000 : i32
      %mul3A_230 = arith.muli %add3A_221, %mul3A_229 : i32
      %dma_wait3A_231 = tpu.memref_slice %arg2[%mul3A_230] : memref<320000xi32, #tpu.memory_space<hbm>> -> memref<2000xi32, #tpu.memory_space<hbm>>
      %dma_wait3A_232 = tpu.memref_slice %arg2[%mul3A_230] : memref<320000xi32, #tpu.memory_space<hbm>> -> memref<2000xi32, #tpu.memory_space<hbm>>
      tpu.wait_dma2 semaphore(%arg23 : memref<!tpu.dma_semaphore, #tpu.memory_space<semaphore_mem>>) src(%dma_wait3A_232 : memref<2000xi32, #tpu.memory_space<hbm>>) dst(%arg10 : memref<2000xi32, #tpu.memory_space<vmem>>)
      %dma_wait3A_233 = tpu.memref_slice %arg3[%mul3A_230] : memref<320000xi32, #tpu.memory_space<hbm>> -> memref<2000xi32, #tpu.memory_space<hbm>>
      %dma_wait3A_234 = tpu.memref_slice %arg3[%mul3A_230] : memref<320000xi32, #tpu.memory_space<hbm>> -> memref<2000xi32, #tpu.memory_space<hbm>>
      tpu.wait_dma2 semaphore(%arg23 : memref<!tpu.dma_semaphore, #tpu.memory_space<semaphore_mem>>) src(%dma_wait3A_234 : memref<2000xi32, #tpu.memory_space<hbm>>) dst(%arg12 : memref<2000xi32, #tpu.memory_space<vmem>>)
      %scan3A_235 = arith.constant 0 : i32
      %scan3A_236 = arith.constant 0 : i32
      %scan3A_237 = arith.constant 125 : i32
      %scan3A_238 = arith.addi %scan3A_236, %scan3A_237 : i32
      %scan3A_239 = arith.constant 1 : i32
      %scan3A_240 = scf.for %scan3A_310 = %scan3A_236 to %scan3A_238 step %scan3A_239 iter_args(%scan3A_311 = %scan3A_235) -> (i32)  : i32 {
        %mul3A_312 = arith.constant 16 : i32
        %mul3A_313 = arith.muli %scan3A_310, %mul3A_312 : i32
        %get3A = arith.index_cast %mul3A_313 : i32 to index
        %get3A_314 = tpu.vector_load %arg12[%get3A] {strides = array<i32>} : memref<2000xi32, #tpu.memory_space<vmem>>, vector<16xi32>,
        %mul3A_315 = arith.constant 16 : i32
        %mul3A_316 = arith.muli %scan3A_310, %mul3A_315 : i32
        %get3A_317 = arith.index_cast %mul3A_316 : i32 to index
        %get3A_318 = tpu.vector_load %arg10[%get3A_317] {strides = array<i32>} : memref<2000xi32, #tpu.memory_space<vmem>>, vector<16xi32>,
        %ge3A = vector.broadcast %mul3A_2 : i32 to vector<16xi32>
        %ge3A_319 = arith.cmpi sge, %get3A_314, %ge3A : vector<16xi32>
        %add3A_320 = arith.constant 320 : i32
        %add3A_321 = arith.addi %mul3A_2, %add3A_320 : i32
        %lt3A_322 = vector.broadcast %add3A_321 : i32 to vector<16xi32>
        %lt3A_323 = arith.cmpi slt, %get3A_314, %lt3A_322 : vector<16xi32>
        %and3A_324 = arith.andi %ge3A_319, %lt3A_323 : vector<16xi1>
        %all_reduce_population_count3A = tpu.all_reduce %and3A_324 {dim = 0 : i64, kind = #tpu.reduction_kind<sum>} : vector<16xi1> -> vector<16xi32>
        %slice3A = vector.extract_strided_slice %all_reduce_population_count3A {offsets = [0], sizes = [1], strides = [1]} : vector<16xi32> to vector<1xi32>
        %squeeze3A = vector.extract %slice3A[0] : i32 from vector<1xi32>
        %gt3A_325 = arith.constant 0 : i32
        %gt3A_326 = arith.cmpi sgt, %squeeze3A, %gt3A_325 : i32
        %convert_element_type3A_327 = arith.extui %gt3A_326 : i1 to i32
        %cond3A_328 = arith.constant 0 : i32
        %cond3A_329 = arith.cmpi ne, %convert_element_type3A_327, %cond3A_328 : i32
        scf.if %cond3A_329 {
          %jit3A_333 = arith.constant 0 : i32
          %jit3A_334 = arith.constant 1 : i32
          %broadcast_in_dim3A_335 = vector.broadcast %jit3A_333 : i32 to vector<16xi32>
          %broadcast_in_dim3A_336 = vector.broadcast %jit3A_334 : i32 to vector<16xi32>
          %select_n3A_337 = arith.select %and3A_324, %broadcast_in_dim3A_335, %broadcast_in_dim3A_336 : vector<16xi1>, vector<16xi32>
          %masked_sort3A = arith.constant dense<true> : vector<16xi1>
          %masked_sort3A_338 = arith.constant -2147483648 : i32
          %masked_sort3A_339 = vector.broadcast %masked_sort3A_338 : i32 to vector<16xi32>
          %masked_sort3A_340 = arith.xori %select_n3A_337, %masked_sort3A_339 : vector<16xi32>
          %masked_sort3A_341, %masked_sort3A_342, %masked_sort3A_343 = tpu.sort %masked_sort3A_340, %get3A_318 masked %masked_sort3A : (vector<16xi32>, vector<16xi32>, vector<16xi1>) -> (vector<16xi1>, vector<16xi32>, vector<16xi32>)
          %masked_sort3A_344 = arith.xori %masked_sort3A_342, %masked_sort3A_339 : vector<16xi32>
          %sub3A_345 = vector.broadcast %mul3A_2 : i32 to vector<16xi32>
          %sub3A_346 = arith.subi %get3A_314, %sub3A_345 : vector<16xi32>
          %masked_sort3A_347 = arith.constant dense<true> : vector<16xi1>
          %masked_sort3A_348 = arith.constant -2147483648 : i32
          %masked_sort3A_349 = vector.broadcast %masked_sort3A_348 : i32 to vector<16xi32>
          %masked_sort3A_350 = arith.xori %select_n3A_337, %masked_sort3A_349 : vector<16xi32>
          %masked_sort3A_351, %masked_sort3A_352, %masked_sort3A_353 = tpu.sort %masked_sort3A_350, %sub3A_346 masked %masked_sort3A_347 : (vector<16xi32>, vector<16xi32>, vector<16xi1>) -> (vector<16xi1>, vector<16xi32>, vector<16xi32>)
          %masked_sort3A_354 = arith.xori %masked_sort3A_352, %masked_sort3A_349 : vector<16xi32>
          %swap3A_355 = arith.index_cast %scan3A_311 : i32 to index
          %swap3A_356 = tpu.vector_load %arg13[%swap3A_355] {strides = array<i32>} : memref<2000xi32, #tpu.memory_space<vmem>>, vector<16xi32>,
          tpu.vector_store %arg13[%swap3A_355], %masked_sort3A_343 {strides = array<i32>} : memref<2000xi32, #tpu.memory_space<vmem>>, vector<16xi32>,
          %swap3A_357 = arith.index_cast %scan3A_311 : i32 to index
          %swap3A_358 = tpu.vector_load %arg14[%swap3A_357] {strides = array<i32>} : memref<2016xi32, #tpu.memory_space<vmem>>, vector<16xi32>,
          tpu.vector_store %arg14[%swap3A_357], %masked_sort3A_353 {strides = array<i32>} : memref<2016xi32, #tpu.memory_space<vmem>>, vector<16xi32>,
        } else {
        }
        %slice3A_330 = vector.extract_strided_slice %all_reduce_population_count3A {offsets = [0], sizes = [1], strides = [1]} : vector<16xi32> to vector<1xi32>
        %squeeze3A_331 = vector.extract %slice3A_330[0] : i32 from vector<1xi32>
        %add3A_332 = arith.addi %scan3A_311, %squeeze3A_331 : i32
        scf.yield %add3A_332 : i32
      }
      %scan3A_241 = arith.constant 125 : i32
      %add3A_242 = arith.constant 23 : i32
      %add3A_243 = arith.addi %scan3A_240, %add3A_242 : i32
      %jit3A_244 = arith.constant 24 : i32
      %div3A_245 = arith.divsi %add3A_243, %jit3A_244 : i32
      %sign3A_246 = arith.constant 0 : i32
      %sign3A_247 = arith.cmpi sgt, %add3A_243, %sign3A_246 : i32
      %sign3A_248 = arith.extui %sign3A_247 : i1 to i32
      %sign3A_249 = arith.constant 0 : i32
      %sign3A_250 = arith.cmpi slt, %add3A_243, %sign3A_249 : i32
      %sign3A_251 = arith.extui %sign3A_250 : i1 to i32
      %sign3A_252 = arith.subi %sign3A_248, %sign3A_251 : i32
      %sign3A_253 = arith.constant 0 : i32
      %sign3A_254 = arith.cmpi sgt, %jit3A_244, %sign3A_253 : i32
      %sign3A_255 = arith.extui %sign3A_254 : i1 to i32
      %sign3A_256 = arith.constant 0 : i32
      %sign3A_257 = arith.cmpi slt, %jit3A_244, %sign3A_256 : i32
      %sign3A_258 = arith.extui %sign3A_257 : i1 to i32
      %sign3A_259 = arith.subi %sign3A_255, %sign3A_258 : i32
      %ne3A_260 = arith.cmpi ne, %sign3A_252, %sign3A_259 : i32
      %rem3A_261 = arith.remsi %add3A_243, %jit3A_244 : i32
      %ne3A_262 = arith.constant 0 : i32
      %ne3A_263 = arith.cmpi ne, %rem3A_261, %ne3A_262 : i32
      %and3A_264 = arith.andi %ne3A_260, %ne3A_263 : i1
      %sub3A_265 = arith.constant 1 : i32
      %sub3A_266 = arith.subi %div3A_245, %sub3A_265 : i32
      %select_n3A_267 = arith.select %and3A_264, %sub3A_266, %div3A_245 : i32
      %gt3A_268 = arith.constant 0 : i32
      %gt3A_269 = arith.cmpi sgt, %select_n3A_267, %gt3A_268 : i32
      %convert_element_type3A_270 = arith.extui %gt3A_269 : i1 to i32
      %cond3A_271 = arith.constant 0 : i32
      %cond3A_272 = arith.cmpi ne, %convert_element_type3A_270, %cond3A_271 : i32
      scf.if %cond3A_272 {
        %dma_start3A_310 = arith.constant 0 : i32
        %dma_start3A_311 = tpu.memref_slice %arg13[%dma_start3A_310] : memref<2000xi32, #tpu.memory_space<vmem>> -> memref<24xi32, #tpu.memory_space<vmem>>
        %dma_start3A_312 = arith.constant 0 : i32
        %dma_start3A_313 = arith.constant 0 : i32
        %dma_start3A_314 = tpu.memref_slice %arg4[%dma_start3A_312, %dma_start3A_313] : memref<10000x256xf32, #tpu.memory_space<hbm>> -> memref<10000x256xf32, #tpu.memory_space<hbm>>
        tpu.enqueue_indirect_dma source(%dma_start3A_314 : memref<10000x256xf32, #tpu.memory_space<hbm>>) target(%arg18 : memref<24x256xf32, #tpu.memory_space<vmem>>) offsets(%dma_start3A_311 : memref<24xi32, #tpu.memory_space<vmem>>) semaphore(%arg24 : memref<!tpu.dma_semaphore, #tpu.memory_space<semaphore_mem>>)
      } else {
      }
      %add3A_273 = arith.constant 1 : i32
      %add3A_274 = arith.addi %select_n3A_267, %add3A_273 : i32
      %jit3A_275 = arith.constant 2 : i32
      %div3A_276 = arith.divsi %add3A_274, %jit3A_275 : i32
      %sign3A_277 = arith.constant 0 : i32
      %sign3A_278 = arith.cmpi sgt, %add3A_274, %sign3A_277 : i32
      %sign3A_279 = arith.extui %sign3A_278 : i1 to i32
      %sign3A_280 = arith.constant 0 : i32
      %sign3A_281 = arith.cmpi slt, %add3A_274, %sign3A_280 : i32
      %sign3A_282 = arith.extui %sign3A_281 : i1 to i32
      %sign3A_283 = arith.subi %sign3A_279, %sign3A_282 : i32
      %sign3A_284 = arith.constant 0 : i32
      %sign3A_285 = arith.cmpi sgt, %jit3A_275, %sign3A_284 : i32
      %sign3A_286 = arith.extui %sign3A_285 : i1 to i32
      %sign3A_287 = arith.constant 0 : i32
      %sign3A_288 = arith.cmpi slt, %jit3A_275, %sign3A_287 : i32
      %sign3A_289 = arith.extui %sign3A_288 : i1 to i32
      %sign3A_290 = arith.subi %sign3A_286, %sign3A_289 : i32
      %ne3A_291 = arith.cmpi ne, %sign3A_283, %sign3A_290 : i32
      %rem3A_292 = arith.remsi %add3A_274, %jit3A_275 : i32
      %ne3A_293 = arith.constant 0 : i32
      %ne3A_294 = arith.cmpi ne, %rem3A_292, %ne3A_293 : i32
      %and3A_295 = arith.andi %ne3A_291, %ne3A_294 : i1
      %sub3A_296 = arith.constant 1 : i32
      %sub3A_297 = arith.subi %div3A_276, %sub3A_296 : i32
      %select_n3A_298 = arith.select %and3A_295, %sub3A_297, %div3A_276 : i32
      %while3A_299 = arith.constant 0 : i32
      %while3A_300 = arith.subi %select_n3A_298, %while3A_299 : i32
      %while3A_301 = arith.addi %while3A_299, %while3A_300 : i32
      %while3A_302 = arith.constant 1 : i32
      %while3A_303 = arith.divsi %while3A_300, %while3A_302 : i32
      %while3A_304 = arith.muli %while3A_303, %while3A_302 : i32
      %while3A_305 = arith.addi %while3A_299, %while3A_304 : i32
      %while3A_306 = arith.constant 1 : i32
      %while3A_307:25 = scf.for %while3A_310 = %while3A_299 to %while3A_305 step %while3A_306 iter_args(%while3A_311 = %while3A_217#0, %while3A_312 = %while3A_217#1, %while3A_313 = %while3A_217#2, %while3A_314 = %while3A_217#3, %while3A_315 = %while3A_217#4, %while3A_316 = %while3A_217#5, %while3A_317 = %while3A_217#6, %while3A_318 = %while3A_217#7, %while3A_319 = %while3A_217#8, %while3A_320 = %while3A_217#9, %while3A_321 = %while3A_217#10, %while3A_322 = %while3A_217#11, %while3A_323 = %while3A_217#12, %while3A_324 = %while3A_217#13, %while3A_325 = %while3A_217#14, %while3A_326 = %while3A_217#15, %while3A_327 = %while3A_217#16, %while3A_328 = %while3A_217#17, %while3A_329 = %while3A_217#18, %while3A_330 = %while3A_217#19, %while3A_331 = %while3A_217#20, %while3A_332 = %while3A_217#21, %while3A_333 = %while3A_217#22, %while3A_334 = %while3A_217#23, %while3A_335 = %while3A_217#24) -> (vector<16xf32>, vector<16xf32>, vector<16xf32>, vector<16xf32>, vector<16xf32>, vector<16xf32>, vector<16xf32>, vector<16xf32>, vector<16xf32>, vector<16xf32>, vector<16xf32>, vector<16xf32>, vector<16xf32>, vector<16xf32>, vector<16xf32>, vector<16xf32>, vector<16xf32>, vector<16xf32>, vector<16xf32>, vector<16xf32>, vector<16xf32>, vector<16xf32>, vector<16xf32>, vector<16xf32>, vector<16xf32>)  : i32 {
        %mul3A_336 = arith.constant 2 : i32
        %mul3A_337 = arith.muli %mul3A_336, %while3A_310 : i32
        %add3A_338 = arith.constant 0 : i32
        %add3A_339 = arith.addi %mul3A_337, %add3A_338 : i32
        %mul3A_340 = arith.constant 24 : i32
        %mul3A_341 = arith.muli %add3A_339, %mul3A_340 : i32
        %add3A_342 = arith.constant 1 : i32
        %add3A_343 = arith.addi %add3A_339, %add3A_342 : i32
        %lt3A_344 = arith.cmpi slt, %add3A_343, %select_n3A_267 : i32
        %convert_element_type3A_345 = arith.extui %lt3A_344 : i1 to i32
        %cond3A_346 = arith.constant 0 : i32
        %cond3A_347 = arith.cmpi ne, %convert_element_type3A_345, %cond3A_346 : i32
        scf.if %cond3A_347 {
          %add3A_398 = arith.constant 24 : i32
          %add3A_399 = arith.addi %mul3A_341, %add3A_398 : i32
          %dma_start3A_400 = tpu.memref_slice %arg13[%add3A_399] : memref<2000xi32, #tpu.memory_space<vmem>> -> memref<24xi32, #tpu.memory_space<vmem>>
          %dma_start3A_401 = arith.constant 0 : i32
          %dma_start3A_402 = arith.constant 0 : i32
          %dma_start3A_403 = tpu.memref_slice %arg4[%dma_start3A_401, %dma_start3A_402] : memref<10000x256xf32, #tpu.memory_space<hbm>> -> memref<10000x256xf32, #tpu.memory_space<hbm>>
          tpu.enqueue_indirect_dma source(%dma_start3A_403 : memref<10000x256xf32, #tpu.memory_space<hbm>>) target(%arg19 : memref<24x256xf32, #tpu.memory_space<vmem>>) offsets(%dma_start3A_400 : memref<24xi32, #tpu.memory_space<vmem>>) semaphore(%arg25 : memref<!tpu.dma_semaphore, #tpu.memory_space<semaphore_mem>>)
        } else {
        }
        %lt3A_348 = arith.cmpi slt, %add3A_339, %select_n3A_267 : i32
        %convert_element_type3A_349 = arith.extui %lt3A_348 : i1 to i32
        %cond3A_350 = arith.constant 0 : i32
        %cond3A_351 = arith.cmpi ne, %convert_element_type3A_349, %cond3A_350 : i32
        scf.if %cond3A_351 {
          %dma_wait3A_398 = tpu.memref_slice %arg13[%mul3A_341] : memref<2000xi32, #tpu.memory_space<vmem>> -> memref<24xi32, #tpu.memory_space<vmem>>
          %dma_wait3A_399 = arith.constant 0 : i32
          %dma_wait3A_400 = arith.constant 0 : i32
          %dma_wait3A_401 = tpu.memref_slice %arg4[%dma_wait3A_399, %dma_wait3A_400] : memref<10000x256xf32, #tpu.memory_space<hbm>> -> memref<10000x256xf32, #tpu.memory_space<hbm>>
          tpu.wait_indirect_dma semaphore(%arg24 : memref<!tpu.dma_semaphore, #tpu.memory_space<semaphore_mem>>) src(%dma_wait3A_401 : memref<10000x256xf32, #tpu.memory_space<hbm>>) dst(%arg18 : memref<24x256xf32, #tpu.memory_space<vmem>>)
        } else {
        }
        %sub3A_352 = arith.subi %scan3A_240, %mul3A_341 : i32
        %jit3A_353 = arith.constant 0 : i32
        %jit3A_354 = arith.constant 24 : i32
        %max3A = arith.maxsi %jit3A_353, %sub3A_352 : i32
        %min3A = arith.minsi %jit3A_354, %max3A : i32
        %while3A_355 = arith.constant 0 : i32
        %while3A_356 = arith.subi %min3A, %while3A_355 : i32
        %while3A_357 = arith.addi %while3A_355, %while3A_356 : i32
        %while3A_358 = arith.constant 1 : i32
        %while3A_359 = arith.divsi %while3A_356, %while3A_358 : i32
        %while3A_360 = arith.muli %while3A_359, %while3A_358 : i32
        %while3A_361 = arith.addi %while3A_355, %while3A_360 : i32
        %while3A_362 = arith.constant 1 : i32
        %while3A_363:25 = scf.for %while3A_398 = %while3A_355 to %while3A_361 step %while3A_362 iter_args(%while3A_399 = %while3A_311, %while3A_400 = %while3A_312, %while3A_401 = %while3A_313, %while3A_402 = %while3A_314, %while3A_403 = %while3A_315, %while3A_404 = %while3A_316, %while3A_405 = %while3A_317, %while3A_406 = %while3A_318, %while3A_407 = %while3A_319, %while3A_408 = %while3A_320, %while3A_409 = %while3A_321, %while3A_410 = %while3A_322, %while3A_411 = %while3A_323, %while3A_412 = %while3A_324, %while3A_413 = %while3A_325, %while3A_414 = %while3A_326, %while3A_415 = %while3A_327, %while3A_416 = %while3A_328, %while3A_417 = %while3A_329, %while3A_418 = %while3A_330, %while3A_419 = %while3A_331, %while3A_420 = %while3A_332, %while3A_421 = %while3A_333, %while3A_422 = %while3A_334, %while3A_423 = %while3A_335) -> (vector<16xf32>, vector<16xf32>, vector<16xf32>, vector<16xf32>, vector<16xf32>, vector<16xf32>, vector<16xf32>, vector<16xf32>, vector<16xf32>, vector<16xf32>, vector<16xf32>, vector<16xf32>, vector<16xf32>, vector<16xf32>, vector<16xf32>, vector<16xf32>, vector<16xf32>, vector<16xf32>, vector<16xf32>, vector<16xf32>, vector<16xf32>, vector<16xf32>, vector<16xf32>, vector<16xf32>, vector<16xf32>)  : i32 {
          %add3A_424 = arith.addi %mul3A_341, %while3A_398 : i32
          %get3A = arith.index_cast %add3A_424 : i32 to index
          %get3A_425 = tpu.vector_load %arg14[%get3A] {strides = array<i32>} : memref<2016xi32, #tpu.memory_space<vmem>>, vector<16xi32>,
          %slice3A = vector.extract_strided_slice %get3A_425 {offsets = [0], sizes = [1], strides = [1]} : vector<16xi32> to vector<1xi32>
          %squeeze3A = vector.extract %slice3A[0] : i32 from vector<1xi32>
          %mul3A_426 = arith.constant 2 : i32
          %mul3A_427 = arith.muli %mul3A_426, %squeeze3A : i32
          %get3A_428 = arith.index_cast %mul3A_427 : i32 to index
          %get3A_429 = tpu.vector_load %arg16[%get3A_428] {strides = array<i32>} : memref<656xf32, #tpu.memory_space<vmem>>, vector<16xf32>,
          %add3A_430 = arith.addf %while3A_423, %get3A_429 : vector<16xf32>
          %get3A_431 = arith.index_cast %while3A_398 : i32 to index
          %get3A_432 = arith.constant 0 : index
          %get3A_433 = tpu.vector_load %arg18[%get3A_431, %get3A_432] {strides = array<i32>} : memref<24x256xf32, #tpu.memory_space<vmem>>, vector<16xf32>,
          %get3A_434 = arith.index_cast %squeeze3A : i32 to index
          %get3A_435 = arith.constant 0 : index
          %get3A_436 = tpu.vector_load %arg15[%get3A_434, %get3A_435] {strides = array<i32>} : memref<320x128xf32, #tpu.memory_space<vmem>>, vector<16xf32>,
          %add3A_437 = arith.addf %while3A_399, %get3A_433 : vector<16xf32>
          %mul3A_438 = arith.mulf %get3A_433, %get3A_433 : vector<16xf32>
          %add3A_439 = arith.addf %while3A_407, %mul3A_438 : vector<16xf32>
          %mul3A_440 = arith.mulf %get3A_433, %get3A_436 : vector<16xf32>
          %add3A_441 = arith.addf %while3A_415, %mul3A_440 : vector<16xf32>
          %get3A_442 = arith.index_cast %while3A_398 : i32 to index
          %get3A_443 = arith.constant 128 : index
          %get3A_444 = tpu.vector_load %arg18[%get3A_442, %get3A_443] {strides = array<i32>} : memref<24x256xf32, #tpu.memory_space<vmem>>, vector<16xf32>,
          %get3A_445 = arith.index_cast %squeeze3A : i32 to index
          %get3A_446 = arith.constant 0 : index
          %get3A_447 = tpu.vector_load %arg17[%get3A_445, %get3A_446] {strides = array<i32>} : memref<320x128xf32, #tpu.memory_space<vmem>>, vector<16xf32>,
          %max3A_448 = arith.maximumf %get3A_447, %get3A_444 : vector<16xf32>
          %swap3A_449 = arith.index_cast %squeeze3A : i32 to index
          %swap3A_450 = arith.constant 0 : index
          %swap3A_451 = tpu.vector_load %arg17[%swap3A_449, %swap3A_450] {strides = array<i32>} : memref<320x128xf32, #tpu.memory_space<vmem>>, vector<16xf32>,
          tpu.vector_store %arg17[%swap3A_449, %swap3A_450], %max3A_448 {strides = array<i32>} : memref<320x128xf32, #tpu.memory_space<vmem>>, vector<16xf32>,
          %get3A_452 = arith.index_cast %while3A_398 : i32 to index
          %get3A_453 = arith.constant 16 : index
          %get3A_454 = tpu.vector_load %arg18[%get3A_452, %get3A_453] {strides = array<i32>} : memref<24x256xf32, #tpu.memory_space<vmem>>, vector<16xf32>,
          %get3A_455 = arith.index_cast %squeeze3A : i32 to index
          %get3A_456 = arith.constant 16 : index
          %get3A_457 = tpu.vector_load %arg15[%get3A_455, %get3A_456] {strides = array<i32>} : memref<320x128xf32, #tpu.memory_space<vmem>>, vector<16xf32>,
          %add3A_458 = arith.addf %while3A_400, %get3A_454 : vector<16xf32>
          %mul3A_459 = arith.mulf %get3A_454, %get3A_454 : vector<16xf32>
          %add3A_460 = arith.addf %while3A_408, %mul3A_459 : vector<16xf32>
          %mul3A_461 = arith.mulf %get3A_454, %get3A_457 : vector<16xf32>
          %add3A_462 = arith.addf %while3A_416, %mul3A_461 : vector<16xf32>
          %get3A_463 = arith.index_cast %while3A_398 : i32 to index
          %get3A_464 = arith.constant 144 : index
          %get3A_465 = tpu.vector_load %arg18[%get3A_463, %get3A_464] {strides = array<i32>} : memref<24x256xf32, #tpu.memory_space<vmem>>, vector<16xf32>,
          %get3A_466 = arith.index_cast %squeeze3A : i32 to index
          %get3A_467 = arith.constant 16 : index
          %get3A_468 = tpu.vector_load %arg17[%get3A_466, %get3A_467] {strides = array<i32>} : memref<320x128xf32, #tpu.memory_space<vmem>>, vector<16xf32>,
          %max3A_469 = arith.maximumf %get3A_468, %get3A_465 : vector<16xf32>
          %swap3A_470 = arith.index_cast %squeeze3A : i32 to index
          %swap3A_471 = arith.constant 16 : index
          %swap3A_472 = tpu.vector_load %arg17[%swap3A_470, %swap3A_471] {strides = array<i32>} : memref<320x128xf32, #tpu.memory_space<vmem>>, vector<16xf32>,
          tpu.vector_store %arg17[%swap3A_470, %swap3A_471], %max3A_469 {strides = array<i32>} : memref<320x128xf32, #tpu.memory_space<vmem>>, vector<16xf32>,
          %get3A_473 = arith.index_cast %while3A_398 : i32 to index
          %get3A_474 = arith.constant 32 : index
          %get3A_475 = tpu.vector_load %arg18[%get3A_473, %get3A_474] {strides = array<i32>} : memref<24x256xf32, #tpu.memory_space<vmem>>, vector<16xf32>,
          %get3A_476 = arith.index_cast %squeeze3A : i32 to index
          %get3A_477 = arith.constant 32 : index
          %get3A_478 = tpu.vector_load %arg15[%get3A_476, %get3A_477] {strides = array<i32>} : memref<320x128xf32, #tpu.memory_space<vmem>>, vector<16xf32>,
          %add3A_479 = arith.addf %while3A_401, %get3A_475 : vector<16xf32>
          %mul3A_480 = arith.mulf %get3A_475, %get3A_475 : vector<16xf32>
          %add3A_481 = arith.addf %while3A_409, %mul3A_480 : vector<16xf32>
          %mul3A_482 = arith.mulf %get3A_475, %get3A_478 : vector<16xf32>
          %add3A_483 = arith.addf %while3A_417, %mul3A_482 : vector<16xf32>
          %get3A_484 = arith.index_cast %while3A_398 : i32 to index
          %get3A_485 = arith.constant 160 : index
          %get3A_486 = tpu.vector_load %arg18[%get3A_484, %get3A_485] {strides = array<i32>} : memref<24x256xf32, #tpu.memory_space<vmem>>, vector<16xf32>,
          %get3A_487 = arith.index_cast %squeeze3A : i32 to index
          %get3A_488 = arith.constant 32 : index
          %get3A_489 = tpu.vector_load %arg17[%get3A_487, %get3A_488] {strides = array<i32>} : memref<320x128xf32, #tpu.memory_space<vmem>>, vector<16xf32>,
          %max3A_490 = arith.maximumf %get3A_489, %get3A_486 : vector<16xf32>
          %swap3A_491 = arith.index_cast %squeeze3A : i32 to index
          %swap3A_492 = arith.constant 32 : index
          %swap3A_493 = tpu.vector_load %arg17[%swap3A_491, %swap3A_492] {strides = array<i32>} : memref<320x128xf32, #tpu.memory_space<vmem>>, vector<16xf32>,
          tpu.vector_store %arg17[%swap3A_491, %swap3A_492], %max3A_490 {strides = array<i32>} : memref<320x128xf32, #tpu.memory_space<vmem>>, vector<16xf32>,
          %get3A_494 = arith.index_cast %while3A_398 : i32 to index
          %get3A_495 = arith.constant 48 : index
          %get3A_496 = tpu.vector_load %arg18[%get3A_494, %get3A_495] {strides = array<i32>} : memref<24x256xf32, #tpu.memory_space<vmem>>, vector<16xf32>,
          %get3A_497 = arith.index_cast %squeeze3A : i32 to index
          %get3A_498 = arith.constant 48 : index
          %get3A_499 = tpu.vector_load %arg15[%get3A_497, %get3A_498] {strides = array<i32>} : memref<320x128xf32, #tpu.memory_space<vmem>>, vector<16xf32>,
          %add3A_500 = arith.addf %while3A_402, %get3A_496 : vector<16xf32>
          %mul3A_501 = arith.mulf %get3A_496, %get3A_496 : vector<16xf32>
          %add3A_502 = arith.addf %while3A_410, %mul3A_501 : vector<16xf32>
          %mul3A_503 = arith.mulf %get3A_496, %get3A_499 : vector<16xf32>
          %add3A_504 = arith.addf %while3A_418, %mul3A_503 : vector<16xf32>
          %get3A_505 = arith.index_cast %while3A_398 : i32 to index
          %get3A_506 = arith.constant 176 : index
          %get3A_507 = tpu.vector_load %arg18[%get3A_505, %get3A_506] {strides = array<i32>} : memref<24x256xf32, #tpu.memory_space<vmem>>, vector<16xf32>,
          %get3A_508 = arith.index_cast %squeeze3A : i32 to index
          %get3A_509 = arith.constant 48 : index
          %get3A_510 = tpu.vector_load %arg17[%get3A_508, %get3A_509] {strides = array<i32>} : memref<320x128xf32, #tpu.memory_space<vmem>>, vector<16xf32>,
          %max3A_511 = arith.maximumf %get3A_510, %get3A_507 : vector<16xf32>
          %swap3A_512 = arith.index_cast %squeeze3A : i32 to index
          %swap3A_513 = arith.constant 48 : index
          %swap3A_514 = tpu.vector_load %arg17[%swap3A_512, %swap3A_513] {strides = array<i32>} : memref<320x128xf32, #tpu.memory_space<vmem>>, vector<16xf32>,
          tpu.vector_store %arg17[%swap3A_512, %swap3A_513], %max3A_511 {strides = array<i32>} : memref<320x128xf32, #tpu.memory_space<vmem>>, vector<16xf32>,
          %get3A_515 = arith.index_cast %while3A_398 : i32 to index
          %get3A_516 = arith.constant 64 : index
          %get3A_517 = tpu.vector_load %arg18[%get3A_515, %get3A_516] {strides = array<i32>} : memref<24x256xf32, #tpu.memory_space<vmem>>, vector<16xf32>,
          %get3A_518 = arith.index_cast %squeeze3A : i32 to index
          %get3A_519 = arith.constant 64 : index
          %get3A_520 = tpu.vector_load %arg15[%get3A_518, %get3A_519] {strides = array<i32>} : memref<320x128xf32, #tpu.memory_space<vmem>>, vector<16xf32>,
          %add3A_521 = arith.addf %while3A_403, %get3A_517 : vector<16xf32>
          %mul3A_522 = arith.mulf %get3A_517, %get3A_517 : vector<16xf32>
          %add3A_523 = arith.addf %while3A_411, %mul3A_522 : vector<16xf32>
          %mul3A_524 = arith.mulf %get3A_517, %get3A_520 : vector<16xf32>
          %add3A_525 = arith.addf %while3A_419, %mul3A_524 : vector<16xf32>
          %get3A_526 = arith.index_cast %while3A_398 : i32 to index
          %get3A_527 = arith.constant 192 : index
          %get3A_528 = tpu.vector_load %arg18[%get3A_526, %get3A_527] {strides = array<i32>} : memref<24x256xf32, #tpu.memory_space<vmem>>, vector<16xf32>,
          %get3A_529 = arith.index_cast %squeeze3A : i32 to index
          %get3A_530 = arith.constant 64 : index
          %get3A_531 = tpu.vector_load %arg17[%get3A_529, %get3A_530] {strides = array<i32>} : memref<320x128xf32, #tpu.memory_space<vmem>>, vector<16xf32>,
          %max3A_532 = arith.maximumf %get3A_531, %get3A_528 : vector<16xf32>
          %swap3A_533 = arith.index_cast %squeeze3A : i32 to index
          %swap3A_534 = arith.constant 64 : index
          %swap3A_535 = tpu.vector_load %arg17[%swap3A_533, %swap3A_534] {strides = array<i32>} : memref<320x128xf32, #tpu.memory_space<vmem>>, vector<16xf32>,
          tpu.vector_store %arg17[%swap3A_533, %swap3A_534], %max3A_532 {strides = array<i32>} : memref<320x128xf32, #tpu.memory_space<vmem>>, vector<16xf32>,
          %get3A_536 = arith.index_cast %while3A_398 : i32 to index
          %get3A_537 = arith.constant 80 : index
          %get3A_538 = tpu.vector_load %arg18[%get3A_536, %get3A_537] {strides = array<i32>} : memref<24x256xf32, #tpu.memory_space<vmem>>, vector<16xf32>,
          %get3A_539 = arith.index_cast %squeeze3A : i32 to index
          %get3A_540 = arith.constant 80 : index
          %get3A_541 = tpu.vector_load %arg15[%get3A_539, %get3A_540] {strides = array<i32>} : memref<320x128xf32, #tpu.memory_space<vmem>>, vector<16xf32>,
          %add3A_542 = arith.addf %while3A_404, %get3A_538 : vector<16xf32>
          %mul3A_543 = arith.mulf %get3A_538, %get3A_538 : vector<16xf32>
          %add3A_544 = arith.addf %while3A_412, %mul3A_543 : vector<16xf32>
          %mul3A_545 = arith.mulf %get3A_538, %get3A_541 : vector<16xf32>
          %add3A_546 = arith.addf %while3A_420, %mul3A_545 : vector<16xf32>
          %get3A_547 = arith.index_cast %while3A_398 : i32 to index
          %get3A_548 = arith.constant 208 : index
          %get3A_549 = tpu.vector_load %arg18[%get3A_547, %get3A_548] {strides = array<i32>} : memref<24x256xf32, #tpu.memory_space<vmem>>, vector<16xf32>,
          %get3A_550 = arith.index_cast %squeeze3A : i32 to index
          %get3A_551 = arith.constant 80 : index
          %get3A_552 = tpu.vector_load %arg17[%get3A_550, %get3A_551] {strides = array<i32>} : memref<320x128xf32, #tpu.memory_space<vmem>>, vector<16xf32>,
          %max3A_553 = arith.maximumf %get3A_552, %get3A_549 : vector<16xf32>
          %swap3A_554 = arith.index_cast %squeeze3A : i32 to index
          %swap3A_555 = arith.constant 80 : index
          %swap3A_556 = tpu.vector_load %arg17[%swap3A_554, %swap3A_555] {strides = array<i32>} : memref<320x128xf32, #tpu.memory_space<vmem>>, vector<16xf32>,
          tpu.vector_store %arg17[%swap3A_554, %swap3A_555], %max3A_553 {strides = array<i32>} : memref<320x128xf32, #tpu.memory_space<vmem>>, vector<16xf32>,
          %get3A_557 = arith.index_cast %while3A_398 : i32 to index
          %get3A_558 = arith.constant 96 : index
          %get3A_559 = tpu.vector_load %arg18[%get3A_557, %get3A_558] {strides = array<i32>} : memref<24x256xf32, #tpu.memory_space<vmem>>, vector<16xf32>,
          %get3A_560 = arith.index_cast %squeeze3A : i32 to index
          %get3A_561 = arith.constant 96 : index
          %get3A_562 = tpu.vector_load %arg15[%get3A_560, %get3A_561] {strides = array<i32>} : memref<320x128xf32, #tpu.memory_space<vmem>>, vector<16xf32>,
          %add3A_563 = arith.addf %while3A_405, %get3A_559 : vector<16xf32>
          %mul3A_564 = arith.mulf %get3A_559, %get3A_559 : vector<16xf32>
          %add3A_565 = arith.addf %while3A_413, %mul3A_564 : vector<16xf32>
          %mul3A_566 = arith.mulf %get3A_559, %get3A_562 : vector<16xf32>
          %add3A_567 = arith.addf %while3A_421, %mul3A_566 : vector<16xf32>
          %get3A_568 = arith.index_cast %while3A_398 : i32 to index
          %get3A_569 = arith.constant 224 : index
          %get3A_570 = tpu.vector_load %arg18[%get3A_568, %get3A_569] {strides = array<i32>} : memref<24x256xf32, #tpu.memory_space<vmem>>, vector<16xf32>,
          %get3A_571 = arith.index_cast %squeeze3A : i32 to index
          %get3A_572 = arith.constant 96 : index
          %get3A_573 = tpu.vector_load %arg17[%get3A_571, %get3A_572] {strides = array<i32>} : memref<320x128xf32, #tpu.memory_space<vmem>>, vector<16xf32>,
          %max3A_574 = arith.maximumf %get3A_573, %get3A_570 : vector<16xf32>
          %swap3A_575 = arith.index_cast %squeeze3A : i32 to index
          %swap3A_576 = arith.constant 96 : index
          %swap3A_577 = tpu.vector_load %arg17[%swap3A_575, %swap3A_576] {strides = array<i32>} : memref<320x128xf32, #tpu.memory_space<vmem>>, vector<16xf32>,
          tpu.vector_store %arg17[%swap3A_575, %swap3A_576], %max3A_574 {strides = array<i32>} : memref<320x128xf32, #tpu.memory_space<vmem>>, vector<16xf32>,
          %get3A_578 = arith.index_cast %while3A_398 : i32 to index
          %get3A_579 = arith.constant 112 : index
          %get3A_580 = tpu.vector_load %arg18[%get3A_578, %get3A_579] {strides = array<i32>} : memref<24x256xf32, #tpu.memory_space<vmem>>, vector<16xf32>,
          %get3A_581 = arith.index_cast %squeeze3A : i32 to index
          %get3A_582 = arith.constant 112 : index
          %get3A_583 = tpu.vector_load %arg15[%get3A_581, %get3A_582] {strides = array<i32>} : memref<320x128xf32, #tpu.memory_space<vmem>>, vector<16xf32>,
          %add3A_584 = arith.addf %while3A_406, %get3A_580 : vector<16xf32>
          %mul3A_585 = arith.mulf %get3A_580, %get3A_580 : vector<16xf32>
          %add3A_586 = arith.addf %while3A_414, %mul3A_585 : vector<16xf32>
          %mul3A_587 = arith.mulf %get3A_580, %get3A_583 : vector<16xf32>
          %add3A_588 = arith.addf %while3A_422, %mul3A_587 : vector<16xf32>
          %get3A_589 = arith.index_cast %while3A_398 : i32 to index
          %get3A_590 = arith.constant 240 : index
          %get3A_591 = tpu.vector_load %arg18[%get3A_589, %get3A_590] {strides = array<i32>} : memref<24x256xf32, #tpu.memory_space<vmem>>, vector<16xf32>,
          %get3A_592 = arith.index_cast %squeeze3A : i32 to index
          %get3A_593 = arith.constant 112 : index
          %get3A_594 = tpu.vector_load %arg17[%get3A_592, %get3A_593] {strides = array<i32>} : memref<320x128xf32, #tpu.memory_space<vmem>>, vector<16xf32>,
          %max3A_595 = arith.maximumf %get3A_594, %get3A_591 : vector<16xf32>
          %swap3A_596 = arith.index_cast %squeeze3A : i32 to index
          %swap3A_597 = arith.constant 112 : index
          %swap3A_598 = tpu.vector_load %arg17[%swap3A_596, %swap3A_597] {strides = array<i32>} : memref<320x128xf32, #tpu.memory_space<vmem>>, vector<16xf32>,
          tpu.vector_store %arg17[%swap3A_596, %swap3A_597], %max3A_595 {strides = array<i32>} : memref<320x128xf32, #tpu.memory_space<vmem>>, vector<16xf32>,
          scf.yield %add3A_437, %add3A_458, %add3A_479, %add3A_500, %add3A_521, %add3A_542, %add3A_563, %add3A_584, %add3A_439, %add3A_460, %add3A_481, %add3A_502, %add3A_523, %add3A_544, %add3A_565, %add3A_586, %add3A_441, %add3A_462, %add3A_483, %add3A_504, %add3A_525, %add3A_546, %add3A_567, %add3A_588, %add3A_430 : vector<16xf32>, vector<16xf32>, vector<16xf32>, vector<16xf32>, vector<16xf32>, vector<16xf32>, vector<16xf32>, vector<16xf32>, vector<16xf32>, vector<16xf32>, vector<16xf32>, vector<16xf32>, vector<16xf32>, vector<16xf32>, vector<16xf32>, vector<16xf32>, vector<16xf32>, vector<16xf32>, vector<16xf32>, vector<16xf32>, vector<16xf32>, vector<16xf32>, vector<16xf32>, vector<16xf32>, vector<16xf32>
        }
        %while3A_364 = arith.constant 1 : i32
        %while3A_365:25 = scf.for %while3A_398 = %while3A_361 to %while3A_357 step %while3A_364 iter_args(%while3A_399 = %while3A_363#0, %while3A_400 = %while3A_363#1, %while3A_401 = %while3A_363#2, %while3A_402 = %while3A_363#3, %while3A_403 = %while3A_363#4, %while3A_404 = %while3A_363#5, %while3A_405 = %while3A_363#6, %while3A_406 = %while3A_363#7, %while3A_407 = %while3A_363#8, %while3A_408 = %while3A_363#9, %while3A_409 = %while3A_363#10, %while3A_410 = %while3A_363#11, %while3A_411 = %while3A_363#12, %while3A_412 = %while3A_363#13, %while3A_413 = %while3A_363#14, %while3A_414 = %while3A_363#15, %while3A_415 = %while3A_363#16, %while3A_416 = %while3A_363#17, %while3A_417 = %while3A_363#18, %while3A_418 = %while3A_363#19, %while3A_419 = %while3A_363#20, %while3A_420 = %while3A_363#21, %while3A_421 = %while3A_363#22, %while3A_422 = %while3A_363#23, %while3A_423 = %while3A_363#24) -> (vector<16xf32>, vector<16xf32>, vector<16xf32>, vector<16xf32>, vector<16xf32>, vector<16xf32>, vector<16xf32>, vector<16xf32>, vector<16xf32>, vector<16xf32>, vector<16xf32>, vector<16xf32>, vector<16xf32>, vector<16xf32>, vector<16xf32>, vector<16xf32>, vector<16xf32>, vector<16xf32>, vector<16xf32>, vector<16xf32>, vector<16xf32>, vector<16xf32>, vector<16xf32>, vector<16xf32>, vector<16xf32>)  : i32 {
          %add3A_424 = arith.addi %mul3A_341, %while3A_398 : i32
          %get3A = arith.index_cast %add3A_424 : i32 to index
          %get3A_425 = tpu.vector_load %arg14[%get3A] {strides = array<i32>} : memref<2016xi32, #tpu.memory_space<vmem>>, vector<16xi32>,
          %slice3A = vector.extract_strided_slice %get3A_425 {offsets = [0], sizes = [1], strides = [1]} : vector<16xi32> to vector<1xi32>
          %squeeze3A = vector.extract %slice3A[0] : i32 from vector<1xi32>
          %mul3A_426 = arith.constant 2 : i32
          %mul3A_427 = arith.muli %mul3A_426, %squeeze3A : i32
          %get3A_428 = arith.index_cast %mul3A_427 : i32 to index
          %get3A_429 = tpu.vector_load %arg16[%get3A_428] {strides = array<i32>} : memref<656xf32, #tpu.memory_space<vmem>>, vector<16xf32>,
          %add3A_430 = arith.addf %while3A_423, %get3A_429 : vector<16xf32>
          %get3A_431 = arith.index_cast %while3A_398 : i32 to index
          %get3A_432 = arith.constant 0 : index
          %get3A_433 = tpu.vector_load %arg18[%get3A_431, %get3A_432] {strides = array<i32>} : memref<24x256xf32, #tpu.memory_space<vmem>>, vector<16xf32>,
          %get3A_434 = arith.index_cast %squeeze3A : i32 to index
          %get3A_435 = arith.constant 0 : index
          %get3A_436 = tpu.vector_load %arg15[%get3A_434, %get3A_435] {strides = array<i32>} : memref<320x128xf32, #tpu.memory_space<vmem>>, vector<16xf32>,
          %add3A_437 = arith.addf %while3A_399, %get3A_433 : vector<16xf32>
          %mul3A_438 = arith.mulf %get3A_433, %get3A_433 : vector<16xf32>
          %add3A_439 = arith.addf %while3A_407, %mul3A_438 : vector<16xf32>
          %mul3A_440 = arith.mulf %get3A_433, %get3A_436 : vector<16xf32>
          %add3A_441 = arith.addf %while3A_415, %mul3A_440 : vector<16xf32>
          %get3A_442 = arith.index_cast %while3A_398 : i32 to index
          %get3A_443 = arith.constant 128 : index
          %get3A_444 = tpu.vector_load %arg18[%get3A_442, %get3A_443] {strides = array<i32>} : memref<24x256xf32, #tpu.memory_space<vmem>>, vector<16xf32>,
          %get3A_445 = arith.index_cast %squeeze3A : i32 to index
          %get3A_446 = arith.constant 0 : index
          %get3A_447 = tpu.vector_load %arg17[%get3A_445, %get3A_446] {strides = array<i32>} : memref<320x128xf32, #tpu.memory_space<vmem>>, vector<16xf32>,
          %max3A_448 = arith.maximumf %get3A_447, %get3A_444 : vector<16xf32>
          %swap3A_449 = arith.index_cast %squeeze3A : i32 to index
          %swap3A_450 = arith.constant 0 : index
          %swap3A_451 = tpu.vector_load %arg17[%swap3A_449, %swap3A_450] {strides = array<i32>} : memref<320x128xf32, #tpu.memory_space<vmem>>, vector<16xf32>,
          tpu.vector_store %arg17[%swap3A_449, %swap3A_450], %max3A_448 {strides = array<i32>} : memref<320x128xf32, #tpu.memory_space<vmem>>, vector<16xf32>,
          %get3A_452 = arith.index_cast %while3A_398 : i32 to index
          %get3A_453 = arith.constant 16 : index
          %get3A_454 = tpu.vector_load %arg18[%get3A_452, %get3A_453] {strides = array<i32>} : memref<24x256xf32, #tpu.memory_space<vmem>>, vector<16xf32>,
          %get3A_455 = arith.index_cast %squeeze3A : i32 to index
          %get3A_456 = arith.constant 16 : index
          %get3A_457 = tpu.vector_load %arg15[%get3A_455, %get3A_456] {strides = array<i32>} : memref<320x128xf32, #tpu.memory_space<vmem>>, vector<16xf32>,
          %add3A_458 = arith.addf %while3A_400, %get3A_454 : vector<16xf32>
          %mul3A_459 = arith.mulf %get3A_454, %get3A_454 : vector<16xf32>
          %add3A_460 = arith.addf %while3A_408, %mul3A_459 : vector<16xf32>
          %mul3A_461 = arith.mulf %get3A_454, %get3A_457 : vector<16xf32>
          %add3A_462 = arith.addf %while3A_416, %mul3A_461 : vector<16xf32>
          %get3A_463 = arith.index_cast %while3A_398 : i32 to index
          %get3A_464 = arith.constant 144 : index
          %get3A_465 = tpu.vector_load %arg18[%get3A_463, %get3A_464] {strides = array<i32>} : memref<24x256xf32, #tpu.memory_space<vmem>>, vector<16xf32>,
          %get3A_466 = arith.index_cast %squeeze3A : i32 to index
          %get3A_467 = arith.constant 16 : index
          %get3A_468 = tpu.vector_load %arg17[%get3A_466, %get3A_467] {strides = array<i32>} : memref<320x128xf32, #tpu.memory_space<vmem>>, vector<16xf32>,
          %max3A_469 = arith.maximumf %get3A_468, %get3A_465 : vector<16xf32>
          %swap3A_470 = arith.index_cast %squeeze3A : i32 to index
          %swap3A_471 = arith.constant 16 : index
          %swap3A_472 = tpu.vector_load %arg17[%swap3A_470, %swap3A_471] {strides = array<i32>} : memref<320x128xf32, #tpu.memory_space<vmem>>, vector<16xf32>,
          tpu.vector_store %arg17[%swap3A_470, %swap3A_471], %max3A_469 {strides = array<i32>} : memref<320x128xf32, #tpu.memory_space<vmem>>, vector<16xf32>,
          %get3A_473 = arith.index_cast %while3A_398 : i32 to index
          %get3A_474 = arith.constant 32 : index
          %get3A_475 = tpu.vector_load %arg18[%get3A_473, %get3A_474] {strides = array<i32>} : memref<24x256xf32, #tpu.memory_space<vmem>>, vector<16xf32>,
          %get3A_476 = arith.index_cast %squeeze3A : i32 to index
          %get3A_477 = arith.constant 32 : index
          %get3A_478 = tpu.vector_load %arg15[%get3A_476, %get3A_477] {strides = array<i32>} : memref<320x128xf32, #tpu.memory_space<vmem>>, vector<16xf32>,
          %add3A_479 = arith.addf %while3A_401, %get3A_475 : vector<16xf32>
          %mul3A_480 = arith.mulf %get3A_475, %get3A_475 : vector<16xf32>
          %add3A_481 = arith.addf %while3A_409, %mul3A_480 : vector<16xf32>
          %mul3A_482 = arith.mulf %get3A_475, %get3A_478 : vector<16xf32>
          %add3A_483 = arith.addf %while3A_417, %mul3A_482 : vector<16xf32>
          %get3A_484 = arith.index_cast %while3A_398 : i32 to index
          %get3A_485 = arith.constant 160 : index
          %get3A_486 = tpu.vector_load %arg18[%get3A_484, %get3A_485] {strides = array<i32>} : memref<24x256xf32, #tpu.memory_space<vmem>>, vector<16xf32>,
          %get3A_487 = arith.index_cast %squeeze3A : i32 to index
          %get3A_488 = arith.constant 32 : index
          %get3A_489 = tpu.vector_load %arg17[%get3A_487, %get3A_488] {strides = array<i32>} : memref<320x128xf32, #tpu.memory_space<vmem>>, vector<16xf32>,
          %max3A_490 = arith.maximumf %get3A_489, %get3A_486 : vector<16xf32>
          %swap3A_491 = arith.index_cast %squeeze3A : i32 to index
          %swap3A_492 = arith.constant 32 : index
          %swap3A_493 = tpu.vector_load %arg17[%swap3A_491, %swap3A_492] {strides = array<i32>} : memref<320x128xf32, #tpu.memory_space<vmem>>, vector<16xf32>,
          tpu.vector_store %arg17[%swap3A_491, %swap3A_492], %max3A_490 {strides = array<i32>} : memref<320x128xf32, #tpu.memory_space<vmem>>, vector<16xf32>,
          %get3A_494 = arith.index_cast %while3A_398 : i32 to index
          %get3A_495 = arith.constant 48 : index
          %get3A_496 = tpu.vector_load %arg18[%get3A_494, %get3A_495] {strides = array<i32>} : memref<24x256xf32, #tpu.memory_space<vmem>>, vector<16xf32>,
          %get3A_497 = arith.index_cast %squeeze3A : i32 to index
          %get3A_498 = arith.constant 48 : index
          %get3A_499 = tpu.vector_load %arg15[%get3A_497, %get3A_498] {strides = array<i32>} : memref<320x128xf32, #tpu.memory_space<vmem>>, vector<16xf32>,
          %add3A_500 = arith.addf %while3A_402, %get3A_496 : vector<16xf32>
          %mul3A_501 = arith.mulf %get3A_496, %get3A_496 : vector<16xf32>
          %add3A_502 = arith.addf %while3A_410, %mul3A_501 : vector<16xf32>
          %mul3A_503 = arith.mulf %get3A_496, %get3A_499 : vector<16xf32>
          %add3A_504 = arith.addf %while3A_418, %mul3A_503 : vector<16xf32>
          %get3A_505 = arith.index_cast %while3A_398 : i32 to index
          %get3A_506 = arith.constant 176 : index
          %get3A_507 = tpu.vector_load %arg18[%get3A_505, %get3A_506] {strides = array<i32>} : memref<24x256xf32, #tpu.memory_space<vmem>>, vector<16xf32>,
          %get3A_508 = arith.index_cast %squeeze3A : i32 to index
          %get3A_509 = arith.constant 48 : index
          %get3A_510 = tpu.vector_load %arg17[%get3A_508, %get3A_509] {strides = array<i32>} : memref<320x128xf32, #tpu.memory_space<vmem>>, vector<16xf32>,
          %max3A_511 = arith.maximumf %get3A_510, %get3A_507 : vector<16xf32>
          %swap3A_512 = arith.index_cast %squeeze3A : i32 to index
          %swap3A_513 = arith.constant 48 : index
          %swap3A_514 = tpu.vector_load %arg17[%swap3A_512, %swap3A_513] {strides = array<i32>} : memref<320x128xf32, #tpu.memory_space<vmem>>, vector<16xf32>,
          tpu.vector_store %arg17[%swap3A_512, %swap3A_513], %max3A_511 {strides = array<i32>} : memref<320x128xf32, #tpu.memory_space<vmem>>, vector<16xf32>,
          %get3A_515 = arith.index_cast %while3A_398 : i32 to index
          %get3A_516 = arith.constant 64 : index
          %get3A_517 = tpu.vector_load %arg18[%get3A_515, %get3A_516] {strides = array<i32>} : memref<24x256xf32, #tpu.memory_space<vmem>>, vector<16xf32>,
          %get3A_518 = arith.index_cast %squeeze3A : i32 to index
          %get3A_519 = arith.constant 64 : index
          %get3A_520 = tpu.vector_load %arg15[%get3A_518, %get3A_519] {strides = array<i32>} : memref<320x128xf32, #tpu.memory_space<vmem>>, vector<16xf32>,
          %add3A_521 = arith.addf %while3A_403, %get3A_517 : vector<16xf32>
          %mul3A_522 = arith.mulf %get3A_517, %get3A_517 : vector<16xf32>
          %add3A_523 = arith.addf %while3A_411, %mul3A_522 : vector<16xf32>
          %mul3A_524 = arith.mulf %get3A_517, %get3A_520 : vector<16xf32>
          %add3A_525 = arith.addf %while3A_419, %mul3A_524 : vector<16xf32>
          %get3A_526 = arith.index_cast %while3A_398 : i32 to index
          %get3A_527 = arith.constant 192 : index
          %get3A_528 = tpu.vector_load %arg18[%get3A_526, %get3A_527] {strides = array<i32>} : memref<24x256xf32, #tpu.memory_space<vmem>>, vector<16xf32>,
          %get3A_529 = arith.index_cast %squeeze3A : i32 to index
          %get3A_530 = arith.constant 64 : index
          %get3A_531 = tpu.vector_load %arg17[%get3A_529, %get3A_530] {strides = array<i32>} : memref<320x128xf32, #tpu.memory_space<vmem>>, vector<16xf32>,
          %max3A_532 = arith.maximumf %get3A_531, %get3A_528 : vector<16xf32>
          %swap3A_533 = arith.index_cast %squeeze3A : i32 to index
          %swap3A_534 = arith.constant 64 : index
          %swap3A_535 = tpu.vector_load %arg17[%swap3A_533, %swap3A_534] {strides = array<i32>} : memref<320x128xf32, #tpu.memory_space<vmem>>, vector<16xf32>,
          tpu.vector_store %arg17[%swap3A_533, %swap3A_534], %max3A_532 {strides = array<i32>} : memref<320x128xf32, #tpu.memory_space<vmem>>, vector<16xf32>,
          %get3A_536 = arith.index_cast %while3A_398 : i32 to index
          %get3A_537 = arith.constant 80 : index
          %get3A_538 = tpu.vector_load %arg18[%get3A_536, %get3A_537] {strides = array<i32>} : memref<24x256xf32, #tpu.memory_space<vmem>>, vector<16xf32>,
          %get3A_539 = arith.index_cast %squeeze3A : i32 to index
          %get3A_540 = arith.constant 80 : index
          %get3A_541 = tpu.vector_load %arg15[%get3A_539, %get3A_540] {strides = array<i32>} : memref<320x128xf32, #tpu.memory_space<vmem>>, vector<16xf32>,
          %add3A_542 = arith.addf %while3A_404, %get3A_538 : vector<16xf32>
          %mul3A_543 = arith.mulf %get3A_538, %get3A_538 : vector<16xf32>
          %add3A_544 = arith.addf %while3A_412, %mul3A_543 : vector<16xf32>
          %mul3A_545 = arith.mulf %get3A_538, %get3A_541 : vector<16xf32>
          %add3A_546 = arith.addf %while3A_420, %mul3A_545 : vector<16xf32>
          %get3A_547 = arith.index_cast %while3A_398 : i32 to index
          %get3A_548 = arith.constant 208 : index
          %get3A_549 = tpu.vector_load %arg18[%get3A_547, %get3A_548] {strides = array<i32>} : memref<24x256xf32, #tpu.memory_space<vmem>>, vector<16xf32>,
          %get3A_550 = arith.index_cast %squeeze3A : i32 to index
          %get3A_551 = arith.constant 80 : index
          %get3A_552 = tpu.vector_load %arg17[%get3A_550, %get3A_551] {strides = array<i32>} : memref<320x128xf32, #tpu.memory_space<vmem>>, vector<16xf32>,
          %max3A_553 = arith.maximumf %get3A_552, %get3A_549 : vector<16xf32>
          %swap3A_554 = arith.index_cast %squeeze3A : i32 to index
          %swap3A_555 = arith.constant 80 : index
          %swap3A_556 = tpu.vector_load %arg17[%swap3A_554, %swap3A_555] {strides = array<i32>} : memref<320x128xf32, #tpu.memory_space<vmem>>, vector<16xf32>,
          tpu.vector_store %arg17[%swap3A_554, %swap3A_555], %max3A_553 {strides = array<i32>} : memref<320x128xf32, #tpu.memory_space<vmem>>, vector<16xf32>,
          %get3A_557 = arith.index_cast %while3A_398 : i32 to index
          %get3A_558 = arith.constant 96 : index
          %get3A_559 = tpu.vector_load %arg18[%get3A_557, %get3A_558] {strides = array<i32>} : memref<24x256xf32, #tpu.memory_space<vmem>>, vector<16xf32>,
          %get3A_560 = arith.index_cast %squeeze3A : i32 to index
          %get3A_561 = arith.constant 96 : index
          %get3A_562 = tpu.vector_load %arg15[%get3A_560, %get3A_561] {strides = array<i32>} : memref<320x128xf32, #tpu.memory_space<vmem>>, vector<16xf32>,
          %add3A_563 = arith.addf %while3A_405, %get3A_559 : vector<16xf32>
          %mul3A_564 = arith.mulf %get3A_559, %get3A_559 : vector<16xf32>
          %add3A_565 = arith.addf %while3A_413, %mul3A_564 : vector<16xf32>
          %mul3A_566 = arith.mulf %get3A_559, %get3A_562 : vector<16xf32>
          %add3A_567 = arith.addf %while3A_421, %mul3A_566 : vector<16xf32>
          %get3A_568 = arith.index_cast %while3A_398 : i32 to index
          %get3A_569 = arith.constant 224 : index
          %get3A_570 = tpu.vector_load %arg18[%get3A_568, %get3A_569] {strides = array<i32>} : memref<24x256xf32, #tpu.memory_space<vmem>>, vector<16xf32>,
          %get3A_571 = arith.index_cast %squeeze3A : i32 to index
          %get3A_572 = arith.constant 96 : index
          %get3A_573 = tpu.vector_load %arg17[%get3A_571, %get3A_572] {strides = array<i32>} : memref<320x128xf32, #tpu.memory_space<vmem>>, vector<16xf32>,
          %max3A_574 = arith.maximumf %get3A_573, %get3A_570 : vector<16xf32>
          %swap3A_575 = arith.index_cast %squeeze3A : i32 to index
          %swap3A_576 = arith.constant 96 : index
          %swap3A_577 = tpu.vector_load %arg17[%swap3A_575, %swap3A_576] {strides = array<i32>} : memref<320x128xf32, #tpu.memory_space<vmem>>, vector<16xf32>,
          tpu.vector_store %arg17[%swap3A_575, %swap3A_576], %max3A_574 {strides = array<i32>} : memref<320x128xf32, #tpu.memory_space<vmem>>, vector<16xf32>,
          %get3A_578 = arith.index_cast %while3A_398 : i32 to index
          %get3A_579 = arith.constant 112 : index
          %get3A_580 = tpu.vector_load %arg18[%get3A_578, %get3A_579] {strides = array<i32>} : memref<24x256xf32, #tpu.memory_space<vmem>>, vector<16xf32>,
          %get3A_581 = arith.index_cast %squeeze3A : i32 to index
          %get3A_582 = arith.constant 112 : index
          %get3A_583 = tpu.vector_load %arg15[%get3A_581, %get3A_582] {strides = array<i32>} : memref<320x128xf32, #tpu.memory_space<vmem>>, vector<16xf32>,
          %add3A_584 = arith.addf %while3A_406, %get3A_580 : vector<16xf32>
          %mul3A_585 = arith.mulf %get3A_580, %get3A_580 : vector<16xf32>
          %add3A_586 = arith.addf %while3A_414, %mul3A_585 : vector<16xf32>
          %mul3A_587 = arith.mulf %get3A_580, %get3A_583 : vector<16xf32>
          %add3A_588 = arith.addf %while3A_422, %mul3A_587 : vector<16xf32>
          %get3A_589 = arith.index_cast %while3A_398 : i32 to index
          %get3A_590 = arith.constant 240 : index
          %get3A_591 = tpu.vector_load %arg18[%get3A_589, %get3A_590] {strides = array<i32>} : memref<24x256xf32, #tpu.memory_space<vmem>>, vector<16xf32>,
          %get3A_592 = arith.index_cast %squeeze3A : i32 to index
          %get3A_593 = arith.constant 112 : index
          %get3A_594 = tpu.vector_load %arg17[%get3A_592, %get3A_593] {strides = array<i32>} : memref<320x128xf32, #tpu.memory_space<vmem>>, vector<16xf32>,
          %max3A_595 = arith.maximumf %get3A_594, %get3A_591 : vector<16xf32>
          %swap3A_596 = arith.index_cast %squeeze3A : i32 to index
          %swap3A_597 = arith.constant 112 : index
          %swap3A_598 = tpu.vector_load %arg17[%swap3A_596, %swap3A_597] {strides = array<i32>} : memref<320x128xf32, #tpu.memory_space<vmem>>, vector<16xf32>,
          tpu.vector_store %arg17[%swap3A_596, %swap3A_597], %max3A_595 {strides = array<i32>} : memref<320x128xf32, #tpu.memory_space<vmem>>, vector<16xf32>,
          scf.yield %add3A_437, %add3A_458, %add3A_479, %add3A_500, %add3A_521, %add3A_542, %add3A_563, %add3A_584, %add3A_439, %add3A_460, %add3A_481, %add3A_502, %add3A_523, %add3A_544, %add3A_565, %add3A_586, %add3A_441, %add3A_462, %add3A_483, %add3A_504, %add3A_525, %add3A_546, %add3A_567, %add3A_588, %add3A_430 : vector<16xf32>, vector<16xf32>, vector<16xf32>, vector<16xf32>, vector<16xf32>, vector<16xf32>, vector<16xf32>, vector<16xf32>, vector<16xf32>, vector<16xf32>, vector<16xf32>, vector<16xf32>, vector<16xf32>, vector<16xf32>, vector<16xf32>, vector<16xf32>, vector<16xf32>, vector<16xf32>, vector<16xf32>, vector<16xf32>, vector<16xf32>, vector<16xf32>, vector<16xf32>, vector<16xf32>, vector<16xf32>
        }
        %mul3A_366 = arith.constant 2 : i32
        %mul3A_367 = arith.muli %mul3A_366, %while3A_310 : i32
        %add3A_368 = arith.constant 1 : i32
        %add3A_369 = arith.addi %mul3A_367, %add3A_368 : i32
        %mul3A_370 = arith.constant 24 : i32
        %mul3A_371 = arith.muli %add3A_369, %mul3A_370 : i32
        %add3A_372 = arith.constant 1 : i32
        %add3A_373 = arith.addi %add3A_369, %add3A_372 : i32
        %lt3A_374 = arith.cmpi slt, %add3A_373, %select_n3A_267 : i32
        %convert_element_type3A_375 = arith.extui %lt3A_374 : i1 to i32
        %cond3A_376 = arith.constant 0 : i32
        %cond3A_377 = arith.cmpi ne, %convert_element_type3A_375, %cond3A_376 : i32
        scf.if %cond3A_377 {
          %add3A_398 = arith.constant 24 : i32
          %add3A_399 = arith.addi %mul3A_371, %add3A_398 : i32
          %dma_start3A_400 = tpu.memref_slice %arg13[%add3A_399] : memref<2000xi32, #tpu.memory_space<vmem>> -> memref<24xi32, #tpu.memory_space<vmem>>
          %dma_start3A_401 = arith.constant 0 : i32
          %dma_start3A_402 = arith.constant 0 : i32
          %dma_start3A_403 = tpu.memref_slice %arg4[%dma_start3A_401, %dma_start3A_402] : memref<10000x256xf32, #tpu.memory_space<hbm>> -> memref<10000x256xf32, #tpu.memory_space<hbm>>
          tpu.enqueue_indirect_dma source(%dma_start3A_403 : memref<10000x256xf32, #tpu.memory_space<hbm>>) target(%arg18 : memref<24x256xf32, #tpu.memory_space<vmem>>) offsets(%dma_start3A_400 : memref<24xi32, #tpu.memory_space<vmem>>) semaphore(%arg24 : memref<!tpu.dma_semaphore, #tpu.memory_space<semaphore_mem>>)
        } else {
        }
        %lt3A_378 = arith.cmpi slt, %add3A_369, %select_n3A_267 : i32
        %convert_element_type3A_379 = arith.extui %lt3A_378 : i1 to i32
        %cond3A_380 = arith.constant 0 : i32
        %cond3A_381 = arith.cmpi ne, %convert_element_type3A_379, %cond3A_380 : i32
        scf.if %cond3A_381 {
          %dma_wait3A_398 = tpu.memref_slice %arg13[%mul3A_371] : memref<2000xi32, #tpu.memory_space<vmem>> -> memref<24xi32, #tpu.memory_space<vmem>>
          %dma_wait3A_399 = arith.constant 0 : i32
          %dma_wait3A_400 = arith.constant 0 : i32
          %dma_wait3A_401 = tpu.memref_slice %arg4[%dma_wait3A_399, %dma_wait3A_400] : memref<10000x256xf32, #tpu.memory_space<hbm>> -> memref<10000x256xf32, #tpu.memory_space<hbm>>
          tpu.wait_indirect_dma semaphore(%arg25 : memref<!tpu.dma_semaphore, #tpu.memory_space<semaphore_mem>>) src(%dma_wait3A_401 : memref<10000x256xf32, #tpu.memory_space<hbm>>) dst(%arg19 : memref<24x256xf32, #tpu.memory_space<vmem>>)
        } else {
        }
        %sub3A_382 = arith.subi %scan3A_240, %mul3A_371 : i32
        %jit3A_383 = arith.constant 0 : i32
        %jit3A_384 = arith.constant 24 : i32
        %max3A_385 = arith.maxsi %jit3A_383, %sub3A_382 : i32
        %min3A_386 = arith.minsi %jit3A_384, %max3A_385 : i32
        %while3A_387 = arith.constant 0 : i32
        %while3A_388 = arith.subi %min3A_386, %while3A_387 : i32
        %while3A_389 = arith.addi %while3A_387, %while3A_388 : i32
        %while3A_390 = arith.constant 1 : i32
        %while3A_391 = arith.divsi %while3A_388, %while3A_390 : i32
        %while3A_392 = arith.muli %while3A_391, %while3A_390 : i32
        %while3A_393 = arith.addi %while3A_387, %while3A_392 : i32
        %while3A_394 = arith.constant 1 : i32
        %while3A_395:25 = scf.for %while3A_398 = %while3A_387 to %while3A_393 step %while3A_394 iter_args(%while3A_399 = %while3A_365#0, %while3A_400 = %while3A_365#1, %while3A_401 = %while3A_365#2, %while3A_402 = %while3A_365#3, %while3A_403 = %while3A_365#4, %while3A_404 = %while3A_365#5, %while3A_405 = %while3A_365#6, %while3A_406 = %while3A_365#7, %while3A_407 = %while3A_365#8, %while3A_408 = %while3A_365#9, %while3A_409 = %while3A_365#10, %while3A_410 = %while3A_365#11, %while3A_411 = %while3A_365#12, %while3A_412 = %while3A_365#13, %while3A_413 = %while3A_365#14, %while3A_414 = %while3A_365#15, %while3A_415 = %while3A_365#16, %while3A_416 = %while3A_365#17, %while3A_417 = %while3A_365#18, %while3A_418 = %while3A_365#19, %while3A_419 = %while3A_365#20, %while3A_420 = %while3A_365#21, %while3A_421 = %while3A_365#22, %while3A_422 = %while3A_365#23, %while3A_423 = %while3A_365#24) -> (vector<16xf32>, vector<16xf32>, vector<16xf32>, vector<16xf32>, vector<16xf32>, vector<16xf32>, vector<16xf32>, vector<16xf32>, vector<16xf32>, vector<16xf32>, vector<16xf32>, vector<16xf32>, vector<16xf32>, vector<16xf32>, vector<16xf32>, vector<16xf32>, vector<16xf32>, vector<16xf32>, vector<16xf32>, vector<16xf32>, vector<16xf32>, vector<16xf32>, vector<16xf32>, vector<16xf32>, vector<16xf32>)  : i32 {
          %add3A_424 = arith.addi %mul3A_371, %while3A_398 : i32
          %get3A = arith.index_cast %add3A_424 : i32 to index
          %get3A_425 = tpu.vector_load %arg14[%get3A] {strides = array<i32>} : memref<2016xi32, #tpu.memory_space<vmem>>, vector<16xi32>,
          %slice3A = vector.extract_strided_slice %get3A_425 {offsets = [0], sizes = [1], strides = [1]} : vector<16xi32> to vector<1xi32>
          %squeeze3A = vector.extract %slice3A[0] : i32 from vector<1xi32>
          %mul3A_426 = arith.constant 2 : i32
          %mul3A_427 = arith.muli %mul3A_426, %squeeze3A : i32
          %get3A_428 = arith.index_cast %mul3A_427 : i32 to index
          %get3A_429 = tpu.vector_load %arg16[%get3A_428] {strides = array<i32>} : memref<656xf32, #tpu.memory_space<vmem>>, vector<16xf32>,
          %add3A_430 = arith.addf %while3A_423, %get3A_429 : vector<16xf32>
          %get3A_431 = arith.index_cast %while3A_398 : i32 to index
          %get3A_432 = arith.constant 0 : index
          %get3A_433 = tpu.vector_load %arg19[%get3A_431, %get3A_432] {strides = array<i32>} : memref<24x256xf32, #tpu.memory_space<vmem>>, vector<16xf32>,
          %get3A_434 = arith.index_cast %squeeze3A : i32 to index
          %get3A_435 = arith.constant 0 : index
          %get3A_436 = tpu.vector_load %arg15[%get3A_434, %get3A_435] {strides = array<i32>} : memref<320x128xf32, #tpu.memory_space<vmem>>, vector<16xf32>,
          %add3A_437 = arith.addf %while3A_399, %get3A_433 : vector<16xf32>
          %mul3A_438 = arith.mulf %get3A_433, %get3A_433 : vector<16xf32>
          %add3A_439 = arith.addf %while3A_407, %mul3A_438 : vector<16xf32>
          %mul3A_440 = arith.mulf %get3A_433, %get3A_436 : vector<16xf32>
          %add3A_441 = arith.addf %while3A_415, %mul3A_440 : vector<16xf32>
          %get3A_442 = arith.index_cast %while3A_398 : i32 to index
          %get3A_443 = arith.constant 128 : index
          %get3A_444 = tpu.vector_load %arg19[%get3A_442, %get3A_443] {strides = array<i32>} : memref<24x256xf32, #tpu.memory_space<vmem>>, vector<16xf32>,
          %get3A_445 = arith.index_cast %squeeze3A : i32 to index
          %get3A_446 = arith.constant 0 : index
          %get3A_447 = tpu.vector_load %arg17[%get3A_445, %get3A_446] {strides = array<i32>} : memref<320x128xf32, #tpu.memory_space<vmem>>, vector<16xf32>,
          %max3A_448 = arith.maximumf %get3A_447, %get3A_444 : vector<16xf32>
          %swap3A_449 = arith.index_cast %squeeze3A : i32 to index
          %swap3A_450 = arith.constant 0 : index
          %swap3A_451 = tpu.vector_load %arg17[%swap3A_449, %swap3A_450] {strides = array<i32>} : memref<320x128xf32, #tpu.memory_space<vmem>>, vector<16xf32>,
          tpu.vector_store %arg17[%swap3A_449, %swap3A_450], %max3A_448 {strides = array<i32>} : memref<320x128xf32, #tpu.memory_space<vmem>>, vector<16xf32>,
          %get3A_452 = arith.index_cast %while3A_398 : i32 to index
          %get3A_453 = arith.constant 16 : index
          %get3A_454 = tpu.vector_load %arg19[%get3A_452, %get3A_453] {strides = array<i32>} : memref<24x256xf32, #tpu.memory_space<vmem>>, vector<16xf32>,
          %get3A_455 = arith.index_cast %squeeze3A : i32 to index
          %get3A_456 = arith.constant 16 : index
          %get3A_457 = tpu.vector_load %arg15[%get3A_455, %get3A_456] {strides = array<i32>} : memref<320x128xf32, #tpu.memory_space<vmem>>, vector<16xf32>,
          %add3A_458 = arith.addf %while3A_400, %get3A_454 : vector<16xf32>
          %mul3A_459 = arith.mulf %get3A_454, %get3A_454 : vector<16xf32>
          %add3A_460 = arith.addf %while3A_408, %mul3A_459 : vector<16xf32>
          %mul3A_461 = arith.mulf %get3A_454, %get3A_457 : vector<16xf32>
          %add3A_462 = arith.addf %while3A_416, %mul3A_461 : vector<16xf32>
          %get3A_463 = arith.index_cast %while3A_398 : i32 to index
          %get3A_464 = arith.constant 144 : index
          %get3A_465 = tpu.vector_load %arg19[%get3A_463, %get3A_464] {strides = array<i32>} : memref<24x256xf32, #tpu.memory_space<vmem>>, vector<16xf32>,
          %get3A_466 = arith.index_cast %squeeze3A : i32 to index
          %get3A_467 = arith.constant 16 : index
          %get3A_468 = tpu.vector_load %arg17[%get3A_466, %get3A_467] {strides = array<i32>} : memref<320x128xf32, #tpu.memory_space<vmem>>, vector<16xf32>,
          %max3A_469 = arith.maximumf %get3A_468, %get3A_465 : vector<16xf32>
          %swap3A_470 = arith.index_cast %squeeze3A : i32 to index
          %swap3A_471 = arith.constant 16 : index
          %swap3A_472 = tpu.vector_load %arg17[%swap3A_470, %swap3A_471] {strides = array<i32>} : memref<320x128xf32, #tpu.memory_space<vmem>>, vector<16xf32>,
          tpu.vector_store %arg17[%swap3A_470, %swap3A_471], %max3A_469 {strides = array<i32>} : memref<320x128xf32, #tpu.memory_space<vmem>>, vector<16xf32>,
          %get3A_473 = arith.index_cast %while3A_398 : i32 to index
          %get3A_474 = arith.constant 32 : index
          %get3A_475 = tpu.vector_load %arg19[%get3A_473, %get3A_474] {strides = array<i32>} : memref<24x256xf32, #tpu.memory_space<vmem>>, vector<16xf32>,
          %get3A_476 = arith.index_cast %squeeze3A : i32 to index
          %get3A_477 = arith.constant 32 : index
          %get3A_478 = tpu.vector_load %arg15[%get3A_476, %get3A_477] {strides = array<i32>} : memref<320x128xf32, #tpu.memory_space<vmem>>, vector<16xf32>,
          %add3A_479 = arith.addf %while3A_401, %get3A_475 : vector<16xf32>
          %mul3A_480 = arith.mulf %get3A_475, %get3A_475 : vector<16xf32>
          %add3A_481 = arith.addf %while3A_409, %mul3A_480 : vector<16xf32>
          %mul3A_482 = arith.mulf %get3A_475, %get3A_478 : vector<16xf32>
          %add3A_483 = arith.addf %while3A_417, %mul3A_482 : vector<16xf32>
          %get3A_484 = arith.index_cast %while3A_398 : i32 to index
          %get3A_485 = arith.constant 160 : index
          %get3A_486 = tpu.vector_load %arg19[%get3A_484, %get3A_485] {strides = array<i32>} : memref<24x256xf32, #tpu.memory_space<vmem>>, vector<16xf32>,
          %get3A_487 = arith.index_cast %squeeze3A : i32 to index
          %get3A_488 = arith.constant 32 : index
          %get3A_489 = tpu.vector_load %arg17[%get3A_487, %get3A_488] {strides = array<i32>} : memref<320x128xf32, #tpu.memory_space<vmem>>, vector<16xf32>,
          %max3A_490 = arith.maximumf %get3A_489, %get3A_486 : vector<16xf32>
          %swap3A_491 = arith.index_cast %squeeze3A : i32 to index
          %swap3A_492 = arith.constant 32 : index
          %swap3A_493 = tpu.vector_load %arg17[%swap3A_491, %swap3A_492] {strides = array<i32>} : memref<320x128xf32, #tpu.memory_space<vmem>>, vector<16xf32>,
          tpu.vector_store %arg17[%swap3A_491, %swap3A_492], %max3A_490 {strides = array<i32>} : memref<320x128xf32, #tpu.memory_space<vmem>>, vector<16xf32>,
          %get3A_494 = arith.index_cast %while3A_398 : i32 to index
          %get3A_495 = arith.constant 48 : index
          %get3A_496 = tpu.vector_load %arg19[%get3A_494, %get3A_495] {strides = array<i32>} : memref<24x256xf32, #tpu.memory_space<vmem>>, vector<16xf32>,
          %get3A_497 = arith.index_cast %squeeze3A : i32 to index
          %get3A_498 = arith.constant 48 : index
          %get3A_499 = tpu.vector_load %arg15[%get3A_497, %get3A_498] {strides = array<i32>} : memref<320x128xf32, #tpu.memory_space<vmem>>, vector<16xf32>,
          %add3A_500 = arith.addf %while3A_402, %get3A_496 : vector<16xf32>
          %mul3A_501 = arith.mulf %get3A_496, %get3A_496 : vector<16xf32>
          %add3A_502 = arith.addf %while3A_410, %mul3A_501 : vector<16xf32>
          %mul3A_503 = arith.mulf %get3A_496, %get3A_499 : vector<16xf32>
          %add3A_504 = arith.addf %while3A_418, %mul3A_503 : vector<16xf32>
          %get3A_505 = arith.index_cast %while3A_398 : i32 to index
          %get3A_506 = arith.constant 176 : index
          %get3A_507 = tpu.vector_load %arg19[%get3A_505, %get3A_506] {strides = array<i32>} : memref<24x256xf32, #tpu.memory_space<vmem>>, vector<16xf32>,
          %get3A_508 = arith.index_cast %squeeze3A : i32 to index
          %get3A_509 = arith.constant 48 : index
          %get3A_510 = tpu.vector_load %arg17[%get3A_508, %get3A_509] {strides = array<i32>} : memref<320x128xf32, #tpu.memory_space<vmem>>, vector<16xf32>,
          %max3A_511 = arith.maximumf %get3A_510, %get3A_507 : vector<16xf32>
          %swap3A_512 = arith.index_cast %squeeze3A : i32 to index
          %swap3A_513 = arith.constant 48 : index
          %swap3A_514 = tpu.vector_load %arg17[%swap3A_512, %swap3A_513] {strides = array<i32>} : memref<320x128xf32, #tpu.memory_space<vmem>>, vector<16xf32>,
          tpu.vector_store %arg17[%swap3A_512, %swap3A_513], %max3A_511 {strides = array<i32>} : memref<320x128xf32, #tpu.memory_space<vmem>>, vector<16xf32>,
          %get3A_515 = arith.index_cast %while3A_398 : i32 to index
          %get3A_516 = arith.constant 64 : index
          %get3A_517 = tpu.vector_load %arg19[%get3A_515, %get3A_516] {strides = array<i32>} : memref<24x256xf32, #tpu.memory_space<vmem>>, vector<16xf32>,
          %get3A_518 = arith.index_cast %squeeze3A : i32 to index
          %get3A_519 = arith.constant 64 : index
          %get3A_520 = tpu.vector_load %arg15[%get3A_518, %get3A_519] {strides = array<i32>} : memref<320x128xf32, #tpu.memory_space<vmem>>, vector<16xf32>,
          %add3A_521 = arith.addf %while3A_403, %get3A_517 : vector<16xf32>
          %mul3A_522 = arith.mulf %get3A_517, %get3A_517 : vector<16xf32>
          %add3A_523 = arith.addf %while3A_411, %mul3A_522 : vector<16xf32>
          %mul3A_524 = arith.mulf %get3A_517, %get3A_520 : vector<16xf32>
          %add3A_525 = arith.addf %while3A_419, %mul3A_524 : vector<16xf32>
          %get3A_526 = arith.index_cast %while3A_398 : i32 to index
          %get3A_527 = arith.constant 192 : index
          %get3A_528 = tpu.vector_load %arg19[%get3A_526, %get3A_527] {strides = array<i32>} : memref<24x256xf32, #tpu.memory_space<vmem>>, vector<16xf32>,
          %get3A_529 = arith.index_cast %squeeze3A : i32 to index
          %get3A_530 = arith.constant 64 : index
          %get3A_531 = tpu.vector_load %arg17[%get3A_529, %get3A_530] {strides = array<i32>} : memref<320x128xf32, #tpu.memory_space<vmem>>, vector<16xf32>,
          %max3A_532 = arith.maximumf %get3A_531, %get3A_528 : vector<16xf32>
          %swap3A_533 = arith.index_cast %squeeze3A : i32 to index
          %swap3A_534 = arith.constant 64 : index
          %swap3A_535 = tpu.vector_load %arg17[%swap3A_533, %swap3A_534] {strides = array<i32>} : memref<320x128xf32, #tpu.memory_space<vmem>>, vector<16xf32>,
          tpu.vector_store %arg17[%swap3A_533, %swap3A_534], %max3A_532 {strides = array<i32>} : memref<320x128xf32, #tpu.memory_space<vmem>>, vector<16xf32>,
          %get3A_536 = arith.index_cast %while3A_398 : i32 to index
          %get3A_537 = arith.constant 80 : index
          %get3A_538 = tpu.vector_load %arg19[%get3A_536, %get3A_537] {strides = array<i32>} : memref<24x256xf32, #tpu.memory_space<vmem>>, vector<16xf32>,
          %get3A_539 = arith.index_cast %squeeze3A : i32 to index
          %get3A_540 = arith.constant 80 : index
          %get3A_541 = tpu.vector_load %arg15[%get3A_539, %get3A_540] {strides = array<i32>} : memref<320x128xf32, #tpu.memory_space<vmem>>, vector<16xf32>,
          %add3A_542 = arith.addf %while3A_404, %get3A_538 : vector<16xf32>
          %mul3A_543 = arith.mulf %get3A_538, %get3A_538 : vector<16xf32>
          %add3A_544 = arith.addf %while3A_412, %mul3A_543 : vector<16xf32>
          %mul3A_545 = arith.mulf %get3A_538, %get3A_541 : vector<16xf32>
          %add3A_546 = arith.addf %while3A_420, %mul3A_545 : vector<16xf32>
          %get3A_547 = arith.index_cast %while3A_398 : i32 to index
          %get3A_548 = arith.constant 208 : index
          %get3A_549 = tpu.vector_load %arg19[%get3A_547, %get3A_548] {strides = array<i32>} : memref<24x256xf32, #tpu.memory_space<vmem>>, vector<16xf32>,
          %get3A_550 = arith.index_cast %squeeze3A : i32 to index
          %get3A_551 = arith.constant 80 : index
          %get3A_552 = tpu.vector_load %arg17[%get3A_550, %get3A_551] {strides = array<i32>} : memref<320x128xf32, #tpu.memory_space<vmem>>, vector<16xf32>,
          %max3A_553 = arith.maximumf %get3A_552, %get3A_549 : vector<16xf32>
          %swap3A_554 = arith.index_cast %squeeze3A : i32 to index
          %swap3A_555 = arith.constant 80 : index
          %swap3A_556 = tpu.vector_load %arg17[%swap3A_554, %swap3A_555] {strides = array<i32>} : memref<320x128xf32, #tpu.memory_space<vmem>>, vector<16xf32>,
          tpu.vector_store %arg17[%swap3A_554, %swap3A_555], %max3A_553 {strides = array<i32>} : memref<320x128xf32, #tpu.memory_space<vmem>>, vector<16xf32>,
          %get3A_557 = arith.index_cast %while3A_398 : i32 to index
          %get3A_558 = arith.constant 96 : index
          %get3A_559 = tpu.vector_load %arg19[%get3A_557, %get3A_558] {strides = array<i32>} : memref<24x256xf32, #tpu.memory_space<vmem>>, vector<16xf32>,
          %get3A_560 = arith.index_cast %squeeze3A : i32 to index
          %get3A_561 = arith.constant 96 : index
          %get3A_562 = tpu.vector_load %arg15[%get3A_560, %get3A_561] {strides = array<i32>} : memref<320x128xf32, #tpu.memory_space<vmem>>, vector<16xf32>,
          %add3A_563 = arith.addf %while3A_405, %get3A_559 : vector<16xf32>
          %mul3A_564 = arith.mulf %get3A_559, %get3A_559 : vector<16xf32>
          %add3A_565 = arith.addf %while3A_413, %mul3A_564 : vector<16xf32>
          %mul3A_566 = arith.mulf %get3A_559, %get3A_562 : vector<16xf32>
          %add3A_567 = arith.addf %while3A_421, %mul3A_566 : vector<16xf32>
          %get3A_568 = arith.index_cast %while3A_398 : i32 to index
          %get3A_569 = arith.constant 224 : index
          %get3A_570 = tpu.vector_load %arg19[%get3A_568, %get3A_569] {strides = array<i32>} : memref<24x256xf32, #tpu.memory_space<vmem>>, vector<16xf32>,
          %get3A_571 = arith.index_cast %squeeze3A : i32 to index
          %get3A_572 = arith.constant 96 : index
          %get3A_573 = tpu.vector_load %arg17[%get3A_571, %get3A_572] {strides = array<i32>} : memref<320x128xf32, #tpu.memory_space<vmem>>, vector<16xf32>,
          %max3A_574 = arith.maximumf %get3A_573, %get3A_570 : vector<16xf32>
          %swap3A_575 = arith.index_cast %squeeze3A : i32 to index
          %swap3A_576 = arith.constant 96 : index
          %swap3A_577 = tpu.vector_load %arg17[%swap3A_575, %swap3A_576] {strides = array<i32>} : memref<320x128xf32, #tpu.memory_space<vmem>>, vector<16xf32>,
          tpu.vector_store %arg17[%swap3A_575, %swap3A_576], %max3A_574 {strides = array<i32>} : memref<320x128xf32, #tpu.memory_space<vmem>>, vector<16xf32>,
          %get3A_578 = arith.index_cast %while3A_398 : i32 to index
          %get3A_579 = arith.constant 112 : index
          %get3A_580 = tpu.vector_load %arg19[%get3A_578, %get3A_579] {strides = array<i32>} : memref<24x256xf32, #tpu.memory_space<vmem>>, vector<16xf32>,
          %get3A_581 = arith.index_cast %squeeze3A : i32 to index
          %get3A_582 = arith.constant 112 : index
          %get3A_583 = tpu.vector_load %arg15[%get3A_581, %get3A_582] {strides = array<i32>} : memref<320x128xf32, #tpu.memory_space<vmem>>, vector<16xf32>,
          %add3A_584 = arith.addf %while3A_406, %get3A_580 : vector<16xf32>
          %mul3A_585 = arith.mulf %get3A_580, %get3A_580 : vector<16xf32>
          %add3A_586 = arith.addf %while3A_414, %mul3A_585 : vector<16xf32>
          %mul3A_587 = arith.mulf %get3A_580, %get3A_583 : vector<16xf32>
          %add3A_588 = arith.addf %while3A_422, %mul3A_587 : vector<16xf32>
          %get3A_589 = arith.index_cast %while3A_398 : i32 to index
          %get3A_590 = arith.constant 240 : index
          %get3A_591 = tpu.vector_load %arg19[%get3A_589, %get3A_590] {strides = array<i32>} : memref<24x256xf32, #tpu.memory_space<vmem>>, vector<16xf32>,
          %get3A_592 = arith.index_cast %squeeze3A : i32 to index
          %get3A_593 = arith.constant 112 : index
          %get3A_594 = tpu.vector_load %arg17[%get3A_592, %get3A_593] {strides = array<i32>} : memref<320x128xf32, #tpu.memory_space<vmem>>, vector<16xf32>,
          %max3A_595 = arith.maximumf %get3A_594, %get3A_591 : vector<16xf32>
          %swap3A_596 = arith.index_cast %squeeze3A : i32 to index
          %swap3A_597 = arith.constant 112 : index
          %swap3A_598 = tpu.vector_load %arg17[%swap3A_596, %swap3A_597] {strides = array<i32>} : memref<320x128xf32, #tpu.memory_space<vmem>>, vector<16xf32>,
          tpu.vector_store %arg17[%swap3A_596, %swap3A_597], %max3A_595 {strides = array<i32>} : memref<320x128xf32, #tpu.memory_space<vmem>>, vector<16xf32>,
          scf.yield %add3A_437, %add3A_458, %add3A_479, %add3A_500, %add3A_521, %add3A_542, %add3A_563, %add3A_584, %add3A_439, %add3A_460, %add3A_481, %add3A_502, %add3A_523, %add3A_544, %add3A_565, %add3A_586, %add3A_441, %add3A_462, %add3A_483, %add3A_504, %add3A_525, %add3A_546, %add3A_567, %add3A_588, %add3A_430 : vector<16xf32>, vector<16xf32>, vector<16xf32>, vector<16xf32>, vector<16xf32>, vector<16xf32>, vector<16xf32>, vector<16xf32>, vector<16xf32>, vector<16xf32>, vector<16xf32>, vector<16xf32>, vector<16xf32>, vector<16xf32>, vector<16xf32>, vector<16xf32>, vector<16xf32>, vector<16xf32>, vector<16xf32>, vector<16xf32>, vector<16xf32>, vector<16xf32>, vector<16xf32>, vector<16xf32>, vector<16xf32>
        }
        %while3A_396 = arith.constant 1 : i32
        %while3A_397:25 = scf.for %while3A_398 = %while3A_393 to %while3A_389 step %while3A_396 iter_args(%while3A_399 = %while3A_395#0, %while3A_400 = %while3A_395#1, %while3A_401 = %while3A_395#2, %while3A_402 = %while3A_395#3, %while3A_403 = %while3A_395#4, %while3A_404 = %while3A_395#5, %while3A_405 = %while3A_395#6, %while3A_406 = %while3A_395#7, %while3A_407 = %while3A_395#8, %while3A_408 = %while3A_395#9, %while3A_409 = %while3A_395#10, %while3A_410 = %while3A_395#11, %while3A_411 = %while3A_395#12, %while3A_412 = %while3A_395#13, %while3A_413 = %while3A_395#14, %while3A_414 = %while3A_395#15, %while3A_415 = %while3A_395#16, %while3A_416 = %while3A_395#17, %while3A_417 = %while3A_395#18, %while3A_418 = %while3A_395#19, %while3A_419 = %while3A_395#20, %while3A_420 = %while3A_395#21, %while3A_421 = %while3A_395#22, %while3A_422 = %while3A_395#23, %while3A_423 = %while3A_395#24) -> (vector<16xf32>, vector<16xf32>, vector<16xf32>, vector<16xf32>, vector<16xf32>, vector<16xf32>, vector<16xf32>, vector<16xf32>, vector<16xf32>, vector<16xf32>, vector<16xf32>, vector<16xf32>, vector<16xf32>, vector<16xf32>, vector<16xf32>, vector<16xf32>, vector<16xf32>, vector<16xf32>, vector<16xf32>, vector<16xf32>, vector<16xf32>, vector<16xf32>, vector<16xf32>, vector<16xf32>, vector<16xf32>)  : i32 {
          %add3A_424 = arith.addi %mul3A_371, %while3A_398 : i32
          %get3A = arith.index_cast %add3A_424 : i32 to index
          %get3A_425 = tpu.vector_load %arg14[%get3A] {strides = array<i32>} : memref<2016xi32, #tpu.memory_space<vmem>>, vector<16xi32>,
          %slice3A = vector.extract_strided_slice %get3A_425 {offsets = [0], sizes = [1], strides = [1]} : vector<16xi32> to vector<1xi32>
          %squeeze3A = vector.extract %slice3A[0] : i32 from vector<1xi32>
          %mul3A_426 = arith.constant 2 : i32
          %mul3A_427 = arith.muli %mul3A_426, %squeeze3A : i32
          %get3A_428 = arith.index_cast %mul3A_427 : i32 to index
          %get3A_429 = tpu.vector_load %arg16[%get3A_428] {strides = array<i32>} : memref<656xf32, #tpu.memory_space<vmem>>, vector<16xf32>,
          %add3A_430 = arith.addf %while3A_423, %get3A_429 : vector<16xf32>
          %get3A_431 = arith.index_cast %while3A_398 : i32 to index
          %get3A_432 = arith.constant 0 : index
          %get3A_433 = tpu.vector_load %arg19[%get3A_431, %get3A_432] {strides = array<i32>} : memref<24x256xf32, #tpu.memory_space<vmem>>, vector<16xf32>,
          %get3A_434 = arith.index_cast %squeeze3A : i32 to index
          %get3A_435 = arith.constant 0 : index
          %get3A_436 = tpu.vector_load %arg15[%get3A_434, %get3A_435] {strides = array<i32>} : memref<320x128xf32, #tpu.memory_space<vmem>>, vector<16xf32>,
          %add3A_437 = arith.addf %while3A_399, %get3A_433 : vector<16xf32>
          %mul3A_438 = arith.mulf %get3A_433, %get3A_433 : vector<16xf32>
          %add3A_439 = arith.addf %while3A_407, %mul3A_438 : vector<16xf32>
          %mul3A_440 = arith.mulf %get3A_433, %get3A_436 : vector<16xf32>
          %add3A_441 = arith.addf %while3A_415, %mul3A_440 : vector<16xf32>
          %get3A_442 = arith.index_cast %while3A_398 : i32 to index
          %get3A_443 = arith.constant 128 : index
          %get3A_444 = tpu.vector_load %arg19[%get3A_442, %get3A_443] {strides = array<i32>} : memref<24x256xf32, #tpu.memory_space<vmem>>, vector<16xf32>,
          %get3A_445 = arith.index_cast %squeeze3A : i32 to index
          %get3A_446 = arith.constant 0 : index
          %get3A_447 = tpu.vector_load %arg17[%get3A_445, %get3A_446] {strides = array<i32>} : memref<320x128xf32, #tpu.memory_space<vmem>>, vector<16xf32>,
          %max3A_448 = arith.maximumf %get3A_447, %get3A_444 : vector<16xf32>
          %swap3A_449 = arith.index_cast %squeeze3A : i32 to index
          %swap3A_450 = arith.constant 0 : index
          %swap3A_451 = tpu.vector_load %arg17[%swap3A_449, %swap3A_450] {strides = array<i32>} : memref<320x128xf32, #tpu.memory_space<vmem>>, vector<16xf32>,
          tpu.vector_store %arg17[%swap3A_449, %swap3A_450], %max3A_448 {strides = array<i32>} : memref<320x128xf32, #tpu.memory_space<vmem>>, vector<16xf32>,
          %get3A_452 = arith.index_cast %while3A_398 : i32 to index
          %get3A_453 = arith.constant 16 : index
          %get3A_454 = tpu.vector_load %arg19[%get3A_452, %get3A_453] {strides = array<i32>} : memref<24x256xf32, #tpu.memory_space<vmem>>, vector<16xf32>,
          %get3A_455 = arith.index_cast %squeeze3A : i32 to index
          %get3A_456 = arith.constant 16 : index
          %get3A_457 = tpu.vector_load %arg15[%get3A_455, %get3A_456] {strides = array<i32>} : memref<320x128xf32, #tpu.memory_space<vmem>>, vector<16xf32>,
          %add3A_458 = arith.addf %while3A_400, %get3A_454 : vector<16xf32>
          %mul3A_459 = arith.mulf %get3A_454, %get3A_454 : vector<16xf32>
          %add3A_460 = arith.addf %while3A_408, %mul3A_459 : vector<16xf32>
          %mul3A_461 = arith.mulf %get3A_454, %get3A_457 : vector<16xf32>
          %add3A_462 = arith.addf %while3A_416, %mul3A_461 : vector<16xf32>
          %get3A_463 = arith.index_cast %while3A_398 : i32 to index
          %get3A_464 = arith.constant 144 : index
          %get3A_465 = tpu.vector_load %arg19[%get3A_463, %get3A_464] {strides = array<i32>} : memref<24x256xf32, #tpu.memory_space<vmem>>, vector<16xf32>,
          %get3A_466 = arith.index_cast %squeeze3A : i32 to index
          %get3A_467 = arith.constant 16 : index
          %get3A_468 = tpu.vector_load %arg17[%get3A_466, %get3A_467] {strides = array<i32>} : memref<320x128xf32, #tpu.memory_space<vmem>>, vector<16xf32>,
          %max3A_469 = arith.maximumf %get3A_468, %get3A_465 : vector<16xf32>
          %swap3A_470 = arith.index_cast %squeeze3A : i32 to index
          %swap3A_471 = arith.constant 16 : index
          %swap3A_472 = tpu.vector_load %arg17[%swap3A_470, %swap3A_471] {strides = array<i32>} : memref<320x128xf32, #tpu.memory_space<vmem>>, vector<16xf32>,
          tpu.vector_store %arg17[%swap3A_470, %swap3A_471], %max3A_469 {strides = array<i32>} : memref<320x128xf32, #tpu.memory_space<vmem>>, vector<16xf32>,
          %get3A_473 = arith.index_cast %while3A_398 : i32 to index
          %get3A_474 = arith.constant 32 : index
          %get3A_475 = tpu.vector_load %arg19[%get3A_473, %get3A_474] {strides = array<i32>} : memref<24x256xf32, #tpu.memory_space<vmem>>, vector<16xf32>,
          %get3A_476 = arith.index_cast %squeeze3A : i32 to index
          %get3A_477 = arith.constant 32 : index
          %get3A_478 = tpu.vector_load %arg15[%get3A_476, %get3A_477] {strides = array<i32>} : memref<320x128xf32, #tpu.memory_space<vmem>>, vector<16xf32>,
          %add3A_479 = arith.addf %while3A_401, %get3A_475 : vector<16xf32>
          %mul3A_480 = arith.mulf %get3A_475, %get3A_475 : vector<16xf32>
          %add3A_481 = arith.addf %while3A_409, %mul3A_480 : vector<16xf32>
          %mul3A_482 = arith.mulf %get3A_475, %get3A_478 : vector<16xf32>
          %add3A_483 = arith.addf %while3A_417, %mul3A_482 : vector<16xf32>
          %get3A_484 = arith.index_cast %while3A_398 : i32 to index
          %get3A_485 = arith.constant 160 : index
          %get3A_486 = tpu.vector_load %arg19[%get3A_484, %get3A_485] {strides = array<i32>} : memref<24x256xf32, #tpu.memory_space<vmem>>, vector<16xf32>,
          %get3A_487 = arith.index_cast %squeeze3A : i32 to index
          %get3A_488 = arith.constant 32 : index
          %get3A_489 = tpu.vector_load %arg17[%get3A_487, %get3A_488] {strides = array<i32>} : memref<320x128xf32, #tpu.memory_space<vmem>>, vector<16xf32>,
          %max3A_490 = arith.maximumf %get3A_489, %get3A_486 : vector<16xf32>
          %swap3A_491 = arith.index_cast %squeeze3A : i32 to index
          %swap3A_492 = arith.constant 32 : index
          %swap3A_493 = tpu.vector_load %arg17[%swap3A_491, %swap3A_492] {strides = array<i32>} : memref<320x128xf32, #tpu.memory_space<vmem>>, vector<16xf32>,
          tpu.vector_store %arg17[%swap3A_491, %swap3A_492], %max3A_490 {strides = array<i32>} : memref<320x128xf32, #tpu.memory_space<vmem>>, vector<16xf32>,
          %get3A_494 = arith.index_cast %while3A_398 : i32 to index
          %get3A_495 = arith.constant 48 : index
          %get3A_496 = tpu.vector_load %arg19[%get3A_494, %get3A_495] {strides = array<i32>} : memref<24x256xf32, #tpu.memory_space<vmem>>, vector<16xf32>,
          %get3A_497 = arith.index_cast %squeeze3A : i32 to index
          %get3A_498 = arith.constant 48 : index
          %get3A_499 = tpu.vector_load %arg15[%get3A_497, %get3A_498] {strides = array<i32>} : memref<320x128xf32, #tpu.memory_space<vmem>>, vector<16xf32>,
          %add3A_500 = arith.addf %while3A_402, %get3A_496 : vector<16xf32>
          %mul3A_501 = arith.mulf %get3A_496, %get3A_496 : vector<16xf32>
          %add3A_502 = arith.addf %while3A_410, %mul3A_501 : vector<16xf32>
          %mul3A_503 = arith.mulf %get3A_496, %get3A_499 : vector<16xf32>
          %add3A_504 = arith.addf %while3A_418, %mul3A_503 : vector<16xf32>
          %get3A_505 = arith.index_cast %while3A_398 : i32 to index
          %get3A_506 = arith.constant 176 : index
          %get3A_507 = tpu.vector_load %arg19[%get3A_505, %get3A_506] {strides = array<i32>} : memref<24x256xf32, #tpu.memory_space<vmem>>, vector<16xf32>,
          %get3A_508 = arith.index_cast %squeeze3A : i32 to index
          %get3A_509 = arith.constant 48 : index
          %get3A_510 = tpu.vector_load %arg17[%get3A_508, %get3A_509] {strides = array<i32>} : memref<320x128xf32, #tpu.memory_space<vmem>>, vector<16xf32>,
          %max3A_511 = arith.maximumf %get3A_510, %get3A_507 : vector<16xf32>
          %swap3A_512 = arith.index_cast %squeeze3A : i32 to index
          %swap3A_513 = arith.constant 48 : index
          %swap3A_514 = tpu.vector_load %arg17[%swap3A_512, %swap3A_513] {strides = array<i32>} : memref<320x128xf32, #tpu.memory_space<vmem>>, vector<16xf32>,
          tpu.vector_store %arg17[%swap3A_512, %swap3A_513], %max3A_511 {strides = array<i32>} : memref<320x128xf32, #tpu.memory_space<vmem>>, vector<16xf32>,
          %get3A_515 = arith.index_cast %while3A_398 : i32 to index
          %get3A_516 = arith.constant 64 : index
          %get3A_517 = tpu.vector_load %arg19[%get3A_515, %get3A_516] {strides = array<i32>} : memref<24x256xf32, #tpu.memory_space<vmem>>, vector<16xf32>,
          %get3A_518 = arith.index_cast %squeeze3A : i32 to index
          %get3A_519 = arith.constant 64 : index
          %get3A_520 = tpu.vector_load %arg15[%get3A_518, %get3A_519] {strides = array<i32>} : memref<320x128xf32, #tpu.memory_space<vmem>>, vector<16xf32>,
          %add3A_521 = arith.addf %while3A_403, %get3A_517 : vector<16xf32>
          %mul3A_522 = arith.mulf %get3A_517, %get3A_517 : vector<16xf32>
          %add3A_523 = arith.addf %while3A_411, %mul3A_522 : vector<16xf32>
          %mul3A_524 = arith.mulf %get3A_517, %get3A_520 : vector<16xf32>
          %add3A_525 = arith.addf %while3A_419, %mul3A_524 : vector<16xf32>
          %get3A_526 = arith.index_cast %while3A_398 : i32 to index
          %get3A_527 = arith.constant 192 : index
          %get3A_528 = tpu.vector_load %arg19[%get3A_526, %get3A_527] {strides = array<i32>} : memref<24x256xf32, #tpu.memory_space<vmem>>, vector<16xf32>,
          %get3A_529 = arith.index_cast %squeeze3A : i32 to index
          %get3A_530 = arith.constant 64 : index
          %get3A_531 = tpu.vector_load %arg17[%get3A_529, %get3A_530] {strides = array<i32>} : memref<320x128xf32, #tpu.memory_space<vmem>>, vector<16xf32>,
          %max3A_532 = arith.maximumf %get3A_531, %get3A_528 : vector<16xf32>
          %swap3A_533 = arith.index_cast %squeeze3A : i32 to index
          %swap3A_534 = arith.constant 64 : index
          %swap3A_535 = tpu.vector_load %arg17[%swap3A_533, %swap3A_534] {strides = array<i32>} : memref<320x128xf32, #tpu.memory_space<vmem>>, vector<16xf32>,
          tpu.vector_store %arg17[%swap3A_533, %swap3A_534], %max3A_532 {strides = array<i32>} : memref<320x128xf32, #tpu.memory_space<vmem>>, vector<16xf32>,
          %get3A_536 = arith.index_cast %while3A_398 : i32 to index
          %get3A_537 = arith.constant 80 : index
          %get3A_538 = tpu.vector_load %arg19[%get3A_536, %get3A_537] {strides = array<i32>} : memref<24x256xf32, #tpu.memory_space<vmem>>, vector<16xf32>,
          %get3A_539 = arith.index_cast %squeeze3A : i32 to index
          %get3A_540 = arith.constant 80 : index
          %get3A_541 = tpu.vector_load %arg15[%get3A_539, %get3A_540] {strides = array<i32>} : memref<320x128xf32, #tpu.memory_space<vmem>>, vector<16xf32>,
          %add3A_542 = arith.addf %while3A_404, %get3A_538 : vector<16xf32>
          %mul3A_543 = arith.mulf %get3A_538, %get3A_538 : vector<16xf32>
          %add3A_544 = arith.addf %while3A_412, %mul3A_543 : vector<16xf32>
          %mul3A_545 = arith.mulf %get3A_538, %get3A_541 : vector<16xf32>
          %add3A_546 = arith.addf %while3A_420, %mul3A_545 : vector<16xf32>
          %get3A_547 = arith.index_cast %while3A_398 : i32 to index
          %get3A_548 = arith.constant 208 : index
          %get3A_549 = tpu.vector_load %arg19[%get3A_547, %get3A_548] {strides = array<i32>} : memref<24x256xf32, #tpu.memory_space<vmem>>, vector<16xf32>,
          %get3A_550 = arith.index_cast %squeeze3A : i32 to index
          %get3A_551 = arith.constant 80 : index
          %get3A_552 = tpu.vector_load %arg17[%get3A_550, %get3A_551] {strides = array<i32>} : memref<320x128xf32, #tpu.memory_space<vmem>>, vector<16xf32>,
          %max3A_553 = arith.maximumf %get3A_552, %get3A_549 : vector<16xf32>
          %swap3A_554 = arith.index_cast %squeeze3A : i32 to index
          %swap3A_555 = arith.constant 80 : index
          %swap3A_556 = tpu.vector_load %arg17[%swap3A_554, %swap3A_555] {strides = array<i32>} : memref<320x128xf32, #tpu.memory_space<vmem>>, vector<16xf32>,
          tpu.vector_store %arg17[%swap3A_554, %swap3A_555], %max3A_553 {strides = array<i32>} : memref<320x128xf32, #tpu.memory_space<vmem>>, vector<16xf32>,
          %get3A_557 = arith.index_cast %while3A_398 : i32 to index
          %get3A_558 = arith.constant 96 : index
          %get3A_559 = tpu.vector_load %arg19[%get3A_557, %get3A_558] {strides = array<i32>} : memref<24x256xf32, #tpu.memory_space<vmem>>, vector<16xf32>,
          %get3A_560 = arith.index_cast %squeeze3A : i32 to index
          %get3A_561 = arith.constant 96 : index
          %get3A_562 = tpu.vector_load %arg15[%get3A_560, %get3A_561] {strides = array<i32>} : memref<320x128xf32, #tpu.memory_space<vmem>>, vector<16xf32>,
          %add3A_563 = arith.addf %while3A_405, %get3A_559 : vector<16xf32>
          %mul3A_564 = arith.mulf %get3A_559, %get3A_559 : vector<16xf32>
          %add3A_565 = arith.addf %while3A_413, %mul3A_564 : vector<16xf32>
          %mul3A_566 = arith.mulf %get3A_559, %get3A_562 : vector<16xf32>
          %add3A_567 = arith.addf %while3A_421, %mul3A_566 : vector<16xf32>
          %get3A_568 = arith.index_cast %while3A_398 : i32 to index
          %get3A_569 = arith.constant 224 : index
          %get3A_570 = tpu.vector_load %arg19[%get3A_568, %get3A_569] {strides = array<i32>} : memref<24x256xf32, #tpu.memory_space<vmem>>, vector<16xf32>,
          %get3A_571 = arith.index_cast %squeeze3A : i32 to index
          %get3A_572 = arith.constant 96 : index
          %get3A_573 = tpu.vector_load %arg17[%get3A_571, %get3A_572] {strides = array<i32>} : memref<320x128xf32, #tpu.memory_space<vmem>>, vector<16xf32>,
          %max3A_574 = arith.maximumf %get3A_573, %get3A_570 : vector<16xf32>
          %swap3A_575 = arith.index_cast %squeeze3A : i32 to index
          %swap3A_576 = arith.constant 96 : index
          %swap3A_577 = tpu.vector_load %arg17[%swap3A_575, %swap3A_576] {strides = array<i32>} : memref<320x128xf32, #tpu.memory_space<vmem>>, vector<16xf32>,
          tpu.vector_store %arg17[%swap3A_575, %swap3A_576], %max3A_574 {strides = array<i32>} : memref<320x128xf32, #tpu.memory_space<vmem>>, vector<16xf32>,
          %get3A_578 = arith.index_cast %while3A_398 : i32 to index
          %get3A_579 = arith.constant 112 : index
          %get3A_580 = tpu.vector_load %arg19[%get3A_578, %get3A_579] {strides = array<i32>} : memref<24x256xf32, #tpu.memory_space<vmem>>, vector<16xf32>,
          %get3A_581 = arith.index_cast %squeeze3A : i32 to index
          %get3A_582 = arith.constant 112 : index
          %get3A_583 = tpu.vector_load %arg15[%get3A_581, %get3A_582] {strides = array<i32>} : memref<320x128xf32, #tpu.memory_space<vmem>>, vector<16xf32>,
          %add3A_584 = arith.addf %while3A_406, %get3A_580 : vector<16xf32>
          %mul3A_585 = arith.mulf %get3A_580, %get3A_580 : vector<16xf32>
          %add3A_586 = arith.addf %while3A_414, %mul3A_585 : vector<16xf32>
          %mul3A_587 = arith.mulf %get3A_580, %get3A_583 : vector<16xf32>
          %add3A_588 = arith.addf %while3A_422, %mul3A_587 : vector<16xf32>
          %get3A_589 = arith.index_cast %while3A_398 : i32 to index
          %get3A_590 = arith.constant 240 : index
          %get3A_591 = tpu.vector_load %arg19[%get3A_589, %get3A_590] {strides = array<i32>} : memref<24x256xf32, #tpu.memory_space<vmem>>, vector<16xf32>,
          %get3A_592 = arith.index_cast %squeeze3A : i32 to index
          %get3A_593 = arith.constant 112 : index
          %get3A_594 = tpu.vector_load %arg17[%get3A_592, %get3A_593] {strides = array<i32>} : memref<320x128xf32, #tpu.memory_space<vmem>>, vector<16xf32>,
          %max3A_595 = arith.maximumf %get3A_594, %get3A_591 : vector<16xf32>
          %swap3A_596 = arith.index_cast %squeeze3A : i32 to index
          %swap3A_597 = arith.constant 112 : index
          %swap3A_598 = tpu.vector_load %arg17[%swap3A_596, %swap3A_597] {strides = array<i32>} : memref<320x128xf32, #tpu.memory_space<vmem>>, vector<16xf32>,
          tpu.vector_store %arg17[%swap3A_596, %swap3A_597], %max3A_595 {strides = array<i32>} : memref<320x128xf32, #tpu.memory_space<vmem>>, vector<16xf32>,
          scf.yield %add3A_437, %add3A_458, %add3A_479, %add3A_500, %add3A_521, %add3A_542, %add3A_563, %add3A_584, %add3A_439, %add3A_460, %add3A_481, %add3A_502, %add3A_523, %add3A_544, %add3A_565, %add3A_586, %add3A_441, %add3A_462, %add3A_483, %add3A_504, %add3A_525, %add3A_546, %add3A_567, %add3A_588, %add3A_430 : vector<16xf32>, vector<16xf32>, vector<16xf32>, vector<16xf32>, vector<16xf32>, vector<16xf32>, vector<16xf32>, vector<16xf32>, vector<16xf32>, vector<16xf32>, vector<16xf32>, vector<16xf32>, vector<16xf32>, vector<16xf32>, vector<16xf32>, vector<16xf32>, vector<16xf32>, vector<16xf32>, vector<16xf32>, vector<16xf32>, vector<16xf32>, vector<16xf32>, vector<16xf32>, vector<16xf32>, vector<16xf32>
        }
        scf.yield %while3A_397#0, %while3A_397#1, %while3A_397#2, %while3A_397#3, %while3A_397#4, %while3A_397#5, %while3A_397#6, %while3A_397#7, %while3A_397#8, %while3A_397#9, %while3A_397#10, %while3A_397#11, %while3A_397#12, %while3A_397#13, %while3A_397#14, %while3A_397#15, %while3A_397#16, %while3A_397#17, %while3A_397#18, %while3A_397#19, %while3A_397#20, %while3A_397#21, %while3A_397#22, %while3A_397#23, %while3A_397#24 : vector<16xf32>, vector<16xf32>, vector<16xf32>, vector<16xf32>, vector<16xf32>, vector<16xf32>, vector<16xf32>, vector<16xf32>, vector<16xf32>, vector<16xf32>, vector<16xf32>, vector<16xf32>, vector<16xf32>, vector<16xf32>, vector<16xf32>, vector<16xf32>, vector<16xf32>, vector<16xf32>, vector<16xf32>, vector<16xf32>, vector<16xf32>, vector<16xf32>, vector<16xf32>, vector<16xf32>, vector<16xf32>
      }
      %while3A_308 = arith.constant 1 : i32
      %while3A_309:25 = scf.for %while3A_310 = %while3A_305 to %while3A_301 step %while3A_308 iter_args(%while3A_311 = %while3A_307#0, %while3A_312 = %while3A_307#1, %while3A_313 = %while3A_307#2, %while3A_314 = %while3A_307#3, %while3A_315 = %while3A_307#4, %while3A_316 = %while3A_307#5, %while3A_317 = %while3A_307#6, %while3A_318 = %while3A_307#7, %while3A_319 = %while3A_307#8, %while3A_320 = %while3A_307#9, %while3A_321 = %while3A_307#10, %while3A_322 = %while3A_307#11, %while3A_323 = %while3A_307#12, %while3A_324 = %while3A_307#13, %while3A_325 = %while3A_307#14, %while3A_326 = %while3A_307#15, %while3A_327 = %while3A_307#16, %while3A_328 = %while3A_307#17, %while3A_329 = %while3A_307#18, %while3A_330 = %while3A_307#19, %while3A_331 = %while3A_307#20, %while3A_332 = %while3A_307#21, %while3A_333 = %while3A_307#22, %while3A_334 = %while3A_307#23, %while3A_335 = %while3A_307#24) -> (vector<16xf32>, vector<16xf32>, vector<16xf32>, vector<16xf32>, vector<16xf32>, vector<16xf32>, vector<16xf32>, vector<16xf32>, vector<16xf32>, vector<16xf32>, vector<16xf32>, vector<16xf32>, vector<16xf32>, vector<16xf32>, vector<16xf32>, vector<16xf32>, vector<16xf32>, vector<16xf32>, vector<16xf32>, vector<16xf32>, vector<16xf32>, vector<16xf32>, vector<16xf32>, vector<16xf32>, vector<16xf32>)  : i32 {
        %mul3A_336 = arith.constant 2 : i32
        %mul3A_337 = arith.muli %mul3A_336, %while3A_310 : i32
        %add3A_338 = arith.constant 0 : i32
        %add3A_339 = arith.addi %mul3A_337, %add3A_338 : i32
        %mul3A_340 = arith.constant 24 : i32
        %mul3A_341 = arith.muli %add3A_339, %mul3A_340 : i32
        %add3A_342 = arith.constant 1 : i32
        %add3A_343 = arith.addi %add3A_339, %add3A_342 : i32
        %lt3A_344 = arith.cmpi slt, %add3A_343, %select_n3A_267 : i32
        %convert_element_type3A_345 = arith.extui %lt3A_344 : i1 to i32
        %cond3A_346 = arith.constant 0 : i32
        %cond3A_347 = arith.cmpi ne, %convert_element_type3A_345, %cond3A_346 : i32
        scf.if %cond3A_347 {
          %add3A_398 = arith.constant 24 : i32
          %add3A_399 = arith.addi %mul3A_341, %add3A_398 : i32
          %dma_start3A_400 = tpu.memref_slice %arg13[%add3A_399] : memref<2000xi32, #tpu.memory_space<vmem>> -> memref<24xi32, #tpu.memory_space<vmem>>
          %dma_start3A_401 = arith.constant 0 : i32
          %dma_start3A_402 = arith.constant 0 : i32
          %dma_start3A_403 = tpu.memref_slice %arg4[%dma_start3A_401, %dma_start3A_402] : memref<10000x256xf32, #tpu.memory_space<hbm>> -> memref<10000x256xf32, #tpu.memory_space<hbm>>
          tpu.enqueue_indirect_dma source(%dma_start3A_403 : memref<10000x256xf32, #tpu.memory_space<hbm>>) target(%arg19 : memref<24x256xf32, #tpu.memory_space<vmem>>) offsets(%dma_start3A_400 : memref<24xi32, #tpu.memory_space<vmem>>) semaphore(%arg25 : memref<!tpu.dma_semaphore, #tpu.memory_space<semaphore_mem>>)
        } else {
        }
        %lt3A_348 = arith.cmpi slt, %add3A_339, %select_n3A_267 : i32
        %convert_element_type3A_349 = arith.extui %lt3A_348 : i1 to i32
        %cond3A_350 = arith.constant 0 : i32
        %cond3A_351 = arith.cmpi ne, %convert_element_type3A_349, %cond3A_350 : i32
        scf.if %cond3A_351 {
          %dma_wait3A_398 = tpu.memref_slice %arg13[%mul3A_341] : memref<2000xi32, #tpu.memory_space<vmem>> -> memref<24xi32, #tpu.memory_space<vmem>>
          %dma_wait3A_399 = arith.constant 0 : i32
          %dma_wait3A_400 = arith.constant 0 : i32
          %dma_wait3A_401 = tpu.memref_slice %arg4[%dma_wait3A_399, %dma_wait3A_400] : memref<10000x256xf32, #tpu.memory_space<hbm>> -> memref<10000x256xf32, #tpu.memory_space<hbm>>
          tpu.wait_indirect_dma semaphore(%arg24 : memref<!tpu.dma_semaphore, #tpu.memory_space<semaphore_mem>>) src(%dma_wait3A_401 : memref<10000x256xf32, #tpu.memory_space<hbm>>) dst(%arg18 : memref<24x256xf32, #tpu.memory_space<vmem>>)
        } else {
        }
        %sub3A_352 = arith.subi %scan3A_240, %mul3A_341 : i32
        %jit3A_353 = arith.constant 0 : i32
        %jit3A_354 = arith.constant 24 : i32
        %max3A = arith.maxsi %jit3A_353, %sub3A_352 : i32
        %min3A = arith.minsi %jit3A_354, %max3A : i32
        %while3A_355 = arith.constant 0 : i32
        %while3A_356 = arith.subi %min3A, %while3A_355 : i32
        %while3A_357 = arith.addi %while3A_355, %while3A_356 : i32
        %while3A_358 = arith.constant 1 : i32
        %while3A_359 = arith.divsi %while3A_356, %while3A_358 : i32
        %while3A_360 = arith.muli %while3A_359, %while3A_358 : i32
        %while3A_361 = arith.addi %while3A_355, %while3A_360 : i32
        %while3A_362 = arith.constant 1 : i32
        %while3A_363:25 = scf.for %while3A_398 = %while3A_355 to %while3A_361 step %while3A_362 iter_args(%while3A_399 = %while3A_311, %while3A_400 = %while3A_312, %while3A_401 = %while3A_313, %while3A_402 = %while3A_314, %while3A_403 = %while3A_315, %while3A_404 = %while3A_316, %while3A_405 = %while3A_317, %while3A_406 = %while3A_318, %while3A_407 = %while3A_319, %while3A_408 = %while3A_320, %while3A_409 = %while3A_321, %while3A_410 = %while3A_322, %while3A_411 = %while3A_323, %while3A_412 = %while3A_324, %while3A_413 = %while3A_325, %while3A_414 = %while3A_326, %while3A_415 = %while3A_327, %while3A_416 = %while3A_328, %while3A_417 = %while3A_329, %while3A_418 = %while3A_330, %while3A_419 = %while3A_331, %while3A_420 = %while3A_332, %while3A_421 = %while3A_333, %while3A_422 = %while3A_334, %while3A_423 = %while3A_335) -> (vector<16xf32>, vector<16xf32>, vector<16xf32>, vector<16xf32>, vector<16xf32>, vector<16xf32>, vector<16xf32>, vector<16xf32>, vector<16xf32>, vector<16xf32>, vector<16xf32>, vector<16xf32>, vector<16xf32>, vector<16xf32>, vector<16xf32>, vector<16xf32>, vector<16xf32>, vector<16xf32>, vector<16xf32>, vector<16xf32>, vector<16xf32>, vector<16xf32>, vector<16xf32>, vector<16xf32>, vector<16xf32>)  : i32 {
          %add3A_424 = arith.addi %mul3A_341, %while3A_398 : i32
          %get3A = arith.index_cast %add3A_424 : i32 to index
          %get3A_425 = tpu.vector_load %arg14[%get3A] {strides = array<i32>} : memref<2016xi32, #tpu.memory_space<vmem>>, vector<16xi32>,
          %slice3A = vector.extract_strided_slice %get3A_425 {offsets = [0], sizes = [1], strides = [1]} : vector<16xi32> to vector<1xi32>
          %squeeze3A = vector.extract %slice3A[0] : i32 from vector<1xi32>
          %mul3A_426 = arith.constant 2 : i32
          %mul3A_427 = arith.muli %mul3A_426, %squeeze3A : i32
          %get3A_428 = arith.index_cast %mul3A_427 : i32 to index
          %get3A_429 = tpu.vector_load %arg16[%get3A_428] {strides = array<i32>} : memref<656xf32, #tpu.memory_space<vmem>>, vector<16xf32>,
          %add3A_430 = arith.addf %while3A_423, %get3A_429 : vector<16xf32>
          %get3A_431 = arith.index_cast %while3A_398 : i32 to index
          %get3A_432 = arith.constant 0 : index
          %get3A_433 = tpu.vector_load %arg18[%get3A_431, %get3A_432] {strides = array<i32>} : memref<24x256xf32, #tpu.memory_space<vmem>>, vector<16xf32>,
          %get3A_434 = arith.index_cast %squeeze3A : i32 to index
          %get3A_435 = arith.constant 0 : index
          %get3A_436 = tpu.vector_load %arg15[%get3A_434, %get3A_435] {strides = array<i32>} : memref<320x128xf32, #tpu.memory_space<vmem>>, vector<16xf32>,
          %add3A_437 = arith.addf %while3A_399, %get3A_433 : vector<16xf32>
          %mul3A_438 = arith.mulf %get3A_433, %get3A_433 : vector<16xf32>
          %add3A_439 = arith.addf %while3A_407, %mul3A_438 : vector<16xf32>
          %mul3A_440 = arith.mulf %get3A_433, %get3A_436 : vector<16xf32>
          %add3A_441 = arith.addf %while3A_415, %mul3A_440 : vector<16xf32>
          %get3A_442 = arith.index_cast %while3A_398 : i32 to index
          %get3A_443 = arith.constant 128 : index
          %get3A_444 = tpu.vector_load %arg18[%get3A_442, %get3A_443] {strides = array<i32>} : memref<24x256xf32, #tpu.memory_space<vmem>>, vector<16xf32>,
          %get3A_445 = arith.index_cast %squeeze3A : i32 to index
          %get3A_446 = arith.constant 0 : index
          %get3A_447 = tpu.vector_load %arg17[%get3A_445, %get3A_446] {strides = array<i32>} : memref<320x128xf32, #tpu.memory_space<vmem>>, vector<16xf32>,
          %max3A_448 = arith.maximumf %get3A_447, %get3A_444 : vector<16xf32>
          %swap3A_449 = arith.index_cast %squeeze3A : i32 to index
          %swap3A_450 = arith.constant 0 : index
          %swap3A_451 = tpu.vector_load %arg17[%swap3A_449, %swap3A_450] {strides = array<i32>} : memref<320x128xf32, #tpu.memory_space<vmem>>, vector<16xf32>,
          tpu.vector_store %arg17[%swap3A_449, %swap3A_450], %max3A_448 {strides = array<i32>} : memref<320x128xf32, #tpu.memory_space<vmem>>, vector<16xf32>,
          %get3A_452 = arith.index_cast %while3A_398 : i32 to index
          %get3A_453 = arith.constant 16 : index
          %get3A_454 = tpu.vector_load %arg18[%get3A_452, %get3A_453] {strides = array<i32>} : memref<24x256xf32, #tpu.memory_space<vmem>>, vector<16xf32>,
          %get3A_455 = arith.index_cast %squeeze3A : i32 to index
          %get3A_456 = arith.constant 16 : index
          %get3A_457 = tpu.vector_load %arg15[%get3A_455, %get3A_456] {strides = array<i32>} : memref<320x128xf32, #tpu.memory_space<vmem>>, vector<16xf32>,
          %add3A_458 = arith.addf %while3A_400, %get3A_454 : vector<16xf32>
          %mul3A_459 = arith.mulf %get3A_454, %get3A_454 : vector<16xf32>
          %add3A_460 = arith.addf %while3A_408, %mul3A_459 : vector<16xf32>
          %mul3A_461 = arith.mulf %get3A_454, %get3A_457 : vector<16xf32>
          %add3A_462 = arith.addf %while3A_416, %mul3A_461 : vector<16xf32>
          %get3A_463 = arith.index_cast %while3A_398 : i32 to index
          %get3A_464 = arith.constant 144 : index
          %get3A_465 = tpu.vector_load %arg18[%get3A_463, %get3A_464] {strides = array<i32>} : memref<24x256xf32, #tpu.memory_space<vmem>>, vector<16xf32>,
          %get3A_466 = arith.index_cast %squeeze3A : i32 to index
          %get3A_467 = arith.constant 16 : index
          %get3A_468 = tpu.vector_load %arg17[%get3A_466, %get3A_467] {strides = array<i32>} : memref<320x128xf32, #tpu.memory_space<vmem>>, vector<16xf32>,
          %max3A_469 = arith.maximumf %get3A_468, %get3A_465 : vector<16xf32>
          %swap3A_470 = arith.index_cast %squeeze3A : i32 to index
          %swap3A_471 = arith.constant 16 : index
          %swap3A_472 = tpu.vector_load %arg17[%swap3A_470, %swap3A_471] {strides = array<i32>} : memref<320x128xf32, #tpu.memory_space<vmem>>, vector<16xf32>,
          tpu.vector_store %arg17[%swap3A_470, %swap3A_471], %max3A_469 {strides = array<i32>} : memref<320x128xf32, #tpu.memory_space<vmem>>, vector<16xf32>,
          %get3A_473 = arith.index_cast %while3A_398 : i32 to index
          %get3A_474 = arith.constant 32 : index
          %get3A_475 = tpu.vector_load %arg18[%get3A_473, %get3A_474] {strides = array<i32>} : memref<24x256xf32, #tpu.memory_space<vmem>>, vector<16xf32>,
          %get3A_476 = arith.index_cast %squeeze3A : i32 to index
          %get3A_477 = arith.constant 32 : index
          %get3A_478 = tpu.vector_load %arg15[%get3A_476, %get3A_477] {strides = array<i32>} : memref<320x128xf32, #tpu.memory_space<vmem>>, vector<16xf32>,
          %add3A_479 = arith.addf %while3A_401, %get3A_475 : vector<16xf32>
          %mul3A_480 = arith.mulf %get3A_475, %get3A_475 : vector<16xf32>
          %add3A_481 = arith.addf %while3A_409, %mul3A_480 : vector<16xf32>
          %mul3A_482 = arith.mulf %get3A_475, %get3A_478 : vector<16xf32>
          %add3A_483 = arith.addf %while3A_417, %mul3A_482 : vector<16xf32>
          %get3A_484 = arith.index_cast %while3A_398 : i32 to index
          %get3A_485 = arith.constant 160 : index
          %get3A_486 = tpu.vector_load %arg18[%get3A_484, %get3A_485] {strides = array<i32>} : memref<24x256xf32, #tpu.memory_space<vmem>>, vector<16xf32>,
          %get3A_487 = arith.index_cast %squeeze3A : i32 to index
          %get3A_488 = arith.constant 32 : index
          %get3A_489 = tpu.vector_load %arg17[%get3A_487, %get3A_488] {strides = array<i32>} : memref<320x128xf32, #tpu.memory_space<vmem>>, vector<16xf32>,
          %max3A_490 = arith.maximumf %get3A_489, %get3A_486 : vector<16xf32>
          %swap3A_491 = arith.index_cast %squeeze3A : i32 to index
          %swap3A_492 = arith.constant 32 : index
          %swap3A_493 = tpu.vector_load %arg17[%swap3A_491, %swap3A_492] {strides = array<i32>} : memref<320x128xf32, #tpu.memory_space<vmem>>, vector<16xf32>,
          tpu.vector_store %arg17[%swap3A_491, %swap3A_492], %max3A_490 {strides = array<i32>} : memref<320x128xf32, #tpu.memory_space<vmem>>, vector<16xf32>,
          %get3A_494 = arith.index_cast %while3A_398 : i32 to index
          %get3A_495 = arith.constant 48 : index
          %get3A_496 = tpu.vector_load %arg18[%get3A_494, %get3A_495] {strides = array<i32>} : memref<24x256xf32, #tpu.memory_space<vmem>>, vector<16xf32>,
          %get3A_497 = arith.index_cast %squeeze3A : i32 to index
          %get3A_498 = arith.constant 48 : index
          %get3A_499 = tpu.vector_load %arg15[%get3A_497, %get3A_498] {strides = array<i32>} : memref<320x128xf32, #tpu.memory_space<vmem>>, vector<16xf32>,
          %add3A_500 = arith.addf %while3A_402, %get3A_496 : vector<16xf32>
          %mul3A_501 = arith.mulf %get3A_496, %get3A_496 : vector<16xf32>
          %add3A_502 = arith.addf %while3A_410, %mul3A_501 : vector<16xf32>
          %mul3A_503 = arith.mulf %get3A_496, %get3A_499 : vector<16xf32>
          %add3A_504 = arith.addf %while3A_418, %mul3A_503 : vector<16xf32>
          %get3A_505 = arith.index_cast %while3A_398 : i32 to index
          %get3A_506 = arith.constant 176 : index
          %get3A_507 = tpu.vector_load %arg18[%get3A_505, %get3A_506] {strides = array<i32>} : memref<24x256xf32, #tpu.memory_space<vmem>>, vector<16xf32>,
          %get3A_508 = arith.index_cast %squeeze3A : i32 to index
          %get3A_509 = arith.constant 48 : index
          %get3A_510 = tpu.vector_load %arg17[%get3A_508, %get3A_509] {strides = array<i32>} : memref<320x128xf32, #tpu.memory_space<vmem>>, vector<16xf32>,
          %max3A_511 = arith.maximumf %get3A_510, %get3A_507 : vector<16xf32>
          %swap3A_512 = arith.index_cast %squeeze3A : i32 to index
          %swap3A_513 = arith.constant 48 : index
          %swap3A_514 = tpu.vector_load %arg17[%swap3A_512, %swap3A_513] {strides = array<i32>} : memref<320x128xf32, #tpu.memory_space<vmem>>, vector<16xf32>,
          tpu.vector_store %arg17[%swap3A_512, %swap3A_513], %max3A_511 {strides = array<i32>} : memref<320x128xf32, #tpu.memory_space<vmem>>, vector<16xf32>,
          %get3A_515 = arith.index_cast %while3A_398 : i32 to index
          %get3A_516 = arith.constant 64 : index
          %get3A_517 = tpu.vector_load %arg18[%get3A_515, %get3A_516] {strides = array<i32>} : memref<24x256xf32, #tpu.memory_space<vmem>>, vector<16xf32>,
          %get3A_518 = arith.index_cast %squeeze3A : i32 to index
          %get3A_519 = arith.constant 64 : index
          %get3A_520 = tpu.vector_load %arg15[%get3A_518, %get3A_519] {strides = array<i32>} : memref<320x128xf32, #tpu.memory_space<vmem>>, vector<16xf32>,
          %add3A_521 = arith.addf %while3A_403, %get3A_517 : vector<16xf32>
          %mul3A_522 = arith.mulf %get3A_517, %get3A_517 : vector<16xf32>
          %add3A_523 = arith.addf %while3A_411, %mul3A_522 : vector<16xf32>
          %mul3A_524 = arith.mulf %get3A_517, %get3A_520 : vector<16xf32>
          %add3A_525 = arith.addf %while3A_419, %mul3A_524 : vector<16xf32>
          %get3A_526 = arith.index_cast %while3A_398 : i32 to index
          %get3A_527 = arith.constant 192 : index
          %get3A_528 = tpu.vector_load %arg18[%get3A_526, %get3A_527] {strides = array<i32>} : memref<24x256xf32, #tpu.memory_space<vmem>>, vector<16xf32>,
          %get3A_529 = arith.index_cast %squeeze3A : i32 to index
          %get3A_530 = arith.constant 64 : index
          %get3A_531 = tpu.vector_load %arg17[%get3A_529, %get3A_530] {strides = array<i32>} : memref<320x128xf32, #tpu.memory_space<vmem>>, vector<16xf32>,
          %max3A_532 = arith.maximumf %get3A_531, %get3A_528 : vector<16xf32>
          %swap3A_533 = arith.index_cast %squeeze3A : i32 to index
          %swap3A_534 = arith.constant 64 : index
          %swap3A_535 = tpu.vector_load %arg17[%swap3A_533, %swap3A_534] {strides = array<i32>} : memref<320x128xf32, #tpu.memory_space<vmem>>, vector<16xf32>,
          tpu.vector_store %arg17[%swap3A_533, %swap3A_534], %max3A_532 {strides = array<i32>} : memref<320x128xf32, #tpu.memory_space<vmem>>, vector<16xf32>,
          %get3A_536 = arith.index_cast %while3A_398 : i32 to index
          %get3A_537 = arith.constant 80 : index
          %get3A_538 = tpu.vector_load %arg18[%get3A_536, %get3A_537] {strides = array<i32>} : memref<24x256xf32, #tpu.memory_space<vmem>>, vector<16xf32>,
          %get3A_539 = arith.index_cast %squeeze3A : i32 to index
          %get3A_540 = arith.constant 80 : index
          %get3A_541 = tpu.vector_load %arg15[%get3A_539, %get3A_540] {strides = array<i32>} : memref<320x128xf32, #tpu.memory_space<vmem>>, vector<16xf32>,
          %add3A_542 = arith.addf %while3A_404, %get3A_538 : vector<16xf32>
          %mul3A_543 = arith.mulf %get3A_538, %get3A_538 : vector<16xf32>
          %add3A_544 = arith.addf %while3A_412, %mul3A_543 : vector<16xf32>
          %mul3A_545 = arith.mulf %get3A_538, %get3A_541 : vector<16xf32>
          %add3A_546 = arith.addf %while3A_420, %mul3A_545 : vector<16xf32>
          %get3A_547 = arith.index_cast %while3A_398 : i32 to index
          %get3A_548 = arith.constant 208 : index
          %get3A_549 = tpu.vector_load %arg18[%get3A_547, %get3A_548] {strides = array<i32>} : memref<24x256xf32, #tpu.memory_space<vmem>>, vector<16xf32>,
          %get3A_550 = arith.index_cast %squeeze3A : i32 to index
          %get3A_551 = arith.constant 80 : index
          %get3A_552 = tpu.vector_load %arg17[%get3A_550, %get3A_551] {strides = array<i32>} : memref<320x128xf32, #tpu.memory_space<vmem>>, vector<16xf32>,
          %max3A_553 = arith.maximumf %get3A_552, %get3A_549 : vector<16xf32>
          %swap3A_554 = arith.index_cast %squeeze3A : i32 to index
          %swap3A_555 = arith.constant 80 : index
          %swap3A_556 = tpu.vector_load %arg17[%swap3A_554, %swap3A_555] {strides = array<i32>} : memref<320x128xf32, #tpu.memory_space<vmem>>, vector<16xf32>,
          tpu.vector_store %arg17[%swap3A_554, %swap3A_555], %max3A_553 {strides = array<i32>} : memref<320x128xf32, #tpu.memory_space<vmem>>, vector<16xf32>,
          %get3A_557 = arith.index_cast %while3A_398 : i32 to index
          %get3A_558 = arith.constant 96 : index
          %get3A_559 = tpu.vector_load %arg18[%get3A_557, %get3A_558] {strides = array<i32>} : memref<24x256xf32, #tpu.memory_space<vmem>>, vector<16xf32>,
          %get3A_560 = arith.index_cast %squeeze3A : i32 to index
          %get3A_561 = arith.constant 96 : index
          %get3A_562 = tpu.vector_load %arg15[%get3A_560, %get3A_561] {strides = array<i32>} : memref<320x128xf32, #tpu.memory_space<vmem>>, vector<16xf32>,
          %add3A_563 = arith.addf %while3A_405, %get3A_559 : vector<16xf32>
          %mul3A_564 = arith.mulf %get3A_559, %get3A_559 : vector<16xf32>
          %add3A_565 = arith.addf %while3A_413, %mul3A_564 : vector<16xf32>
          %mul3A_566 = arith.mulf %get3A_559, %get3A_562 : vector<16xf32>
          %add3A_567 = arith.addf %while3A_421, %mul3A_566 : vector<16xf32>
          %get3A_568 = arith.index_cast %while3A_398 : i32 to index
          %get3A_569 = arith.constant 224 : index
          %get3A_570 = tpu.vector_load %arg18[%get3A_568, %get3A_569] {strides = array<i32>} : memref<24x256xf32, #tpu.memory_space<vmem>>, vector<16xf32>,
          %get3A_571 = arith.index_cast %squeeze3A : i32 to index
          %get3A_572 = arith.constant 96 : index
          %get3A_573 = tpu.vector_load %arg17[%get3A_571, %get3A_572] {strides = array<i32>} : memref<320x128xf32, #tpu.memory_space<vmem>>, vector<16xf32>,
          %max3A_574 = arith.maximumf %get3A_573, %get3A_570 : vector<16xf32>
          %swap3A_575 = arith.index_cast %squeeze3A : i32 to index
          %swap3A_576 = arith.constant 96 : index
          %swap3A_577 = tpu.vector_load %arg17[%swap3A_575, %swap3A_576] {strides = array<i32>} : memref<320x128xf32, #tpu.memory_space<vmem>>, vector<16xf32>,
          tpu.vector_store %arg17[%swap3A_575, %swap3A_576], %max3A_574 {strides = array<i32>} : memref<320x128xf32, #tpu.memory_space<vmem>>, vector<16xf32>,
          %get3A_578 = arith.index_cast %while3A_398 : i32 to index
          %get3A_579 = arith.constant 112 : index
          %get3A_580 = tpu.vector_load %arg18[%get3A_578, %get3A_579] {strides = array<i32>} : memref<24x256xf32, #tpu.memory_space<vmem>>, vector<16xf32>,
          %get3A_581 = arith.index_cast %squeeze3A : i32 to index
          %get3A_582 = arith.constant 112 : index
          %get3A_583 = tpu.vector_load %arg15[%get3A_581, %get3A_582] {strides = array<i32>} : memref<320x128xf32, #tpu.memory_space<vmem>>, vector<16xf32>,
          %add3A_584 = arith.addf %while3A_406, %get3A_580 : vector<16xf32>
          %mul3A_585 = arith.mulf %get3A_580, %get3A_580 : vector<16xf32>
          %add3A_586 = arith.addf %while3A_414, %mul3A_585 : vector<16xf32>
          %mul3A_587 = arith.mulf %get3A_580, %get3A_583 : vector<16xf32>
          %add3A_588 = arith.addf %while3A_422, %mul3A_587 : vector<16xf32>
          %get3A_589 = arith.index_cast %while3A_398 : i32 to index
          %get3A_590 = arith.constant 240 : index
          %get3A_591 = tpu.vector_load %arg18[%get3A_589, %get3A_590] {strides = array<i32>} : memref<24x256xf32, #tpu.memory_space<vmem>>, vector<16xf32>,
          %get3A_592 = arith.index_cast %squeeze3A : i32 to index
          %get3A_593 = arith.constant 112 : index
          %get3A_594 = tpu.vector_load %arg17[%get3A_592, %get3A_593] {strides = array<i32>} : memref<320x128xf32, #tpu.memory_space<vmem>>, vector<16xf32>,
          %max3A_595 = arith.maximumf %get3A_594, %get3A_591 : vector<16xf32>
          %swap3A_596 = arith.index_cast %squeeze3A : i32 to index
          %swap3A_597 = arith.constant 112 : index
          %swap3A_598 = tpu.vector_load %arg17[%swap3A_596, %swap3A_597] {strides = array<i32>} : memref<320x128xf32, #tpu.memory_space<vmem>>, vector<16xf32>,
          tpu.vector_store %arg17[%swap3A_596, %swap3A_597], %max3A_595 {strides = array<i32>} : memref<320x128xf32, #tpu.memory_space<vmem>>, vector<16xf32>,
          scf.yield %add3A_437, %add3A_458, %add3A_479, %add3A_500, %add3A_521, %add3A_542, %add3A_563, %add3A_584, %add3A_439, %add3A_460, %add3A_481, %add3A_502, %add3A_523, %add3A_544, %add3A_565, %add3A_586, %add3A_441, %add3A_462, %add3A_483, %add3A_504, %add3A_525, %add3A_546, %add3A_567, %add3A_588, %add3A_430 : vector<16xf32>, vector<16xf32>, vector<16xf32>, vector<16xf32>, vector<16xf32>, vector<16xf32>, vector<16xf32>, vector<16xf32>, vector<16xf32>, vector<16xf32>, vector<16xf32>, vector<16xf32>, vector<16xf32>, vector<16xf32>, vector<16xf32>, vector<16xf32>, vector<16xf32>, vector<16xf32>, vector<16xf32>, vector<16xf32>, vector<16xf32>, vector<16xf32>, vector<16xf32>, vector<16xf32>, vector<16xf32>
        }
        %while3A_364 = arith.constant 1 : i32
        %while3A_365:25 = scf.for %while3A_398 = %while3A_361 to %while3A_357 step %while3A_364 iter_args(%while3A_399 = %while3A_363#0, %while3A_400 = %while3A_363#1, %while3A_401 = %while3A_363#2, %while3A_402 = %while3A_363#3, %while3A_403 = %while3A_363#4, %while3A_404 = %while3A_363#5, %while3A_405 = %while3A_363#6, %while3A_406 = %while3A_363#7, %while3A_407 = %while3A_363#8, %while3A_408 = %while3A_363#9, %while3A_409 = %while3A_363#10, %while3A_410 = %while3A_363#11, %while3A_411 = %while3A_363#12, %while3A_412 = %while3A_363#13, %while3A_413 = %while3A_363#14, %while3A_414 = %while3A_363#15, %while3A_415 = %while3A_363#16, %while3A_416 = %while3A_363#17, %while3A_417 = %while3A_363#18, %while3A_418 = %while3A_363#19, %while3A_419 = %while3A_363#20, %while3A_420 = %while3A_363#21, %while3A_421 = %while3A_363#22, %while3A_422 = %while3A_363#23, %while3A_423 = %while3A_363#24) -> (vector<16xf32>, vector<16xf32>, vector<16xf32>, vector<16xf32>, vector<16xf32>, vector<16xf32>, vector<16xf32>, vector<16xf32>, vector<16xf32>, vector<16xf32>, vector<16xf32>, vector<16xf32>, vector<16xf32>, vector<16xf32>, vector<16xf32>, vector<16xf32>, vector<16xf32>, vector<16xf32>, vector<16xf32>, vector<16xf32>, vector<16xf32>, vector<16xf32>, vector<16xf32>, vector<16xf32>, vector<16xf32>)  : i32 {
          %add3A_424 = arith.addi %mul3A_341, %while3A_398 : i32
          %get3A = arith.index_cast %add3A_424 : i32 to index
          %get3A_425 = tpu.vector_load %arg14[%get3A] {strides = array<i32>} : memref<2016xi32, #tpu.memory_space<vmem>>, vector<16xi32>,
          %slice3A = vector.extract_strided_slice %get3A_425 {offsets = [0], sizes = [1], strides = [1]} : vector<16xi32> to vector<1xi32>
          %squeeze3A = vector.extract %slice3A[0] : i32 from vector<1xi32>
          %mul3A_426 = arith.constant 2 : i32
          %mul3A_427 = arith.muli %mul3A_426, %squeeze3A : i32
          %get3A_428 = arith.index_cast %mul3A_427 : i32 to index
          %get3A_429 = tpu.vector_load %arg16[%get3A_428] {strides = array<i32>} : memref<656xf32, #tpu.memory_space<vmem>>, vector<16xf32>,
          %add3A_430 = arith.addf %while3A_423, %get3A_429 : vector<16xf32>
          %get3A_431 = arith.index_cast %while3A_398 : i32 to index
          %get3A_432 = arith.constant 0 : index
          %get3A_433 = tpu.vector_load %arg18[%get3A_431, %get3A_432] {strides = array<i32>} : memref<24x256xf32, #tpu.memory_space<vmem>>, vector<16xf32>,
          %get3A_434 = arith.index_cast %squeeze3A : i32 to index
          %get3A_435 = arith.constant 0 : index
          %get3A_436 = tpu.vector_load %arg15[%get3A_434, %get3A_435] {strides = array<i32>} : memref<320x128xf32, #tpu.memory_space<vmem>>, vector<16xf32>,
          %add3A_437 = arith.addf %while3A_399, %get3A_433 : vector<16xf32>
          %mul3A_438 = arith.mulf %get3A_433, %get3A_433 : vector<16xf32>
          %add3A_439 = arith.addf %while3A_407, %mul3A_438 : vector<16xf32>
          %mul3A_440 = arith.mulf %get3A_433, %get3A_436 : vector<16xf32>
          %add3A_441 = arith.addf %while3A_415, %mul3A_440 : vector<16xf32>
          %get3A_442 = arith.index_cast %while3A_398 : i32 to index
          %get3A_443 = arith.constant 128 : index
          %get3A_444 = tpu.vector_load %arg18[%get3A_442, %get3A_443] {strides = array<i32>} : memref<24x256xf32, #tpu.memory_space<vmem>>, vector<16xf32>,
          %get3A_445 = arith.index_cast %squeeze3A : i32 to index
          %get3A_446 = arith.constant 0 : index
          %get3A_447 = tpu.vector_load %arg17[%get3A_445, %get3A_446] {strides = array<i32>} : memref<320x128xf32, #tpu.memory_space<vmem>>, vector<16xf32>,
          %max3A_448 = arith.maximumf %get3A_447, %get3A_444 : vector<16xf32>
          %swap3A_449 = arith.index_cast %squeeze3A : i32 to index
          %swap3A_450 = arith.constant 0 : index
          %swap3A_451 = tpu.vector_load %arg17[%swap3A_449, %swap3A_450] {strides = array<i32>} : memref<320x128xf32, #tpu.memory_space<vmem>>, vector<16xf32>,
          tpu.vector_store %arg17[%swap3A_449, %swap3A_450], %max3A_448 {strides = array<i32>} : memref<320x128xf32, #tpu.memory_space<vmem>>, vector<16xf32>,
          %get3A_452 = arith.index_cast %while3A_398 : i32 to index
          %get3A_453 = arith.constant 16 : index
          %get3A_454 = tpu.vector_load %arg18[%get3A_452, %get3A_453] {strides = array<i32>} : memref<24x256xf32, #tpu.memory_space<vmem>>, vector<16xf32>,
          %get3A_455 = arith.index_cast %squeeze3A : i32 to index
          %get3A_456 = arith.constant 16 : index
          %get3A_457 = tpu.vector_load %arg15[%get3A_455, %get3A_456] {strides = array<i32>} : memref<320x128xf32, #tpu.memory_space<vmem>>, vector<16xf32>,
          %add3A_458 = arith.addf %while3A_400, %get3A_454 : vector<16xf32>
          %mul3A_459 = arith.mulf %get3A_454, %get3A_454 : vector<16xf32>
          %add3A_460 = arith.addf %while3A_408, %mul3A_459 : vector<16xf32>
          %mul3A_461 = arith.mulf %get3A_454, %get3A_457 : vector<16xf32>
          %add3A_462 = arith.addf %while3A_416, %mul3A_461 : vector<16xf32>
          %get3A_463 = arith.index_cast %while3A_398 : i32 to index
          %get3A_464 = arith.constant 144 : index
          %get3A_465 = tpu.vector_load %arg18[%get3A_463, %get3A_464] {strides = array<i32>} : memref<24x256xf32, #tpu.memory_space<vmem>>, vector<16xf32>,
          %get3A_466 = arith.index_cast %squeeze3A : i32 to index
          %get3A_467 = arith.constant 16 : index
          %get3A_468 = tpu.vector_load %arg17[%get3A_466, %get3A_467] {strides = array<i32>} : memref<320x128xf32, #tpu.memory_space<vmem>>, vector<16xf32>,
          %max3A_469 = arith.maximumf %get3A_468, %get3A_465 : vector<16xf32>
          %swap3A_470 = arith.index_cast %squeeze3A : i32 to index
          %swap3A_471 = arith.constant 16 : index
          %swap3A_472 = tpu.vector_load %arg17[%swap3A_470, %swap3A_471] {strides = array<i32>} : memref<320x128xf32, #tpu.memory_space<vmem>>, vector<16xf32>,
          tpu.vector_store %arg17[%swap3A_470, %swap3A_471], %max3A_469 {strides = array<i32>} : memref<320x128xf32, #tpu.memory_space<vmem>>, vector<16xf32>,
          %get3A_473 = arith.index_cast %while3A_398 : i32 to index
          %get3A_474 = arith.constant 32 : index
          %get3A_475 = tpu.vector_load %arg18[%get3A_473, %get3A_474] {strides = array<i32>} : memref<24x256xf32, #tpu.memory_space<vmem>>, vector<16xf32>,
          %get3A_476 = arith.index_cast %squeeze3A : i32 to index
          %get3A_477 = arith.constant 32 : index
          %get3A_478 = tpu.vector_load %arg15[%get3A_476, %get3A_477] {strides = array<i32>} : memref<320x128xf32, #tpu.memory_space<vmem>>, vector<16xf32>,
          %add3A_479 = arith.addf %while3A_401, %get3A_475 : vector<16xf32>
          %mul3A_480 = arith.mulf %get3A_475, %get3A_475 : vector<16xf32>
          %add3A_481 = arith.addf %while3A_409, %mul3A_480 : vector<16xf32>
          %mul3A_482 = arith.mulf %get3A_475, %get3A_478 : vector<16xf32>
          %add3A_483 = arith.addf %while3A_417, %mul3A_482 : vector<16xf32>
          %get3A_484 = arith.index_cast %while3A_398 : i32 to index
          %get3A_485 = arith.constant 160 : index
          %get3A_486 = tpu.vector_load %arg18[%get3A_484, %get3A_485] {strides = array<i32>} : memref<24x256xf32, #tpu.memory_space<vmem>>, vector<16xf32>,
          %get3A_487 = arith.index_cast %squeeze3A : i32 to index
          %get3A_488 = arith.constant 32 : index
          %get3A_489 = tpu.vector_load %arg17[%get3A_487, %get3A_488] {strides = array<i32>} : memref<320x128xf32, #tpu.memory_space<vmem>>, vector<16xf32>,
          %max3A_490 = arith.maximumf %get3A_489, %get3A_486 : vector<16xf32>
          %swap3A_491 = arith.index_cast %squeeze3A : i32 to index
          %swap3A_492 = arith.constant 32 : index
          %swap3A_493 = tpu.vector_load %arg17[%swap3A_491, %swap3A_492] {strides = array<i32>} : memref<320x128xf32, #tpu.memory_space<vmem>>, vector<16xf32>,
          tpu.vector_store %arg17[%swap3A_491, %swap3A_492], %max3A_490 {strides = array<i32>} : memref<320x128xf32, #tpu.memory_space<vmem>>, vector<16xf32>,
          %get3A_494 = arith.index_cast %while3A_398 : i32 to index
          %get3A_495 = arith.constant 48 : index
          %get3A_496 = tpu.vector_load %arg18[%get3A_494, %get3A_495] {strides = array<i32>} : memref<24x256xf32, #tpu.memory_space<vmem>>, vector<16xf32>,
          %get3A_497 = arith.index_cast %squeeze3A : i32 to index
          %get3A_498 = arith.constant 48 : index
          %get3A_499 = tpu.vector_load %arg15[%get3A_497, %get3A_498] {strides = array<i32>} : memref<320x128xf32, #tpu.memory_space<vmem>>, vector<16xf32>,
          %add3A_500 = arith.addf %while3A_402, %get3A_496 : vector<16xf32>
          %mul3A_501 = arith.mulf %get3A_496, %get3A_496 : vector<16xf32>
          %add3A_502 = arith.addf %while3A_410, %mul3A_501 : vector<16xf32>
          %mul3A_503 = arith.mulf %get3A_496, %get3A_499 : vector<16xf32>
          %add3A_504 = arith.addf %while3A_418, %mul3A_503 : vector<16xf32>
          %get3A_505 = arith.index_cast %while3A_398 : i32 to index
          %get3A_506 = arith.constant 176 : index
          %get3A_507 = tpu.vector_load %arg18[%get3A_505, %get3A_506] {strides = array<i32>} : memref<24x256xf32, #tpu.memory_space<vmem>>, vector<16xf32>,
          %get3A_508 = arith.index_cast %squeeze3A : i32 to index
          %get3A_509 = arith.constant 48 : index
          %get3A_510 = tpu.vector_load %arg17[%get3A_508, %get3A_509] {strides = array<i32>} : memref<320x128xf32, #tpu.memory_space<vmem>>, vector<16xf32>,
          %max3A_511 = arith.maximumf %get3A_510, %get3A_507 : vector<16xf32>
          %swap3A_512 = arith.index_cast %squeeze3A : i32 to index
          %swap3A_513 = arith.constant 48 : index
          %swap3A_514 = tpu.vector_load %arg17[%swap3A_512, %swap3A_513] {strides = array<i32>} : memref<320x128xf32, #tpu.memory_space<vmem>>, vector<16xf32>,
          tpu.vector_store %arg17[%swap3A_512, %swap3A_513], %max3A_511 {strides = array<i32>} : memref<320x128xf32, #tpu.memory_space<vmem>>, vector<16xf32>,
          %get3A_515 = arith.index_cast %while3A_398 : i32 to index
          %get3A_516 = arith.constant 64 : index
          %get3A_517 = tpu.vector_load %arg18[%get3A_515, %get3A_516] {strides = array<i32>} : memref<24x256xf32, #tpu.memory_space<vmem>>, vector<16xf32>,
          %get3A_518 = arith.index_cast %squeeze3A : i32 to index
          %get3A_519 = arith.constant 64 : index
          %get3A_520 = tpu.vector_load %arg15[%get3A_518, %get3A_519] {strides = array<i32>} : memref<320x128xf32, #tpu.memory_space<vmem>>, vector<16xf32>,
          %add3A_521 = arith.addf %while3A_403, %get3A_517 : vector<16xf32>
          %mul3A_522 = arith.mulf %get3A_517, %get3A_517 : vector<16xf32>
          %add3A_523 = arith.addf %while3A_411, %mul3A_522 : vector<16xf32>
          %mul3A_524 = arith.mulf %get3A_517, %get3A_520 : vector<16xf32>
          %add3A_525 = arith.addf %while3A_419, %mul3A_524 : vector<16xf32>
          %get3A_526 = arith.index_cast %while3A_398 : i32 to index
          %get3A_527 = arith.constant 192 : index
          %get3A_528 = tpu.vector_load %arg18[%get3A_526, %get3A_527] {strides = array<i32>} : memref<24x256xf32, #tpu.memory_space<vmem>>, vector<16xf32>,
          %get3A_529 = arith.index_cast %squeeze3A : i32 to index
          %get3A_530 = arith.constant 64 : index
          %get3A_531 = tpu.vector_load %arg17[%get3A_529, %get3A_530] {strides = array<i32>} : memref<320x128xf32, #tpu.memory_space<vmem>>, vector<16xf32>,
          %max3A_532 = arith.maximumf %get3A_531, %get3A_528 : vector<16xf32>
          %swap3A_533 = arith.index_cast %squeeze3A : i32 to index
          %swap3A_534 = arith.constant 64 : index
          %swap3A_535 = tpu.vector_load %arg17[%swap3A_533, %swap3A_534] {strides = array<i32>} : memref<320x128xf32, #tpu.memory_space<vmem>>, vector<16xf32>,
          tpu.vector_store %arg17[%swap3A_533, %swap3A_534], %max3A_532 {strides = array<i32>} : memref<320x128xf32, #tpu.memory_space<vmem>>, vector<16xf32>,
          %get3A_536 = arith.index_cast %while3A_398 : i32 to index
          %get3A_537 = arith.constant 80 : index
          %get3A_538 = tpu.vector_load %arg18[%get3A_536, %get3A_537] {strides = array<i32>} : memref<24x256xf32, #tpu.memory_space<vmem>>, vector<16xf32>,
          %get3A_539 = arith.index_cast %squeeze3A : i32 to index
          %get3A_540 = arith.constant 80 : index
          %get3A_541 = tpu.vector_load %arg15[%get3A_539, %get3A_540] {strides = array<i32>} : memref<320x128xf32, #tpu.memory_space<vmem>>, vector<16xf32>,
          %add3A_542 = arith.addf %while3A_404, %get3A_538 : vector<16xf32>
          %mul3A_543 = arith.mulf %get3A_538, %get3A_538 : vector<16xf32>
          %add3A_544 = arith.addf %while3A_412, %mul3A_543 : vector<16xf32>
          %mul3A_545 = arith.mulf %get3A_538, %get3A_541 : vector<16xf32>
          %add3A_546 = arith.addf %while3A_420, %mul3A_545 : vector<16xf32>
          %get3A_547 = arith.index_cast %while3A_398 : i32 to index
          %get3A_548 = arith.constant 208 : index
          %get3A_549 = tpu.vector_load %arg18[%get3A_547, %get3A_548] {strides = array<i32>} : memref<24x256xf32, #tpu.memory_space<vmem>>, vector<16xf32>,
          %get3A_550 = arith.index_cast %squeeze3A : i32 to index
          %get3A_551 = arith.constant 80 : index
          %get3A_552 = tpu.vector_load %arg17[%get3A_550, %get3A_551] {strides = array<i32>} : memref<320x128xf32, #tpu.memory_space<vmem>>, vector<16xf32>,
          %max3A_553 = arith.maximumf %get3A_552, %get3A_549 : vector<16xf32>
          %swap3A_554 = arith.index_cast %squeeze3A : i32 to index
          %swap3A_555 = arith.constant 80 : index
          %swap3A_556 = tpu.vector_load %arg17[%swap3A_554, %swap3A_555] {strides = array<i32>} : memref<320x128xf32, #tpu.memory_space<vmem>>, vector<16xf32>,
          tpu.vector_store %arg17[%swap3A_554, %swap3A_555], %max3A_553 {strides = array<i32>} : memref<320x128xf32, #tpu.memory_space<vmem>>, vector<16xf32>,
          %get3A_557 = arith.index_cast %while3A_398 : i32 to index
          %get3A_558 = arith.constant 96 : index
          %get3A_559 = tpu.vector_load %arg18[%get3A_557, %get3A_558] {strides = array<i32>} : memref<24x256xf32, #tpu.memory_space<vmem>>, vector<16xf32>,
          %get3A_560 = arith.index_cast %squeeze3A : i32 to index
          %get3A_561 = arith.constant 96 : index
          %get3A_562 = tpu.vector_load %arg15[%get3A_560, %get3A_561] {strides = array<i32>} : memref<320x128xf32, #tpu.memory_space<vmem>>, vector<16xf32>,
          %add3A_563 = arith.addf %while3A_405, %get3A_559 : vector<16xf32>
          %mul3A_564 = arith.mulf %get3A_559, %get3A_559 : vector<16xf32>
          %add3A_565 = arith.addf %while3A_413, %mul3A_564 : vector<16xf32>
          %mul3A_566 = arith.mulf %get3A_559, %get3A_562 : vector<16xf32>
          %add3A_567 = arith.addf %while3A_421, %mul3A_566 : vector<16xf32>
          %get3A_568 = arith.index_cast %while3A_398 : i32 to index
          %get3A_569 = arith.constant 224 : index
          %get3A_570 = tpu.vector_load %arg18[%get3A_568, %get3A_569] {strides = array<i32>} : memref<24x256xf32, #tpu.memory_space<vmem>>, vector<16xf32>,
          %get3A_571 = arith.index_cast %squeeze3A : i32 to index
          %get3A_572 = arith.constant 96 : index
          %get3A_573 = tpu.vector_load %arg17[%get3A_571, %get3A_572] {strides = array<i32>} : memref<320x128xf32, #tpu.memory_space<vmem>>, vector<16xf32>,
          %max3A_574 = arith.maximumf %get3A_573, %get3A_570 : vector<16xf32>
          %swap3A_575 = arith.index_cast %squeeze3A : i32 to index
          %swap3A_576 = arith.constant 96 : index
          %swap3A_577 = tpu.vector_load %arg17[%swap3A_575, %swap3A_576] {strides = array<i32>} : memref<320x128xf32, #tpu.memory_space<vmem>>, vector<16xf32>,
          tpu.vector_store %arg17[%swap3A_575, %swap3A_576], %max3A_574 {strides = array<i32>} : memref<320x128xf32, #tpu.memory_space<vmem>>, vector<16xf32>,
          %get3A_578 = arith.index_cast %while3A_398 : i32 to index
          %get3A_579 = arith.constant 112 : index
          %get3A_580 = tpu.vector_load %arg18[%get3A_578, %get3A_579] {strides = array<i32>} : memref<24x256xf32, #tpu.memory_space<vmem>>, vector<16xf32>,
          %get3A_581 = arith.index_cast %squeeze3A : i32 to index
          %get3A_582 = arith.constant 112 : index
          %get3A_583 = tpu.vector_load %arg15[%get3A_581, %get3A_582] {strides = array<i32>} : memref<320x128xf32, #tpu.memory_space<vmem>>, vector<16xf32>,
          %add3A_584 = arith.addf %while3A_406, %get3A_580 : vector<16xf32>
          %mul3A_585 = arith.mulf %get3A_580, %get3A_580 : vector<16xf32>
          %add3A_586 = arith.addf %while3A_414, %mul3A_585 : vector<16xf32>
          %mul3A_587 = arith.mulf %get3A_580, %get3A_583 : vector<16xf32>
          %add3A_588 = arith.addf %while3A_422, %mul3A_587 : vector<16xf32>
          %get3A_589 = arith.index_cast %while3A_398 : i32 to index
          %get3A_590 = arith.constant 240 : index
          %get3A_591 = tpu.vector_load %arg18[%get3A_589, %get3A_590] {strides = array<i32>} : memref<24x256xf32, #tpu.memory_space<vmem>>, vector<16xf32>,
          %get3A_592 = arith.index_cast %squeeze3A : i32 to index
          %get3A_593 = arith.constant 112 : index
          %get3A_594 = tpu.vector_load %arg17[%get3A_592, %get3A_593] {strides = array<i32>} : memref<320x128xf32, #tpu.memory_space<vmem>>, vector<16xf32>,
          %max3A_595 = arith.maximumf %get3A_594, %get3A_591 : vector<16xf32>
          %swap3A_596 = arith.index_cast %squeeze3A : i32 to index
          %swap3A_597 = arith.constant 112 : index
          %swap3A_598 = tpu.vector_load %arg17[%swap3A_596, %swap3A_597] {strides = array<i32>} : memref<320x128xf32, #tpu.memory_space<vmem>>, vector<16xf32>,
          tpu.vector_store %arg17[%swap3A_596, %swap3A_597], %max3A_595 {strides = array<i32>} : memref<320x128xf32, #tpu.memory_space<vmem>>, vector<16xf32>,
          scf.yield %add3A_437, %add3A_458, %add3A_479, %add3A_500, %add3A_521, %add3A_542, %add3A_563, %add3A_584, %add3A_439, %add3A_460, %add3A_481, %add3A_502, %add3A_523, %add3A_544, %add3A_565, %add3A_586, %add3A_441, %add3A_462, %add3A_483, %add3A_504, %add3A_525, %add3A_546, %add3A_567, %add3A_588, %add3A_430 : vector<16xf32>, vector<16xf32>, vector<16xf32>, vector<16xf32>, vector<16xf32>, vector<16xf32>, vector<16xf32>, vector<16xf32>, vector<16xf32>, vector<16xf32>, vector<16xf32>, vector<16xf32>, vector<16xf32>, vector<16xf32>, vector<16xf32>, vector<16xf32>, vector<16xf32>, vector<16xf32>, vector<16xf32>, vector<16xf32>, vector<16xf32>, vector<16xf32>, vector<16xf32>, vector<16xf32>, vector<16xf32>
        }
        %mul3A_366 = arith.constant 2 : i32
        %mul3A_367 = arith.muli %mul3A_366, %while3A_310 : i32
        %add3A_368 = arith.constant 1 : i32
        %add3A_369 = arith.addi %mul3A_367, %add3A_368 : i32
        %mul3A_370 = arith.constant 24 : i32
        %mul3A_371 = arith.muli %add3A_369, %mul3A_370 : i32
        %add3A_372 = arith.constant 1 : i32
        %add3A_373 = arith.addi %add3A_369, %add3A_372 : i32
        %lt3A_374 = arith.cmpi slt, %add3A_373, %select_n3A_267 : i32
        %convert_element_type3A_375 = arith.extui %lt3A_374 : i1 to i32
        %cond3A_376 = arith.constant 0 : i32
        %cond3A_377 = arith.cmpi ne, %convert_element_type3A_375, %cond3A_376 : i32
        scf.if %cond3A_377 {
          %add3A_398 = arith.constant 24 : i32
          %add3A_399 = arith.addi %mul3A_371, %add3A_398 : i32
          %dma_start3A_400 = tpu.memref_slice %arg13[%add3A_399] : memref<2000xi32, #tpu.memory_space<vmem>> -> memref<24xi32, #tpu.memory_space<vmem>>
          %dma_start3A_401 = arith.constant 0 : i32
          %dma_start3A_402 = arith.constant 0 : i32
          %dma_start3A_403 = tpu.memref_slice %arg4[%dma_start3A_401, %dma_start3A_402] : memref<10000x256xf32, #tpu.memory_space<hbm>> -> memref<10000x256xf32, #tpu.memory_space<hbm>>
          tpu.enqueue_indirect_dma source(%dma_start3A_403 : memref<10000x256xf32, #tpu.memory_space<hbm>>) target(%arg18 : memref<24x256xf32, #tpu.memory_space<vmem>>) offsets(%dma_start3A_400 : memref<24xi32, #tpu.memory_space<vmem>>) semaphore(%arg24 : memref<!tpu.dma_semaphore, #tpu.memory_space<semaphore_mem>>)
        } else {
        }
        %lt3A_378 = arith.cmpi slt, %add3A_369, %select_n3A_267 : i32
        %convert_element_type3A_379 = arith.extui %lt3A_378 : i1 to i32
        %cond3A_380 = arith.constant 0 : i32
        %cond3A_381 = arith.cmpi ne, %convert_element_type3A_379, %cond3A_380 : i32
        scf.if %cond3A_381 {
          %dma_wait3A_398 = tpu.memref_slice %arg13[%mul3A_371] : memref<2000xi32, #tpu.memory_space<vmem>> -> memref<24xi32, #tpu.memory_space<vmem>>
          %dma_wait3A_399 = arith.constant 0 : i32
          %dma_wait3A_400 = arith.constant 0 : i32
          %dma_wait3A_401 = tpu.memref_slice %arg4[%dma_wait3A_399, %dma_wait3A_400] : memref<10000x256xf32, #tpu.memory_space<hbm>> -> memref<10000x256xf32, #tpu.memory_space<hbm>>
          tpu.wait_indirect_dma semaphore(%arg25 : memref<!tpu.dma_semaphore, #tpu.memory_space<semaphore_mem>>) src(%dma_wait3A_401 : memref<10000x256xf32, #tpu.memory_space<hbm>>) dst(%arg19 : memref<24x256xf32, #tpu.memory_space<vmem>>)
        } else {
        }
        %sub3A_382 = arith.subi %scan3A_240, %mul3A_371 : i32
        %jit3A_383 = arith.constant 0 : i32
        %jit3A_384 = arith.constant 24 : i32
        %max3A_385 = arith.maxsi %jit3A_383, %sub3A_382 : i32
        %min3A_386 = arith.minsi %jit3A_384, %max3A_385 : i32
        %while3A_387 = arith.constant 0 : i32
        %while3A_388 = arith.subi %min3A_386, %while3A_387 : i32
        %while3A_389 = arith.addi %while3A_387, %while3A_388 : i32
        %while3A_390 = arith.constant 1 : i32
        %while3A_391 = arith.divsi %while3A_388, %while3A_390 : i32
        %while3A_392 = arith.muli %while3A_391, %while3A_390 : i32
        %while3A_393 = arith.addi %while3A_387, %while3A_392 : i32
        %while3A_394 = arith.constant 1 : i32
        %while3A_395:25 = scf.for %while3A_398 = %while3A_387 to %while3A_393 step %while3A_394 iter_args(%while3A_399 = %while3A_365#0, %while3A_400 = %while3A_365#1, %while3A_401 = %while3A_365#2, %while3A_402 = %while3A_365#3, %while3A_403 = %while3A_365#4, %while3A_404 = %while3A_365#5, %while3A_405 = %while3A_365#6, %while3A_406 = %while3A_365#7, %while3A_407 = %while3A_365#8, %while3A_408 = %while3A_365#9, %while3A_409 = %while3A_365#10, %while3A_410 = %while3A_365#11, %while3A_411 = %while3A_365#12, %while3A_412 = %while3A_365#13, %while3A_413 = %while3A_365#14, %while3A_414 = %while3A_365#15, %while3A_415 = %while3A_365#16, %while3A_416 = %while3A_365#17, %while3A_417 = %while3A_365#18, %while3A_418 = %while3A_365#19, %while3A_419 = %while3A_365#20, %while3A_420 = %while3A_365#21, %while3A_421 = %while3A_365#22, %while3A_422 = %while3A_365#23, %while3A_423 = %while3A_365#24) -> (vector<16xf32>, vector<16xf32>, vector<16xf32>, vector<16xf32>, vector<16xf32>, vector<16xf32>, vector<16xf32>, vector<16xf32>, vector<16xf32>, vector<16xf32>, vector<16xf32>, vector<16xf32>, vector<16xf32>, vector<16xf32>, vector<16xf32>, vector<16xf32>, vector<16xf32>, vector<16xf32>, vector<16xf32>, vector<16xf32>, vector<16xf32>, vector<16xf32>, vector<16xf32>, vector<16xf32>, vector<16xf32>)  : i32 {
          %add3A_424 = arith.addi %mul3A_371, %while3A_398 : i32
          %get3A = arith.index_cast %add3A_424 : i32 to index
          %get3A_425 = tpu.vector_load %arg14[%get3A] {strides = array<i32>} : memref<2016xi32, #tpu.memory_space<vmem>>, vector<16xi32>,
          %slice3A = vector.extract_strided_slice %get3A_425 {offsets = [0], sizes = [1], strides = [1]} : vector<16xi32> to vector<1xi32>
          %squeeze3A = vector.extract %slice3A[0] : i32 from vector<1xi32>
          %mul3A_426 = arith.constant 2 : i32
          %mul3A_427 = arith.muli %mul3A_426, %squeeze3A : i32
          %get3A_428 = arith.index_cast %mul3A_427 : i32 to index
          %get3A_429 = tpu.vector_load %arg16[%get3A_428] {strides = array<i32>} : memref<656xf32, #tpu.memory_space<vmem>>, vector<16xf32>,
          %add3A_430 = arith.addf %while3A_423, %get3A_429 : vector<16xf32>
          %get3A_431 = arith.index_cast %while3A_398 : i32 to index
          %get3A_432 = arith.constant 0 : index
          %get3A_433 = tpu.vector_load %arg19[%get3A_431, %get3A_432] {strides = array<i32>} : memref<24x256xf32, #tpu.memory_space<vmem>>, vector<16xf32>,
          %get3A_434 = arith.index_cast %squeeze3A : i32 to index
          %get3A_435 = arith.constant 0 : index
          %get3A_436 = tpu.vector_load %arg15[%get3A_434, %get3A_435] {strides = array<i32>} : memref<320x128xf32, #tpu.memory_space<vmem>>, vector<16xf32>,
          %add3A_437 = arith.addf %while3A_399, %get3A_433 : vector<16xf32>
          %mul3A_438 = arith.mulf %get3A_433, %get3A_433 : vector<16xf32>
          %add3A_439 = arith.addf %while3A_407, %mul3A_438 : vector<16xf32>
          %mul3A_440 = arith.mulf %get3A_433, %get3A_436 : vector<16xf32>
          %add3A_441 = arith.addf %while3A_415, %mul3A_440 : vector<16xf32>
          %get3A_442 = arith.index_cast %while3A_398 : i32 to index
          %get3A_443 = arith.constant 128 : index
          %get3A_444 = tpu.vector_load %arg19[%get3A_442, %get3A_443] {strides = array<i32>} : memref<24x256xf32, #tpu.memory_space<vmem>>, vector<16xf32>,
          %get3A_445 = arith.index_cast %squeeze3A : i32 to index
          %get3A_446 = arith.constant 0 : index
          %get3A_447 = tpu.vector_load %arg17[%get3A_445, %get3A_446] {strides = array<i32>} : memref<320x128xf32, #tpu.memory_space<vmem>>, vector<16xf32>,
          %max3A_448 = arith.maximumf %get3A_447, %get3A_444 : vector<16xf32>
          %swap3A_449 = arith.index_cast %squeeze3A : i32 to index
          %swap3A_450 = arith.constant 0 : index
          %swap3A_451 = tpu.vector_load %arg17[%swap3A_449, %swap3A_450] {strides = array<i32>} : memref<320x128xf32, #tpu.memory_space<vmem>>, vector<16xf32>,
          tpu.vector_store %arg17[%swap3A_449, %swap3A_450], %max3A_448 {strides = array<i32>} : memref<320x128xf32, #tpu.memory_space<vmem>>, vector<16xf32>,
          %get3A_452 = arith.index_cast %while3A_398 : i32 to index
          %get3A_453 = arith.constant 16 : index
          %get3A_454 = tpu.vector_load %arg19[%get3A_452, %get3A_453] {strides = array<i32>} : memref<24x256xf32, #tpu.memory_space<vmem>>, vector<16xf32>,
          %get3A_455 = arith.index_cast %squeeze3A : i32 to index
          %get3A_456 = arith.constant 16 : index
          %get3A_457 = tpu.vector_load %arg15[%get3A_455, %get3A_456] {strides = array<i32>} : memref<320x128xf32, #tpu.memory_space<vmem>>, vector<16xf32>,
          %add3A_458 = arith.addf %while3A_400, %get3A_454 : vector<16xf32>
          %mul3A_459 = arith.mulf %get3A_454, %get3A_454 : vector<16xf32>
          %add3A_460 = arith.addf %while3A_408, %mul3A_459 : vector<16xf32>
          %mul3A_461 = arith.mulf %get3A_454, %get3A_457 : vector<16xf32>
          %add3A_462 = arith.addf %while3A_416, %mul3A_461 : vector<16xf32>
          %get3A_463 = arith.index_cast %while3A_398 : i32 to index
          %get3A_464 = arith.constant 144 : index
          %get3A_465 = tpu.vector_load %arg19[%get3A_463, %get3A_464] {strides = array<i32>} : memref<24x256xf32, #tpu.memory_space<vmem>>, vector<16xf32>,
          %get3A_466 = arith.index_cast %squeeze3A : i32 to index
          %get3A_467 = arith.constant 16 : index
          %get3A_468 = tpu.vector_load %arg17[%get3A_466, %get3A_467] {strides = array<i32>} : memref<320x128xf32, #tpu.memory_space<vmem>>, vector<16xf32>,
          %max3A_469 = arith.maximumf %get3A_468, %get3A_465 : vector<16xf32>
          %swap3A_470 = arith.index_cast %squeeze3A : i32 to index
          %swap3A_471 = arith.constant 16 : index
          %swap3A_472 = tpu.vector_load %arg17[%swap3A_470, %swap3A_471] {strides = array<i32>} : memref<320x128xf32, #tpu.memory_space<vmem>>, vector<16xf32>,
          tpu.vector_store %arg17[%swap3A_470, %swap3A_471], %max3A_469 {strides = array<i32>} : memref<320x128xf32, #tpu.memory_space<vmem>>, vector<16xf32>,
          %get3A_473 = arith.index_cast %while3A_398 : i32 to index
          %get3A_474 = arith.constant 32 : index
          %get3A_475 = tpu.vector_load %arg19[%get3A_473, %get3A_474] {strides = array<i32>} : memref<24x256xf32, #tpu.memory_space<vmem>>, vector<16xf32>,
          %get3A_476 = arith.index_cast %squeeze3A : i32 to index
          %get3A_477 = arith.constant 32 : index
          %get3A_478 = tpu.vector_load %arg15[%get3A_476, %get3A_477] {strides = array<i32>} : memref<320x128xf32, #tpu.memory_space<vmem>>, vector<16xf32>,
          %add3A_479 = arith.addf %while3A_401, %get3A_475 : vector<16xf32>
          %mul3A_480 = arith.mulf %get3A_475, %get3A_475 : vector<16xf32>
          %add3A_481 = arith.addf %while3A_409, %mul3A_480 : vector<16xf32>
          %mul3A_482 = arith.mulf %get3A_475, %get3A_478 : vector<16xf32>
          %add3A_483 = arith.addf %while3A_417, %mul3A_482 : vector<16xf32>
          %get3A_484 = arith.index_cast %while3A_398 : i32 to index
          %get3A_485 = arith.constant 160 : index
          %get3A_486 = tpu.vector_load %arg19[%get3A_484, %get3A_485] {strides = array<i32>} : memref<24x256xf32, #tpu.memory_space<vmem>>, vector<16xf32>,
          %get3A_487 = arith.index_cast %squeeze3A : i32 to index
          %get3A_488 = arith.constant 32 : index
          %get3A_489 = tpu.vector_load %arg17[%get3A_487, %get3A_488] {strides = array<i32>} : memref<320x128xf32, #tpu.memory_space<vmem>>, vector<16xf32>,
          %max3A_490 = arith.maximumf %get3A_489, %get3A_486 : vector<16xf32>
          %swap3A_491 = arith.index_cast %squeeze3A : i32 to index
          %swap3A_492 = arith.constant 32 : index
          %swap3A_493 = tpu.vector_load %arg17[%swap3A_491, %swap3A_492] {strides = array<i32>} : memref<320x128xf32, #tpu.memory_space<vmem>>, vector<16xf32>,
          tpu.vector_store %arg17[%swap3A_491, %swap3A_492], %max3A_490 {strides = array<i32>} : memref<320x128xf32, #tpu.memory_space<vmem>>, vector<16xf32>,
          %get3A_494 = arith.index_cast %while3A_398 : i32 to index
          %get3A_495 = arith.constant 48 : index
          %get3A_496 = tpu.vector_load %arg19[%get3A_494, %get3A_495] {strides = array<i32>} : memref<24x256xf32, #tpu.memory_space<vmem>>, vector<16xf32>,
          %get3A_497 = arith.index_cast %squeeze3A : i32 to index
          %get3A_498 = arith.constant 48 : index
          %get3A_499 = tpu.vector_load %arg15[%get3A_497, %get3A_498] {strides = array<i32>} : memref<320x128xf32, #tpu.memory_space<vmem>>, vector<16xf32>,
          %add3A_500 = arith.addf %while3A_402, %get3A_496 : vector<16xf32>
          %mul3A_501 = arith.mulf %get3A_496, %get3A_496 : vector<16xf32>
          %add3A_502 = arith.addf %while3A_410, %mul3A_501 : vector<16xf32>
          %mul3A_503 = arith.mulf %get3A_496, %get3A_499 : vector<16xf32>
          %add3A_504 = arith.addf %while3A_418, %mul3A_503 : vector<16xf32>
          %get3A_505 = arith.index_cast %while3A_398 : i32 to index
          %get3A_506 = arith.constant 176 : index
          %get3A_507 = tpu.vector_load %arg19[%get3A_505, %get3A_506] {strides = array<i32>} : memref<24x256xf32, #tpu.memory_space<vmem>>, vector<16xf32>,
          %get3A_508 = arith.index_cast %squeeze3A : i32 to index
          %get3A_509 = arith.constant 48 : index
          %get3A_510 = tpu.vector_load %arg17[%get3A_508, %get3A_509] {strides = array<i32>} : memref<320x128xf32, #tpu.memory_space<vmem>>, vector<16xf32>,
          %max3A_511 = arith.maximumf %get3A_510, %get3A_507 : vector<16xf32>
          %swap3A_512 = arith.index_cast %squeeze3A : i32 to index
          %swap3A_513 = arith.constant 48 : index
          %swap3A_514 = tpu.vector_load %arg17[%swap3A_512, %swap3A_513] {strides = array<i32>} : memref<320x128xf32, #tpu.memory_space<vmem>>, vector<16xf32>,
          tpu.vector_store %arg17[%swap3A_512, %swap3A_513], %max3A_511 {strides = array<i32>} : memref<320x128xf32, #tpu.memory_space<vmem>>, vector<16xf32>,
          %get3A_515 = arith.index_cast %while3A_398 : i32 to index
          %get3A_516 = arith.constant 64 : index
          %get3A_517 = tpu.vector_load %arg19[%get3A_515, %get3A_516] {strides = array<i32>} : memref<24x256xf32, #tpu.memory_space<vmem>>, vector<16xf32>,
          %get3A_518 = arith.index_cast %squeeze3A : i32 to index
          %get3A_519 = arith.constant 64 : index
          %get3A_520 = tpu.vector_load %arg15[%get3A_518, %get3A_519] {strides = array<i32>} : memref<320x128xf32, #tpu.memory_space<vmem>>, vector<16xf32>,
          %add3A_521 = arith.addf %while3A_403, %get3A_517 : vector<16xf32>
          %mul3A_522 = arith.mulf %get3A_517, %get3A_517 : vector<16xf32>
          %add3A_523 = arith.addf %while3A_411, %mul3A_522 : vector<16xf32>
          %mul3A_524 = arith.mulf %get3A_517, %get3A_520 : vector<16xf32>
          %add3A_525 = arith.addf %while3A_419, %mul3A_524 : vector<16xf32>
          %get3A_526 = arith.index_cast %while3A_398 : i32 to index
          %get3A_527 = arith.constant 192 : index
          %get3A_528 = tpu.vector_load %arg19[%get3A_526, %get3A_527] {strides = array<i32>} : memref<24x256xf32, #tpu.memory_space<vmem>>, vector<16xf32>,
          %get3A_529 = arith.index_cast %squeeze3A : i32 to index
          %get3A_530 = arith.constant 64 : index
          %get3A_531 = tpu.vector_load %arg17[%get3A_529, %get3A_530] {strides = array<i32>} : memref<320x128xf32, #tpu.memory_space<vmem>>, vector<16xf32>,
          %max3A_532 = arith.maximumf %get3A_531, %get3A_528 : vector<16xf32>
          %swap3A_533 = arith.index_cast %squeeze3A : i32 to index
          %swap3A_534 = arith.constant 64 : index
          %swap3A_535 = tpu.vector_load %arg17[%swap3A_533, %swap3A_534] {strides = array<i32>} : memref<320x128xf32, #tpu.memory_space<vmem>>, vector<16xf32>,
          tpu.vector_store %arg17[%swap3A_533, %swap3A_534], %max3A_532 {strides = array<i32>} : memref<320x128xf32, #tpu.memory_space<vmem>>, vector<16xf32>,
          %get3A_536 = arith.index_cast %while3A_398 : i32 to index
          %get3A_537 = arith.constant 80 : index
          %get3A_538 = tpu.vector_load %arg19[%get3A_536, %get3A_537] {strides = array<i32>} : memref<24x256xf32, #tpu.memory_space<vmem>>, vector<16xf32>,
          %get3A_539 = arith.index_cast %squeeze3A : i32 to index
          %get3A_540 = arith.constant 80 : index
          %get3A_541 = tpu.vector_load %arg15[%get3A_539, %get3A_540] {strides = array<i32>} : memref<320x128xf32, #tpu.memory_space<vmem>>, vector<16xf32>,
          %add3A_542 = arith.addf %while3A_404, %get3A_538 : vector<16xf32>
          %mul3A_543 = arith.mulf %get3A_538, %get3A_538 : vector<16xf32>
          %add3A_544 = arith.addf %while3A_412, %mul3A_543 : vector<16xf32>
          %mul3A_545 = arith.mulf %get3A_538, %get3A_541 : vector<16xf32>
          %add3A_546 = arith.addf %while3A_420, %mul3A_545 : vector<16xf32>
          %get3A_547 = arith.index_cast %while3A_398 : i32 to index
          %get3A_548 = arith.constant 208 : index
          %get3A_549 = tpu.vector_load %arg19[%get3A_547, %get3A_548] {strides = array<i32>} : memref<24x256xf32, #tpu.memory_space<vmem>>, vector<16xf32>,
          %get3A_550 = arith.index_cast %squeeze3A : i32 to index
          %get3A_551 = arith.constant 80 : index
          %get3A_552 = tpu.vector_load %arg17[%get3A_550, %get3A_551] {strides = array<i32>} : memref<320x128xf32, #tpu.memory_space<vmem>>, vector<16xf32>,
          %max3A_553 = arith.maximumf %get3A_552, %get3A_549 : vector<16xf32>
          %swap3A_554 = arith.index_cast %squeeze3A : i32 to index
          %swap3A_555 = arith.constant 80 : index
          %swap3A_556 = tpu.vector_load %arg17[%swap3A_554, %swap3A_555] {strides = array<i32>} : memref<320x128xf32, #tpu.memory_space<vmem>>, vector<16xf32>,
          tpu.vector_store %arg17[%swap3A_554, %swap3A_555], %max3A_553 {strides = array<i32>} : memref<320x128xf32, #tpu.memory_space<vmem>>, vector<16xf32>,
          %get3A_557 = arith.index_cast %while3A_398 : i32 to index
          %get3A_558 = arith.constant 96 : index
          %get3A_559 = tpu.vector_load %arg19[%get3A_557, %get3A_558] {strides = array<i32>} : memref<24x256xf32, #tpu.memory_space<vmem>>, vector<16xf32>,
          %get3A_560 = arith.index_cast %squeeze3A : i32 to index
          %get3A_561 = arith.constant 96 : index
          %get3A_562 = tpu.vector_load %arg15[%get3A_560, %get3A_561] {strides = array<i32>} : memref<320x128xf32, #tpu.memory_space<vmem>>, vector<16xf32>,
          %add3A_563 = arith.addf %while3A_405, %get3A_559 : vector<16xf32>
          %mul3A_564 = arith.mulf %get3A_559, %get3A_559 : vector<16xf32>
          %add3A_565 = arith.addf %while3A_413, %mul3A_564 : vector<16xf32>
          %mul3A_566 = arith.mulf %get3A_559, %get3A_562 : vector<16xf32>
          %add3A_567 = arith.addf %while3A_421, %mul3A_566 : vector<16xf32>
          %get3A_568 = arith.index_cast %while3A_398 : i32 to index
          %get3A_569 = arith.constant 224 : index
          %get3A_570 = tpu.vector_load %arg19[%get3A_568, %get3A_569] {strides = array<i32>} : memref<24x256xf32, #tpu.memory_space<vmem>>, vector<16xf32>,
          %get3A_571 = arith.index_cast %squeeze3A : i32 to index
          %get3A_572 = arith.constant 96 : index
          %get3A_573 = tpu.vector_load %arg17[%get3A_571, %get3A_572] {strides = array<i32>} : memref<320x128xf32, #tpu.memory_space<vmem>>, vector<16xf32>,
          %max3A_574 = arith.maximumf %get3A_573, %get3A_570 : vector<16xf32>
          %swap3A_575 = arith.index_cast %squeeze3A : i32 to index
          %swap3A_576 = arith.constant 96 : index
          %swap3A_577 = tpu.vector_load %arg17[%swap3A_575, %swap3A_576] {strides = array<i32>} : memref<320x128xf32, #tpu.memory_space<vmem>>, vector<16xf32>,
          tpu.vector_store %arg17[%swap3A_575, %swap3A_576], %max3A_574 {strides = array<i32>} : memref<320x128xf32, #tpu.memory_space<vmem>>, vector<16xf32>,
          %get3A_578 = arith.index_cast %while3A_398 : i32 to index
          %get3A_579 = arith.constant 112 : index
          %get3A_580 = tpu.vector_load %arg19[%get3A_578, %get3A_579] {strides = array<i32>} : memref<24x256xf32, #tpu.memory_space<vmem>>, vector<16xf32>,
          %get3A_581 = arith.index_cast %squeeze3A : i32 to index
          %get3A_582 = arith.constant 112 : index
          %get3A_583 = tpu.vector_load %arg15[%get3A_581, %get3A_582] {strides = array<i32>} : memref<320x128xf32, #tpu.memory_space<vmem>>, vector<16xf32>,
          %add3A_584 = arith.addf %while3A_406, %get3A_580 : vector<16xf32>
          %mul3A_585 = arith.mulf %get3A_580, %get3A_580 : vector<16xf32>
          %add3A_586 = arith.addf %while3A_414, %mul3A_585 : vector<16xf32>
          %mul3A_587 = arith.mulf %get3A_580, %get3A_583 : vector<16xf32>
          %add3A_588 = arith.addf %while3A_422, %mul3A_587 : vector<16xf32>
          %get3A_589 = arith.index_cast %while3A_398 : i32 to index
          %get3A_590 = arith.constant 240 : index
          %get3A_591 = tpu.vector_load %arg19[%get3A_589, %get3A_590] {strides = array<i32>} : memref<24x256xf32, #tpu.memory_space<vmem>>, vector<16xf32>,
          %get3A_592 = arith.index_cast %squeeze3A : i32 to index
          %get3A_593 = arith.constant 112 : index
          %get3A_594 = tpu.vector_load %arg17[%get3A_592, %get3A_593] {strides = array<i32>} : memref<320x128xf32, #tpu.memory_space<vmem>>, vector<16xf32>,
          %max3A_595 = arith.maximumf %get3A_594, %get3A_591 : vector<16xf32>
          %swap3A_596 = arith.index_cast %squeeze3A : i32 to index
          %swap3A_597 = arith.constant 112 : index
          %swap3A_598 = tpu.vector_load %arg17[%swap3A_596, %swap3A_597] {strides = array<i32>} : memref<320x128xf32, #tpu.memory_space<vmem>>, vector<16xf32>,
          tpu.vector_store %arg17[%swap3A_596, %swap3A_597], %max3A_595 {strides = array<i32>} : memref<320x128xf32, #tpu.memory_space<vmem>>, vector<16xf32>,
          scf.yield %add3A_437, %add3A_458, %add3A_479, %add3A_500, %add3A_521, %add3A_542, %add3A_563, %add3A_584, %add3A_439, %add3A_460, %add3A_481, %add3A_502, %add3A_523, %add3A_544, %add3A_565, %add3A_586, %add3A_441, %add3A_462, %add3A_483, %add3A_504, %add3A_525, %add3A_546, %add3A_567, %add3A_588, %add3A_430 : vector<16xf32>, vector<16xf32>, vector<16xf32>, vector<16xf32>, vector<16xf32>, vector<16xf32>, vector<16xf32>, vector<16xf32>, vector<16xf32>, vector<16xf32>, vector<16xf32>, vector<16xf32>, vector<16xf32>, vector<16xf32>, vector<16xf32>, vector<16xf32>, vector<16xf32>, vector<16xf32>, vector<16xf32>, vector<16xf32>, vector<16xf32>, vector<16xf32>, vector<16xf32>, vector<16xf32>, vector<16xf32>
        }
        %while3A_396 = arith.constant 1 : i32
        %while3A_397:25 = scf.for %while3A_398 = %while3A_393 to %while3A_389 step %while3A_396 iter_args(%while3A_399 = %while3A_395#0, %while3A_400 = %while3A_395#1, %while3A_401 = %while3A_395#2, %while3A_402 = %while3A_395#3, %while3A_403 = %while3A_395#4, %while3A_404 = %while3A_395#5, %while3A_405 = %while3A_395#6, %while3A_406 = %while3A_395#7, %while3A_407 = %while3A_395#8, %while3A_408 = %while3A_395#9, %while3A_409 = %while3A_395#10, %while3A_410 = %while3A_395#11, %while3A_411 = %while3A_395#12, %while3A_412 = %while3A_395#13, %while3A_413 = %while3A_395#14, %while3A_414 = %while3A_395#15, %while3A_415 = %while3A_395#16, %while3A_416 = %while3A_395#17, %while3A_417 = %while3A_395#18, %while3A_418 = %while3A_395#19, %while3A_419 = %while3A_395#20, %while3A_420 = %while3A_395#21, %while3A_421 = %while3A_395#22, %while3A_422 = %while3A_395#23, %while3A_423 = %while3A_395#24) -> (vector<16xf32>, vector<16xf32>, vector<16xf32>, vector<16xf32>, vector<16xf32>, vector<16xf32>, vector<16xf32>, vector<16xf32>, vector<16xf32>, vector<16xf32>, vector<16xf32>, vector<16xf32>, vector<16xf32>, vector<16xf32>, vector<16xf32>, vector<16xf32>, vector<16xf32>, vector<16xf32>, vector<16xf32>, vector<16xf32>, vector<16xf32>, vector<16xf32>, vector<16xf32>, vector<16xf32>, vector<16xf32>)  : i32 {
          %add3A_424 = arith.addi %mul3A_371, %while3A_398 : i32
          %get3A = arith.index_cast %add3A_424 : i32 to index
          %get3A_425 = tpu.vector_load %arg14[%get3A] {strides = array<i32>} : memref<2016xi32, #tpu.memory_space<vmem>>, vector<16xi32>,
          %slice3A = vector.extract_strided_slice %get3A_425 {offsets = [0], sizes = [1], strides = [1]} : vector<16xi32> to vector<1xi32>
          %squeeze3A = vector.extract %slice3A[0] : i32 from vector<1xi32>
          %mul3A_426 = arith.constant 2 : i32
          %mul3A_427 = arith.muli %mul3A_426, %squeeze3A : i32
          %get3A_428 = arith.index_cast %mul3A_427 : i32 to index
          %get3A_429 = tpu.vector_load %arg16[%get3A_428] {strides = array<i32>} : memref<656xf32, #tpu.memory_space<vmem>>, vector<16xf32>,
          %add3A_430 = arith.addf %while3A_423, %get3A_429 : vector<16xf32>
          %get3A_431 = arith.index_cast %while3A_398 : i32 to index
          %get3A_432 = arith.constant 0 : index
          %get3A_433 = tpu.vector_load %arg19[%get3A_431, %get3A_432] {strides = array<i32>} : memref<24x256xf32, #tpu.memory_space<vmem>>, vector<16xf32>,
          %get3A_434 = arith.index_cast %squeeze3A : i32 to index
          %get3A_435 = arith.constant 0 : index
          %get3A_436 = tpu.vector_load %arg15[%get3A_434, %get3A_435] {strides = array<i32>} : memref<320x128xf32, #tpu.memory_space<vmem>>, vector<16xf32>,
          %add3A_437 = arith.addf %while3A_399, %get3A_433 : vector<16xf32>
          %mul3A_438 = arith.mulf %get3A_433, %get3A_433 : vector<16xf32>
          %add3A_439 = arith.addf %while3A_407, %mul3A_438 : vector<16xf32>
          %mul3A_440 = arith.mulf %get3A_433, %get3A_436 : vector<16xf32>
          %add3A_441 = arith.addf %while3A_415, %mul3A_440 : vector<16xf32>
          %get3A_442 = arith.index_cast %while3A_398 : i32 to index
          %get3A_443 = arith.constant 128 : index
          %get3A_444 = tpu.vector_load %arg19[%get3A_442, %get3A_443] {strides = array<i32>} : memref<24x256xf32, #tpu.memory_space<vmem>>, vector<16xf32>,
          %get3A_445 = arith.index_cast %squeeze3A : i32 to index
          %get3A_446 = arith.constant 0 : index
          %get3A_447 = tpu.vector_load %arg17[%get3A_445, %get3A_446] {strides = array<i32>} : memref<320x128xf32, #tpu.memory_space<vmem>>, vector<16xf32>,
          %max3A_448 = arith.maximumf %get3A_447, %get3A_444 : vector<16xf32>
          %swap3A_449 = arith.index_cast %squeeze3A : i32 to index
          %swap3A_450 = arith.constant 0 : index
          %swap3A_451 = tpu.vector_load %arg17[%swap3A_449, %swap3A_450] {strides = array<i32>} : memref<320x128xf32, #tpu.memory_space<vmem>>, vector<16xf32>,
          tpu.vector_store %arg17[%swap3A_449, %swap3A_450], %max3A_448 {strides = array<i32>} : memref<320x128xf32, #tpu.memory_space<vmem>>, vector<16xf32>,
          %get3A_452 = arith.index_cast %while3A_398 : i32 to index
          %get3A_453 = arith.constant 16 : index
          %get3A_454 = tpu.vector_load %arg19[%get3A_452, %get3A_453] {strides = array<i32>} : memref<24x256xf32, #tpu.memory_space<vmem>>, vector<16xf32>,
          %get3A_455 = arith.index_cast %squeeze3A : i32 to index
          %get3A_456 = arith.constant 16 : index
          %get3A_457 = tpu.vector_load %arg15[%get3A_455, %get3A_456] {strides = array<i32>} : memref<320x128xf32, #tpu.memory_space<vmem>>, vector<16xf32>,
          %add3A_458 = arith.addf %while3A_400, %get3A_454 : vector<16xf32>
          %mul3A_459 = arith.mulf %get3A_454, %get3A_454 : vector<16xf32>
          %add3A_460 = arith.addf %while3A_408, %mul3A_459 : vector<16xf32>
          %mul3A_461 = arith.mulf %get3A_454, %get3A_457 : vector<16xf32>
          %add3A_462 = arith.addf %while3A_416, %mul3A_461 : vector<16xf32>
          %get3A_463 = arith.index_cast %while3A_398 : i32 to index
          %get3A_464 = arith.constant 144 : index
          %get3A_465 = tpu.vector_load %arg19[%get3A_463, %get3A_464] {strides = array<i32>} : memref<24x256xf32, #tpu.memory_space<vmem>>, vector<16xf32>,
          %get3A_466 = arith.index_cast %squeeze3A : i32 to index
          %get3A_467 = arith.constant 16 : index
          %get3A_468 = tpu.vector_load %arg17[%get3A_466, %get3A_467] {strides = array<i32>} : memref<320x128xf32, #tpu.memory_space<vmem>>, vector<16xf32>,
          %max3A_469 = arith.maximumf %get3A_468, %get3A_465 : vector<16xf32>
          %swap3A_470 = arith.index_cast %squeeze3A : i32 to index
          %swap3A_471 = arith.constant 16 : index
          %swap3A_472 = tpu.vector_load %arg17[%swap3A_470, %swap3A_471] {strides = array<i32>} : memref<320x128xf32, #tpu.memory_space<vmem>>, vector<16xf32>,
          tpu.vector_store %arg17[%swap3A_470, %swap3A_471], %max3A_469 {strides = array<i32>} : memref<320x128xf32, #tpu.memory_space<vmem>>, vector<16xf32>,
          %get3A_473 = arith.index_cast %while3A_398 : i32 to index
          %get3A_474 = arith.constant 32 : index
          %get3A_475 = tpu.vector_load %arg19[%get3A_473, %get3A_474] {strides = array<i32>} : memref<24x256xf32, #tpu.memory_space<vmem>>, vector<16xf32>,
          %get3A_476 = arith.index_cast %squeeze3A : i32 to index
          %get3A_477 = arith.constant 32 : index
          %get3A_478 = tpu.vector_load %arg15[%get3A_476, %get3A_477] {strides = array<i32>} : memref<320x128xf32, #tpu.memory_space<vmem>>, vector<16xf32>,
          %add3A_479 = arith.addf %while3A_401, %get3A_475 : vector<16xf32>
          %mul3A_480 = arith.mulf %get3A_475, %get3A_475 : vector<16xf32>
          %add3A_481 = arith.addf %while3A_409, %mul3A_480 : vector<16xf32>
          %mul3A_482 = arith.mulf %get3A_475, %get3A_478 : vector<16xf32>
          %add3A_483 = arith.addf %while3A_417, %mul3A_482 : vector<16xf32>
          %get3A_484 = arith.index_cast %while3A_398 : i32 to index
          %get3A_485 = arith.constant 160 : index
          %get3A_486 = tpu.vector_load %arg19[%get3A_484, %get3A_485] {strides = array<i32>} : memref<24x256xf32, #tpu.memory_space<vmem>>, vector<16xf32>,
          %get3A_487 = arith.index_cast %squeeze3A : i32 to index
          %get3A_488 = arith.constant 32 : index
          %get3A_489 = tpu.vector_load %arg17[%get3A_487, %get3A_488] {strides = array<i32>} : memref<320x128xf32, #tpu.memory_space<vmem>>, vector<16xf32>,
          %max3A_490 = arith.maximumf %get3A_489, %get3A_486 : vector<16xf32>
          %swap3A_491 = arith.index_cast %squeeze3A : i32 to index
          %swap3A_492 = arith.constant 32 : index
          %swap3A_493 = tpu.vector_load %arg17[%swap3A_491, %swap3A_492] {strides = array<i32>} : memref<320x128xf32, #tpu.memory_space<vmem>>, vector<16xf32>,
          tpu.vector_store %arg17[%swap3A_491, %swap3A_492], %max3A_490 {strides = array<i32>} : memref<320x128xf32, #tpu.memory_space<vmem>>, vector<16xf32>,
          %get3A_494 = arith.index_cast %while3A_398 : i32 to index
          %get3A_495 = arith.constant 48 : index
          %get3A_496 = tpu.vector_load %arg19[%get3A_494, %get3A_495] {strides = array<i32>} : memref<24x256xf32, #tpu.memory_space<vmem>>, vector<16xf32>,
          %get3A_497 = arith.index_cast %squeeze3A : i32 to index
          %get3A_498 = arith.constant 48 : index
          %get3A_499 = tpu.vector_load %arg15[%get3A_497, %get3A_498] {strides = array<i32>} : memref<320x128xf32, #tpu.memory_space<vmem>>, vector<16xf32>,
          %add3A_500 = arith.addf %while3A_402, %get3A_496 : vector<16xf32>
          %mul3A_501 = arith.mulf %get3A_496, %get3A_496 : vector<16xf32>
          %add3A_502 = arith.addf %while3A_410, %mul3A_501 : vector<16xf32>
          %mul3A_503 = arith.mulf %get3A_496, %get3A_499 : vector<16xf32>
          %add3A_504 = arith.addf %while3A_418, %mul3A_503 : vector<16xf32>
          %get3A_505 = arith.index_cast %while3A_398 : i32 to index
          %get3A_506 = arith.constant 176 : index
          %get3A_507 = tpu.vector_load %arg19[%get3A_505, %get3A_506] {strides = array<i32>} : memref<24x256xf32, #tpu.memory_space<vmem>>, vector<16xf32>,
          %get3A_508 = arith.index_cast %squeeze3A : i32 to index
          %get3A_509 = arith.constant 48 : index
          %get3A_510 = tpu.vector_load %arg17[%get3A_508, %get3A_509] {strides = array<i32>} : memref<320x128xf32, #tpu.memory_space<vmem>>, vector<16xf32>,
          %max3A_511 = arith.maximumf %get3A_510, %get3A_507 : vector<16xf32>
          %swap3A_512 = arith.index_cast %squeeze3A : i32 to index
          %swap3A_513 = arith.constant 48 : index
          %swap3A_514 = tpu.vector_load %arg17[%swap3A_512, %swap3A_513] {strides = array<i32>} : memref<320x128xf32, #tpu.memory_space<vmem>>, vector<16xf32>,
          tpu.vector_store %arg17[%swap3A_512, %swap3A_513], %max3A_511 {strides = array<i32>} : memref<320x128xf32, #tpu.memory_space<vmem>>, vector<16xf32>,
          %get3A_515 = arith.index_cast %while3A_398 : i32 to index
          %get3A_516 = arith.constant 64 : index
          %get3A_517 = tpu.vector_load %arg19[%get3A_515, %get3A_516] {strides = array<i32>} : memref<24x256xf32, #tpu.memory_space<vmem>>, vector<16xf32>,
          %get3A_518 = arith.index_cast %squeeze3A : i32 to index
          %get3A_519 = arith.constant 64 : index
          %get3A_520 = tpu.vector_load %arg15[%get3A_518, %get3A_519] {strides = array<i32>} : memref<320x128xf32, #tpu.memory_space<vmem>>, vector<16xf32>,
          %add3A_521 = arith.addf %while3A_403, %get3A_517 : vector<16xf32>
          %mul3A_522 = arith.mulf %get3A_517, %get3A_517 : vector<16xf32>
          %add3A_523 = arith.addf %while3A_411, %mul3A_522 : vector<16xf32>
          %mul3A_524 = arith.mulf %get3A_517, %get3A_520 : vector<16xf32>
          %add3A_525 = arith.addf %while3A_419, %mul3A_524 : vector<16xf32>
          %get3A_526 = arith.index_cast %while3A_398 : i32 to index
          %get3A_527 = arith.constant 192 : index
          %get3A_528 = tpu.vector_load %arg19[%get3A_526, %get3A_527] {strides = array<i32>} : memref<24x256xf32, #tpu.memory_space<vmem>>, vector<16xf32>,
          %get3A_529 = arith.index_cast %squeeze3A : i32 to index
          %get3A_530 = arith.constant 64 : index
          %get3A_531 = tpu.vector_load %arg17[%get3A_529, %get3A_530] {strides = array<i32>} : memref<320x128xf32, #tpu.memory_space<vmem>>, vector<16xf32>,
          %max3A_532 = arith.maximumf %get3A_531, %get3A_528 : vector<16xf32>
          %swap3A_533 = arith.index_cast %squeeze3A : i32 to index
          %swap3A_534 = arith.constant 64 : index
          %swap3A_535 = tpu.vector_load %arg17[%swap3A_533, %swap3A_534] {strides = array<i32>} : memref<320x128xf32, #tpu.memory_space<vmem>>, vector<16xf32>,
          tpu.vector_store %arg17[%swap3A_533, %swap3A_534], %max3A_532 {strides = array<i32>} : memref<320x128xf32, #tpu.memory_space<vmem>>, vector<16xf32>,
          %get3A_536 = arith.index_cast %while3A_398 : i32 to index
          %get3A_537 = arith.constant 80 : index
          %get3A_538 = tpu.vector_load %arg19[%get3A_536, %get3A_537] {strides = array<i32>} : memref<24x256xf32, #tpu.memory_space<vmem>>, vector<16xf32>,
          %get3A_539 = arith.index_cast %squeeze3A : i32 to index
          %get3A_540 = arith.constant 80 : index
          %get3A_541 = tpu.vector_load %arg15[%get3A_539, %get3A_540] {strides = array<i32>} : memref<320x128xf32, #tpu.memory_space<vmem>>, vector<16xf32>,
          %add3A_542 = arith.addf %while3A_404, %get3A_538 : vector<16xf32>
          %mul3A_543 = arith.mulf %get3A_538, %get3A_538 : vector<16xf32>
          %add3A_544 = arith.addf %while3A_412, %mul3A_543 : vector<16xf32>
          %mul3A_545 = arith.mulf %get3A_538, %get3A_541 : vector<16xf32>
          %add3A_546 = arith.addf %while3A_420, %mul3A_545 : vector<16xf32>
          %get3A_547 = arith.index_cast %while3A_398 : i32 to index
          %get3A_548 = arith.constant 208 : index
          %get3A_549 = tpu.vector_load %arg19[%get3A_547, %get3A_548] {strides = array<i32>} : memref<24x256xf32, #tpu.memory_space<vmem>>, vector<16xf32>,
          %get3A_550 = arith.index_cast %squeeze3A : i32 to index
          %get3A_551 = arith.constant 80 : index
          %get3A_552 = tpu.vector_load %arg17[%get3A_550, %get3A_551] {strides = array<i32>} : memref<320x128xf32, #tpu.memory_space<vmem>>, vector<16xf32>,
          %max3A_553 = arith.maximumf %get3A_552, %get3A_549 : vector<16xf32>
          %swap3A_554 = arith.index_cast %squeeze3A : i32 to index
          %swap3A_555 = arith.constant 80 : index
          %swap3A_556 = tpu.vector_load %arg17[%swap3A_554, %swap3A_555] {strides = array<i32>} : memref<320x128xf32, #tpu.memory_space<vmem>>, vector<16xf32>,
          tpu.vector_store %arg17[%swap3A_554, %swap3A_555], %max3A_553 {strides = array<i32>} : memref<320x128xf32, #tpu.memory_space<vmem>>, vector<16xf32>,
          %get3A_557 = arith.index_cast %while3A_398 : i32 to index
          %get3A_558 = arith.constant 96 : index
          %get3A_559 = tpu.vector_load %arg19[%get3A_557, %get3A_558] {strides = array<i32>} : memref<24x256xf32, #tpu.memory_space<vmem>>, vector<16xf32>,
          %get3A_560 = arith.index_cast %squeeze3A : i32 to index
          %get3A_561 = arith.constant 96 : index
          %get3A_562 = tpu.vector_load %arg15[%get3A_560, %get3A_561] {strides = array<i32>} : memref<320x128xf32, #tpu.memory_space<vmem>>, vector<16xf32>,
          %add3A_563 = arith.addf %while3A_405, %get3A_559 : vector<16xf32>
          %mul3A_564 = arith.mulf %get3A_559, %get3A_559 : vector<16xf32>
          %add3A_565 = arith.addf %while3A_413, %mul3A_564 : vector<16xf32>
          %mul3A_566 = arith.mulf %get3A_559, %get3A_562 : vector<16xf32>
          %add3A_567 = arith.addf %while3A_421, %mul3A_566 : vector<16xf32>
          %get3A_568 = arith.index_cast %while3A_398 : i32 to index
          %get3A_569 = arith.constant 224 : index
          %get3A_570 = tpu.vector_load %arg19[%get3A_568, %get3A_569] {strides = array<i32>} : memref<24x256xf32, #tpu.memory_space<vmem>>, vector<16xf32>,
          %get3A_571 = arith.index_cast %squeeze3A : i32 to index
          %get3A_572 = arith.constant 96 : index
          %get3A_573 = tpu.vector_load %arg17[%get3A_571, %get3A_572] {strides = array<i32>} : memref<320x128xf32, #tpu.memory_space<vmem>>, vector<16xf32>,
          %max3A_574 = arith.maximumf %get3A_573, %get3A_570 : vector<16xf32>
          %swap3A_575 = arith.index_cast %squeeze3A : i32 to index
          %swap3A_576 = arith.constant 96 : index
          %swap3A_577 = tpu.vector_load %arg17[%swap3A_575, %swap3A_576] {strides = array<i32>} : memref<320x128xf32, #tpu.memory_space<vmem>>, vector<16xf32>,
          tpu.vector_store %arg17[%swap3A_575, %swap3A_576], %max3A_574 {strides = array<i32>} : memref<320x128xf32, #tpu.memory_space<vmem>>, vector<16xf32>,
          %get3A_578 = arith.index_cast %while3A_398 : i32 to index
          %get3A_579 = arith.constant 112 : index
          %get3A_580 = tpu.vector_load %arg19[%get3A_578, %get3A_579] {strides = array<i32>} : memref<24x256xf32, #tpu.memory_space<vmem>>, vector<16xf32>,
          %get3A_581 = arith.index_cast %squeeze3A : i32 to index
          %get3A_582 = arith.constant 112 : index
          %get3A_583 = tpu.vector_load %arg15[%get3A_581, %get3A_582] {strides = array<i32>} : memref<320x128xf32, #tpu.memory_space<vmem>>, vector<16xf32>,
          %add3A_584 = arith.addf %while3A_406, %get3A_580 : vector<16xf32>
          %mul3A_585 = arith.mulf %get3A_580, %get3A_580 : vector<16xf32>
          %add3A_586 = arith.addf %while3A_414, %mul3A_585 : vector<16xf32>
          %mul3A_587 = arith.mulf %get3A_580, %get3A_583 : vector<16xf32>
          %add3A_588 = arith.addf %while3A_422, %mul3A_587 : vector<16xf32>
          %get3A_589 = arith.index_cast %while3A_398 : i32 to index
          %get3A_590 = arith.constant 240 : index
          %get3A_591 = tpu.vector_load %arg19[%get3A_589, %get3A_590] {strides = array<i32>} : memref<24x256xf32, #tpu.memory_space<vmem>>, vector<16xf32>,
          %get3A_592 = arith.index_cast %squeeze3A : i32 to index
          %get3A_593 = arith.constant 112 : index
          %get3A_594 = tpu.vector_load %arg17[%get3A_592, %get3A_593] {strides = array<i32>} : memref<320x128xf32, #tpu.memory_space<vmem>>, vector<16xf32>,
          %max3A_595 = arith.maximumf %get3A_594, %get3A_591 : vector<16xf32>
          %swap3A_596 = arith.index_cast %squeeze3A : i32 to index
          %swap3A_597 = arith.constant 112 : index
          %swap3A_598 = tpu.vector_load %arg17[%swap3A_596, %swap3A_597] {strides = array<i32>} : memref<320x128xf32, #tpu.memory_space<vmem>>, vector<16xf32>,
          tpu.vector_store %arg17[%swap3A_596, %swap3A_597], %max3A_595 {strides = array<i32>} : memref<320x128xf32, #tpu.memory_space<vmem>>, vector<16xf32>,
          scf.yield %add3A_437, %add3A_458, %add3A_479, %add3A_500, %add3A_521, %add3A_542, %add3A_563, %add3A_584, %add3A_439, %add3A_460, %add3A_481, %add3A_502, %add3A_523, %add3A_544, %add3A_565, %add3A_586, %add3A_441, %add3A_462, %add3A_483, %add3A_504, %add3A_525, %add3A_546, %add3A_567, %add3A_588, %add3A_430 : vector<16xf32>, vector<16xf32>, vector<16xf32>, vector<16xf32>, vector<16xf32>, vector<16xf32>, vector<16xf32>, vector<16xf32>, vector<16xf32>, vector<16xf32>, vector<16xf32>, vector<16xf32>, vector<16xf32>, vector<16xf32>, vector<16xf32>, vector<16xf32>, vector<16xf32>, vector<16xf32>, vector<16xf32>, vector<16xf32>, vector<16xf32>, vector<16xf32>, vector<16xf32>, vector<16xf32>, vector<16xf32>
        }
        scf.yield %while3A_397#0, %while3A_397#1, %while3A_397#2, %while3A_397#3, %while3A_397#4, %while3A_397#5, %while3A_397#6, %while3A_397#7, %while3A_397#8, %while3A_397#9, %while3A_397#10, %while3A_397#11, %while3A_397#12, %while3A_397#13, %while3A_397#14, %while3A_397#15, %while3A_397#16, %while3A_397#17, %while3A_397#18, %while3A_397#19, %while3A_397#20, %while3A_397#21, %while3A_397#22, %while3A_397#23, %while3A_397#24 : vector<16xf32>, vector<16xf32>, vector<16xf32>, vector<16xf32>, vector<16xf32>, vector<16xf32>, vector<16xf32>, vector<16xf32>, vector<16xf32>, vector<16xf32>, vector<16xf32>, vector<16xf32>, vector<16xf32>, vector<16xf32>, vector<16xf32>, vector<16xf32>, vector<16xf32>, vector<16xf32>, vector<16xf32>, vector<16xf32>, vector<16xf32>, vector<16xf32>, vector<16xf32>, vector<16xf32>, vector<16xf32>
      }
      scf.yield %while3A_309#0, %while3A_309#1, %while3A_309#2, %while3A_309#3, %while3A_309#4, %while3A_309#5, %while3A_309#6, %while3A_309#7, %while3A_309#8, %while3A_309#9, %while3A_309#10, %while3A_309#11, %while3A_309#12, %while3A_309#13, %while3A_309#14, %while3A_309#15, %while3A_309#16, %while3A_309#17, %while3A_309#18, %while3A_309#19, %while3A_309#20, %while3A_309#21, %while3A_309#22, %while3A_309#23, %while3A_309#24 : vector<16xf32>, vector<16xf32>, vector<16xf32>, vector<16xf32>, vector<16xf32>, vector<16xf32>, vector<16xf32>, vector<16xf32>, vector<16xf32>, vector<16xf32>, vector<16xf32>, vector<16xf32>, vector<16xf32>, vector<16xf32>, vector<16xf32>, vector<16xf32>, vector<16xf32>, vector<16xf32>, vector<16xf32>, vector<16xf32>, vector<16xf32>, vector<16xf32>, vector<16xf32>, vector<16xf32>, vector<16xf32>
    }
    %scan3A_60 = arith.constant 80 : i32
    %add3A_61 = arith.addf %scan3A_59#0, %scan3A_59#1 : vector<16xf32>
    %add3A_62 = arith.addf %add3A_61, %scan3A_59#2 : vector<16xf32>
    %add3A_63 = arith.addf %add3A_62, %scan3A_59#3 : vector<16xf32>
    %add3A_64 = arith.addf %add3A_63, %scan3A_59#4 : vector<16xf32>
    %add3A_65 = arith.addf %add3A_64, %scan3A_59#5 : vector<16xf32>
    %add3A_66 = arith.addf %add3A_65, %scan3A_59#6 : vector<16xf32>
    %add3A_67 = arith.addf %add3A_66, %scan3A_59#7 : vector<16xf32>
    %swap3A = arith.constant 0 : i32
    %swap3A_68 = arith.index_cast %swap3A : i32 to index
    %swap3A_69 = arith.constant 0 : index
    %swap3A_70 = tpu.vector_load %arg20[%swap3A_68, %swap3A_69] {strides = array<i32>} : memref<8x16xf32, #tpu.memory_space<vmem>>, vector<16xf32>,
    tpu.vector_store %arg20[%swap3A_68, %swap3A_69], %add3A_67 {strides = array<i32>} : memref<8x16xf32, #tpu.memory_space<vmem>>, vector<16xf32>,
    %add3A_71 = arith.addf %scan3A_59#8, %scan3A_59#9 : vector<16xf32>
    %add3A_72 = arith.addf %add3A_71, %scan3A_59#10 : vector<16xf32>
    %add3A_73 = arith.addf %add3A_72, %scan3A_59#11 : vector<16xf32>
    %add3A_74 = arith.addf %add3A_73, %scan3A_59#12 : vector<16xf32>
    %add3A_75 = arith.addf %add3A_74, %scan3A_59#13 : vector<16xf32>
    %add3A_76 = arith.addf %add3A_75, %scan3A_59#14 : vector<16xf32>
    %add3A_77 = arith.addf %add3A_76, %scan3A_59#15 : vector<16xf32>
    %swap3A_78 = arith.constant 1 : i32
    %swap3A_79 = arith.index_cast %swap3A_78 : i32 to index
    %swap3A_80 = arith.constant 0 : index
    %swap3A_81 = tpu.vector_load %arg20[%swap3A_79, %swap3A_80] {strides = array<i32>} : memref<8x16xf32, #tpu.memory_space<vmem>>, vector<16xf32>,
    tpu.vector_store %arg20[%swap3A_79, %swap3A_80], %add3A_77 {strides = array<i32>} : memref<8x16xf32, #tpu.memory_space<vmem>>, vector<16xf32>,
    %add3A_82 = arith.addf %scan3A_59#16, %scan3A_59#17 : vector<16xf32>
    %add3A_83 = arith.addf %add3A_82, %scan3A_59#18 : vector<16xf32>
    %add3A_84 = arith.addf %add3A_83, %scan3A_59#19 : vector<16xf32>
    %add3A_85 = arith.addf %add3A_84, %scan3A_59#20 : vector<16xf32>
    %add3A_86 = arith.addf %add3A_85, %scan3A_59#21 : vector<16xf32>
    %add3A_87 = arith.addf %add3A_86, %scan3A_59#22 : vector<16xf32>
    %add3A_88 = arith.addf %add3A_87, %scan3A_59#23 : vector<16xf32>
    %swap3A_89 = arith.constant 2 : i32
    %swap3A_90 = arith.index_cast %swap3A_89 : i32 to index
    %swap3A_91 = arith.constant 0 : index
    %swap3A_92 = tpu.vector_load %arg20[%swap3A_90, %swap3A_91] {strides = array<i32>} : memref<8x16xf32, #tpu.memory_space<vmem>>, vector<16xf32>,
    tpu.vector_store %arg20[%swap3A_90, %swap3A_91], %add3A_88 {strides = array<i32>} : memref<8x16xf32, #tpu.memory_space<vmem>>, vector<16xf32>,
    %swap3A_93 = arith.constant 3 : i32
    %swap3A_94 = arith.index_cast %swap3A_93 : i32 to index
    %swap3A_95 = arith.constant 0 : index
    %swap3A_96 = tpu.vector_load %arg20[%swap3A_94, %swap3A_95] {strides = array<i32>} : memref<8x16xf32, #tpu.memory_space<vmem>>, vector<16xf32>,
    tpu.vector_store %arg20[%swap3A_94, %swap3A_95], %scan3A_59#24 {strides = array<i32>} : memref<8x16xf32, #tpu.memory_space<vmem>>, vector<16xf32>,
    %swap3A_97 = arith.constant 4 : i32
    %swap3A_98 = arith.index_cast %swap3A_97 : i32 to index
    %swap3A_99 = arith.constant 0 : index
    %swap3A_100 = tpu.vector_load %arg20[%swap3A_98, %swap3A_99] {strides = array<i32>} : memref<8x16xf32, #tpu.memory_space<vmem>>, vector<16xf32>,
    tpu.vector_store %arg20[%swap3A_98, %swap3A_99], %broadcast_in_dim3A_5 {strides = array<i32>} : memref<8x16xf32, #tpu.memory_space<vmem>>, vector<16xf32>,
    %swap3A_101 = arith.constant 5 : i32
    %swap3A_102 = arith.index_cast %swap3A_101 : i32 to index
    %swap3A_103 = arith.constant 0 : index
    %swap3A_104 = tpu.vector_load %arg20[%swap3A_102, %swap3A_103] {strides = array<i32>} : memref<8x16xf32, #tpu.memory_space<vmem>>, vector<16xf32>,
    tpu.vector_store %arg20[%swap3A_102, %swap3A_103], %broadcast_in_dim3A_5 {strides = array<i32>} : memref<8x16xf32, #tpu.memory_space<vmem>>, vector<16xf32>,
    %swap3A_105 = arith.constant 6 : i32
    %swap3A_106 = arith.index_cast %swap3A_105 : i32 to index
    %swap3A_107 = arith.constant 0 : index
    %swap3A_108 = tpu.vector_load %arg20[%swap3A_106, %swap3A_107] {strides = array<i32>} : memref<8x16xf32, #tpu.memory_space<vmem>>, vector<16xf32>,
    tpu.vector_store %arg20[%swap3A_106, %swap3A_107], %broadcast_in_dim3A_5 {strides = array<i32>} : memref<8x16xf32, #tpu.memory_space<vmem>>, vector<16xf32>,
    %swap3A_109 = arith.constant 7 : i32
    %swap3A_110 = arith.index_cast %swap3A_109 : i32 to index
    %swap3A_111 = arith.constant 0 : index
    %swap3A_112 = tpu.vector_load %arg20[%swap3A_110, %swap3A_111] {strides = array<i32>} : memref<8x16xf32, #tpu.memory_space<vmem>>, vector<16xf32>,
    tpu.vector_store %arg20[%swap3A_110, %swap3A_111], %broadcast_in_dim3A_5 {strides = array<i32>} : memref<8x16xf32, #tpu.memory_space<vmem>>, vector<16xf32>,
    "tpu.region"() ({
      %run_scoped3A = tpu.sem_alloc : memref<!tpu.dma_semaphore, #tpu.memory_space<semaphore_mem>>
      %dma_start3A_113 = arith.constant 0 : i32
      %dma_start3A_114 = arith.constant 0 : i32
      %dma_start3A_115 = tpu.memref_slice %arg8[%add3A, %dma_start3A_113, %dma_start3A_114] : memref<32x8x16xf32, #tpu.memory_space<hbm>> -> memref<1x8x16xf32, #tpu.memory_space<hbm>>
      %dma_start3A_116 = tpu.memref_squeeze %dma_start3A_115 : memref<1x8x16xf32, #tpu.memory_space<hbm>> -> memref<8x16xf32, #tpu.memory_space<hbm>>
      %dma_start3A_117 = arith.constant 0 : i32
      %dma_start3A_118 = arith.constant 0 : i32
      %dma_start3A_119 = tpu.memref_slice %arg8[%add3A, %dma_start3A_117, %dma_start3A_118] : memref<32x8x16xf32, #tpu.memory_space<hbm>> -> memref<1x8x16xf32, #tpu.memory_space<hbm>>
      %dma_start3A_120 = tpu.memref_squeeze %dma_start3A_119 : memref<1x8x16xf32, #tpu.memory_space<hbm>> -> memref<8x16xf32, #tpu.memory_space<hbm>>
      tpu.enqueue_dma source(%arg20 : memref<8x16xf32, #tpu.memory_space<vmem>>) target(%dma_start3A_120 : memref<8x16xf32, #tpu.memory_space<hbm>>) target_semaphore(%run_scoped3A : memref<!tpu.dma_semaphore, #tpu.memory_space<semaphore_mem>>)
      %dma_wait3A_121 = arith.constant 0 : i32
      %dma_wait3A_122 = arith.constant 0 : i32
      %dma_wait3A_123 = tpu.memref_slice %arg8[%add3A, %dma_wait3A_121, %dma_wait3A_122] : memref<32x8x16xf32, #tpu.memory_space<hbm>> -> memref<1x8x16xf32, #tpu.memory_space<hbm>>
      %dma_wait3A_124 = tpu.memref_squeeze %dma_wait3A_123 : memref<1x8x16xf32, #tpu.memory_space<hbm>> -> memref<8x16xf32, #tpu.memory_space<hbm>>
      %dma_wait3A_125 = arith.constant 0 : i32
      %dma_wait3A_126 = arith.constant 0 : i32
      %dma_wait3A_127 = tpu.memref_slice %arg8[%add3A, %dma_wait3A_125, %dma_wait3A_126] : memref<32x8x16xf32, #tpu.memory_space<hbm>> -> memref<1x8x16xf32, #tpu.memory_space<hbm>>
      %dma_wait3A_128 = tpu.memref_squeeze %dma_wait3A_127 : memref<1x8x16xf32, #tpu.memory_space<hbm>> -> memref<8x16xf32, #tpu.memory_space<hbm>>
      tpu.wait_dma2 semaphore(%run_scoped3A : memref<!tpu.dma_semaphore, #tpu.memory_space<semaphore_mem>>) src(%arg20 : memref<8x16xf32, #tpu.memory_space<vmem>>) dst(%dma_wait3A_128 : memref<8x16xf32, #tpu.memory_space<hbm>>)
      tpu.yield
    }) : () -> ()
    "tpu.region"() ({
      %run_scoped3A = tpu.sem_alloc : memref<!tpu.dma_semaphore, #tpu.memory_space<semaphore_mem>>
      %dma_start3A_113 = arith.constant 0 : i32
      %dma_start3A_114 = tpu.memref_slice %arg7[%mul3A_2, %dma_start3A_113] : memref<10240x128xf32, #tpu.memory_space<hbm>> -> memref<320x128xf32, #tpu.memory_space<hbm>>
      %dma_start3A_115 = arith.constant 0 : i32
      %dma_start3A_116 = tpu.memref_slice %arg7[%mul3A_2, %dma_start3A_115] : memref<10240x128xf32, #tpu.memory_space<hbm>> -> memref<320x128xf32, #tpu.memory_space<hbm>>
      tpu.enqueue_dma source(%arg17 : memref<320x128xf32, #tpu.memory_space<vmem>>) target(%dma_start3A_116 : memref<320x128xf32, #tpu.memory_space<hbm>>) target_semaphore(%run_scoped3A : memref<!tpu.dma_semaphore, #tpu.memory_space<semaphore_mem>>)
      %dma_wait3A_117 = arith.constant 0 : i32
      %dma_wait3A_118 = tpu.memref_slice %arg7[%mul3A_2, %dma_wait3A_117] : memref<10240x128xf32, #tpu.memory_space<hbm>> -> memref<320x128xf32, #tpu.memory_space<hbm>>
      %dma_wait3A_119 = arith.constant 0 : i32
      %dma_wait3A_120 = tpu.memref_slice %arg7[%mul3A_2, %dma_wait3A_119] : memref<10240x128xf32, #tpu.memory_space<hbm>> -> memref<320x128xf32, #tpu.memory_space<hbm>>
      tpu.wait_dma2 semaphore(%run_scoped3A : memref<!tpu.dma_semaphore, #tpu.memory_space<semaphore_mem>>) src(%arg17 : memref<320x128xf32, #tpu.memory_space<vmem>>) dst(%dma_wait3A_120 : memref<320x128xf32, #tpu.memory_space<hbm>>)
      tpu.yield
    }) : () -> ()
    return
  }
}

module attributes {stable_mosaic.version = 14 : i64} {
  func.func @_pre_body(%arg0: i32, %arg1: memref<2000x128xf32, #tpu.memory_space<vmem>>, %arg2: memref<128x128xf32, #tpu.memory_space<vmem>>, %arg3: memref<128x128xf32, #tpu.memory_space<vmem>>, %arg4: memref<2000x256xf32, #tpu.memory_space<vmem>>, %arg5: memref<2000x128xf32, #tpu.memory_space<vmem>>, %arg6: memref<2000x16xf32, #tpu.memory_space<vmem>>) attributes {dimension_semantics = [#tpu.dimension_semantics<arbitrary>], iteration_bounds = array<i64: 5>, scalar_prefetch = 0 : i64, scratch_operands = 0 : i64, tpu.core_type = #tpu.core_type<tc>, window_params = [{transform_indices = @transform_0, window_bounds = array<i64: 2000, 128>}, {pipeline_mode = #tpu.pipeline_mode<synchronous>, transform_indices = @transform_1, window_bounds = array<i64: 128, 128>}, {pipeline_mode = #tpu.pipeline_mode<synchronous>, transform_indices = @transform_2, window_bounds = array<i64: 128, 128>}, {transform_indices = @transform_3, window_bounds = array<i64: 2000, 256>}, {transform_indices = @transform_4, window_bounds = array<i64: 2000, 128>}, {transform_indices = @transform_5, window_bounds = array<i64: 2000, 16>}]} {
    %get3A = arith.constant 0 : index
    %get3A_0 = arith.constant 0 : index
    %get3A_1 = vector.load %arg1[%get3A, %get3A_0] : memref<2000x128xf32, #tpu.memory_space<vmem>>, vector<2000x128xf32>
    %swap3A = arith.constant 0 : index
    %swap3A_2 = arith.constant 0 : index
    %swap3A_3 = vector.load %arg4[%swap3A, %swap3A_2] : memref<2000x256xf32, #tpu.memory_space<vmem>>, vector<2000x128xf32>
    tpu.vector_store %arg4[%swap3A, %swap3A_2], %get3A_1 {strides = array<i32>} : memref<2000x256xf32, #tpu.memory_space<vmem>>, vector<2000x128xf32>,
    %get3A_4 = arith.constant 0 : index
    %get3A_5 = arith.constant 0 : index
    %get3A_6 = vector.load %arg3[%get3A_4, %get3A_5] : memref<128x128xf32, #tpu.memory_space<vmem>>, vector<128x128xf32>
    %dot_general3A = arith.constant dense<0.000000e+00> : vector<2000x128xf32>
    %dot_general3A_7 = tpu.matmul %get3A_1, %get3A_6, %dot_general3A {dimension_numbers = #tpu.dot_dimension_numbers<[1], [0], [0], [1], [0, 0, 1, 1], [], []>, transpose_lhs_hint = false} : vector<2000x128xf32>, vector<128x128xf32>, vector<2000x128xf32> -> vector<2000x128xf32>
    %swap3A_8 = arith.constant 0 : index
    %swap3A_9 = arith.constant 128 : index
    %swap3A_10 = vector.load %arg4[%swap3A_8, %swap3A_9] : memref<2000x256xf32, #tpu.memory_space<vmem>>, vector<2000x128xf32>
    tpu.vector_store %arg4[%swap3A_8, %swap3A_9], %dot_general3A_7 {strides = array<i32>} : memref<2000x256xf32, #tpu.memory_space<vmem>>, vector<2000x128xf32>,
    %get3A_11 = arith.constant 0 : index
    %get3A_12 = arith.constant 0 : index
    %get3A_13 = vector.load %arg2[%get3A_11, %get3A_12] : memref<128x128xf32, #tpu.memory_space<vmem>>, vector<128x128xf32>
    %dot_general3A_14 = arith.constant dense<0.000000e+00> : vector<2000x128xf32>
    %dot_general3A_15 = tpu.matmul %get3A_1, %get3A_13, %dot_general3A_14 {dimension_numbers = #tpu.dot_dimension_numbers<[1], [0], [0], [1], [0, 0, 1, 1], [], []>, transpose_lhs_hint = false} : vector<2000x128xf32>, vector<128x128xf32>, vector<2000x128xf32> -> vector<2000x128xf32>
    %swap3A_16 = arith.constant 0 : index
    %swap3A_17 = arith.constant 0 : index
    %swap3A_18 = vector.load %arg5[%swap3A_16, %swap3A_17] : memref<2000x128xf32, #tpu.memory_space<vmem>>, vector<2000x128xf32>
    tpu.vector_store %arg5[%swap3A_16, %swap3A_17], %dot_general3A_15 {strides = array<i32>} : memref<2000x128xf32, #tpu.memory_space<vmem>>, vector<2000x128xf32>,
    %reduce_sum3A = arith.constant dense<0.000000e+00> : vector<2000xf32>
    %reduce_sum3A_19 = vector.multi_reduction <add>, %get3A_1, %reduce_sum3A [1] : vector<2000x128xf32> to vector<2000xf32>
    %broadcast_in_dim3A = vector.shape_cast %reduce_sum3A_19 : vector<2000xf32> to vector<2000x1xf32>
    %mul3A = arith.mulf %get3A_1, %get3A_1 : vector<2000x128xf32>
    %reduce_sum3A_20 = arith.constant dense<0.000000e+00> : vector<2000xf32>
    %reduce_sum3A_21 = vector.multi_reduction <add>, %mul3A, %reduce_sum3A_20 [1] : vector<2000x128xf32> to vector<2000xf32>
    %broadcast_in_dim3A_22 = vector.shape_cast %reduce_sum3A_21 : vector<2000xf32> to vector<2000x1xf32>
    %iota3A = tpu.iota {dimensions = array<i32: 1>} : vector<2000x16xi32>
    %eq3A = arith.constant 0 : i32
    %eq3A_23 = vector.broadcast %eq3A : i32 to vector<2000x16xi32>
    %eq3A_24 = arith.cmpi eq, %iota3A, %eq3A_23 : vector<2000x16xi32>
    %eq3A_25 = arith.constant 1 : i32
    %eq3A_26 = vector.broadcast %eq3A_25 : i32 to vector<2000x16xi32>
    %eq3A_27 = arith.cmpi eq, %iota3A, %eq3A_26 : vector<2000x16xi32>
    %jit3A = arith.constant 0.000000e+00 : f32
    %broadcast_in_dim3A_28 = vector.shape_cast %broadcast_in_dim3A_22 : vector<2000x1xf32> to vector<2000x1xf32>
    %broadcast_in_dim3A_29 = vector.broadcast %broadcast_in_dim3A_28 : vector<2000x1xf32> to vector<2000x16xf32>
    %broadcast_in_dim3A_30 = vector.broadcast %jit3A : f32 to vector<2000x16xf32>
    %select_n3A = arith.select %eq3A_27, %broadcast_in_dim3A_29, %broadcast_in_dim3A_30 : vector<2000x16xi1>, vector<2000x16xf32>
    %broadcast_in_dim3A_31 = vector.shape_cast %broadcast_in_dim3A : vector<2000x1xf32> to vector<2000x1xf32>
    %broadcast_in_dim3A_32 = vector.broadcast %broadcast_in_dim3A_31 : vector<2000x1xf32> to vector<2000x16xf32>
    %select_n3A_33 = arith.select %eq3A_24, %broadcast_in_dim3A_32, %select_n3A : vector<2000x16xi1>, vector<2000x16xf32>
    %swap3A_34 = arith.constant 0 : index
    %swap3A_35 = arith.constant 0 : index
    %swap3A_36 = vector.load %arg6[%swap3A_34, %swap3A_35] : memref<2000x16xf32, #tpu.memory_space<vmem>>, vector<2000x16xf32>
    tpu.vector_store %arg6[%swap3A_34, %swap3A_35], %select_n3A_33 {strides = array<i32>} : memref<2000x16xf32, #tpu.memory_space<vmem>>, vector<2000x16xf32>,
    return
  }
  func.func @transform_0(%arg0: i32) -> (i32, i32) {
    %c0_i32 = arith.constant 0 : i32
    %c0_i32_0 = arith.constant 0 : i32
    return %arg0, %c0_i32 : i32, i32
  }
  func.func @transform_1(%arg0: i32) -> (i32, i32) {
    %c0_i32 = arith.constant 0 : i32
    %c0_i32_0 = arith.constant 0 : i32
    %c0_i32_1 = arith.constant 0 : i32
    return %c0_i32, %c0_i32_0 : i32, i32
  }
  func.func @transform_2(%arg0: i32) -> (i32, i32) {
    %c0_i32 = arith.constant 0 : i32
    %c0_i32_0 = arith.constant 0 : i32
    %c0_i32_1 = arith.constant 0 : i32
    return %c0_i32, %c0_i32_0 : i32, i32
  }
  func.func @transform_3(%arg0: i32) -> (i32, i32) {
    %c0_i32 = arith.constant 0 : i32
    %c0_i32_0 = arith.constant 0 : i32
    return %arg0, %c0_i32 : i32, i32
  }
  func.func @transform_4(%arg0: i32) -> (i32, i32) {
    %c0_i32 = arith.constant 0 : i32
    %c0_i32_0 = arith.constant 0 : i32
    return %arg0, %c0_i32 : i32, i32
  }
  func.func @transform_5(%arg0: i32) -> (i32, i32) {
    %c0_i32 = arith.constant 0 : i32
    %c0_i32_0 = arith.constant 0 : i32
    return %arg0, %c0_i32 : i32, i32
  }
}

module attributes {stable_mosaic.version = 14 : i64} {
  func.func @_fin_body(%arg0: i32, %arg1: memref<2000x128xf32, #tpu.memory_space<vmem>>, %arg2: memref<2000x128xf32, #tpu.memory_space<vmem>>, %arg3: memref<2000x128xf32, #tpu.memory_space<vmem>>, %arg4: memref<32x8x16xf32, #tpu.memory_space<vmem>>, %arg5: memref<1x128xf32, #tpu.memory_space<vmem>>, %arg6: memref<1x128xf32, #tpu.memory_space<vmem>>, %arg7: memref<1x128xf32, #tpu.memory_space<vmem>>, %arg8: memref<1x1xf32, #tpu.memory_space<vmem>>, %arg9: memref<2000x128xf32, #tpu.memory_space<vmem>>) attributes {dimension_semantics = [#tpu.dimension_semantics<arbitrary>], iteration_bounds = array<i64: 5>, scalar_prefetch = 0 : i64, scratch_operands = 0 : i64, tpu.core_type = #tpu.core_type<tc>, window_params = [{transform_indices = @transform_0, window_bounds = array<i64: 2000, 128>}, {transform_indices = @transform_1, window_bounds = array<i64: 2000, 128>}, {transform_indices = @transform_2, window_bounds = array<i64: 2000, 128>}, {pipeline_mode = #tpu.pipeline_mode<synchronous>, transform_indices = @transform_3, window_bounds = array<i64: 32, 8, 16>}, {pipeline_mode = #tpu.pipeline_mode<synchronous>, transform_indices = @transform_4, window_bounds = array<i64: 1, 128>}, {pipeline_mode = #tpu.pipeline_mode<synchronous>, transform_indices = @transform_5, window_bounds = array<i64: 1, 128>}, {pipeline_mode = #tpu.pipeline_mode<synchronous>, transform_indices = @transform_6, window_bounds = array<i64: 1, 128>}, {pipeline_mode = #tpu.pipeline_mode<synchronous>, transform_indices = @transform_7, window_bounds = array<i64: 1, 1>}, {transform_indices = @transform_8, window_bounds = array<i64: 2000, 128>}]} {
    %get3A = arith.constant 0 : index
    %get3A_0 = arith.constant 0 : index
    %get3A_1 = arith.constant 0 : index
    %get3A_2 = vector.load %arg4[%get3A, %get3A_0, %get3A_1] : memref<32x8x16xf32, #tpu.memory_space<vmem>>, vector<32x8x16xf32>
    %slice3A = vector.extract_strided_slice %get3A_2 {offsets = [0, 0, 0], sizes = [32, 1, 16], strides = [1, 1, 1]} : vector<32x8x16xf32> to vector<32x1x16xf32>
    %squeeze3A = vector.shape_cast %slice3A : vector<32x1x16xf32> to vector<32x16xf32>
    %reduce_sum3A = vector.shape_cast %squeeze3A : vector<32x16xf32> to vector<1x32x16xf32>
    %reduce_sum3A_3 = arith.constant dense<0.000000e+00> : vector<1xf32>
    %reduce_sum3A_4 = vector.multi_reduction <add>, %reduce_sum3A, %reduce_sum3A_3 [1, 2] : vector<1x32x16xf32> to vector<1xf32>
    %reduce_sum3A_5 = vector.shape_cast %reduce_sum3A_4 : vector<1xf32> to vector<1x1x1xf32>
    %reduce_sum3A_6 = vector.extract %reduce_sum3A_5[0, 0, 0] : f32 from vector<1x1x1xf32>
    %slice3A_7 = vector.extract_strided_slice %get3A_2 {offsets = [0, 3, 0], sizes = [32, 1, 1], strides = [1, 1, 1]} : vector<32x8x16xf32> to vector<32x1x1xf32>
    %squeeze3A_8 = vector.shape_cast %slice3A_7 : vector<32x1x1xf32> to vector<32xf32>
    %reduce_sum3A_9 = vector.shape_cast %squeeze3A_8 : vector<32xf32> to vector<1x32xf32>
    %reduce_sum3A_10 = arith.constant dense<0.000000e+00> : vector<1xf32>
    %reduce_sum3A_11 = vector.multi_reduction <add>, %reduce_sum3A_9, %reduce_sum3A_10 [1] : vector<1x32xf32> to vector<1xf32>
    %reduce_sum3A_12 = vector.shape_cast %reduce_sum3A_11 : vector<1xf32> to vector<1x1xf32>
    %reduce_sum3A_13 = vector.extract %reduce_sum3A_12[0, 0] : f32 from vector<1x1xf32>
    %sub3A = arith.subf %reduce_sum3A_6, %reduce_sum3A_13 : f32
    %slice3A_14 = vector.extract_strided_slice %get3A_2 {offsets = [0, 1, 0], sizes = [32, 1, 16], strides = [1, 1, 1]} : vector<32x8x16xf32> to vector<32x1x16xf32>
    %squeeze3A_15 = vector.shape_cast %slice3A_14 : vector<32x1x16xf32> to vector<32x16xf32>
    %reduce_sum3A_16 = vector.shape_cast %squeeze3A_15 : vector<32x16xf32> to vector<1x32x16xf32>
    %reduce_sum3A_17 = arith.constant dense<0.000000e+00> : vector<1xf32>
    %reduce_sum3A_18 = vector.multi_reduction <add>, %reduce_sum3A_16, %reduce_sum3A_17 [1, 2] : vector<1x32x16xf32> to vector<1xf32>
    %reduce_sum3A_19 = vector.shape_cast %reduce_sum3A_18 : vector<1xf32> to vector<1x1x1xf32>
    %reduce_sum3A_20 = vector.extract %reduce_sum3A_19[0, 0, 0] : f32 from vector<1x1x1xf32>
    %slice3A_21 = vector.extract_strided_slice %get3A_2 {offsets = [0, 3, 1], sizes = [32, 1, 1], strides = [1, 1, 1]} : vector<32x8x16xf32> to vector<32x1x1xf32>
    %squeeze3A_22 = vector.shape_cast %slice3A_21 : vector<32x1x1xf32> to vector<32xf32>
    %reduce_sum3A_23 = vector.shape_cast %squeeze3A_22 : vector<32xf32> to vector<1x32xf32>
    %reduce_sum3A_24 = arith.constant dense<0.000000e+00> : vector<1xf32>
    %reduce_sum3A_25 = vector.multi_reduction <add>, %reduce_sum3A_23, %reduce_sum3A_24 [1] : vector<1x32xf32> to vector<1xf32>
    %reduce_sum3A_26 = vector.shape_cast %reduce_sum3A_25 : vector<1xf32> to vector<1x1xf32>
    %reduce_sum3A_27 = vector.extract %reduce_sum3A_26[0, 0] : f32 from vector<1x1xf32>
    %add3A = arith.addf %reduce_sum3A_20, %reduce_sum3A_27 : f32
    %slice3A_28 = vector.extract_strided_slice %get3A_2 {offsets = [0, 2, 0], sizes = [32, 1, 16], strides = [1, 1, 1]} : vector<32x8x16xf32> to vector<32x1x16xf32>
    %squeeze3A_29 = vector.shape_cast %slice3A_28 : vector<32x1x16xf32> to vector<32x16xf32>
    %reduce_sum3A_30 = vector.shape_cast %squeeze3A_29 : vector<32x16xf32> to vector<1x32x16xf32>
    %reduce_sum3A_31 = arith.constant dense<0.000000e+00> : vector<1xf32>
    %reduce_sum3A_32 = vector.multi_reduction <add>, %reduce_sum3A_30, %reduce_sum3A_31 [1, 2] : vector<1x32x16xf32> to vector<1xf32>
    %reduce_sum3A_33 = vector.shape_cast %reduce_sum3A_32 : vector<1xf32> to vector<1x1x1xf32>
    %reduce_sum3A_34 = vector.extract %reduce_sum3A_33[0, 0, 0] : f32 from vector<1x1x1xf32>
    %mul3A = arith.constant 2.000000e+00 : f32
    %mul3A_35 = arith.mulf %mul3A, %reduce_sum3A_34 : f32
    %sub3A_36 = arith.subf %add3A, %mul3A_35 : f32
    %mul3A_37 = arith.mulf %sub3A, %sub3A : f32
    %div3A = arith.constant 4.096000e+07 : f32
    %div3A_38 = arith.divf %mul3A_37, %div3A : f32
    %sub3A_39 = arith.subf %sub3A_36, %div3A_38 : f32
    %div3A_40 = arith.constant 4.096000e+07 : f32
    %div3A_41 = arith.divf %sub3A_39, %div3A_40 : f32
    %sqrt3A = math.sqrt %div3A_41 : f32
    %add3A_42 = arith.constant 9.99999974E-6 : f32
    %add3A_43 = arith.addf %sqrt3A, %add3A_42 : f32
    %div3A_44 = arith.constant 1.000000e+00 : f32
    %div3A_45 = arith.divf %div3A_44, %add3A_43 : f32
    %get3A_46 = arith.constant 0 : index
    %get3A_47 = arith.constant 0 : index
    %get3A_48 = vector.load %arg1[%get3A_46, %get3A_47] : memref<2000x128xf32, #tpu.memory_space<vmem>>, vector<2000x128xf32>
    %get3A_49 = arith.constant 0 : index
    %get3A_50 = arith.constant 0 : index
    %get3A_51 = vector.load %arg2[%get3A_49, %get3A_50] : memref<2000x128xf32, #tpu.memory_space<vmem>>, vector<2000x128xf32>
    %get3A_52 = arith.constant 0 : index
    %get3A_53 = arith.constant 0 : index
    %get3A_54 = vector.load %arg5[%get3A_52, %get3A_53] : memref<1x128xf32, #tpu.memory_space<vmem>>, vector<1x128xf32>
    %add3A_55 = vector.broadcast %get3A_54 : vector<1x128xf32> to vector<2000x128xf32>
    %add3A_56 = arith.addf %get3A_51, %add3A_55 : vector<2000x128xf32>
    %get3A_57 = arith.constant 0 : index
    %get3A_58 = arith.constant 0 : index
    %get3A_59 = vector.load %arg3[%get3A_57, %get3A_58] : memref<2000x128xf32, #tpu.memory_space<vmem>>, vector<2000x128xf32>
    %sub3A_60 = arith.subf %get3A_48, %get3A_59 : vector<2000x128xf32>
    %mul3A_61 = vector.broadcast %div3A_45 : f32 to vector<2000x128xf32>
    %mul3A_62 = arith.mulf %mul3A_61, %sub3A_60 : vector<2000x128xf32>
    %add3A_63 = arith.addf %add3A_56, %mul3A_62 : vector<2000x128xf32>
    %eq3A = arith.constant 0xFF800000 : f32
    %eq3A_64 = vector.broadcast %eq3A : f32 to vector<2000x128xf32>
    %eq3A_65 = arith.cmpf oeq, %get3A_48, %eq3A_64 : vector<2000x128xf32>
    %jit3A = arith.constant 0.000000e+00 : f32
    %broadcast_in_dim3A = vector.broadcast %jit3A : f32 to vector<2000x128xf32>
    %select_n3A = arith.select %eq3A_65, %broadcast_in_dim3A, %add3A_63 : vector<2000x128xi1>, vector<2000x128xf32>
    %reduce_sum3A_66 = arith.constant dense<0.000000e+00> : vector<2000xf32>
    %reduce_sum3A_67 = vector.multi_reduction <add>, %select_n3A, %reduce_sum3A_66 [1] : vector<2000x128xf32> to vector<2000xf32>
    %broadcast_in_dim3A_68 = vector.shape_cast %reduce_sum3A_67 : vector<2000xf32> to vector<2000x1xf32>
    %div3A_69 = arith.constant 1.280000e+02 : f32
    %div3A_70 = vector.broadcast %div3A_69 : f32 to vector<2000x1xf32>
    %div3A_71 = arith.divf %broadcast_in_dim3A_68, %div3A_70 : vector<2000x1xf32>
    %sub3A_72 = vector.broadcast %div3A_71 : vector<2000x1xf32> to vector<2000x128xf32>
    %sub3A_73 = arith.subf %select_n3A, %sub3A_72 : vector<2000x128xf32>
    %mul3A_74 = arith.mulf %sub3A_73, %sub3A_73 : vector<2000x128xf32>
    %reduce_sum3A_75 = arith.constant dense<0.000000e+00> : vector<2000xf32>
    %reduce_sum3A_76 = vector.multi_reduction <add>, %mul3A_74, %reduce_sum3A_75 [1] : vector<2000x128xf32> to vector<2000xf32>
    %broadcast_in_dim3A_77 = vector.shape_cast %reduce_sum3A_76 : vector<2000xf32> to vector<2000x1xf32>
    %div3A_78 = arith.constant 1.280000e+02 : f32
    %div3A_79 = vector.broadcast %div3A_78 : f32 to vector<2000x1xf32>
    %div3A_80 = arith.divf %broadcast_in_dim3A_77, %div3A_79 : vector<2000x1xf32>
    %add3A_81 = arith.constant 9.99999974E-6 : f32
    %add3A_82 = vector.broadcast %add3A_81 : f32 to vector<2000x1xf32>
    %add3A_83 = arith.addf %div3A_80, %add3A_82 : vector<2000x1xf32>
    %rsqrt3A = math.rsqrt %add3A_83 : vector<2000x1xf32>
    %mul3A_84 = vector.broadcast %rsqrt3A : vector<2000x1xf32> to vector<2000x128xf32>
    %mul3A_85 = arith.mulf %sub3A_73, %mul3A_84 : vector<2000x128xf32>
    %get3A_86 = arith.constant 0 : index
    %get3A_87 = arith.constant 0 : index
    %get3A_88 = vector.load %arg6[%get3A_86, %get3A_87] : memref<1x128xf32, #tpu.memory_space<vmem>>, vector<1x128xf32>
    %mul3A_89 = vector.broadcast %get3A_88 : vector<1x128xf32> to vector<2000x128xf32>
    %mul3A_90 = arith.mulf %mul3A_85, %mul3A_89 : vector<2000x128xf32>
    %get3A_91 = arith.constant 0 : index
    %get3A_92 = arith.constant 0 : index
    %get3A_93 = vector.load %arg7[%get3A_91, %get3A_92] : memref<1x128xf32, #tpu.memory_space<vmem>>, vector<1x128xf32>
    %add3A_94 = vector.broadcast %get3A_93 : vector<1x128xf32> to vector<2000x128xf32>
    %add3A_95 = arith.addf %mul3A_90, %add3A_94 : vector<2000x128xf32>
    %ge3A = arith.constant 0.000000e+00 : f32
    %ge3A_96 = vector.broadcast %ge3A : f32 to vector<2000x128xf32>
    %ge3A_97 = arith.cmpf oge, %add3A_95, %ge3A_96 : vector<2000x128xf32>
    %get3A_98 = arith.constant 0 : index
    %get3A_99 = arith.constant 0 : index
    %get3A_100 = vector.load %arg8[%get3A_98, %get3A_99] : memref<1x1xf32, #tpu.memory_space<vmem>>, vector<1x1xf32>
    %get3A_101 = vector.extract %get3A_100[0, 0] : f32 from vector<1x1xf32>
    %mul3A_102 = vector.broadcast %get3A_101 : f32 to vector<2000x128xf32>
    %mul3A_103 = arith.mulf %mul3A_102, %add3A_95 : vector<2000x128xf32>
    %select_n3A_104 = arith.select %ge3A_97, %add3A_95, %mul3A_103 : vector<2000x128xi1>, vector<2000x128xf32>
    %swap3A = arith.constant 0 : index
    %swap3A_105 = arith.constant 0 : index
    %swap3A_106 = vector.load %arg9[%swap3A, %swap3A_105] : memref<2000x128xf32, #tpu.memory_space<vmem>>, vector<2000x128xf32>
    tpu.vector_store %arg9[%swap3A, %swap3A_105], %select_n3A_104 {strides = array<i32>} : memref<2000x128xf32, #tpu.memory_space<vmem>>, vector<2000x128xf32>,
    return
  }
  func.func @transform_0(%arg0: i32) -> (i32, i32) {
    %c0_i32 = arith.constant 0 : i32
    %c0_i32_0 = arith.constant 0 : i32
    return %arg0, %c0_i32 : i32, i32
  }
  func.func @transform_1(%arg0: i32) -> (i32, i32) {
    %c0_i32 = arith.constant 0 : i32
    %c0_i32_0 = arith.constant 0 : i32
    return %arg0, %c0_i32 : i32, i32
  }
  func.func @transform_2(%arg0: i32) -> (i32, i32) {
    %c0_i32 = arith.constant 0 : i32
    %c0_i32_0 = arith.constant 0 : i32
    return %arg0, %c0_i32 : i32, i32
  }
  func.func @transform_3(%arg0: i32) -> (i32, i32, i32) {
    %c0_i32 = arith.constant 0 : i32
    %c0_i32_0 = arith.constant 0 : i32
    %c0_i32_1 = arith.constant 0 : i32
    %c0_i32_2 = arith.constant 0 : i32
    return %c0_i32, %c0_i32_0, %c0_i32_1 : i32, i32, i32
  }
  func.func @transform_4(%arg0: i32) -> (i32, i32) {
    %c0_i32 = arith.constant 0 : i32
    %c0_i32_0 = arith.constant 0 : i32
    %c0_i32_1 = arith.constant 0 : i32
    return %c0_i32, %c0_i32_0 : i32, i32
  }
  func.func @transform_5(%arg0: i32) -> (i32, i32) {
    %c0_i32 = arith.constant 0 : i32
    %c0_i32_0 = arith.constant 0 : i32
    %c0_i32_1 = arith.constant 0 : i32
    return %c0_i32, %c0_i32_0 : i32, i32
  }
  func.func @transform_6(%arg0: i32) -> (i32, i32) {
    %c0_i32 = arith.constant 0 : i32
    %c0_i32_0 = arith.constant 0 : i32
    %c0_i32_1 = arith.constant 0 : i32
    return %c0_i32, %c0_i32_0 : i32, i32
  }
  func.func @transform_7(%arg0: i32) -> (i32, i32) {
    %c0_i32 = arith.constant 0 : i32
    %c0_i32_0 = arith.constant 0 : i32
    %c0_i32_1 = arith.constant 0 : i32
    return %c0_i32, %c0_i32_0 : i32, i32
  }
  func.func @transform_8(%arg0: i32) -> (i32, i32) {
    %c0_i32 = arith.constant 0 : i32
    %c0_i32_0 = arith.constant 0 : i32
    return %arg0, %c0_i32 : i32, i32
  }
}

</mosaic_0001>

<sc_bundles>
// kernel: kernel.5.cloned.1.call-start
scs
__scs_entry_jumppad:
0x0: {  	(pc) =	sbr.rel $0x88, $3  }
0x1: {  	(tag) =	ssettag $0x0;
	lr =	simm.s32 $0x1  }
0x2: {  	[smem:$0x3F98] =	sst lr;
	_ =	strace $0xD0000000  }
0x3: {  	_ = 	snop  }
0x4: {  	_ = 	snop  }
0x5: {  	_ = 	snop  }
0x6: {  	_ = 	snop  }
0x7: {  	_ = 	snop  }
__scs_overlays_trampoline_lowered:
0x8: {  	[smem:$0x3FA7] =	sst s0  }
0x9: {  	[smem:$0x3FA8] =	sst s1  }
0xa: {  	[smem:$0x3FA9] =	sst s2  }
0xb: {  	[smem:$0x3FAA] =	sst s3  }
0xc: {  	[smem:$0x3FAB] =	sst s4  }
0xd: {  	[smem:$0x3FAC] =	sst s5  }
0xe: {  	[smem:$0x3FAD] =	sst s6  }
0xf: {  	[smem:$0x3FAE] =	sst s7  }
0x10: {  	[smem:$0x3FAF] =	sst s8  }
0x11: {  	[smem:$0x3FB0] =	sst s9;
	s0 =	simm.s32 @!p0 $0x0  }
0x12: {  	s1 =	sld [smem:$0x3F96];
	s0 =	simm.s32 @p0 $0x1  }
0x13: {  	[smem:$0x3FB1] =	sst s0;
	s0 =	simm.s32 @!p1 $0x0  }
0x14: {  	s2 =	sld [smem:$0x3F95];
	s0 =	simm.s32 @p1 $0x1  }
0x15: {  	[smem:$0x3FB2] =	sst s0;
	s0 =	simm.s32 @!p2 $0x0  }
0x16: {  	s3 =	sld [smem:$0x3FDB];
	s0 =	simm.s32 @p2 $0x1  }
0x17: {  	s4 =	simm.s32 $0x1BF5;
	[smem:$0x3FB4] =	sst s0  }
0x18: {  	s0 =	sld [smem:$0x3F97];
	_ =	swait.ge [sflag:s4], $0x0  }
0x19: {  	s7 =	sld [smem:$0x3F98]  }
0x1a: {  	s8 =	sadd.s32 $0xFFFFE003, lr  }
0x1b: {  	s9 =	sadd.s32 $0xFFFFFEF7, lr;
	s5 =	simm.s32 $0xFFFFFFFF;
	p2 =	slt.u32 s8, $0xFFFFF086  }
0x1c: {  	p1 =	slt.u32 s9, $0xF7A;
	s5 =	simm.s32 @!p2 $0x0  }
0x1d: {  	s5 =	simm.s32 @p1 $0x1;
	p0 =	seq.s32 s7, s2  }
0x1e: {  	s7 =	smul.u32 @!p0 $0xF7A, s2;
	p2 =	seq.s32 @!p0 s5, $0x0  }
0x1f: {  	s9 =	smul.u32 $0xF7A, s1;
	s8 =	simm.s32 @!p0 $0x1BF5;
	p2 =	por !p2, p0  }
0x20: {  	[sflag:s8] =	ssyncset.s32 @!p0 $0xFFFFF086;
	s6 =	sadd.s32 @!p0 s3, s7;
	s7 =	simm.s32 @!p0 $0x108  }
0x21: {  	s3 =	sadd.s32 s3, s9;
	s6 =	sadd.s32 @!p0 $0x88, s6;
	s7 =	simm.s32 @p2 $0x1082  }
0x22: {  	[simem:s7], [sflag:s8] =	dma.local @!p0 [hbm:s6], $0xF7A  }
0x23: {  	s9 =	sor.u32 $0xD0000000, s2;
	s6 =	simm.s32 $0x108;
	_ =	swait.ge @!p0 [sflag:s8], $0x0  }
0x24: {  	s3 =	sadd.s32 $0x88, s3;
	s6 =	simm.s32 @!p1 $0x1082;
	[sflag:s4] =	ssyncset.s32 $0xFFFFF086  }
0x25: {  	[simem:s6], [sflag:s4] =	dma.local [hbm:s3], $0xF7A  }
0x26: {  	[smem:$0x3F98] =	sst s1;
	(tag) =	ssettag s2;
	_ =	strace s9  }
0x27: {  	s1 =	sld [smem:$0x3FA8]  }
0x28: {  	s2 =	sld [smem:$0x3FA9]  }
0x29: {  	s4 =	sld [smem:$0x3FAB]  }
0x2a: {  	p0 =	seq.s32 s5, $0x0;
	s5 =	sld [smem:$0x3FAC]  }
0x2b: {  	s6 =	sld [smem:$0x3FAD]  }
0x2c: {  	s7 =	sld [smem:$0x3FAE]  }
0x2d: {  	s3 =	simm.s32 $0x108;
	s8 =	sld [smem:$0x3FAF]  }
0x2e: {  	s3 =	simm.s32 @!p0 $0x1082;
	s9 =	sld [smem:$0x3FB0]  }
0x2f: {  	lr =	sadd.s32 s0, s3;
	s0 =	sld [smem:$0x3FA7]  }
0x30: {  	s3 =	sld [smem:$0x3FAA]  }
0x31: {  	[smem:$0x3FB3] =	sst s10  }
0x32: {  	s10 =	sld [smem:$0x3FB1];
	_ =	sdelay $0x3  }
0x33: {  	p0 =	seq.s32 s10, $0x1;
	s10 =	sld [smem:$0x3FB3];
	_ =	sdelay $0x3  }
0x34: {  	[smem:$0x3FB3] =	sst s10  }
0x35: {  	s10 =	sld [smem:$0x3FB2];
	_ =	sdelay $0x3  }
0x36: {  	p1 =	seq.s32 s10, $0x1;
	s10 =	sld [smem:$0x3FB3];
	_ =	sdelay $0x3  }
0x37: {  	[smem:$0x3FB3] =	sst s10  }
0x38: {  	s10 =	sld [smem:$0x3FB4]  }
0x39: {  	_ = 	snop;
	(pc) =	sbr.ind lr, $3  }
0x3a: {  	_ = 	snop  }
0x3b: {  	_ = 	snop  }
0x3c: {  	p2 =	seq.s32 s10, $0x1;
	s10 =	sld [smem:$0x3FB3]  }
0x3d: {  	_ =	shalt  }
0x3e: {  	_ =	shalt  }
0x3f: {  	_ =	shalt  }
0x40: {  	_ =	shalt  }
0x41: {  	_ =	shalt  }
0x42: {  	_ =	shalt  }
0x43: {  	_ =	shalt  }
0x44: {  	_ =	shalt  }
0x45: {  	_ =	shalt  }
0x46: {  	_ =	shalt  }
0x47: {  	_ =	shalt  }
0x48: {  	_ =	shalt  }
0x49: {  	_ =	shalt  }
0x4a: {  	_ =	shalt  }
0x4b: {  	_ =	shalt  }
0x4c: {  	_ =	shalt  }
0x4d: {  	_ =	shalt  }
0x4e: {  	_ =	shalt  }
0x4f: {  	_ =	shalt  }
0x50: {  	_ =	shalt  }
0x51: {  	_ =	shalt  }
0x52: {  	_ =	shalt  }
0x53: {  	_ =	shalt  }
0x54: {  	_ =	shalt  }
0x55: {  	_ =	shalt  }
0x56: {  	_ =	shalt  }
0x57: {  	_ =	shalt  }
0x58: {  	_ =	shalt  }
0x59: {  	_ =	shalt  }
0x5a: {  	_ =	shalt  }
0x5b: {  	_ =	shalt  }
0x5c: {  	_ =	shalt  }
0x5d: {  	_ =	shalt  }
0x5e: {  	_ =	shalt  }
0x5f: {  	_ =	shalt  }
0x60: {  	_ =	shalt  }
0x61: {  	_ =	shalt  }
0x62: {  	_ =	shalt  }
0x63: {  	_ =	shalt  }
0x64: {  	_ =	shalt  }
0x65: {  	_ =	shalt  }
0x66: {  	_ =	shalt  }
0x67: {  	_ =	shalt  }
0x68: {  	_ =	shalt  }
0x69: {  	_ =	shalt  }
0x6a: {  	_ =	shalt  }
0x6b: {  	_ =	shalt  }
0x6c: {  	_ =	shalt  }
0x6d: {  	_ =	shalt  }
0x6e: {  	_ =	shalt  }
0x6f: {  	_ =	shalt  }
0x70: {  	_ =	shalt  }
0x71: {  	_ =	shalt  }
0x72: {  	_ =	shalt  }
0x73: {  	_ =	shalt  }
0x74: {  	_ =	shalt  }
0x75: {  	_ =	shalt  }
0x76: {  	_ =	shalt  }
0x77: {  	_ =	shalt  }
0x78: {  	_ =	shalt  }
0x79: {  	_ =	shalt  }
0x7a: {  	_ =	shalt  }
0x7b: {  	_ =	shalt  }
0x7c: {  	_ =	shalt  }
0x7d: {  	_ =	shalt  }
0x7e: {  	_ =	shalt  }
0x7f: {  	_ =	shalt  }
0x80: {  	_ =	shalt  }
0x81: {  	_ =	shalt  }
0x82: {  	_ =	shalt  }
0x83: {  	_ =	shalt  }
0x84: {  	_ =	shalt  }
0x85: {  	_ =	shalt  }
0x86: {  	_ =	shalt  }
0x87: {  	_ =	shalt  }
.Lfunc_end0:
.L_simem_size_0:
called_computation_lowered:
.L_overlay_start_0:
0x88: {  	s2 =	sld [smem:$0x3FD9]  }
0x89: {  	s3 =	sld [smem:$0x3FFE];
	_ =	sdelay $0x1  }
0x8a: {  	s1 =	srdreg.scid  }
0x8b: {  	s0 =	sand.u32 $0x1, s1  }
0x8c: {  	s17 =	sshll.u32 s0, $0xA;
	s2 =	sadd.s32 s3, s2  }
0x8d: {  	s2 =	sadd.s32 s2, s17  }
0x8e: {  	[smem:$0x3FBF] =	sst s2  }
0x8f: {  	_ = 	snop  }
0x90: {  	s2 =	sld [smem:$0x3FD0];
	(tm) =	ssettm $0x1  }
0x91: {  	s18 =	sld [smem:$0x3FFB];
	_ =	sdelay $0x3  }
0x92: {  	_ =	strace s18  }
0x93: {  	s3 =	sld [smem:$0x3FFC];
	_ =	sdelay $0x3  }
0x94: {  	_ =	strace s3  }
0x95: {  	s3 =	sld [smem:$0x3FFD];
	_ =	sdelay $0x3  }
0x96: {  	_ =	strace s3  }
0x97: {  	_ =	strace $0x8FFFFFFF  }
0x98: {  	s19 =	sld [smem:$0x3FDB];
	_ =	sdelay $0x1  }
0x99: {  	s4 =	simm.s32 $_scs_section_size  }
0x9a: {  	s5 =	simm.s32 $_size__tile_overlayer_lowered;
	s6 =	simm.s32 $_tile_overlayer_lowered  }
0x9b: {  	s22 =	simm.s32 $0x1BFF;
	s21 =	sshll.u32 s6, $0x1;
	s3 =	sadd.s32 s4, s19  }
0x9c: {  	s7 =	simm.s32 $0x0;
	s20 =	sshll.u32 s5, $0x1;
	s5 =	sadd.s32 s21, s3  }
0x9d: {  	[timem:s7], [sflag:s22] =	dma.local [hbm:s5], s20  }
0x9e: {  	_ =	swait.ge [sflag:s22], s20  }
0x9f: {  	s4 =	ssub.s32 $0x0, s20;
	[sflag:s22] =	ssyncset.done $0x0  }
0xa0: {  	[sflag:s22] =	ssyncadd.s32 s4;
	_ =	sdelay $0x1  }
0xa1: {  	s23 =	simm.s32 $0x1B8B  }
0xa2: {  	_ =	swait.ge [sflag:s23], $0x1  }
0xa3: {  	[sflag:s23] =	ssyncset.done $0x0  }
0xa4: {  	s25 =	simm.s32 $0x1B8E;
	s24 =	sld [smem:$0x3FFE];
	[sflag:s23] =	ssyncadd.s32 $0xFFFFFFFF  }
0xa5: {  	s26 =	simm.s32 $execute0_lowered;
	[smem:$0x3FD2] =	sst s25  }
0xa6: {  	s5 =	sshll.u32 s26, $0x1;
	_ =	strace $0x80000046;
	[dreg:$0x1] =	wrdreg $0xFFFFFFFF  }
0xa7: {  	s28 =	simm.s32 $_size_execute0_lowered;
	s3 =	sadd.s32 s3, s5;
	[dreg:$0x0] =	wrdreg $0x0  }
0xa8: {  	s5 =	sshll.u32 s28, $0x1;
	[dreg:$0x2] =	wrdreg s3  }
0xa9: {  	[dreg:$0x3] =	wrdreg s5  }
0xaa: {  	[dreg:$0x4] =	wrdreg $0xC0  }
0xab: {  	_ =	task [dreg:s7], $0x5FFFF  }
0xac: {  	[dreg:$0x1] =	wrdreg $0xFFFFFFFF  }
0xad: {  	[dreg:$0x0] =	wrdreg $0x60  }
0xae: {  	[dreg:$0x2] =	wrdreg s24  }
0xaf: {  	[dreg:$0x3] =	wrdreg s2  }
0xb0: {  	[dreg:$0x4] =	wrdreg $0x9  }
0xb1: {  	_ =	task.clear_ibuf [dreg:s7], $0x5FFFF;
	_ =	strace $0x90000046  }
0xb2: {  	s29 =	simm.s32 $0x9;
	_ =	strace $0x80000048  }
0xb3: {  	_ =	swait.ge [sflag:s29], $0x1  }
0xb4: {  	[sflag:s29] =	ssyncadd.s32 $0xFFFFFFFF  }
0xb5: {  	_ =	strace $0x90000048  }
0xb6: {  	_ =	sfence  }
0xb7: {  	s30 =	sld [smem:$0x0];
	_ =	sdelay $0x2  }
0xb8: {  	s31 =	sshll.u32 s1, $0xD;
	s1 =	sshrl.u32 s1, $0x2  }
0xb9: {  	s3 =	sand.u32 $0x4000, s31;
	s1 =	sadd.s32 s1, s30  }
0xba: {  	s0 =	sor.u32 s3, s0;
	s1 =	sshll.u32 s1, $0x11  }
0xbb: {  	s0 =	sor.u32 s1, s0  }
0xbc: {  	s0 =	sadd.s32 $0x8F2B, s0  }
0xbd: {  	[sflag:s0] =	ssyncadd.remote.s32 $0x1  }
0xbe: {  	_ =	sfence.sel $0xFFFF  }
0xbf: {  	[dreg:$0x0] =	wrdreg $0xFFFFFFFF;
	(pc) =	sbr.abs _section_cstart, $3  }
0xc0: {  	[dreg:$0x1] =	wrdreg $0xFFFFFFFF  }
0xc1: {  	_ =	task.clear_ibuf [dreg:s7], $0x2FFFF;
	_ =	strace $0x9FFFFFFF  }
0xc2: {  	(tm) =	ssettm $0x7FFFFFFF  }
0xc3: {  	_ =	shalt  }
tec
execute0_lowered:
.L_overlay_start_1:
0x0: {  	(tag) =	ssettag $0x1  }
0x1: {  	s0 =	rddreg [dreg:$0x0]  }
0x2: {  	s1 =	srdreg.scid;
	s3 =	stileid.u32  }
0x3: {  	s2 =	rddreg [dreg:$0x1];
	s14 =	simm.s32 $0x1;
	s15 =	simm.s32 $0x800  }
0x4: {  	s16 =	simm.s32 $0x1800;
	s17 =	simm.s32 $0x2;
	s18 =	simm.s32 $0x3  }
0x5: {  	s1 =	sand.u32 $0x1, s1;
	s4 =	sshll.u32 s3, $0x1;
	s3 =	simm.s32 $0x0  }
0x6: {  	s5 =	sadd.s32 $0x1E00, s0;
	s6 =	sor.u32 s1, s4;
	[smem:$0x7FF] =	sst s3  }
0x7: {  	s4 =	sadd.s32 $0x78C00, s0;
	s1 =	ssub.s32 $0x2, s1;
	s7 =	smul.u32 $0x50, s6  }
0x8: {  	_ =	strace $0x80000047;
	s8 =	smul.u32 $0x1400, s6;
	s10 =	sshrl.u32 s1, $0x1  }
0x9: {  	s9 =	sshll.u32 s6, $0x7;
	s6 =	smul.u32 $0x140, s6;
	s1 =	ssub.s32 s1, s10  }
0xa: {  	s7 =	sadd.s32 s7, s0;
	s8 =	sadd.s32 s8, s0;
	s31 =	smax.u32 s1, $0x1  }
.Ltmp0:
0xb: {  	s28 =	sadd.s32 $0x50000, s8;
	[dreg:$0xb] =	wrdreg s31;
	(pc) =	sbr.rel .LBB2_1-.Ltmp0, $4  }
0xc: {  	s0 =	sadd.s32 s9, s0;
	s7 =	sadd.s32 $0x78000, s7;
	[dreg:$0x7] =	wrdreg s28  }
0xd: {  	s20 =	simm.s32 $0x6;
	s0 =	sadd.s32 $0xAAA00, s0;
	[dreg:$0x8] =	wrdreg s7  }
0xe: {  	v2 =	vimm.f32 $-Inf;
	v3 =	vimm.s32 $0x0;
	s29 =	sadd.s32 $0x140, s6;
	s30 =	sadd.s32 $0x82A00, s8;
	[dreg:$0x9] =	wrdreg s0  }
0xf: {  	v4 =	vimm.f32 $0.0e+00;
	s22 =	simm.s32 $0x0;
	s23 =	simm.s32 $0x0;
	v0 =	vmov s6;
	v1 =	vmov s29;
	[dreg:$0xa] =	wrdreg s30  }
.LBB2_33:
0x10: {  	v28 =	vadd.f32 v28, v29  }
0x11: {  	v24 =	vadd.f32 v24, v25  }
0x12: {  	v17 =	vadd.f32 v17, v18;
	v52 =	vadd.f32 v27, v28  }
0x13: {  	v53 =	vadd.f32 v22, v24  }
0x14: {  	v14 =	vadd.f32 v14, v17;
	v54 =	vadd.f32 v26, v52  }
0x15: {  	v55 =	vadd.f32 v20, v53  }
0x16: {  	v11 =	vadd.f32 v11, v14;
	v56 =	vadd.f32 v23, v54  }
0x17: {  	v57 =	vadd.f32 v15, v55  }
0x18: {  	v10 =	vadd.f32 v10, v11;
	v58 =	vadd.f32 v21, v56  }
0x19: {  	[tilespmem:$0x1A480] =	vst v5;
	v59 =	vadd.f32 v13, v57  }
0x1a: {  	[tilespmem:$0x1A500] =	vst v4;
	v8 =	vadd.f32 v8, v10;
	v60 =	vadd.f32 v19, v58  }
0x1b: {  	[tilespmem:$0x1A580] =	vst v4;
	v61 =	vadd.f32 v12, v59  }
0x1c: {  	[tilespmem:$0x1A600] =	vst v4;
	v7 =	vadd.f32 v7, v8;
	v62 =	vadd.f32 v16, v60  }
0x1d: {  	[tilespmem:$0x1A680] =	vst v4;
	v63 =	vadd.f32 v9, v61  }
0x1e: {  	v6 =	vadd.f32 v6, v7;
	[tilespmem:$0x1A300] =	vst v62  }
0x1f: {  	[tilespmem:$0x1A380] =	vst v63  }
0x20: {  	s3 =	simm.s32 $0x0;
	s0 =	rddreg [dreg:$0x9];
	s1 =	simm.s32 $0x1A300;
	[tilespmem:$0x1A400] =	vst v6  }
0x21: {  	[hbm4b:s0+s3] =	stream.linear.scatter [tilespmem:s1], [sflag:$0x6], $0x400, $0x38;
	[tilespmem:$0x1A700] =	vst v63  }
0x22: {  	_ =	swait.ge [sflag:s20], $0x400  }
0x23: {  	[sflag:s20] =	ssyncset.done $0x0  }
0x24: {  	s30 =	simm.s32 $0xD300;
	s29 =	rddreg [dreg:$0xa];
	[sflag:s20] =	ssyncadd.s32 $0xFFFFFC00  }
0x25: {  	[hbm4b:s29+s3] =	stream.linear.scatter [tilespmem:s30], [sflag:$0x6], $0xA000, $0x38;
	[tilespmem:$0x1A700] =	vst v63  }
0x26: {  	_ =	swait.ge [sflag:s20], $0xA000  }
0x27: {  	s22 =	sadd.s32 $0x1, s22;
	s31 =	rddreg [dreg:$0xb]  }
0x28: {  	p0 =	sne.s32 s22, s31  }
.Ltmp1:
0x29: {  	_ = 	snop;
	(pc) =	sbr.rel @!p0 .LBB2_34-.Ltmp1, $3  }
0x2a: {  	_ =	sdelay $0x1  }
0x2b: {  	[sflag:s20] =	ssyncset.done $0x0  }
0x2c: {  	[sflag:s20] =	ssyncadd.s32 $0xFFFF6000  }
.LBB2_1:
0x2d: {  	s0 =	rddreg [dreg:$0x7];
	s1 =	simm.s32 $0x3000  }
0x2e: {  	[tilespmem:s1], [sflag:$0x1] =	stream.linear.gather [hbm4b:s0+s3], $0xA000, $0x38;
	[tilespmem:$0x1A700] =	vst v63  }
0x2f: {  	s29 =	rddreg [dreg:$0x8];
	s30 =	simm.s32 $0xD000  }
0x30: {  	[tilespmem:s30], [sflag:$0x1] =	stream.linear.gather [hbm4b:s29+s3], $0x290, $0x38;
	[tilespmem:$0x1A700] =	vst v63  }
0x31: {  	_ = 	snop  }
0x32: {  	[tilespmem:s3], [sflag:$0x2] =	stream.linear.gather [hbm4b:s4+s3], $0x7D0, $0x38;
	[tilespmem:$0x1A700] =	vst v63  }
0x33: {  	s31 =	simm.s32 $0x1000;
	s0 =	simm.s32 $0x0;
	s1 =	simm.s32 $0x200  }
0x34: {  	[tilespmem:s31], [sflag:$0x2] =	stream.linear.gather [hbm4b:s2+s3], $0x7D0, $0x38;
	[tilespmem:$0x1A700] =	vst v63  }
.LBB2_2:
0x35: {  	p0 =	sne.s32 s1, $0x27E00;
	[tilespmem:s0+$0xD370] =	vst v2  }
0x36: {  	[tilespmem:s0+$0xD300] =	vst v2  }
0x37: {  	[tilespmem:s0+$0xD310] =	vst v2  }
.Ltmp2:
0x38: {  	[tilespmem:s0+$0xD320] =	vst v2;
	(pc) =	sbr.rel @p0 .LBB2_2-.Ltmp2, $4  }
0x39: {  	[tilespmem:s0+$0xD330] =	vst v2  }
0x3a: {  	[tilespmem:s0+$0xD340] =	vst v2  }
0x3b: {  	[tilespmem:s0+$0xD350] =	vst v2  }
0x3c: {  	[tilespmem:s0+$0xD360] =	vst v2;
	s0 =	sshra.s32 s1, $0x2;
	s1 =	sadd.s32 $0x200, s1  }
0x3d: {  	[tilespmem:s0+$0xD370] =	vst v2  }
0x3e: {  	[tilespmem:s0+$0xD300] =	vst v2  }
0x3f: {  	[tilespmem:s0+$0xD310] =	vst v2  }
0x40: {  	[tilespmem:s0+$0xD320] =	vst v2  }
0x41: {  	[tilespmem:s0+$0xD330] =	vst v2  }
0x42: {  	[tilespmem:s0+$0xD340] =	vst v2  }
0x43: {  	[tilespmem:s0+$0xD350] =	vst v2  }
0x44: {  	[tilespmem:s0+$0xD360] =	vst v2;
	s0 =	simm.s32 $0x40;
	s1 =	simm.s32 $0x0  }
.LBB2_4:
0x45: {  	p0 =	sne.s32 s0, $0x1F00;
	[tilespmem:s1+$0x2000] =	vst v3;
	s1 =	smov.u32 s0;
	s0 =	sadd.s32 $0x40, s0  }
.Ltmp3:
0x46: {  	(pc) =	sbr.rel @p0 .LBB2_4-.Ltmp3, $2  }
0x47: {  	_ =	sdelay $0x2  }
0x48: {  	s1 =	sshra.s32 s1, $0x2  }
0x49: {  	v5 =	vimm.f32 $0.0e+00  }
0x4a: {  	v6 =	vimm.f32 $0.0e+00;
	v7 =	vimm.f32 $0.0e+00;
	v8 =	vimm.f32 $0.0e+00  }
0x4b: {  	[tilespmem:s1+$0x2000] =	vst v3;
	v10 =	vimm.f32 $0.0e+00;
	v11 =	vimm.f32 $0.0e+00;
	v14 =	vimm.f32 $0.0e+00  }
0x4c: {  	v17 =	vimm.f32 $0.0e+00;
	v18 =	vimm.f32 $0.0e+00;
	v9 =	vimm.f32 $0.0e+00;
	_ =	swait.ge [sflag:s14], $0xA000  }
.Ltmp4:
0x4d: {  	v12 =	vimm.f32 $0.0e+00;
	v13 =	vimm.f32 $0.0e+00;
	v15 =	vimm.f32 $0.0e+00;
	[sflag:s14] =	ssyncset.done $0x0;
	(pc) =	sbr.rel .LBB2_6-.Ltmp4, $4  }
0x4e: {  	v20 =	vimm.f32 $0.0e+00;
	v22 =	vimm.f32 $0.0e+00;
	v24 =	vimm.f32 $0.0e+00;
	[sflag:s14] =	ssyncadd.s32 $0xFFFF6000  }
0x4f: {  	v25 =	vimm.f32 $0.0e+00;
	v16 =	vimm.f32 $0.0e+00;
	v19 =	vimm.f32 $0.0e+00;
	_ =	swait.ge [sflag:s14], $0x290  }
0x50: {  	v21 =	vimm.f32 $0.0e+00;
	v23 =	vimm.f32 $0.0e+00;
	v26 =	vimm.f32 $0.0e+00;
	[sflag:s14] =	ssyncset.done $0x0  }
0x51: {  	v27 =	vimm.f32 $0.0e+00;
	v28 =	vimm.f32 $0.0e+00;
	v29 =	vimm.f32 $0.0e+00;
	s24 =	simm.s32 $0x0;
	[sflag:s14] =	ssyncadd.s32 $0xFFFFFD70  }
.LBB2_32:
0x52: {  	s24 =	sadd.s32 $0x1, s24  }
0x53: {  	p0 =	sne.s32 s24, $0x50  }
.Ltmp5:
0x54: {  	_ = 	snop;
	(pc) =	sbr.rel @!p0 .LBB2_33-.Ltmp5, $1  }
0x55: {  	_ =	sdelay $0x3  }
.LBB2_6:
0x56: {  	s25 =	smul.u32 $0xFA0, s24;
	_ =	sdelay $0x1  }
0x57: {  	s0 =	sshrl.u32 s25, $0x3  }
0x58: {  	s0 =	sadd.s32 $0xFA, s0  }
0x59: {  	s1 =	sadd.s32 s4, s0  }
0x5a: {  	[tilespmem:s15], [sflag:$0x3] =	stream.linear.gather [hbm4b:s1+s23], $0x7D0, $0x38;
	[tilespmem:$0x1A700] =	vst v63  }
0x5b: {  	s0 =	sadd.s32 s2, s0  }
0x5c: {  	[tilespmem:s16], [sflag:$0x3] =	stream.linear.gather [hbm4b:s0+s23], $0x7D0, $0x38;
	[tilespmem:$0x1A700] =	vst v63  }
0x5d: {  	_ =	swait.ge [sflag:s17], $0x7D0  }
0x5e: {  	[sflag:s17] =	ssyncset.done $0x0  }
0x5f: {  	[sflag:s17] =	ssyncadd.s32 $0xFFFFF830  }
0x60: {  	_ =	swait.ge [sflag:s17], $0x7D0  }
0x61: {  	[sflag:s17] =	ssyncset.done $0x0  }
0x62: {  	s30 =	simm.s32 $0x0;
	[sflag:s17] =	ssyncadd.s32 $0xFFFFF830  }
0x63: {  	v30 =	vld [tilespmem:s30+$0x1000];
	_ =	sdelay $0x4  }
0x64: {  	vm0 =	vge.s32 v30, v0;
	vm1 =	vlt.s32 v30, v1  }
0x65: {  	vm0 =	vmand vm0, vm1  }
0x66: {  	v31 =	vmpcnt.ones.xlane vm0;
	_ =	sdelay $0x1  }
0x67: {  	(v2sf) =	vpush v31, $0x0;
	_ =	sdelay $0xe  }
0x68: {  	s31 =	spop (v2sf)  }
0x69: {  	p1 =	slt.s32 s31, $0x1  }
0x6a: {  	s1 =	simm.s32 @!p1 $0x0  }
0x6b: {  	v31 =	vld @!p1 [tilespmem:s1+$0x0]  }
0x6c: {  	v32 =	vimm.s32 @!p1 $0x0  }
0x6d: {  	v32 =	vsel @!p1 vm0, $0x1, v32  }
0x6e: {  	v30 =	vsub.s32 @!p1 v30, v0;
	v32 =	vxor.u32 @!p1 $0x80000001, v32  }
0x6f: {  	(xrf1) =	vsort.ascd.msk.u32 @!p1 $0xffff, v32, v30  }
0x70: {  	(xrf1) =	vsort.ascd.msk.u32 @!p1 $0xffff, v32, v31;
	_ =	sdelay $0xc  }
0x71: {  	s6 =	simm.s32 $0x80;
	_, v30, _ =	vpop @!p1 (xrf1)  }
0x72: {  	s7 =	simm.s32 $0x0;
	s0 =	sadd.s32 $0x0, s31;
	s1 =	simm.s32 $0x40;
	[tilespmem:s23+$0x2800] =	vst @!p1 v30;
	_, v30, _ =	vpop @!p1 (xrf1)  }
.LBB2_7:
0x73: {  	s8 =	sshra.s32 s1, $0x2;
	[tilespmem:s7+$0x2000] =	vst @!p1 v30;
	s9 =	smov.u32 s6;
	s6 =	sadd.s32 $0x40, s6  }
0x74: {  	s7 =	smov.u32 s0;
	p0 =	sne.s32 s6, $0x1F40;
	v30 =	vld [tilespmem:s8+$0x1000];
	_ =	sdelay $0x4  }
0x75: {  	vm0 =	vge.s32 v30, v0;
	vm1 =	vlt.s32 v30, v1  }
0x76: {  	vm0 =	vmand vm0, vm1  }
0x77: {  	v31 =	vmpcnt.ones.xlane vm0;
	_ =	sdelay $0x1  }
0x78: {  	(v2sf) =	vpush v31, $0x0;
	_ =	sdelay $0xe  }
0x79: {  	s8 =	spop (v2sf)  }
0x7a: {  	p1 =	slt.s32 s8, $0x1;
	s0 =	sadd.s32 s0, s8  }
0x7b: {  	s8 =	sshra.s32 @!p1 s1, $0x2;
	v31 =	vimm.s32 @!p1 $0x0;
	v30 =	vsub.s32 @!p1 v30, v0;
	s1 =	smov.u32 s9  }
0x7c: {  	v32 =	vld @!p1 [tilespmem:s8+$0x0];
	v31 =	vsel @!p1 vm0, $0x1, v31  }
0x7d: {  	v31 =	vxor.u32 @!p1 $0x80000001, v31  }
0x7e: {  	(xrf1) =	vsort.ascd.msk.u32 @!p1 $0xffff, v31, v30;
	_ =	sdelay $0x2  }
0x7f: {  	(xrf1) =	vsort.ascd.msk.u32 @!p1 $0xffff, v31, v32;
	_ =	sdelay $0x9  }
.Ltmp6:
0x80: {  	(pc) =	sbr.rel @p0 .LBB2_7-.Ltmp6, $3  }
0x81: {  	_, v30, _ =	vpop @!p1 (xrf1)  }
0x82: {  	[tilespmem:s7+$0x2800] =	vst @!p1 v30;
	_ =	sdelay $0x1  }
0x83: {  	_, v30, _ =	vpop @!p1 (xrf1)  }
0x84: {  	s6 =	sshra.s32 s1, $0x2;
	[tilespmem:s7+$0x2000] =	vst @!p1 v30  }
0x85: {  	v30 =	vld [tilespmem:s6+$0x1000];
	_ =	sdelay $0x4  }
0x86: {  	vm0 =	vge.s32 v30, v0;
	vm1 =	vlt.s32 v30, v1  }
0x87: {  	vm0 =	vmand vm0, vm1  }
0x88: {  	v31 =	vmpcnt.ones.xlane vm0;
	_ =	sdelay $0x1  }
0x89: {  	(v2sf) =	vpush v31, $0x0;
	_ =	sdelay $0xe  }
0x8a: {  	s12 =	spop (v2sf)  }
0x8b: {  	p0 =	slt.s32 s12, $0x1  }
0x8c: {  	s1 =	sshra.s32 @!p0 s1, $0x2  }
0x8d: {  	v31 =	vld @!p0 [tilespmem:s1+$0x0]  }
0x8e: {  	v32 =	vimm.s32 @!p0 $0x0  }
0x8f: {  	v32 =	vsel @!p0 vm0, $0x1, v32  }
0x90: {  	v30 =	vsub.s32 @!p0 v30, v0;
	v32 =	vxor.u32 @!p0 $0x80000001, v32  }
0x91: {  	(xrf1) =	vsort.ascd.msk.u32 @!p0 $0xffff, v32, v30  }
0x92: {  	s12 =	sadd.s32 s0, s12;
	(xrf1) =	vsort.ascd.msk.u32 @!p0 $0xffff, v32, v31  }
0x93: {  	s13 =	sadd.s32 $0x17, s12  }
0x94: {  	s19 =	smulhi.u32 $0x2AAAAAAB, s13;
	s21 =	sshra.s32 s13, $0x1F  }
0x95: {  	s7 =	smul.u32 $0x2AAAAAAB, s21;
	_ =	sdelay $0x1  }
0x96: {  	s6 =	sadd.s32 s7, s19  }
0x97: {  	s7 =	sshrl.u32 s6, $0x1F;
	s6 =	sshra.s32 s6, $0x2  }
0x98: {  	s6 =	sadd.s32 s7, s6  }
0x99: {  	s7 =	smul.u32 $0xFFFFFFE8, s6  }
0x9a: {  	s8 =	ssub.s32 $0xFFFFFFE9, s12  }
0x9b: {  	p2 =	slt.s32 s13, $0x1;
	p4 =	sne.s32 s7, s8  }
0x9c: {  	p1 =	por !p2, !p4  }
0x9d: {  	s1 =	simm.s32 $0x1;
	p1 =	por !p1, !p1  }
0x9e: {  	s1 =	simm.s32 @!p1 $0x0;
	_, v30, _ =	vpop @!p0 (xrf1)  }
0x9f: {  	s28 =	ssub.s32 s6, s1;
	[tilespmem:s0+$0x2800] =	vst @!p0 v30;
	_, v30, _ =	vpop @!p0 (xrf1)  }
0xa0: {  	[tilespmem:s0+$0x2000] =	vst @!p0 v30;
	p0 =	slt.s32 s28, $0x1  }
0xa1: {  	v30 =	vld @!p0 [tilespmem:$0x2000];
	_ =	sdelay $0x4  }
0xa2: {  	v31 =	vshll.u32 @!p0 v30, $0x1  }
0xa3: {  	v32 =	vlaneseq.u32 @!p0;
	v30 =	vand.u32 @!p0 $0x7, v30;
	v31 =	vand.u32 @!p0 $0xFFFFFFF0, v31  }
0xa4: {  	v33 =	vshrl.u32 @!p0 v32, $0x3;
	v30 =	vor.u32 @!p0 v30, v31;
	v31 =	vand.u32 @!p0 $0x7, v32  }
0xa5: {  	v33 =	vmul.u32 @!p0 $0x8, v33;
	v34 =	vperm.xlane @!p0 v30, v31  }
0xa6: {  	v32 =	vor.u32 @!p0 $0x8, v32  }
0xa7: {  	v30 =	vperm.xlane @!p0 v30, v32;
	v34 =	vadd.s32 @!p0 v33, v34;
	_ =	sdelay $0x1  }
0xa8: {  	v30 =	vadd.s32 @!p0 v33, v30;
	_ =	sdelay $0x1  }
0xa9: {  	vm0 =	vmmov @!p0 $0xffff;
	s0 =	simm.s32 @!p0 $0x0;
	s1 =	simm.s32 @!p0 $0x17300  }
0xaa: {  	[tilespmem:s1], [sflag:$0x4] =	stream.indirect_vreg.gather @!p0 [hbm4b:s5+s0], $0x80, v34, vm0, $0xb8;
	[tilespmem:$0x1A700] =	vst v63  }
0xab: {  	s1 =	simm.s32 @!p0 $0x17B00  }
0xac: {  	[tilespmem:s1], [sflag:$0x4] =	stream.indirect_vreg.gather @!p0 [hbm4b:s5+s0], $0x80, v30, vm0, $0xb8;
	[tilespmem:$0x1A700] =	vst v63  }
0xad: {  	v30 =	vld.msk @!p0 [tilespmem:$0x2010], $0xff;
	_ =	sdelay $0x4  }
0xae: {  	v32 =	vshll.u32 @!p0 v30, $0x1  }
0xaf: {  	v30 =	vand.u32 @!p0 $0x7, v30;
	v32 =	vand.u32 @!p0 $0xFFFFFFF0, v32  }
0xb0: {  	v30 =	vor.u32 @!p0 v30, v32  }
0xb1: {  	v30 =	vperm.xlane @!p0 v30, v31;
	_ =	sdelay $0x1  }
0xb2: {  	v30 =	vadd.s32 @!p0 v33, v30;
	_ =	sdelay $0x1  }
0xb3: {  	s26 =	sadd.s32 $0x1, s28  }
0xb4: {  	s30 =	sand.u32 $0x1, s26  }
0xb5: {  	p5 =	slt.s32 s28, $0x0;
	p6 =	seq.s32 s30, $0x1;
	s1 =	simm.s32 @!p0 $0x18300  }
0xb6: {  	[tilespmem:s1], [sflag:$0x4] =	stream.indirect_vreg.gather @!p0 [hbm4b:s5+s0], $0x80, v30, vm0, $0xb8;
	[tilespmem:$0x1A700] =	vst v63  }
0xb7: {  	s31 =	sshrl.u32 s26, $0x1F;
	p0 =	por !p5, !p6  }
0xb8: {  	s0 =	sadd.s32 s31, s26;
	s1 =	simm.s32 $0x1;
	p0 =	por !p0, !p0  }
0xb9: {  	s0 =	sshra.s32 s0, $0x1;
	s1 =	simm.s32 @!p0 $0x0  }
0xba: {  	s29 =	ssub.s32 s0, s1  }
0xbb: {  	p0 =	slt.s32 s29, $0x1  }
.Ltmp7:
0xbc: {  	_ = 	snop;
	(pc) =	sbr.rel @p0 .LBB2_19-.Ltmp7, $1  }
0xbd: {  	_ =	sdelay $0x3  }
.Ltmp8:
0xbe: {  	(pc) =	sbr.rel .LBB2_10-.Ltmp8, $4  }
0xbf: {  	_ = 	snop  }
0xc0: {  	s30 =	sadd.s32 $0xFFFFFFE8, s12  }
0xc1: {  	s31 =	sadd.s32 $0xFFFFFFFE, s28;
	s1 =	simm.s32 $0x0;
	s8 =	simm.s32 $0x2800  }
0xc2: {  	s11 =	simm.s32 $0x2818;
	s26 =	smov.u32 s12;
	s13 =	simm.s32 $0x0  }
.LBB2_17:
0xc3: {  	_ = 	snop  }
0xc4: {  	v35 =	vmul.f32 v33, v33;
	v30 =	vmul.f32 v30, v33;
	v16 =	vadd.f32 v33, v16  }
0xc5: {  	v12 =	vadd.f32 v31, v12;
	v7 =	vadd.f32 v32, v7  }
0xc6: {  	[tilespmem:s6+$0xD370] =	vst v34;
	v9 =	vadd.f32 v35, v9;
	v6 =	vadd.f32 v30, v6  }
.LBB2_18:
0xc7: {  	s13 =	sadd.s32 $0x1, s13  }
0xc8: {  	p0 =	sne.s32 s13, s29  }
.Ltmp9:
0xc9: {  	_ = 	snop;
	(pc) =	sbr.rel @!p0 .LBB2_19-.Ltmp9, $3  }
0xca: {  	_ =	sdelay $0x1  }
0xcb: {  	s26 =	sadd.s32 $0xFFFFFFD0, s26  }
0xcc: {  	s30 =	sadd.s32 $0xFFFFFFD0, s30;
	s8 =	sadd.s32 $0x30, s8;
	s11 =	sadd.s32 $0x30, s11  }
.LBB2_10:
0xcd: {  	s0 =	smul.u32 $0x30, s13;
	s19 =	sshllo.u32 s13, $0x1  }
0xce: {  	p0 =	sge.s32 s19, s28  }
0xcf: {  	v30 =	vld @!p0 [tilespmem:s0+$0x2018];
	_ =	sdelay $0x4  }
0xd0: {  	v31 =	vshll.u32 @!p0 v30, $0x1  }
0xd1: {  	v32 =	vlaneseq.u32 @!p0;
	v30 =	vand.u32 @!p0 $0x7, v30;
	v31 =	vand.u32 @!p0 $0xFFFFFFF0, v31  }
0xd2: {  	v33 =	vshrl.u32 @!p0 v32, $0x3;
	v30 =	vor.u32 @!p0 v30, v31;
	v31 =	vand.u32 @!p0 $0x7, v32  }
0xd3: {  	v33 =	vmul.u32 @!p0 $0x8, v33;
	v34 =	vperm.xlane @!p0 v30, v31  }
0xd4: {  	v32 =	vor.u32 @!p0 $0x8, v32  }
0xd5: {  	v30 =	vperm.xlane @!p0 v30, v32;
	v34 =	vadd.s32 @!p0 v33, v34;
	_ =	sdelay $0x1  }
0xd6: {  	v30 =	vadd.s32 @!p0 v33, v30;
	_ =	sdelay $0x1  }
0xd7: {  	vm0 =	vmmov @!p0 $0xffff;
	s6 =	simm.s32 @!p0 $0x0;
	s7 =	simm.s32 @!p0 $0x18B00  }
0xd8: {  	[tilespmem:s7], [sflag:$0x5] =	stream.indirect_vreg.gather @!p0 [hbm4b:s5+s6], $0x80, v34, vm0, $0xb8;
	[tilespmem:$0x1A700] =	vst v63  }
0xd9: {  	s7 =	simm.s32 @!p0 $0x19300  }
0xda: {  	[tilespmem:s7], [sflag:$0x5] =	stream.indirect_vreg.gather @!p0 [hbm4b:s5+s6], $0x80, v30, vm0, $0xb8;
	[tilespmem:$0x1A700] =	vst v63  }
0xdb: {  	v30 =	vld.msk @!p0 [tilespmem:s0+$0x2028], $0xff;
	_ =	sdelay $0x4  }
0xdc: {  	v32 =	vshll.u32 @!p0 v30, $0x1  }
0xdd: {  	v30 =	vand.u32 @!p0 $0x7, v30;
	v32 =	vand.u32 @!p0 $0xFFFFFFF0, v32  }
0xde: {  	v30 =	vor.u32 @!p0 v30, v32  }
0xdf: {  	v30 =	vperm.xlane @!p0 v30, v31;
	_ =	sdelay $0x1  }
0xe0: {  	v30 =	vadd.s32 @!p0 v33, v30;
	_ =	sdelay $0x2  }
0xe1: {  	s0 =	ssub.s32 s12, s0  }
0xe2: {  	s21 =	sshll.u32 s13, $0x1;
	s7 =	simm.s32 @!p0 $0x19B00;
	p2 =	slt.s32 s0, $0x1  }
0xe3: {  	[tilespmem:s7], [sflag:$0x5] =	stream.indirect_vreg.gather @!p0 [hbm4b:s5+s6], $0x80, v30, vm0, $0xb8;
	[tilespmem:$0x1A700] =	vst v63  }
.Ltmp10:
0xe4: {  	p1 =	sge.s32 s21, s28;
	(pc) =	sbr.rel @p2 .LBB2_14-.Ltmp10, $4  }
0xe5: {  	s6 =	simm.s32 @!p1 $0x4  }
0xe6: {  	_ =	swait.ge @!p1 [sflag:s6], $0x1800  }
0xe7: {  	[sflag:s6] =	ssyncset.done @!p1 $0x0  }
0xe8: {  	[sflag:s6] =	ssyncadd.s32 @!p1 $0xFFFFE800  }
0xe9: {  	v30 =	vld [tilespmem:s8+$0x0];
	_ =	sdelay $0x4  }
0xea: {  	(v2sf) =	vpush v30, $0x0;
	_ =	sdelay $0xc  }
0xeb: {  	s0 =	sand.u32 $0xFFFFF800, s1;
	s6 =	sand.u32 $0x380, s1  }
0xec: {  	s7 =	sor.u32 s6, s0  }
0xed: {  	s0 =	sadd.s32 $0x17300, s7;
	s9 =	spop (v2sf)  }
0xee: {  	v30 =	vld [tilespmem:s0+$0x400];
	s6 =	sshll.u32 s9, $0x7  }
0xef: {  	v31 =	vld [tilespmem:s6+$0xD300];
	_ =	sdelay $0x3  }
0xf0: {  	v32 =	vld [tilespmem:s7+$0x17300];
	s10 =	sshll.u32 s9, $0x3  }
0xf1: {  	v33 =	vld [tilespmem:s6+$0xD310];
	s7 =	sshra.s32 s10, $0x2;
	v30 =	vmax.f32 v31, v30  }
0xf2: {  	v31 =	vld [tilespmem:s7+$0xD000];
	[tilespmem:s6+$0xD300] =	vst v30  }
0xf3: {  	v30 =	vld [tilespmem:s0+$0x410];
	_ =	sdelay $0x4  }
0xf4: {  	v34 =	vld [tilespmem:s6+$0xD320];
	v30 =	vmax.f32 v33, v30  }
0xf5: {  	v60 =	vld [tilespmem:s0+$0x10];
	[tilespmem:s6+$0xD310] =	vst v30  }
0xf6: {  	v41 =	vld [tilespmem:s0+$0x420];
	_ =	sdelay $0x4  }
0xf7: {  	v35 =	vld [tilespmem:s6+$0xD330];
	v34 =	vmax.f32 v34, v41  }
0xf8: {  	v61 =	vld [tilespmem:s0+$0x20];
	[tilespmem:s6+$0xD320] =	vst v34  }
0xf9: {  	v34 =	vld [tilespmem:s0+$0x430];
	_ =	sdelay $0x4  }
0xfa: {  	v36 =	vld [tilespmem:s6+$0xD340];
	v34 =	vmax.f32 v35, v34  }
0xfb: {  	v62 =	vld [tilespmem:s0+$0x30];
	[tilespmem:s6+$0xD330] =	vst v34  }
0xfc: {  	v34 =	vld [tilespmem:s0+$0x440];
	_ =	sdelay $0x4  }
0xfd: {  	v40 =	vld [tilespmem:s6+$0xD350];
	v34 =	vmax.f32 v36, v34  }
0xfe: {  	v63 =	vld [tilespmem:s0+$0x40];
	[tilespmem:s6+$0xD340] =	vst v34  }
0xff: {  	v34 =	vld [tilespmem:s0+$0x450];
	_ =	sdelay $0x1  }
0x100: {  	v37 =	vld [tilespmem:s6+$0x3000]  }
0x101: {  	v38 =	vld [tilespmem:s6+$0x3010]  }
0x102: {  	v39 =	vld [tilespmem:s6+$0x3020]  }
0x103: {  	v46 =	vld [tilespmem:s6+$0xD360];
	v34 =	vmax.f32 v40, v34  }
0x104: {  	v48 =	vmul.f32 v32, v32;
	v52 =	vld [tilespmem:s0+$0x50];
	[tilespmem:s6+$0xD350] =	vst v34  }
0x105: {  	v53 =	vmul.f32 v37, v32;
	v54 =	vld [tilespmem:s0+$0x460]  }
0x106: {  	p1 =	sgt.s32 s26, $0x1;
	v29 =	vadd.f32 v32, v29;
	v25 =	vadd.f32 v48, v25;
	v42 =	vld [tilespmem:s6+$0x3030];
	s7 =	smov.u32 s26;
	v55 =	vmul.f32 v60, v60  }
0x107: {  	v43 =	vld [tilespmem:s6+$0x3040];
	s7 =	simm.s32 @!p1 $0x1;
	v18 =	vadd.f32 v53, v18;
	v5 =	vadd.f32 v31, v5;
	v31 =	vmul.f32 v38, v60  }
0x108: {  	v44 =	vld [tilespmem:s6+$0x3050];
	s7 =	smin.u32 s7, $0x18;
	v28 =	vadd.f32 v60, v28;
	v24 =	vadd.f32 v55, v24;
	v56 =	vmul.f32 v61, v61  }
0x109: {  	v45 =	vld [tilespmem:s6+$0x3060];
	s7 =	sshll.u32 s7, $0x8;
	v17 =	vadd.f32 v31, v17;
	v27 =	vadd.f32 v61, v27;
	v31 =	vmul.f32 v39, v61  }
0x10a: {  	v47 =	vld [tilespmem:s6+$0xD370];
	[dreg:$0x3] =	wrdreg s7;
	v22 =	vadd.f32 v56, v22;
	v57 =	vmul.f32 v62, v62;
	v58 =	vmax.f32 v46, v54  }
0x10b: {  	s7 =	rddreg [dreg:$0x3];
	v14 =	vadd.f32 v31, v14;
	v26 =	vadd.f32 v62, v26;
	v31 =	vmul.f32 v42, v62;
	v59 =	vld [tilespmem:s0+$0x60];
	[tilespmem:s6+$0xD360] =	vst v58  }
0x10c: {  	p1 =	sne.s32 s7, $0x100;
	v20 =	vadd.f32 v57, v20;
	v60 =	vmul.f32 v63, v63;
	v61 =	vmul.f32 v43, v63;
	v62 =	vld [tilespmem:s0+$0x470]  }
.Ltmp11:
0x10d: {  	v11 =	vadd.f32 v31, v11;
	v23 =	vadd.f32 v63, v23;
	v31 =	vmul.f32 v52, v52;
	(pc) =	sbr.rel @!p1 .LBB2_13-.Ltmp11, $4  }
0x10e: {  	v15 =	vadd.f32 v60, v15;
	v10 =	vadd.f32 v61, v10;
	v63 =	vmul.f32 v44, v52  }
0x10f: {  	v21 =	vadd.f32 v52, v21;
	v13 =	vadd.f32 v31, v13  }
0x110: {  	v30 =	vld [tilespmem:s6+$0x3070];
	v8 =	vadd.f32 v63, v8;
	v19 =	vadd.f32 v59, v19  }
0x111: {  	s9 =	simm.s32 $0x0;
	s7 =	simm.s32 $0x100;
	v31 =	vmul.f32 v59, v59;
	v32 =	vmul.f32 v45, v59;
	v33 =	vld [tilespmem:s0+$0x70];
	s0 =	smov.u32 s8;
	v34 =	vmax.f32 v47, v62  }
.LBB2_12:
0x112: {  	[tilespmem:s6+$0xD370] =	vst v34;
	s0 =	sadd.s32 $0x1, s0  }
0x113: {  	v60 =	vld [tilespmem:s0+$0x0];
	_ =	sdelay $0x4  }
0x114: {  	(v2sf) =	vpush v60, $0x0;
	_ =	sdelay $0xa  }
0x115: {  	s3 =	smov.u32 s7;
	s9 =	sadd.s32 $0x80, s9  }
0x116: {  	s6 =	sand.u32 $0xFFFFF800, s3;
	s3 =	sand.u32 $0x380, s9  }
0x117: {  	s10 =	rddreg [dreg:$0x3];
	s7 =	sadd.s32 $0x100, s7;
	s6 =	sor.u32 s3, s6  }
0x118: {  	p1 =	sne.s32 s10, s7;
	s10 =	sadd.s32 $0x17300, s6;
	v30 =	vmul.f32 v30, v33  }
0x119: {  	v12 =	vadd.f32 v31, v12;
	v31 =	vld [tilespmem:s10+$0x400];
	s3 =	spop (v2sf)  }
0x11a: {  	v6 =	vadd.f32 v30, v6;
	v30 =	vld [tilespmem:s6+$0x17300];
	s6 =	sshll.u32 s3, $0x7  }
0x11b: {  	v61 =	vld [tilespmem:s6+$0xD300];
	_ =	sdelay $0x3  }
0x11c: {  	s3 =	sshll.u32 s3, $0x3  }
0x11d: {  	v62 =	vld [tilespmem:s6+$0xD310];
	s3 =	sshra.s32 s3, $0x2;
	v31 =	vmax.f32 v61, v31  }
0x11e: {  	v49 =	vld [tilespmem:s3+$0xD000];
	[tilespmem:s6+$0xD300] =	vst v31  }
0x11f: {  	v31 =	vld [tilespmem:s10+$0x410];
	_ =	sdelay $0x4  }
0x120: {  	v63 =	vld [tilespmem:s6+$0xD320];
	v31 =	vmax.f32 v62, v31  }
0x121: {  	v41 =	vld [tilespmem:s10+$0x10];
	[tilespmem:s6+$0xD310] =	vst v31  }
0x122: {  	v31 =	vld [tilespmem:s10+$0x420];
	_ =	sdelay $0x4  }
0x123: {  	v36 =	vld [tilespmem:s6+$0xD330];
	v31 =	vmax.f32 v63, v31  }
0x124: {  	v54 =	vld [tilespmem:s10+$0x20];
	[tilespmem:s6+$0xD320] =	vst v31  }
0x125: {  	v31 =	vld [tilespmem:s10+$0x430];
	_ =	sdelay $0x4  }
0x126: {  	v37 =	vld [tilespmem:s6+$0xD340];
	v31 =	vmax.f32 v36, v31  }
0x127: {  	v56 =	vld [tilespmem:s10+$0x30];
	[tilespmem:s6+$0xD330] =	vst v31  }
0x128: {  	v31 =	vld [tilespmem:s10+$0x440];
	_ =	sdelay $0x4  }
0x129: {  	v48 =	vld [tilespmem:s6+$0xD350];
	v31 =	vmax.f32 v37, v31  }
0x12a: {  	v58 =	vld [tilespmem:s10+$0x40];
	[tilespmem:s6+$0xD340] =	vst v31  }
0x12b: {  	v31 =	vld [tilespmem:s10+$0x450]  }
0x12c: {  	v38 =	vld [tilespmem:s6+$0xD360]  }
0x12d: {  	v40 =	vld [tilespmem:s6+$0x3000]  }
0x12e: {  	v50 =	vld [tilespmem:s6+$0x3010]  }
0x12f: {  	v51 =	vld [tilespmem:s6+$0x3020]  }
0x130: {  	v52 =	vld [tilespmem:s6+$0x3030];
	v31 =	vmax.f32 v48, v31  }
0x131: {  	v7 =	vadd.f32 v32, v7;
	v35 =	vmul.f32 v33, v33;
	v47 =	vmul.f32 v30, v30;
	v60 =	vld [tilespmem:s10+$0x50];
	[tilespmem:s6+$0xD350] =	vst v31  }
0x132: {  	v16 =	vadd.f32 v33, v16;
	v29 =	vadd.f32 v30, v29;
	v30 =	vmul.f32 v40, v30;
	v31 =	vld [tilespmem:s10+$0x460]  }
0x133: {  	v9 =	vadd.f32 v35, v9;
	v25 =	vadd.f32 v47, v25;
	v44 =	vmul.f32 v41, v41  }
0x134: {  	v42 =	vld [tilespmem:s6+$0x3040];
	v5 =	vadd.f32 v49, v5;
	v18 =	vadd.f32 v30, v18;
	v35 =	vmul.f32 v50, v41  }
0x135: {  	v39 =	vld [tilespmem:s6+$0xD370];
	v28 =	vadd.f32 v41, v28;
	v24 =	vadd.f32 v44, v24;
	v33 =	vmul.f32 v51, v54  }
0x136: {  	v43 =	vld [tilespmem:s6+$0x3050];
	v17 =	vadd.f32 v35, v17;
	v27 =	vadd.f32 v54, v27;
	v55 =	vmul.f32 v54, v54  }
0x137: {  	v53 =	vld [tilespmem:s6+$0x3060];
	v14 =	vadd.f32 v33, v14;
	v33 =	vmul.f32 v52, v56;
	v31 =	vmax.f32 v38, v31  }
0x138: {  	v22 =	vadd.f32 v55, v22;
	v26 =	vadd.f32 v56, v26;
	v57 =	vmul.f32 v56, v56;
	v62 =	vld [tilespmem:s10+$0x60];
	[tilespmem:s6+$0xD360] =	vst v31  }
0x139: {  	v11 =	vadd.f32 v33, v11;
	v59 =	vmul.f32 v58, v58;
	v33 =	vmul.f32 v42, v58;
	v63 =	vld [tilespmem:s10+$0x470]  }
.Ltmp12:
0x13a: {  	v20 =	vadd.f32 v57, v20;
	v23 =	vadd.f32 v58, v23;
	v61 =	vmul.f32 v60, v60;
	(pc) =	sbr.rel @p1 .LBB2_12-.Ltmp12, $4  }
0x13b: {  	v15 =	vadd.f32 v59, v15;
	v10 =	vadd.f32 v33, v10;
	v32 =	vmul.f32 v43, v60  }
0x13c: {  	v21 =	vadd.f32 v60, v21;
	v13 =	vadd.f32 v61, v13  }
0x13d: {  	v30 =	vld [tilespmem:s6+$0x3070];
	v8 =	vadd.f32 v32, v8;
	v19 =	vadd.f32 v62, v19  }
0x13e: {  	v32 =	vmul.f32 v53, v62;
	v31 =	vmul.f32 v62, v62;
	v33 =	vld [tilespmem:s10+$0x70];
	v34 =	vmax.f32 v39, v63  }
.LBB2_13:
0x13f: {  	_ =	sdelay $0x3  }
0x140: {  	v12 =	vadd.f32 v31, v12;
	v35 =	vmul.f32 v33, v33;
	v30 =	vmul.f32 v30, v33  }
0x141: {  	v7 =	vadd.f32 v32, v7;
	v16 =	vadd.f32 v33, v16  }
0x142: {  	[tilespmem:s6+$0xD370] =	vst v34;
	v9 =	vadd.f32 v35, v9;
	v6 =	vadd.f32 v30, v6  }
.LBB2_14:
0x143: {  	s0 =	smul.u32 $0x18, s19  }
0x144: {  	p1 =	sge.s32 s21, s31  }
0x145: {  	v30 =	vld @!p1 [tilespmem:s0+$0x2018];
	_ =	sdelay $0x4  }
0x146: {  	v31 =	vshll.u32 @!p1 v30, $0x1  }
0x147: {  	v32 =	vlaneseq.u32 @!p1;
	v30 =	vand.u32 @!p1 $0x7, v30;
	v31 =	vand.u32 @!p1 $0xFFFFFFF0, v31  }
0x148: {  	v33 =	vshrl.u32 @!p1 v32, $0x3;
	v30 =	vor.u32 @!p1 v30, v31;
	v31 =	vand.u32 @!p1 $0x7, v32  }
0x149: {  	v33 =	vmul.u32 @!p1 $0x8, v33;
	v34 =	vperm.xlane @!p1 v30, v31  }
0x14a: {  	v32 =	vor.u32 @!p1 $0x8, v32  }
0x14b: {  	v30 =	vperm.xlane @!p1 v30, v32;
	v34 =	vadd.s32 @!p1 v33, v34;
	_ =	sdelay $0x1  }
0x14c: {  	v30 =	vadd.s32 @!p1 v33, v30;
	_ =	sdelay $0x1  }
0x14d: {  	vm0 =	vmmov @!p1 $0xffff;
	s3 =	simm.s32 @!p1 $0x0;
	s6 =	simm.s32 @!p1 $0x17300  }
0x14e: {  	[tilespmem:s6], [sflag:$0x4] =	stream.indirect_vreg.gather @!p1 [hbm4b:s5+s3], $0x80, v34, vm0, $0xb8;
	[tilespmem:$0x1A700] =	vst v63  }
0x14f: {  	s6 =	simm.s32 @!p1 $0x17B00  }
0x150: {  	[tilespmem:s6], [sflag:$0x4] =	stream.indirect_vreg.gather @!p1 [hbm4b:s5+s3], $0x80, v30, vm0, $0xb8;
	[tilespmem:$0x1A700] =	vst v63  }
0x151: {  	v30 =	vld.msk @!p1 [tilespmem:s0+$0x2028], $0xff;
	_ =	sdelay $0x4  }
0x152: {  	v32 =	vshll.u32 @!p1 v30, $0x1  }
0x153: {  	v30 =	vand.u32 @!p1 $0x7, v30;
	v32 =	vand.u32 @!p1 $0xFFFFFFF0, v32  }
0x154: {  	v30 =	vor.u32 @!p1 v30, v32  }
0x155: {  	v30 =	vperm.xlane @!p1 v30, v31;
	_ =	sdelay $0x1  }
0x156: {  	v30 =	vadd.s32 @!p1 v33, v30;
	_ =	sdelay $0x3  }
0x157: {  	s6 =	simm.s32 @!p1 $0x18300;
	s0 =	ssub.s32 s12, s0  }
0x158: {  	[tilespmem:s6], [sflag:$0x4] =	stream.indirect_vreg.gather @!p1 [hbm4b:s5+s3], $0x80, v30, vm0, $0xb8;
	[tilespmem:$0x1A700] =	vst v63  }
0x159: {  	p1 =	slt.s32 s0, $0x1  }
.Ltmp13:
0x15a: {  	_ = 	snop;
	(pc) =	sbr.rel @p1 .LBB2_18-.Ltmp13, $4  }
0x15b: {  	s3 =	simm.s32 @!p0 $0x5  }
0x15c: {  	_ =	swait.ge @!p0 [sflag:s3], $0x1800  }
0x15d: {  	[sflag:s3] =	ssyncset.done @!p0 $0x0  }
0x15e: {  	[sflag:s3] =	ssyncadd.s32 @!p0 $0xFFFFE800  }
0x15f: {  	v30 =	vld [tilespmem:s11+$0x0];
	_ =	sdelay $0x4  }
0x160: {  	(v2sf) =	vpush v30, $0x0;
	_ =	sdelay $0xb  }
0x161: {  	s19 =	simm.s32 $0x0  }
0x162: {  	s0 =	sand.u32 $0xFFFFF800, s19;
	s3 =	sand.u32 $0x380, s19  }
0x163: {  	s3 =	sor.u32 s3, s0  }
0x164: {  	s0 =	sadd.s32 $0x18B00, s3;
	s7 =	spop (v2sf)  }
0x165: {  	v30 =	vld [tilespmem:s0+$0x400];
	s6 =	sshll.u32 s7, $0x7  }
0x166: {  	v31 =	vld [tilespmem:s6+$0xD300];
	_ =	sdelay $0x3  }
0x167: {  	v32 =	vld [tilespmem:s3+$0x18B00];
	s21 =	sshll.u32 s7, $0x3  }
0x168: {  	v33 =	vld [tilespmem:s6+$0xD310];
	s3 =	sshra.s32 s21, $0x2;
	v30 =	vmax.f32 v31, v30  }
0x169: {  	v31 =	vld [tilespmem:s3+$0xD000];
	[tilespmem:s6+$0xD300] =	vst v30  }
0x16a: {  	v30 =	vld [tilespmem:s0+$0x410];
	_ =	sdelay $0x4  }
0x16b: {  	v34 =	vld [tilespmem:s6+$0xD320];
	v30 =	vmax.f32 v33, v30  }
0x16c: {  	v60 =	vld [tilespmem:s0+$0x10];
	[tilespmem:s6+$0xD310] =	vst v30  }
0x16d: {  	v41 =	vld [tilespmem:s0+$0x420];
	_ =	sdelay $0x4  }
0x16e: {  	v35 =	vld [tilespmem:s6+$0xD330];
	v34 =	vmax.f32 v34, v41  }
0x16f: {  	v61 =	vld [tilespmem:s0+$0x20];
	[tilespmem:s6+$0xD320] =	vst v34  }
0x170: {  	v34 =	vld [tilespmem:s0+$0x430];
	_ =	sdelay $0x4  }
0x171: {  	v36 =	vld [tilespmem:s6+$0xD340];
	v34 =	vmax.f32 v35, v34  }
0x172: {  	v62 =	vld [tilespmem:s0+$0x30];
	[tilespmem:s6+$0xD330] =	vst v34  }
0x173: {  	v34 =	vld [tilespmem:s0+$0x440];
	_ =	sdelay $0x4  }
0x174: {  	v40 =	vld [tilespmem:s6+$0xD350];
	v34 =	vmax.f32 v36, v34  }
0x175: {  	v63 =	vld [tilespmem:s0+$0x40];
	[tilespmem:s6+$0xD340] =	vst v34  }
0x176: {  	v34 =	vld [tilespmem:s0+$0x450];
	_ =	sdelay $0x1  }
0x177: {  	v37 =	vld [tilespmem:s6+$0x3000]  }
0x178: {  	v38 =	vld [tilespmem:s6+$0x3010]  }
0x179: {  	v39 =	vld [tilespmem:s6+$0x3020]  }
0x17a: {  	v46 =	vld [tilespmem:s6+$0xD360];
	v34 =	vmax.f32 v40, v34  }
0x17b: {  	v48 =	vmul.f32 v32, v32;
	v52 =	vld [tilespmem:s0+$0x50];
	[tilespmem:s6+$0xD350] =	vst v34  }
0x17c: {  	v53 =	vmul.f32 v37, v32;
	v54 =	vld [tilespmem:s0+$0x460]  }
0x17d: {  	p0 =	sgt.s32 s30, $0x1;
	v29 =	vadd.f32 v32, v29;
	v25 =	vadd.f32 v48, v25;
	v42 =	vld [tilespmem:s6+$0x3030];
	s3 =	smov.u32 s30;
	v55 =	vmul.f32 v60, v60  }
0x17e: {  	v43 =	vld [tilespmem:s6+$0x3040];
	s3 =	simm.s32 @!p0 $0x1;
	v18 =	vadd.f32 v53, v18;
	v5 =	vadd.f32 v31, v5;
	v31 =	vmul.f32 v38, v60  }
0x17f: {  	v44 =	vld [tilespmem:s6+$0x3050];
	s3 =	smin.u32 s3, $0x18;
	v28 =	vadd.f32 v60, v28;
	v24 =	vadd.f32 v55, v24;
	v56 =	vmul.f32 v61, v61  }
0x180: {  	v45 =	vld [tilespmem:s6+$0x3060];
	s3 =	sshll.u32 s3, $0x8;
	v17 =	vadd.f32 v31, v17;
	v27 =	vadd.f32 v61, v27;
	v31 =	vmul.f32 v39, v61  }
0x181: {  	v47 =	vld [tilespmem:s6+$0xD370];
	[dreg:$0x4] =	wrdreg s3;
	v22 =	vadd.f32 v56, v22;
	v57 =	vmul.f32 v62, v62;
	v58 =	vmax.f32 v46, v54  }
0x182: {  	s3 =	rddreg [dreg:$0x4];
	v14 =	vadd.f32 v31, v14;
	v26 =	vadd.f32 v62, v26;
	v31 =	vmul.f32 v42, v62;
	v59 =	vld [tilespmem:s0+$0x60];
	[tilespmem:s6+$0xD360] =	vst v58  }
0x183: {  	p0 =	sne.s32 s3, $0x100;
	v20 =	vadd.f32 v57, v20;
	v60 =	vmul.f32 v63, v63;
	v61 =	vmul.f32 v43, v63;
	v62 =	vld [tilespmem:s0+$0x470]  }
.Ltmp14:
0x184: {  	v30 =	vld [tilespmem:s6+$0x3070];
	v11 =	vadd.f32 v31, v11;
	v23 =	vadd.f32 v63, v23;
	v31 =	vmul.f32 v52, v52;
	(pc) =	sbr.rel @!p0 .LBB2_17-.Ltmp14, $4  }
0x185: {  	v15 =	vadd.f32 v60, v15;
	v10 =	vadd.f32 v61, v10;
	v63 =	vmul.f32 v44, v52;
	v33 =	vld [tilespmem:s0+$0x70]  }
0x186: {  	v21 =	vadd.f32 v52, v21;
	v13 =	vadd.f32 v31, v13  }
0x187: {  	v8 =	vadd.f32 v63, v8;
	v19 =	vadd.f32 v59, v19  }
0x188: {  	s7 =	simm.s32 $0x100;
	v31 =	vmul.f32 v59, v59;
	v32 =	vmul.f32 v45, v59;
	s0 =	smov.u32 s11;
	v34 =	vmax.f32 v47, v62  }
.LBB2_16:
0x189: {  	[tilespmem:s6+$0xD370] =	vst v34;
	s0 =	sadd.s32 $0x1, s0  }
0x18a: {  	v60 =	vld [tilespmem:s0+$0x0];
	_ =	sdelay $0x4  }
0x18b: {  	(v2sf) =	vpush v60, $0x0;
	_ =	sdelay $0xb  }
0x18c: {  	s3 =	rddreg [dreg:$0x4];
	s21 =	smov.u32 s7;
	s19 =	sadd.s32 $0x80, s19  }
0x18d: {  	s7 =	sadd.s32 $0x100, s7;
	s9 =	sand.u32 $0xFFFFF800, s21;
	s10 =	sand.u32 $0x380, s19  }
0x18e: {  	p0 =	sne.s32 s3, s7;
	s3 =	sor.u32 s10, s9  }
0x18f: {  	s9 =	sadd.s32 $0x18B00, s3;
	s21 =	spop (v2sf)  }
0x190: {  	v12 =	vadd.f32 v31, v12;
	v31 =	vld [tilespmem:s9+$0x400];
	s6 =	sshll.u32 s21, $0x7  }
0x191: {  	v61 =	vld [tilespmem:s6+$0xD300];
	_ =	sdelay $0x1  }
0x192: {  	v30 =	vmul.f32 v30, v33;
	_ =	sdelay $0x1  }
0x193: {  	v6 =	vadd.f32 v30, v6;
	v30 =	vld [tilespmem:s3+$0x18B00];
	s3 =	sshll.u32 s21, $0x3  }
0x194: {  	v62 =	vld [tilespmem:s6+$0xD310];
	s3 =	sshra.s32 s3, $0x2;
	v31 =	vmax.f32 v61, v31  }
0x195: {  	v49 =	vld [tilespmem:s3+$0xD000];
	[tilespmem:s6+$0xD300] =	vst v31  }
0x196: {  	v31 =	vld [tilespmem:s9+$0x410];
	_ =	sdelay $0x4  }
0x197: {  	v63 =	vld [tilespmem:s6+$0xD320];
	v31 =	vmax.f32 v62, v31  }
0x198: {  	v41 =	vld [tilespmem:s9+$0x10];
	[tilespmem:s6+$0xD310] =	vst v31  }
0x199: {  	v31 =	vld [tilespmem:s9+$0x420];
	_ =	sdelay $0x4  }
0x19a: {  	v36 =	vld [tilespmem:s6+$0xD330];
	v31 =	vmax.f32 v63, v31  }
0x19b: {  	v54 =	vld [tilespmem:s9+$0x20];
	[tilespmem:s6+$0xD320] =	vst v31  }
0x19c: {  	v31 =	vld [tilespmem:s9+$0x430];
	_ =	sdelay $0x4  }
0x19d: {  	v37 =	vld [tilespmem:s6+$0xD340];
	v31 =	vmax.f32 v36, v31  }
0x19e: {  	v56 =	vld [tilespmem:s9+$0x30];
	[tilespmem:s6+$0xD330] =	vst v31  }
0x19f: {  	v31 =	vld [tilespmem:s9+$0x440];
	_ =	sdelay $0x4  }
0x1a0: {  	v48 =	vld [tilespmem:s6+$0xD350];
	v31 =	vmax.f32 v37, v31  }
0x1a1: {  	v58 =	vld [tilespmem:s9+$0x40];
	[tilespmem:s6+$0xD340] =	vst v31  }
0x1a2: {  	v31 =	vld [tilespmem:s9+$0x450]  }
0x1a3: {  	v38 =	vld [tilespmem:s6+$0xD360]  }
0x1a4: {  	v40 =	vld [tilespmem:s6+$0x3000]  }
0x1a5: {  	v50 =	vld [tilespmem:s6+$0x3010]  }
0x1a6: {  	v51 =	vld [tilespmem:s6+$0x3020]  }
0x1a7: {  	v52 =	vld [tilespmem:s6+$0x3030];
	v31 =	vmax.f32 v48, v31  }
0x1a8: {  	v16 =	vadd.f32 v33, v16;
	v35 =	vmul.f32 v33, v33;
	v47 =	vmul.f32 v30, v30;
	v60 =	vld [tilespmem:s9+$0x50];
	[tilespmem:s6+$0xD350] =	vst v31  }
0x1a9: {  	v7 =	vadd.f32 v32, v7;
	v29 =	vadd.f32 v30, v29;
	v30 =	vmul.f32 v40, v30;
	v31 =	vld [tilespmem:s9+$0x460]  }
0x1aa: {  	v9 =	vadd.f32 v35, v9;
	v25 =	vadd.f32 v47, v25;
	v44 =	vmul.f32 v41, v41  }
0x1ab: {  	v42 =	vld [tilespmem:s6+$0x3040];
	v5 =	vadd.f32 v49, v5;
	v18 =	vadd.f32 v30, v18;
	v35 =	vmul.f32 v50, v41  }
0x1ac: {  	v39 =	vld [tilespmem:s6+$0xD370];
	v28 =	vadd.f32 v41, v28;
	v24 =	vadd.f32 v44, v24;
	v33 =	vmul.f32 v51, v54  }
0x1ad: {  	v43 =	vld [tilespmem:s6+$0x3050];
	v17 =	vadd.f32 v35, v17;
	v27 =	vadd.f32 v54, v27;
	v55 =	vmul.f32 v54, v54  }
0x1ae: {  	v53 =	vld [tilespmem:s6+$0x3060];
	v14 =	vadd.f32 v33, v14;
	v33 =	vmul.f32 v52, v56;
	v31 =	vmax.f32 v38, v31  }
0x1af: {  	v22 =	vadd.f32 v55, v22;
	v26 =	vadd.f32 v56, v26;
	v57 =	vmul.f32 v56, v56;
	v62 =	vld [tilespmem:s9+$0x60];
	[tilespmem:s6+$0xD360] =	vst v31  }
0x1b0: {  	v11 =	vadd.f32 v33, v11;
	v59 =	vmul.f32 v58, v58;
	v33 =	vmul.f32 v42, v58;
	v63 =	vld [tilespmem:s9+$0x470]  }
.Ltmp15:
0x1b1: {  	v20 =	vadd.f32 v57, v20;
	v23 =	vadd.f32 v58, v23;
	v61 =	vmul.f32 v60, v60;
	(pc) =	sbr.rel @p0 .LBB2_16-.Ltmp15, $4  }
0x1b2: {  	v15 =	vadd.f32 v59, v15;
	v10 =	vadd.f32 v33, v10;
	v32 =	vmul.f32 v43, v60  }
0x1b3: {  	v21 =	vadd.f32 v60, v21;
	v13 =	vadd.f32 v61, v13  }
0x1b4: {  	v30 =	vld [tilespmem:s6+$0x3070];
	v8 =	vadd.f32 v32, v8;
	v19 =	vadd.f32 v62, v19  }
0x1b5: {  	v32 =	vmul.f32 v53, v62;
	v31 =	vmul.f32 v62, v62;
	v33 =	vld [tilespmem:s9+$0x70];
	v34 =	vmax.f32 v39, v63  }
.Ltmp16:
0x1b6: {  	_ = 	snop;
	(pc) =	sbr.rel .LBB2_17-.Ltmp16, $1  }
0x1b7: {  	_ =	sdelay $0x3  }
.LBB2_19:
0x1b8: {  	p0 =	seq.s32 s24, $0x4F  }
0x1b9: {  	s0 =	sshrl.u32 @!p0 s25, $0x3  }
0x1ba: {  	s0 =	sadd.s32 @!p0 $0x1F4, s0  }
0x1bb: {  	s3 =	simm.s32 @!p0 $0x0;
	s1 =	sadd.s32 @!p0 s4, s0  }
0x1bc: {  	[tilespmem:s3], [sflag:$0x2] =	stream.linear.gather @!p0 [hbm4b:s1+s3], $0x7D0, $0x38;
	[tilespmem:$0x1A700] =	vst v63  }
0x1bd: {  	s0 =	sadd.s32 @!p0 s2, s0;
	s1 =	simm.s32 @!p0 $0x1000  }
0x1be: {  	[tilespmem:s1], [sflag:$0x2] =	stream.linear.gather @!p0 [hbm4b:s0+s3], $0x7D0, $0x38;
	[tilespmem:$0x1A700] =	vst v63  }
0x1bf: {  	_ =	swait.ge [sflag:s18], $0x7D0  }
0x1c0: {  	[sflag:s18] =	ssyncset.done $0x0  }
0x1c1: {  	[sflag:s18] =	ssyncadd.s32 $0xFFFFF830  }
0x1c2: {  	_ =	swait.ge [sflag:s18], $0x7D0  }
0x1c3: {  	[sflag:s18] =	ssyncset.done $0x0  }
0x1c4: {  	s30 =	simm.s32 $0x0;
	[sflag:s18] =	ssyncadd.s32 $0xFFFFF830  }
0x1c5: {  	v30 =	vld [tilespmem:s30+$0x1800];
	_ =	sdelay $0x4  }
0x1c6: {  	vm0 =	vge.s32 v30, v0;
	vm1 =	vlt.s32 v30, v1  }
0x1c7: {  	vm0 =	vmand vm0, vm1  }
0x1c8: {  	v31 =	vmpcnt.ones.xlane vm0;
	_ =	sdelay $0x1  }
0x1c9: {  	(v2sf) =	vpush v31, $0x0;
	_ =	sdelay $0xe  }
0x1ca: {  	s31 =	spop (v2sf)  }
0x1cb: {  	p1 =	slt.s32 s31, $0x1  }
0x1cc: {  	s1 =	simm.s32 @!p1 $0x0  }
0x1cd: {  	v31 =	vld @!p1 [tilespmem:s1+$0x800]  }
0x1ce: {  	v32 =	vimm.s32 @!p1 $0x0  }
0x1cf: {  	v32 =	vsel @!p1 vm0, $0x1, v32  }
0x1d0: {  	v30 =	vsub.s32 @!p1 v30, v0;
	v32 =	vxor.u32 @!p1 $0x80000001, v32  }
0x1d1: {  	(xrf1) =	vsort.ascd.msk.u32 @!p1 $0xffff, v32, v30  }
0x1d2: {  	(xrf1) =	vsort.ascd.msk.u32 @!p1 $0xffff, v32, v31;
	_ =	sdelay $0xc  }
0x1d3: {  	s7 =	simm.s32 $0x0;
	_, v30, _ =	vpop @!p1 (xrf1)  }
0x1d4: {  	s6 =	simm.s32 $0x80;
	s0 =	sadd.s32 $0x0, s31;
	s1 =	simm.s32 $0x40;
	[tilespmem:s7+$0x2800] =	vst @!p1 v30;
	_, v30, _ =	vpop @!p1 (xrf1)  }
.LBB2_20:
0x1d5: {  	s3 =	sshra.s32 s1, $0x2;
	[tilespmem:s7+$0x2000] =	vst @!p1 v30;
	s8 =	smov.u32 s6;
	s6 =	sadd.s32 $0x40, s6  }
0x1d6: {  	s7 =	smov.u32 s0;
	p0 =	sne.s32 s6, $0x1F40;
	v30 =	vld [tilespmem:s3+$0x1800];
	_ =	sdelay $0x4  }
0x1d7: {  	vm0 =	vge.s32 v30, v0;
	vm1 =	vlt.s32 v30, v1  }
0x1d8: {  	vm0 =	vmand vm0, vm1  }
0x1d9: {  	v31 =	vmpcnt.ones.xlane vm0;
	_ =	sdelay $0x1  }
0x1da: {  	(v2sf) =	vpush v31, $0x0;
	_ =	sdelay $0xe  }
0x1db: {  	s3 =	spop (v2sf)  }
0x1dc: {  	p1 =	slt.s32 s3, $0x1;
	s0 =	sadd.s32 s0, s3  }
0x1dd: {  	s3 =	sshra.s32 @!p1 s1, $0x2;
	v31 =	vimm.s32 @!p1 $0x0;
	v30 =	vsub.s32 @!p1 v30, v0;
	s1 =	smov.u32 s8  }
0x1de: {  	v32 =	vld @!p1 [tilespmem:s3+$0x800];
	v31 =	vsel @!p1 vm0, $0x1, v31  }
0x1df: {  	v31 =	vxor.u32 @!p1 $0x80000001, v31  }
0x1e0: {  	(xrf1) =	vsort.ascd.msk.u32 @!p1 $0xffff, v31, v30;
	_ =	sdelay $0x2  }
0x1e1: {  	(xrf1) =	vsort.ascd.msk.u32 @!p1 $0xffff, v31, v32;
	_ =	sdelay $0x9  }
.Ltmp17:
0x1e2: {  	(pc) =	sbr.rel @p0 .LBB2_20-.Ltmp17, $3  }
0x1e3: {  	_, v30, _ =	vpop @!p1 (xrf1)  }
0x1e4: {  	[tilespmem:s7+$0x2800] =	vst @!p1 v30;
	_ =	sdelay $0x1  }
0x1e5: {  	_, v30, _ =	vpop @!p1 (xrf1)  }
0x1e6: {  	s3 =	sshra.s32 s1, $0x2;
	[tilespmem:s7+$0x2000] =	vst @!p1 v30  }
0x1e7: {  	v30 =	vld [tilespmem:s3+$0x1800];
	_ =	sdelay $0x4  }
0x1e8: {  	vm0 =	vge.s32 v30, v0;
	vm1 =	vlt.s32 v30, v1  }
0x1e9: {  	vm0 =	vmand vm0, vm1  }
0x1ea: {  	v31 =	vmpcnt.ones.xlane vm0;
	_ =	sdelay $0x1  }
0x1eb: {  	(v2sf) =	vpush v31, $0x0;
	_ =	sdelay $0xe  }
0x1ec: {  	s13 =	spop (v2sf)  }
0x1ed: {  	p0 =	slt.s32 s13, $0x1  }
0x1ee: {  	s1 =	sshra.s32 @!p0 s1, $0x2  }
0x1ef: {  	v31 =	vld @!p0 [tilespmem:s1+$0x800]  }
0x1f0: {  	v32 =	vimm.s32 @!p0 $0x0  }
0x1f1: {  	v32 =	vsel @!p0 vm0, $0x1, v32  }
0x1f2: {  	v30 =	vsub.s32 @!p0 v30, v0;
	v32 =	vxor.u32 @!p0 $0x80000001, v32  }
0x1f3: {  	(xrf1) =	vsort.ascd.msk.u32 @!p0 $0xffff, v32, v30  }
0x1f4: {  	s25 =	sadd.s32 s0, s13;
	(xrf1) =	vsort.ascd.msk.u32 @!p0 $0xffff, v32, v31  }
0x1f5: {  	s19 =	sadd.s32 $0x17, s25  }
0x1f6: {  	s21 =	smulhi.u32 $0x2AAAAAAB, s19;
	s6 =	sshra.s32 s19, $0x1F  }
0x1f7: {  	s6 =	smul.u32 $0x2AAAAAAB, s6;
	_ =	sdelay $0x1  }
0x1f8: {  	s3 =	sadd.s32 s6, s21  }
0x1f9: {  	s6 =	sshrl.u32 s3, $0x1F;
	s3 =	sshra.s32 s3, $0x2  }
0x1fa: {  	s3 =	sadd.s32 s6, s3  }
0x1fb: {  	s6 =	smul.u32 $0xFFFFFFE8, s3  }
0x1fc: {  	s26 =	ssub.s32 $0xFFFFFFE9, s25  }
0x1fd: {  	p2 =	slt.s32 s19, $0x1;
	p4 =	sne.s32 s6, s26  }
0x1fe: {  	p1 =	por !p2, !p4  }
0x1ff: {  	s1 =	simm.s32 $0x1;
	p1 =	por !p1, !p1  }
0x200: {  	s1 =	simm.s32 @!p1 $0x0;
	_, v30, _ =	vpop @!p0 (xrf1)  }
0x201: {  	s26 =	ssub.s32 s3, s1;
	[tilespmem:s0+$0x2800] =	vst @!p0 v30;
	_, v30, _ =	vpop @!p0 (xrf1)  }
0x202: {  	[tilespmem:s0+$0x2000] =	vst @!p0 v30;
	p0 =	slt.s32 s26, $0x1  }
0x203: {  	v30 =	vld @!p0 [tilespmem:$0x2000];
	_ =	sdelay $0x4  }
0x204: {  	v31 =	vshll.u32 @!p0 v30, $0x1  }
0x205: {  	v32 =	vlaneseq.u32 @!p0;
	v30 =	vand.u32 @!p0 $0x7, v30;
	v31 =	vand.u32 @!p0 $0xFFFFFFF0, v31  }
0x206: {  	v33 =	vshrl.u32 @!p0 v32, $0x3;
	v30 =	vor.u32 @!p0 v30, v31;
	v31 =	vand.u32 @!p0 $0x7, v32  }
0x207: {  	v33 =	vmul.u32 @!p0 $0x8, v33;
	v34 =	vperm.xlane @!p0 v30, v31  }
0x208: {  	v32 =	vor.u32 @!p0 $0x8, v32  }
0x209: {  	v30 =	vperm.xlane @!p0 v30, v32;
	v34 =	vadd.s32 @!p0 v33, v34;
	_ =	sdelay $0x1  }
0x20a: {  	v30 =	vadd.s32 @!p0 v33, v30;
	_ =	sdelay $0x1  }
0x20b: {  	vm0 =	vmmov @!p0 $0xffff;
	s0 =	simm.s32 @!p0 $0x0;
	s1 =	simm.s32 @!p0 $0x17300  }
0x20c: {  	[tilespmem:s1], [sflag:$0x4] =	stream.indirect_vreg.gather @!p0 [hbm4b:s5+s0], $0x80, v34, vm0, $0xb8;
	[tilespmem:$0x1A700] =	vst v63  }
0x20d: {  	s1 =	simm.s32 @!p0 $0x17B00  }
0x20e: {  	[tilespmem:s1], [sflag:$0x4] =	stream.indirect_vreg.gather @!p0 [hbm4b:s5+s0], $0x80, v30, vm0, $0xb8;
	[tilespmem:$0x1A700] =	vst v63  }
0x20f: {  	v30 =	vld.msk @!p0 [tilespmem:$0x2010], $0xff;
	_ =	sdelay $0x4  }
0x210: {  	v32 =	vshll.u32 @!p0 v30, $0x1  }
0x211: {  	v30 =	vand.u32 @!p0 $0x7, v30;
	v32 =	vand.u32 @!p0 $0xFFFFFFF0, v32  }
0x212: {  	v30 =	vor.u32 @!p0 v30, v32  }
0x213: {  	v30 =	vperm.xlane @!p0 v30, v31;
	_ =	sdelay $0x1  }
0x214: {  	v30 =	vadd.s32 @!p0 v33, v30;
	_ =	sdelay $0x1  }
0x215: {  	s29 =	sadd.s32 $0x1, s26  }
0x216: {  	s30 =	sand.u32 $0x1, s29  }
0x217: {  	p5 =	slt.s32 s26, $0x0;
	p6 =	seq.s32 s30, $0x1;
	s1 =	simm.s32 @!p0 $0x18300  }
0x218: {  	[tilespmem:s1], [sflag:$0x4] =	stream.indirect_vreg.gather @!p0 [hbm4b:s5+s0], $0x80, v30, vm0, $0xb8;
	[tilespmem:$0x1A700] =	vst v63  }
0x219: {  	s31 =	sshrl.u32 s29, $0x1F;
	p0 =	por !p5, !p6  }
0x21a: {  	s0 =	sadd.s32 s31, s29;
	s1 =	simm.s32 $0x1;
	p0 =	por !p0, !p0  }
0x21b: {  	s0 =	sshra.s32 s0, $0x1;
	s1 =	simm.s32 @!p0 $0x0  }
0x21c: {  	s28 =	ssub.s32 s0, s1  }
0x21d: {  	p0 =	slt.s32 s28, $0x1  }
.Ltmp18:
0x21e: {  	_ = 	snop;
	(pc) =	sbr.rel @p0 .LBB2_32-.Ltmp18, $1  }
0x21f: {  	_ =	sdelay $0x3  }
.Ltmp19:
0x220: {  	(pc) =	sbr.rel .LBB2_23-.Ltmp19, $4  }
0x221: {  	_ = 	snop  }
0x222: {  	s29 =	sadd.s32 $0xFFFFFFE8, s25  }
0x223: {  	s30 =	sadd.s32 $0xFFFFFFFE, s26;
	s1 =	simm.s32 $0x0;
	s0 =	simm.s32 $0x2800  }
0x224: {  	s11 =	simm.s32 $0x2818;
	s12 =	smov.u32 s25;
	s13 =	simm.s32 $0x0  }
.LBB2_30:
0x225: {  	_ = 	snop  }
0x226: {  	v35 =	vmul.f32 v33, v33;
	v30 =	vmul.f32 v30, v33;
	v16 =	vadd.f32 v33, v16  }
0x227: {  	v12 =	vadd.f32 v31, v12;
	v7 =	vadd.f32 v32, v7  }
0x228: {  	[tilespmem:s6+$0xD370] =	vst v34;
	v9 =	vadd.f32 v35, v9;
	v6 =	vadd.f32 v30, v6  }
.LBB2_31:
0x229: {  	s13 =	sadd.s32 $0x1, s13  }
0x22a: {  	p0 =	sne.s32 s13, s28  }
.Ltmp20:
0x22b: {  	_ = 	snop;
	(pc) =	sbr.rel @!p0 .LBB2_32-.Ltmp20, $3  }
0x22c: {  	_ =	sdelay $0x1  }
0x22d: {  	s12 =	sadd.s32 $0xFFFFFFD0, s12  }
0x22e: {  	s29 =	sadd.s32 $0xFFFFFFD0, s29;
	s0 =	sadd.s32 $0x30, s0;
	s11 =	sadd.s32 $0x30, s11  }
.LBB2_23:
0x22f: {  	s3 =	smul.u32 $0x30, s13;
	s19 =	sshllo.u32 s13, $0x1  }
0x230: {  	p0 =	sge.s32 s19, s26  }
0x231: {  	v30 =	vld @!p0 [tilespmem:s3+$0x2018];
	_ =	sdelay $0x4  }
0x232: {  	v31 =	vshll.u32 @!p0 v30, $0x1  }
0x233: {  	v32 =	vlaneseq.u32 @!p0;
	v30 =	vand.u32 @!p0 $0x7, v30;
	v31 =	vand.u32 @!p0 $0xFFFFFFF0, v31  }
0x234: {  	v33 =	vshrl.u32 @!p0 v32, $0x3;
	v30 =	vor.u32 @!p0 v30, v31;
	v31 =	vand.u32 @!p0 $0x7, v32  }
0x235: {  	v33 =	vmul.u32 @!p0 $0x8, v33;
	v34 =	vperm.xlane @!p0 v30, v31  }
0x236: {  	v32 =	vor.u32 @!p0 $0x8, v32  }
0x237: {  	v30 =	vperm.xlane @!p0 v30, v32;
	v34 =	vadd.s32 @!p0 v33, v34;
	_ =	sdelay $0x1  }
0x238: {  	v30 =	vadd.s32 @!p0 v33, v30;
	_ =	sdelay $0x1  }
0x239: {  	vm0 =	vmmov @!p0 $0xffff;
	s6 =	simm.s32 @!p0 $0x0;
	s7 =	simm.s32 @!p0 $0x18B00  }
0x23a: {  	[tilespmem:s7], [sflag:$0x5] =	stream.indirect_vreg.gather @!p0 [hbm4b:s5+s6], $0x80, v34, vm0, $0xb8;
	[tilespmem:$0x1A700] =	vst v63  }
0x23b: {  	s7 =	simm.s32 @!p0 $0x19300  }
0x23c: {  	[tilespmem:s7], [sflag:$0x5] =	stream.indirect_vreg.gather @!p0 [hbm4b:s5+s6], $0x80, v30, vm0, $0xb8;
	[tilespmem:$0x1A700] =	vst v63  }
0x23d: {  	v30 =	vld.msk @!p0 [tilespmem:s3+$0x2028], $0xff;
	_ =	sdelay $0x4  }
0x23e: {  	v32 =	vshll.u32 @!p0 v30, $0x1  }
0x23f: {  	v30 =	vand.u32 @!p0 $0x7, v30;
	v32 =	vand.u32 @!p0 $0xFFFFFFF0, v32  }
0x240: {  	v30 =	vor.u32 @!p0 v30, v32  }
0x241: {  	v30 =	vperm.xlane @!p0 v30, v31;
	_ =	sdelay $0x1  }
0x242: {  	v30 =	vadd.s32 @!p0 v33, v30;
	_ =	sdelay $0x2  }
0x243: {  	s3 =	ssub.s32 s25, s3  }
0x244: {  	s21 =	sshll.u32 s13, $0x1;
	s7 =	simm.s32 @!p0 $0x19B00;
	p2 =	slt.s32 s3, $0x1  }
0x245: {  	[tilespmem:s7], [sflag:$0x5] =	stream.indirect_vreg.gather @!p0 [hbm4b:s5+s6], $0x80, v30, vm0, $0xb8;
	[tilespmem:$0x1A700] =	vst v63  }
.Ltmp21:
0x246: {  	p1 =	sge.s32 s21, s26;
	(pc) =	sbr.rel @p2 .LBB2_27-.Ltmp21, $4  }
0x247: {  	s6 =	simm.s32 @!p1 $0x4  }
0x248: {  	_ =	swait.ge @!p1 [sflag:s6], $0x1800  }
0x249: {  	[sflag:s6] =	ssyncset.done @!p1 $0x0  }
0x24a: {  	[sflag:s6] =	ssyncadd.s32 @!p1 $0xFFFFE800  }
0x24b: {  	v30 =	vld [tilespmem:s0+$0x0];
	_ =	sdelay $0x4  }
0x24c: {  	(v2sf) =	vpush v30, $0x0;
	_ =	sdelay $0xc  }
0x24d: {  	s3 =	sand.u32 $0xFFFFF800, s1;
	s6 =	sand.u32 $0x380, s1  }
0x24e: {  	s3 =	sor.u32 s6, s3  }
0x24f: {  	s8 =	sadd.s32 $0x17300, s3;
	s7 =	spop (v2sf)  }
0x250: {  	v30 =	vld [tilespmem:s8+$0x400];
	s6 =	sshll.u32 s7, $0x7  }
0x251: {  	v31 =	vld [tilespmem:s6+$0xD300];
	_ =	sdelay $0x3  }
0x252: {  	v32 =	vld [tilespmem:s3+$0x17300];
	s31 =	sshll.u32 s7, $0x3  }
0x253: {  	v33 =	vld [tilespmem:s6+$0xD310];
	s3 =	sshra.s32 s31, $0x2;
	v30 =	vmax.f32 v31, v30  }
0x254: {  	v31 =	vld [tilespmem:s3+$0xD000];
	[tilespmem:s6+$0xD300] =	vst v30  }
0x255: {  	v30 =	vld [tilespmem:s8+$0x410];
	_ =	sdelay $0x4  }
0x256: {  	v34 =	vld [tilespmem:s6+$0xD320];
	v30 =	vmax.f32 v33, v30  }
0x257: {  	v60 =	vld [tilespmem:s8+$0x10];
	[tilespmem:s6+$0xD310] =	vst v30  }
0x258: {  	v41 =	vld [tilespmem:s8+$0x420];
	_ =	sdelay $0x4  }
0x259: {  	v35 =	vld [tilespmem:s6+$0xD330];
	v34 =	vmax.f32 v34, v41  }
0x25a: {  	v61 =	vld [tilespmem:s8+$0x20];
	[tilespmem:s6+$0xD320] =	vst v34  }
0x25b: {  	v34 =	vld [tilespmem:s8+$0x430];
	_ =	sdelay $0x4  }
0x25c: {  	v36 =	vld [tilespmem:s6+$0xD340];
	v34 =	vmax.f32 v35, v34  }
0x25d: {  	v62 =	vld [tilespmem:s8+$0x30];
	[tilespmem:s6+$0xD330] =	vst v34  }
0x25e: {  	v34 =	vld [tilespmem:s8+$0x440];
	_ =	sdelay $0x4  }
0x25f: {  	v40 =	vld [tilespmem:s6+$0xD350];
	v34 =	vmax.f32 v36, v34  }
0x260: {  	v63 =	vld [tilespmem:s8+$0x40];
	[tilespmem:s6+$0xD340] =	vst v34  }
0x261: {  	v34 =	vld [tilespmem:s8+$0x450];
	_ =	sdelay $0x1  }
0x262: {  	v37 =	vld [tilespmem:s6+$0x3000]  }
0x263: {  	v38 =	vld [tilespmem:s6+$0x3010]  }
0x264: {  	v39 =	vld [tilespmem:s6+$0x3020]  }
0x265: {  	v46 =	vld [tilespmem:s6+$0xD360];
	v34 =	vmax.f32 v40, v34  }
0x266: {  	v48 =	vmul.f32 v32, v32;
	v52 =	vld [tilespmem:s8+$0x50];
	[tilespmem:s6+$0xD350] =	vst v34  }
0x267: {  	v53 =	vmul.f32 v37, v32;
	v54 =	vld [tilespmem:s8+$0x460]  }
0x268: {  	p1 =	sgt.s32 s12, $0x1;
	v29 =	vadd.f32 v32, v29;
	v25 =	vadd.f32 v48, v25;
	v42 =	vld [tilespmem:s6+$0x3030];
	s3 =	smov.u32 s12;
	v55 =	vmul.f32 v60, v60  }
0x269: {  	v43 =	vld [tilespmem:s6+$0x3040];
	s3 =	simm.s32 @!p1 $0x1;
	v18 =	vadd.f32 v53, v18;
	v5 =	vadd.f32 v31, v5;
	v31 =	vmul.f32 v38, v60  }
0x26a: {  	v44 =	vld [tilespmem:s6+$0x3050];
	s3 =	smin.u32 s3, $0x18;
	v28 =	vadd.f32 v60, v28;
	v24 =	vadd.f32 v55, v24;
	v56 =	vmul.f32 v61, v61  }
0x26b: {  	v45 =	vld [tilespmem:s6+$0x3060];
	s3 =	sshll.u32 s3, $0x8;
	v17 =	vadd.f32 v31, v17;
	v27 =	vadd.f32 v61, v27;
	v31 =	vmul.f32 v39, v61  }
0x26c: {  	v47 =	vld [tilespmem:s6+$0xD370];
	[dreg:$0x5] =	wrdreg s3;
	v22 =	vadd.f32 v56, v22;
	v57 =	vmul.f32 v62, v62;
	v58 =	vmax.f32 v46, v54  }
0x26d: {  	s3 =	rddreg [dreg:$0x5];
	v14 =	vadd.f32 v31, v14;
	v26 =	vadd.f32 v62, v26;
	v31 =	vmul.f32 v42, v62;
	v59 =	vld [tilespmem:s8+$0x60];
	[tilespmem:s6+$0xD360] =	vst v58  }
0x26e: {  	p1 =	sne.s32 s3, $0x100;
	v20 =	vadd.f32 v57, v20;
	v60 =	vmul.f32 v63, v63;
	v61 =	vmul.f32 v43, v63;
	v62 =	vld [tilespmem:s8+$0x470]  }
.Ltmp22:
0x26f: {  	v11 =	vadd.f32 v31, v11;
	v23 =	vadd.f32 v63, v23;
	v31 =	vmul.f32 v52, v52;
	(pc) =	sbr.rel @!p1 .LBB2_26-.Ltmp22, $4  }
0x270: {  	v15 =	vadd.f32 v60, v15;
	v10 =	vadd.f32 v61, v10;
	v63 =	vmul.f32 v44, v52  }
0x271: {  	v21 =	vadd.f32 v52, v21;
	v13 =	vadd.f32 v31, v13  }
0x272: {  	v30 =	vld [tilespmem:s6+$0x3070];
	v8 =	vadd.f32 v63, v8;
	v19 =	vadd.f32 v59, v19  }
0x273: {  	s9 =	simm.s32 $0x0;
	s7 =	simm.s32 $0x100;
	v31 =	vmul.f32 v59, v59;
	v32 =	vmul.f32 v45, v59;
	v33 =	vld [tilespmem:s8+$0x70];
	s8 =	smov.u32 s0;
	v34 =	vmax.f32 v47, v62  }
.LBB2_25:
0x274: {  	[tilespmem:s6+$0xD370] =	vst v34;
	s8 =	sadd.s32 $0x1, s8  }
0x275: {  	v60 =	vld [tilespmem:s8+$0x0];
	_ =	sdelay $0x4  }
0x276: {  	(v2sf) =	vpush v60, $0x0;
	_ =	sdelay $0xb  }
0x277: {  	s3 =	rddreg [dreg:$0x5];
	s31 =	smov.u32 s7;
	s9 =	sadd.s32 $0x80, s9  }
0x278: {  	s7 =	sadd.s32 $0x100, s7;
	s6 =	sand.u32 $0xFFFFF800, s31;
	s10 =	sand.u32 $0x380, s9  }
0x279: {  	p1 =	sne.s32 s3, s7;
	s3 =	sor.u32 s10, s6  }
0x27a: {  	s10 =	sadd.s32 $0x17300, s3;
	s31 =	spop (v2sf)  }
0x27b: {  	v12 =	vadd.f32 v31, v12;
	v31 =	vld [tilespmem:s10+$0x400];
	s6 =	sshll.u32 s31, $0x7  }
0x27c: {  	v61 =	vld [tilespmem:s6+$0xD300];
	_ =	sdelay $0x1  }
0x27d: {  	v30 =	vmul.f32 v30, v33;
	_ =	sdelay $0x1  }
0x27e: {  	v6 =	vadd.f32 v30, v6;
	v30 =	vld [tilespmem:s3+$0x17300];
	s3 =	sshll.u32 s31, $0x3  }
0x27f: {  	v62 =	vld [tilespmem:s6+$0xD310];
	s3 =	sshra.s32 s3, $0x2;
	v31 =	vmax.f32 v61, v31  }
0x280: {  	v49 =	vld [tilespmem:s3+$0xD000];
	[tilespmem:s6+$0xD300] =	vst v31  }
0x281: {  	v31 =	vld [tilespmem:s10+$0x410];
	_ =	sdelay $0x4  }
0x282: {  	v63 =	vld [tilespmem:s6+$0xD320];
	v31 =	vmax.f32 v62, v31  }
0x283: {  	v41 =	vld [tilespmem:s10+$0x10];
	[tilespmem:s6+$0xD310] =	vst v31  }
0x284: {  	v31 =	vld [tilespmem:s10+$0x420];
	_ =	sdelay $0x4  }
0x285: {  	v36 =	vld [tilespmem:s6+$0xD330];
	v31 =	vmax.f32 v63, v31  }
0x286: {  	v54 =	vld [tilespmem:s10+$0x20];
	[tilespmem:s6+$0xD320] =	vst v31  }
0x287: {  	v31 =	vld [tilespmem:s10+$0x430];
	_ =	sdelay $0x4  }
0x288: {  	v37 =	vld [tilespmem:s6+$0xD340];
	v31 =	vmax.f32 v36, v31  }
0x289: {  	v56 =	vld [tilespmem:s10+$0x30];
	[tilespmem:s6+$0xD330] =	vst v31  }
0x28a: {  	v31 =	vld [tilespmem:s10+$0x440];
	_ =	sdelay $0x4  }
0x28b: {  	v48 =	vld [tilespmem:s6+$0xD350];
	v31 =	vmax.f32 v37, v31  }
0x28c: {  	v58 =	vld [tilespmem:s10+$0x40];
	[tilespmem:s6+$0xD340] =	vst v31  }
0x28d: {  	v31 =	vld [tilespmem:s10+$0x450]  }
0x28e: {  	v38 =	vld [tilespmem:s6+$0xD360]  }
0x28f: {  	v40 =	vld [tilespmem:s6+$0x3000]  }
0x290: {  	v50 =	vld [tilespmem:s6+$0x3010]  }
0x291: {  	v51 =	vld [tilespmem:s6+$0x3020]  }
0x292: {  	v52 =	vld [tilespmem:s6+$0x3030];
	v31 =	vmax.f32 v48, v31  }
0x293: {  	v7 =	vadd.f32 v32, v7;
	v35 =	vmul.f32 v33, v33;
	v47 =	vmul.f32 v30, v30;
	v60 =	vld [tilespmem:s10+$0x50];
	[tilespmem:s6+$0xD350] =	vst v31  }
0x294: {  	v16 =	vadd.f32 v33, v16;
	v29 =	vadd.f32 v30, v29;
	v30 =	vmul.f32 v40, v30;
	v31 =	vld [tilespmem:s10+$0x460]  }
0x295: {  	v9 =	vadd.f32 v35, v9;
	v25 =	vadd.f32 v47, v25;
	v44 =	vmul.f32 v41, v41  }
0x296: {  	v42 =	vld [tilespmem:s6+$0x3040];
	v5 =	vadd.f32 v49, v5;
	v18 =	vadd.f32 v30, v18;
	v35 =	vmul.f32 v50, v41  }
0x297: {  	v39 =	vld [tilespmem:s6+$0xD370];
	v28 =	vadd.f32 v41, v28;
	v24 =	vadd.f32 v44, v24;
	v33 =	vmul.f32 v51, v54  }
0x298: {  	v43 =	vld [tilespmem:s6+$0x3050];
	v17 =	vadd.f32 v35, v17;
	v27 =	vadd.f32 v54, v27;
	v55 =	vmul.f32 v54, v54  }
0x299: {  	v53 =	vld [tilespmem:s6+$0x3060];
	v14 =	vadd.f32 v33, v14;
	v33 =	vmul.f32 v52, v56;
	v31 =	vmax.f32 v38, v31  }
0x29a: {  	v22 =	vadd.f32 v55, v22;
	v26 =	vadd.f32 v56, v26;
	v57 =	vmul.f32 v56, v56;
	v62 =	vld [tilespmem:s10+$0x60];
	[tilespmem:s6+$0xD360] =	vst v31  }
0x29b: {  	v11 =	vadd.f32 v33, v11;
	v59 =	vmul.f32 v58, v58;
	v33 =	vmul.f32 v42, v58;
	v63 =	vld [tilespmem:s10+$0x470]  }
.Ltmp23:
0x29c: {  	v20 =	vadd.f32 v57, v20;
	v23 =	vadd.f32 v58, v23;
	v61 =	vmul.f32 v60, v60;
	(pc) =	sbr.rel @p1 .LBB2_25-.Ltmp23, $4  }
0x29d: {  	v15 =	vadd.f32 v59, v15;
	v10 =	vadd.f32 v33, v10;
	v32 =	vmul.f32 v43, v60  }
0x29e: {  	v21 =	vadd.f32 v60, v21;
	v13 =	vadd.f32 v61, v13  }
0x29f: {  	v30 =	vld [tilespmem:s6+$0x3070];
	v8 =	vadd.f32 v32, v8;
	v19 =	vadd.f32 v62, v19  }
0x2a0: {  	v32 =	vmul.f32 v53, v62;
	v31 =	vmul.f32 v62, v62;
	v33 =	vld [tilespmem:s10+$0x70];
	v34 =	vmax.f32 v39, v63  }
.LBB2_26:
0x2a1: {  	_ =	sdelay $0x3  }
0x2a2: {  	v12 =	vadd.f32 v31, v12;
	v35 =	vmul.f32 v33, v33;
	v30 =	vmul.f32 v30, v33  }
0x2a3: {  	v7 =	vadd.f32 v32, v7;
	v16 =	vadd.f32 v33, v16  }
0x2a4: {  	[tilespmem:s6+$0xD370] =	vst v34;
	v9 =	vadd.f32 v35, v9;
	v6 =	vadd.f32 v30, v6  }
.LBB2_27:
0x2a5: {  	s3 =	smul.u32 $0x18, s19  }
0x2a6: {  	p1 =	sge.s32 s21, s30  }
0x2a7: {  	v30 =	vld @!p1 [tilespmem:s3+$0x2018];
	_ =	sdelay $0x4  }
0x2a8: {  	v31 =	vshll.u32 @!p1 v30, $0x1  }
0x2a9: {  	v32 =	vlaneseq.u32 @!p1;
	v30 =	vand.u32 @!p1 $0x7, v30;
	v31 =	vand.u32 @!p1 $0xFFFFFFF0, v31  }
0x2aa: {  	v33 =	vshrl.u32 @!p1 v32, $0x3;
	v30 =	vor.u32 @!p1 v30, v31;
	v31 =	vand.u32 @!p1 $0x7, v32  }
0x2ab: {  	v33 =	vmul.u32 @!p1 $0x8, v33;
	v34 =	vperm.xlane @!p1 v30, v31  }
0x2ac: {  	v32 =	vor.u32 @!p1 $0x8, v32  }
0x2ad: {  	v30 =	vperm.xlane @!p1 v30, v32;
	v34 =	vadd.s32 @!p1 v33, v34;
	_ =	sdelay $0x1  }
0x2ae: {  	v30 =	vadd.s32 @!p1 v33, v30;
	_ =	sdelay $0x1  }
0x2af: {  	vm0 =	vmmov @!p1 $0xffff;
	s6 =	simm.s32 @!p1 $0x0;
	s7 =	simm.s32 @!p1 $0x17300  }
0x2b0: {  	[tilespmem:s7], [sflag:$0x4] =	stream.indirect_vreg.gather @!p1 [hbm4b:s5+s6], $0x80, v34, vm0, $0xb8;
	[tilespmem:$0x1A700] =	vst v63  }
0x2b1: {  	s7 =	simm.s32 @!p1 $0x17B00  }
0x2b2: {  	[tilespmem:s7], [sflag:$0x4] =	stream.indirect_vreg.gather @!p1 [hbm4b:s5+s6], $0x80, v30, vm0, $0xb8;
	[tilespmem:$0x1A700] =	vst v63  }
0x2b3: {  	v30 =	vld.msk @!p1 [tilespmem:s3+$0x2028], $0xff;
	_ =	sdelay $0x4  }
0x2b4: {  	v32 =	vshll.u32 @!p1 v30, $0x1  }
0x2b5: {  	v30 =	vand.u32 @!p1 $0x7, v30;
	v32 =	vand.u32 @!p1 $0xFFFFFFF0, v32  }
0x2b6: {  	v30 =	vor.u32 @!p1 v30, v32  }
0x2b7: {  	v30 =	vperm.xlane @!p1 v30, v31;
	_ =	sdelay $0x1  }
0x2b8: {  	v30 =	vadd.s32 @!p1 v33, v30;
	_ =	sdelay $0x3  }
0x2b9: {  	s7 =	simm.s32 @!p1 $0x18300;
	s3 =	ssub.s32 s25, s3  }
0x2ba: {  	[tilespmem:s7], [sflag:$0x4] =	stream.indirect_vreg.gather @!p1 [hbm4b:s5+s6], $0x80, v30, vm0, $0xb8;
	[tilespmem:$0x1A700] =	vst v63  }
0x2bb: {  	p1 =	slt.s32 s3, $0x1  }
.Ltmp24:
0x2bc: {  	_ = 	snop;
	(pc) =	sbr.rel @p1 .LBB2_31-.Ltmp24, $4  }
0x2bd: {  	s6 =	simm.s32 @!p0 $0x5  }
0x2be: {  	_ =	swait.ge @!p0 [sflag:s6], $0x1800  }
0x2bf: {  	[sflag:s6] =	ssyncset.done @!p0 $0x0  }
0x2c0: {  	[sflag:s6] =	ssyncadd.s32 @!p0 $0xFFFFE800  }
0x2c1: {  	v30 =	vld [tilespmem:s11+$0x0];
	_ =	sdelay $0x4  }
0x2c2: {  	(v2sf) =	vpush v30, $0x0;
	_ =	sdelay $0xb  }
0x2c3: {  	s19 =	simm.s32 $0x0  }
0x2c4: {  	s3 =	sand.u32 $0xFFFFF800, s19;
	s6 =	sand.u32 $0x380, s19  }
0x2c5: {  	s3 =	sor.u32 s6, s3  }
0x2c6: {  	s8 =	sadd.s32 $0x18B00, s3;
	s7 =	spop (v2sf)  }
0x2c7: {  	v30 =	vld [tilespmem:s8+$0x400];
	s6 =	sshll.u32 s7, $0x7  }
0x2c8: {  	v31 =	vld [tilespmem:s6+$0xD300];
	_ =	sdelay $0x3  }
0x2c9: {  	v32 =	vld [tilespmem:s3+$0x18B00];
	s31 =	sshll.u32 s7, $0x3  }
0x2ca: {  	v33 =	vld [tilespmem:s6+$0xD310];
	s3 =	sshra.s32 s31, $0x2;
	v30 =	vmax.f32 v31, v30  }
0x2cb: {  	v31 =	vld [tilespmem:s3+$0xD000];
	[tilespmem:s6+$0xD300] =	vst v30  }
0x2cc: {  	v30 =	vld [tilespmem:s8+$0x410];
	_ =	sdelay $0x4  }
0x2cd: {  	v34 =	vld [tilespmem:s6+$0xD320];
	v30 =	vmax.f32 v33, v30  }
0x2ce: {  	v60 =	vld [tilespmem:s8+$0x10];
	[tilespmem:s6+$0xD310] =	vst v30  }
0x2cf: {  	v41 =	vld [tilespmem:s8+$0x420];
	_ =	sdelay $0x4  }
0x2d0: {  	v35 =	vld [tilespmem:s6+$0xD330];
	v34 =	vmax.f32 v34, v41  }
0x2d1: {  	v61 =	vld [tilespmem:s8+$0x20];
	[tilespmem:s6+$0xD320] =	vst v34  }
0x2d2: {  	v34 =	vld [tilespmem:s8+$0x430];
	_ =	sdelay $0x4  }
0x2d3: {  	v36 =	vld [tilespmem:s6+$0xD340];
	v34 =	vmax.f32 v35, v34  }
0x2d4: {  	v62 =	vld [tilespmem:s8+$0x30];
	[tilespmem:s6+$0xD330] =	vst v34  }
0x2d5: {  	v34 =	vld [tilespmem:s8+$0x440];
	_ =	sdelay $0x4  }
0x2d6: {  	v40 =	vld [tilespmem:s6+$0xD350];
	v34 =	vmax.f32 v36, v34  }
0x2d7: {  	v63 =	vld [tilespmem:s8+$0x40];
	[tilespmem:s6+$0xD340] =	vst v34  }
0x2d8: {  	v34 =	vld [tilespmem:s8+$0x450];
	_ =	sdelay $0x1  }
0x2d9: {  	v37 =	vld [tilespmem:s6+$0x3000]  }
0x2da: {  	v38 =	vld [tilespmem:s6+$0x3010]  }
0x2db: {  	v39 =	vld [tilespmem:s6+$0x3020]  }
0x2dc: {  	v46 =	vld [tilespmem:s6+$0xD360];
	v34 =	vmax.f32 v40, v34  }
0x2dd: {  	v48 =	vmul.f32 v32, v32;
	v52 =	vld [tilespmem:s8+$0x50];
	[tilespmem:s6+$0xD350] =	vst v34  }
0x2de: {  	v53 =	vmul.f32 v37, v32;
	v54 =	vld [tilespmem:s8+$0x460]  }
0x2df: {  	p0 =	sgt.s32 s29, $0x1;
	v29 =	vadd.f32 v32, v29;
	v25 =	vadd.f32 v48, v25;
	v42 =	vld [tilespmem:s6+$0x3030];
	s3 =	smov.u32 s29;
	v55 =	vmul.f32 v60, v60  }
0x2e0: {  	v43 =	vld [tilespmem:s6+$0x3040];
	s3 =	simm.s32 @!p0 $0x1;
	v18 =	vadd.f32 v53, v18;
	v5 =	vadd.f32 v31, v5;
	v31 =	vmul.f32 v38, v60  }
0x2e1: {  	v44 =	vld [tilespmem:s6+$0x3050];
	s3 =	smin.u32 s3, $0x18;
	v28 =	vadd.f32 v60, v28;
	v24 =	vadd.f32 v55, v24;
	v56 =	vmul.f32 v61, v61  }
0x2e2: {  	v45 =	vld [tilespmem:s6+$0x3060];
	s3 =	sshll.u32 s3, $0x8;
	v17 =	vadd.f32 v31, v17;
	v27 =	vadd.f32 v61, v27;
	v31 =	vmul.f32 v39, v61  }
0x2e3: {  	v47 =	vld [tilespmem:s6+$0xD370];
	[dreg:$0x6] =	wrdreg s3;
	v22 =	vadd.f32 v56, v22;
	v57 =	vmul.f32 v62, v62;
	v58 =	vmax.f32 v46, v54  }
0x2e4: {  	s3 =	rddreg [dreg:$0x6];
	v14 =	vadd.f32 v31, v14;
	v26 =	vadd.f32 v62, v26;
	v31 =	vmul.f32 v42, v62;
	v59 =	vld [tilespmem:s8+$0x60];
	[tilespmem:s6+$0xD360] =	vst v58  }
0x2e5: {  	p0 =	sne.s32 s3, $0x100;
	v20 =	vadd.f32 v57, v20;
	v60 =	vmul.f32 v63, v63;
	v61 =	vmul.f32 v43, v63;
	v62 =	vld [tilespmem:s8+$0x470]  }
.Ltmp25:
0x2e6: {  	v30 =	vld [tilespmem:s6+$0x3070];
	v11 =	vadd.f32 v31, v11;
	v23 =	vadd.f32 v63, v23;
	v31 =	vmul.f32 v52, v52;
	(pc) =	sbr.rel @!p0 .LBB2_30-.Ltmp25, $4  }
0x2e7: {  	v15 =	vadd.f32 v60, v15;
	v10 =	vadd.f32 v61, v10;
	v63 =	vmul.f32 v44, v52;
	v33 =	vld [tilespmem:s8+$0x70]  }
0x2e8: {  	v21 =	vadd.f32 v52, v21;
	v13 =	vadd.f32 v31, v13  }
0x2e9: {  	v8 =	vadd.f32 v63, v8;
	v19 =	vadd.f32 v59, v19  }
0x2ea: {  	s7 =	simm.s32 $0x100;
	v31 =	vmul.f32 v59, v59;
	v32 =	vmul.f32 v45, v59;
	s8 =	smov.u32 s11;
	v34 =	vmax.f32 v47, v62  }
.LBB2_29:
0x2eb: {  	[tilespmem:s6+$0xD370] =	vst v34;
	s8 =	sadd.s32 $0x1, s8  }
0x2ec: {  	v60 =	vld [tilespmem:s8+$0x0];
	_ =	sdelay $0x4  }
0x2ed: {  	(v2sf) =	vpush v60, $0x0;
	_ =	sdelay $0xb  }
0x2ee: {  	s3 =	rddreg [dreg:$0x6];
	s9 =	smov.u32 s7;
	s19 =	sadd.s32 $0x80, s19  }
0x2ef: {  	s7 =	sadd.s32 $0x100, s7;
	s10 =	sand.u32 $0xFFFFF800, s9;
	s21 =	sand.u32 $0x380, s19  }
0x2f0: {  	p0 =	sne.s32 s3, s7;
	s3 =	sor.u32 s21, s10  }
0x2f1: {  	s9 =	sadd.s32 $0x18B00, s3;
	s31 =	spop (v2sf)  }
0x2f2: {  	v12 =	vadd.f32 v31, v12;
	v31 =	vld [tilespmem:s9+$0x400];
	s6 =	sshll.u32 s31, $0x7  }
0x2f3: {  	v61 =	vld [tilespmem:s6+$0xD300];
	_ =	sdelay $0x1  }
0x2f4: {  	v30 =	vmul.f32 v30, v33;
	_ =	sdelay $0x1  }
0x2f5: {  	v6 =	vadd.f32 v30, v6;
	v30 =	vld [tilespmem:s3+$0x18B00];
	s3 =	sshll.u32 s31, $0x3  }
0x2f6: {  	v62 =	vld [tilespmem:s6+$0xD310];
	s3 =	sshra.s32 s3, $0x2;
	v31 =	vmax.f32 v61, v31  }
0x2f7: {  	v49 =	vld [tilespmem:s3+$0xD000];
	[tilespmem:s6+$0xD300] =	vst v31  }
0x2f8: {  	v31 =	vld [tilespmem:s9+$0x410];
	_ =	sdelay $0x4  }
0x2f9: {  	v63 =	vld [tilespmem:s6+$0xD320];
	v31 =	vmax.f32 v62, v31  }
0x2fa: {  	v41 =	vld [tilespmem:s9+$0x10];
	[tilespmem:s6+$0xD310] =	vst v31  }
0x2fb: {  	v31 =	vld [tilespmem:s9+$0x420];
	_ =	sdelay $0x4  }
0x2fc: {  	v36 =	vld [tilespmem:s6+$0xD330];
	v31 =	vmax.f32 v63, v31  }
0x2fd: {  	v54 =	vld [tilespmem:s9+$0x20];
	[tilespmem:s6+$0xD320] =	vst v31  }
0x2fe: {  	v31 =	vld [tilespmem:s9+$0x430];
	_ =	sdelay $0x4  }
0x2ff: {  	v37 =	vld [tilespmem:s6+$0xD340];
	v31 =	vmax.f32 v36, v31  }
0x300: {  	v56 =	vld [tilespmem:s9+$0x30];
	[tilespmem:s6+$0xD330] =	vst v31  }
0x301: {  	v31 =	vld [tilespmem:s9+$0x440];
	_ =	sdelay $0x4  }
0x302: {  	v48 =	vld [tilespmem:s6+$0xD350];
	v31 =	vmax.f32 v37, v31  }
0x303: {  	v58 =	vld [tilespmem:s9+$0x40];
	[tilespmem:s6+$0xD340] =	vst v31  }
0x304: {  	v31 =	vld [tilespmem:s9+$0x450]  }
0x305: {  	v38 =	vld [tilespmem:s6+$0xD360]  }
0x306: {  	v40 =	vld [tilespmem:s6+$0x3000]  }
0x307: {  	v50 =	vld [tilespmem:s6+$0x3010]  }
0x308: {  	v51 =	vld [tilespmem:s6+$0x3020]  }
0x309: {  	v52 =	vld [tilespmem:s6+$0x3030];
	v31 =	vmax.f32 v48, v31  }
0x30a: {  	v16 =	vadd.f32 v33, v16;
	v35 =	vmul.f32 v33, v33;
	v47 =	vmul.f32 v30, v30;
	v60 =	vld [tilespmem:s9+$0x50];
	[tilespmem:s6+$0xD350] =	vst v31  }
0x30b: {  	v7 =	vadd.f32 v32, v7;
	v29 =	vadd.f32 v30, v29;
	v30 =	vmul.f32 v40, v30;
	v31 =	vld [tilespmem:s9+$0x460]  }
0x30c: {  	v9 =	vadd.f32 v35, v9;
	v25 =	vadd.f32 v47, v25;
	v44 =	vmul.f32 v41, v41  }
0x30d: {  	v42 =	vld [tilespmem:s6+$0x3040];
	v5 =	vadd.f32 v49, v5;
	v18 =	vadd.f32 v30, v18;
	v35 =	vmul.f32 v50, v41  }
0x30e: {  	v39 =	vld [tilespmem:s6+$0xD370];
	v28 =	vadd.f32 v41, v28;
	v24 =	vadd.f32 v44, v24;
	v33 =	vmul.f32 v51, v54  }
0x30f: {  	v43 =	vld [tilespmem:s6+$0x3050];
	v17 =	vadd.f32 v35, v17;
	v27 =	vadd.f32 v54, v27;
	v55 =	vmul.f32 v54, v54  }
0x310: {  	v53 =	vld [tilespmem:s6+$0x3060];
	v14 =	vadd.f32 v33, v14;
	v33 =	vmul.f32 v52, v56;
	v31 =	vmax.f32 v38, v31  }
0x311: {  	v22 =	vadd.f32 v55, v22;
	v26 =	vadd.f32 v56, v26;
	v57 =	vmul.f32 v56, v56;
	v62 =	vld [tilespmem:s9+$0x60];
	[tilespmem:s6+$0xD360] =	vst v31  }
0x312: {  	v11 =	vadd.f32 v33, v11;
	v59 =	vmul.f32 v58, v58;
	v33 =	vmul.f32 v42, v58;
	v63 =	vld [tilespmem:s9+$0x470]  }
.Ltmp26:
0x313: {  	v20 =	vadd.f32 v57, v20;
	v23 =	vadd.f32 v58, v23;
	v61 =	vmul.f32 v60, v60;
	(pc) =	sbr.rel @p0 .LBB2_29-.Ltmp26, $4  }
0x314: {  	v15 =	vadd.f32 v59, v15;
	v10 =	vadd.f32 v33, v10;
	v32 =	vmul.f32 v43, v60  }
0x315: {  	v21 =	vadd.f32 v60, v21;
	v13 =	vadd.f32 v61, v13  }
0x316: {  	v30 =	vld [tilespmem:s6+$0x3070];
	v8 =	vadd.f32 v32, v8;
	v19 =	vadd.f32 v62, v19  }
0x317: {  	v32 =	vmul.f32 v53, v62;
	v31 =	vmul.f32 v62, v62;
	v33 =	vld [tilespmem:s9+$0x70];
	v34 =	vmax.f32 v39, v63  }
.Ltmp27:
0x318: {  	_ = 	snop;
	(pc) =	sbr.rel .LBB2_30-.Ltmp27, $1  }
0x319: {  	_ =	sdelay $0x3  }
.LBB2_34:
0x31a: {  	_ =	sfence.sel $0x180000  }
0x31b: {  	[bflag:$0x0] =	sbarrier.arrive $0xFFFF  }
0x31c: {  	_ =	strace $0x90000047  }
0x31d: {  	s0 =	stileid.u32;
	[bflag:$0x2] =	sbarrier.arrive $0xFFFF  }
0x31e: {  	p0 =	sne.s32 s0, $0x0;
	s0 =	rddreg [dreg:$0x2]  }
0x31f: {  	s0 =	sadd.s32 @!p0 $0x100000, s0  }
0x320: {  	[sflag:s0] =	ssyncadd.tile.s32 @!p0 $0x1;
	_ =	shalt  }
.Lfunc_end2:
_tile_overlayer_lowered:
.L_overlay_start_2:
0x321: {  	(tag) =	ssettag $0x2  }
0x322: {  	s0 =	rddreg [dreg:$0x0];
	s2 =	stileid.u32  }
0x323: {  	s1 =	rddreg [dreg:$0x1];
	p0 =	sne.s32 s2, $0x0  }
0x324: {  	s3 =	rddreg [dreg:$0x2];
	[bflag:$0x3] =	sbarrier.arrive $0xFFFF;
	s2 =	simm.s32 @!p0 $0x1C06  }
0x325: {  	[timem:s3], [sflag:s2] =	dma.local @!p0 [hbm:s0], s1  }
0x326: {  	s0 =	simm.s32 @!p0 $0x6  }
0x327: {  	_ =	swait.ge @!p0 [sflag:s0], s1  }
0x328: {  	s1 =	ssub.s32 @!p0 $0x0, s1;
	[sflag:s0] =	ssyncset.done @!p0 $0x0  }
0x329: {  	[sflag:s0] =	ssyncadd.s32 @!p0 s1  }
0x32a: {  	[bflag:$0x3] =	sbarrier.arrive $0xFFFF  }
0x32b: {  	_ =	shalt  }

</sc_bundles>
